<compile_context>
chip_gen: v7x
topology: tpu7x:2x2x1
jax: 0.10.2.dev20260603
libtpu: 0.0.44.dev20260713+nightly
codegen_flags: <defaults>
</compile_context>

<pallas_src>
import functools

import jax
import jax.numpy as jnp
from jax import lax
from jax.experimental import pallas as pl
from jax.experimental.pallas import tpu as pltpu
from jax.experimental.pallas import tpu_sc as plsc

B, N, E, F, H, S, L = 8, 2048, 32768, 256, 256, 2048, 8
RB = 256
NRB = N // RB

CHUNK = 256
SPB = CHUNK * N
TSZ = SPB // 16
NSUB = 4
NBUF = 2
EPT = E // 16
NCHK = EPT // 16
DEG0 = NBUF * SPB
TRASH = DEG0 + (B // 2) * N


def _sc_build_body(edges, a_out, deg_out, srcv, dstv, idx0, idx1, idx2,
                   idx3, didx, val_f, zbuf, spmem):
    c = lax.axis_index("c")
    t = lax.axis_index("s")
    idxs = (idx0, idx1, idx2, idx3)

    def fill(buf, n16, x, dt):
        def w(i, carry):
            buf[pl.ds(i * 16, 16)] = jnp.full((16,), x, dt)
            return carry
        lax.fori_loop(0, n16, w, 0)

    fill(zbuf, TSZ // 16, 0.0, jnp.float32)
    fill(val_f, EPT // 16, 1.0, jnp.float32)

    for j in range(NBUF):
        pltpu.sync_copy(zbuf, spmem.at[pl.ds(j * SPB + t * TSZ, TSZ)])
    pltpu.sync_copy(zbuf.at[pl.ds(0, 1024)],
                    spmem.at[pl.ds(DEG0 + t * 1024, 1024)])
    plsc.subcore_barrier()

    def drain(gd, sd):
        base = ((gd * NSUB + sd) % NBUF) * SPB
        pltpu.sync_copy(spmem.at[pl.ds(base + t * TSZ, TSZ)],
                        a_out.at[gd, c * NSUB + sd, t])
        pltpu.sync_copy(zbuf, spmem.at[pl.ds(base + t * TSZ, TSZ)])

    pend = []
    for g in range(B):
        pltpu.sync_copy(edges.at[g, 0, pl.ds(t * EPT, EPT)], srcv)
        pltpu.sync_copy(edges.at[g, 1, pl.ds(t * EPT, EPT)], dstv)
        degc = DEG0 + (g % (B // 2)) * N

        def achunk(k, carry):
            s16 = srcv[pl.ds(k * 16, 16)]
            d16 = dstv[pl.ds(k * 16, 16)]
            hi = lax.shift_right_logical(d16, 8)
            f = lax.shift_left(d16 & (CHUNK - 1), 11) + s16
            for s in range(NSUB):
                base = ((g * NSUB + s) % NBUF) * SPB
                idxs[s][pl.ds(k * 16, 16)] = jnp.where(
                    hi == c * NSUB + s, base + f, TRASH)
            didx[pl.ds(k * 16, 16)] = degc + d16
            return carry

        lax.fori_loop(0, NCHK, achunk, 0)

        @pl.when(c == g // (B // 2))
        def _():
            pltpu.sync_copy(val_f, spmem.at[didx], add=True)

        for s in range(NSUB):
            pltpu.sync_copy(val_f, spmem.at[idxs[s]], add=True)
            if len(pend) == 1:
                drain(*pend.pop(0))
            plsc.subcore_barrier()
            pend.append((g, s))

    drain(*pend.pop(0))

    @pl.when(t < B // 2)
    def _():
        pltpu.sync_copy(spmem.at[pl.ds(DEG0 + t * N, N)],
                        deg_out.at[c * (B // 2) + t])


def _sc_build(edge_index):
    mesh = plsc.VectorSubcoreMesh(core_axis_name="c", subcore_axis_name="s")
    f = pl.kernel(
        _sc_build_body,
        mesh=mesh,
        out_type=[
            jax.ShapeDtypeStruct((B, 2 * NSUB, 16, TSZ), jnp.float32),
            jax.ShapeDtypeStruct((B, N), jnp.float32),
        ],
        scratch_types=[
            pltpu.VMEM((EPT,), jnp.int32),
            pltpu.VMEM((EPT,), jnp.int32),
            pltpu.VMEM((EPT,), jnp.int32),
            pltpu.VMEM((EPT,), jnp.int32),
            pltpu.VMEM((EPT,), jnp.int32),
            pltpu.VMEM((EPT,), jnp.int32),
            pltpu.VMEM((EPT,), jnp.int32),
            pltpu.VMEM((EPT,), jnp.float32),
            pltpu.VMEM((TSZ,), jnp.float32),
            pltpu.VMEM_SHARED((NBUF * SPB + (B // 2) * N + 16 * 1024,),
                              jnp.float32),
        ],
    )
    A6, deg = f(edge_index)
    return A6.reshape(B, N, N), deg


def _encode_body(x_ref, wp_ref, bp_ref, w1_ref, u1_ref):
    x = x_ref[0]
    h0 = jnp.maximum(x @ wp_ref[...] + bp_ref[0], 0.0)
    u1_ref[0] = h0 @ w1_ref[...]


def _encode(x, wp, bp, w1):
    return pl.pallas_call(
        _encode_body,
        grid=(B, NRB),
        in_specs=[
            pl.BlockSpec((1, RB, F), lambda g, r: (g, r, 0)),
            pl.BlockSpec((F, H), lambda g, r: (0, 0)),
            pl.BlockSpec((1, H), lambda g, r: (0, 0)),
            pl.BlockSpec((H, H), lambda g, r: (0, 0)),
        ],
        out_specs=pl.BlockSpec((1, RB, H), lambda g, r: (g, r, 0)),
        out_shape=jax.ShapeDtypeStruct((B, N, H), jnp.float32),
    )(x, wp, bp, w1)


def _conv_proj_body(a_ref, u_ref, deg_ref, b_ref, wn_ref, out_ref):
    r = pl.program_id(1)
    dinv_full = jax.lax.rsqrt(deg_ref[0, 0] + 1.0)
    u_full = u_ref[0] * dinv_full[:, None]
    c = a_ref[0].astype(jnp.float32) @ u_full
    dinv = jax.lax.rsqrt(deg_ref[0, 0, pl.ds(r * RB, RB)] + 1.0)
    c = c + u_ref[0, pl.ds(r * RB, RB), :] * dinv[:, None]
    h = jnp.maximum(c * dinv[:, None] + b_ref[0], 0.0)
    out_ref[0] = (h * dinv[:, None]) @ wn_ref[...]


def _conv_proj(A, u, deg, b, wn):
    return pl.pallas_call(
        _conv_proj_body,
        grid=(B, NRB),
        in_specs=[
            pl.BlockSpec((1, RB, N), lambda g, r: (g, r, 0)),
            pl.BlockSpec((1, N, H), lambda g, r: (g, 0, 0)),
            pl.BlockSpec((1, 1, N), lambda g, r: (g, 0, 0)),
            pl.BlockSpec((1, H), lambda g, r: (0, 0)),
            pl.BlockSpec((H, H), lambda g, r: (0, 0)),
        ],
        out_specs=pl.BlockSpec((1, RB, H), lambda g, r: (g, r, 0)),
        out_shape=jax.ShapeDtypeStruct((B, N, H), jnp.float32),
    )(A, u, deg, b, wn)


def _conv_pool_body(a_ref, u_ref, deg_ref, b_ref, ge_ref):
    r = pl.program_id(1)
    u_full = u_ref[0]
    c = a_ref[0].astype(jnp.float32) @ u_full
    c = c + u_ref[0, pl.ds(r * RB, RB), :]
    dinv = jax.lax.rsqrt(deg_ref[0, 0, pl.ds(r * RB, RB)] + 1.0)
    h = jnp.maximum(c * dinv[:, None] + b_ref[0], 0.0)
    part = jnp.sum(h, axis=0) * (1.0 / N)

    @pl.when(r == 0)
    def _():
        ge_ref[0, 0] = part

    @pl.when(r != 0)
    def _():
        ge_ref[0, 0] = ge_ref[0, 0] + part


def _conv_pool(A, u, deg, b):
    return pl.pallas_call(
        _conv_pool_body,
        grid=(B, NRB),
        in_specs=[
            pl.BlockSpec((1, RB, N), lambda g, r: (g, r, 0)),
            pl.BlockSpec((1, N, H), lambda g, r: (g, 0, 0)),
            pl.BlockSpec((1, 1, N), lambda g, r: (g, 0, 0)),
            pl.BlockSpec((1, H), lambda g, r: (0, 0)),
        ],
        out_specs=pl.BlockSpec((1, 1, H), lambda g, r: (g, 0, 0)),
        out_shape=jax.ShapeDtypeStruct((B, 1, H), jnp.float32),
    )(A, u, deg, b)


def _heads_body(ge_ref, wc_ref, bc_ref, wh_ref, bh_ref, wl_ref, bl_ref,
                wp1_ref, bp1_ref, wp2_ref, bp2_ref, wd_ref, bd_ref,
                ws_ref, bs_ref, o1, o2, o3, o4, o5, o6, o7):
    ge = ge_ref[...]
    o1[...] = ge @ wc_ref[...] + bc_ref[0]
    o2[...] = ge @ wh_ref[...] + bh_ref[0]
    o3[...] = ge @ wl_ref[...] + bl_ref[0]
    o4[...] = ge @ wp1_ref[...] + bp1_ref[0]
    o5[...] = ge @ wp2_ref[...] + bp2_ref[0]
    o6[...] = ge @ wd_ref[...] + bd_ref[0]
    o7[...] = ge @ ws_ref[...] + bs_ref[0]


def _heads(ge, wc, bc, wh, bh, wl, bl, wp1, bp1, wp2, bp2, wd, bd, ws, bs):
    full = lambda a: pl.BlockSpec(a.shape, lambda: tuple(0 for _ in a.shape))
    args = (ge, wc, bc, wh, bh, wl, bl, wp1, bp1, wp2, bp2, wd, bd, ws, bs)
    outs = [
        jax.ShapeDtypeStruct((B, 1), jnp.float32),
        jax.ShapeDtypeStruct((B, 4), jnp.float32),
        jax.ShapeDtypeStruct((B, 3), jnp.float32),
        jax.ShapeDtypeStruct((B, S), jnp.float32),
        jax.ShapeDtypeStruct((B, S), jnp.float32),
        jax.ShapeDtypeStruct((B, S), jnp.float32),
        jax.ShapeDtypeStruct((B, L), jnp.float32),
    ]
    return pl.pallas_call(
        _heads_body,
        in_specs=[full(a) for a in args],
        out_specs=[pl.BlockSpec(o.shape, lambda: tuple(0 for _ in o.shape))
                   for o in outs],
        out_shape=outs,
    )(*args)


def kernel(node_features, edge_index, num_nodes, num_edges, global_features,
           W_proj, b_proj, W_g1, b_g1, W_g2, b_g2, W_critic, b_critic,
           W_high, b_high, W_ltype, b_ltype, W_p1, b_p1, W_p2, b_p2,
           W_deploy, b_deploy, W_select, b_select):
    A, deg = _sc_build(edge_index)
    deg3 = deg.reshape(B, 1, N)
    r2 = lambda v: v.reshape(1, -1)
    u1 = _encode(node_features, W_proj, r2(b_proj), W_g1)
    u2 = _conv_proj(A, u1, deg3, r2(b_g1), W_g2)
    ge = _conv_pool(A, u2, deg3, r2(b_g2)).reshape(B, H)
    return _heads(ge, W_critic, r2(b_critic), W_high, r2(b_high),
                  W_ltype, r2(b_ltype), W_p1, r2(b_p1), W_p2, r2(b_p2),
                  W_deploy, r2(b_deploy), W_select, r2(b_select))

# --- scband reference (transcript-rebuilt; emitter-appended) ---
"""Pipeline reference for scband-gnnmodel-9328668967482 (READ-ONLY COPY).

The authoritative reference and input builder live on the scoring server;
editing this copy changes nothing except your own understanding.
"""

import jax, jax.numpy as jnp
import numpy as np

B, N, E, F, H, S, L = 8, 2048, 32768, 256, 256, 2048, 8


def setup_inputs(seed: int = 0) -> dict:
    key = jax.random.key(seed)
    ks = jax.random.split(key, 32)

    def p(k, shape):
        return jax.random.normal(k, shape, dtype=jnp.float32) * 0.02

    inp = {}
    inp["node_features"] = jax.random.normal(ks[0], (B, N, F), dtype=jnp.float32)
    inp["edge_index"] = jax.random.randint(ks[1], (B, 2, E), 0, N, dtype=jnp.int32)
    inp["num_nodes"] = jnp.full((B,), N, dtype=jnp.int32)
    inp["num_edges"] = jnp.full((B,), E, dtype=jnp.int32)
    inp["global_features"] = jax.random.normal(ks[2], (B, 16), dtype=jnp.float32)
    inp["W_proj"] = p(ks[3], (F, H))
    inp["b_proj"] = jnp.zeros((H,), jnp.float32)
    inp["W_g1"] = p(ks[4], (H, H))
    inp["b_g1"] = jnp.zeros((H,), jnp.float32)
    inp["W_g2"] = p(ks[5], (H, H))
    inp["b_g2"] = jnp.zeros((H,), jnp.float32)
    inp["W_critic"] = p(ks[6], (H, 1))
    inp["b_critic"] = jnp.zeros((1,), jnp.float32)
    inp["W_high"] = p(ks[7], (H, 4))
    inp["b_high"] = jnp.zeros((4,), jnp.float32)
    inp["W_ltype"] = p(ks[8], (H, 3))
    inp["b_ltype"] = jnp.zeros((3,), jnp.float32)
    inp["W_p1"] = p(ks[9], (H, S))
    inp["b_p1"] = jnp.zeros((S,), jnp.float32)
    inp["W_p2"] = p(ks[10], (H, S))
    inp["b_p2"] = jnp.zeros((S,), jnp.float32)
    inp["W_deploy"] = p(ks[11], (H, S))
    inp["b_deploy"] = jnp.zeros((S,), jnp.float32)
    inp["W_select"] = p(ks[12], (H, L))
    inp["b_select"] = jnp.zeros((L,), jnp.float32)
    return inp


def gcn_conv(x, edge_index, W, b, n):
    src, dst = edge_index[0], edge_index[1]
    loop = jnp.arange(n, dtype=src.dtype)
    src = jnp.concatenate([src, loop])
    dst = jnp.concatenate([dst, loop])
    deg = jax.ops.segment_sum(jnp.ones_like(src, dtype=x.dtype), dst, num_segments=n)
    dinv = jnp.where(deg > 0, 1.0 / jnp.sqrt(deg), 0.0)
    norm = dinv[src] * dinv[dst]
    xw = x @ W
    msgs = xw[src] * norm[:, None]
    return jax.ops.segment_sum(msgs, dst, num_segments=n) + b


def reference(
    node_features,
    edge_index,
    num_nodes,
    num_edges,
    global_features,
    W_proj,
    b_proj,
    W_g1,
    b_g1,
    W_g2,
    b_g2,
    W_critic,
    b_critic,
    W_high,
    b_high,
    W_ltype,
    b_ltype,
    W_p1,
    b_p1,
    W_p2,
    b_p2,
    W_deploy,
    b_deploy,
    W_select,
    b_select,
):
    # Assumes full graphs: num_nodes[i] == N, num_edges[i] == E for all i.
    Bb, Nn, Ff = node_features.shape
    n = Bb * Nn
    h_nodes = node_features.reshape(n, Ff)
    offs = jnp.arange(Bb, dtype=edge_index.dtype) * Nn
    e = edge_index + offs[:, None, None]
    h_edges = jnp.transpose(e, (1, 0, 2)).reshape(2, -1)
    h_batch = jnp.repeat(jnp.arange(Bb), Nn)
    # encode
    h = jax.nn.relu(h_nodes @ W_proj + b_proj)
    h = jax.nn.relu(gcn_conv(h, h_edges, W_g1, b_g1, n))
    h = jax.nn.relu(gcn_conv(h, h_edges, W_g2, b_g2, n))
    # global mean pool
    sums = jax.ops.segment_sum(h, h_batch, num_segments=Bb)
    cnt = jax.ops.segment_sum(jnp.ones((n,), h.dtype), h_batch, num_segments=Bb)
    ge = sums / jnp.maximum(cnt, 1.0)[:, None]
    value = ge @ W_critic + b_critic
    return (
        value,
        ge @ W_high + b_high,
        ge @ W_ltype + b_ltype,
        ge @ W_p1 + b_p1,
        ge @ W_p2 + b_p2,
        ge @ W_deploy + b_deploy,
        ge @ W_select + b_select,
    )

if __name__ == "__main__":
    import jax
    _d = setup_inputs()
    print(jax.jit(kernel)(*tuple(_d.values())))

</pallas_src>

<mosaic_0001>
#map = affine_map<(d0, d1) -> (0, 0, 0)>
#map1 = affine_map<(d0, d1) -> (0, 0, 0, 0)>
#map2 = affine_map<(d0, d1) -> (0, 0)>
module attributes {stable_mosaic.version = 14 : i64} {
  func.func @_sc_build_body(%arg0: i32, %arg1: i32, %arg2: memref<8x2x32768xi32, #tpu.memory_space<hbm>>, %arg3: memref<8x8x16x32768xf32, #tpu.memory_space<hbm>>, %arg4: memref<8x2048xf32, #tpu.memory_space<hbm>>, %arg5: memref<2048xi32, #tpu.memory_space<vmem>>, %arg6: memref<2048xi32, #tpu.memory_space<vmem>>, %arg7: memref<2048xi32, #tpu.memory_space<vmem>>, %arg8: memref<2048xi32, #tpu.memory_space<vmem>>, %arg9: memref<2048xi32, #tpu.memory_space<vmem>>, %arg10: memref<2048xi32, #tpu.memory_space<vmem>>, %arg11: memref<2048xi32, #tpu.memory_space<vmem>>, %arg12: memref<2048xf32, #tpu.memory_space<vmem>>, %arg13: memref<32768xf32, #tpu.memory_space<vmem>>, %arg14: memref<1073152xf32, #tpu.memory_space<vmem_shared>>) attributes {dimension_semantics = [#tpu.dimension_semantics<core_parallel>, #tpu.dimension_semantics<subcore_parallel>], iteration_bounds = array<i64: 2, 16>, scalar_prefetch = 0 : i64, scratch_operands = 10 : i64, tpu.core_type = #tpu.core_type<sc_vector_subcore>, window_params = [{transform_indices = #map}, {transform_indices = #map1}, {transform_indices = #map2}]} {
    %scan3A = arith.constant 0 : i32
    %scan3A_0 = arith.constant 0 : i32
    %scan3A_1 = arith.constant 2048 : i32
    %scan3A_2 = arith.addi %scan3A_0, %scan3A_1 : i32
    %scan3A_3 = arith.constant 1 : i32
    scf.for %scan3A_621 = %scan3A_0 to %scan3A_2 step %scan3A_3  : i32 {
      %broadcast_in_dim3A = arith.constant 0.000000e+00 : f32
      %broadcast_in_dim3A_622 = vector.broadcast %broadcast_in_dim3A : f32 to vector<16xf32>
      %mul3A_623 = arith.constant 16 : i32
      %mul3A_624 = arith.muli %scan3A_621, %mul3A_623 : i32
      %swap3A = arith.index_cast %mul3A_624 : i32 to index
      %swap3A_625 = tpu.vector_load %arg13[%swap3A] {strides = array<i32>} : memref<32768xf32, #tpu.memory_space<vmem>>, vector<16xf32>,
      %swap3A_626 = vector.shape_cast %swap3A_625 : vector<16xf32> to vector<16xf32>
      %swap3A_627 = vector.shape_cast %broadcast_in_dim3A_622 : vector<16xf32> to vector<16xf32>
      tpu.vector_store %arg13[%swap3A], %swap3A_627 {strides = array<i32>} : memref<32768xf32, #tpu.memory_space<vmem>>, vector<16xf32>,
    }
    %scan3A_4 = arith.constant 2048 : i32
    %scan3A_5 = arith.constant 0 : i32
    %scan3A_6 = arith.constant 0 : i32
    %scan3A_7 = arith.constant 128 : i32
    %scan3A_8 = arith.addi %scan3A_6, %scan3A_7 : i32
    %scan3A_9 = arith.constant 1 : i32
    scf.for %scan3A_621 = %scan3A_6 to %scan3A_8 step %scan3A_9  : i32 {
      %broadcast_in_dim3A = arith.constant 1.000000e+00 : f32
      %broadcast_in_dim3A_622 = vector.broadcast %broadcast_in_dim3A : f32 to vector<16xf32>
      %mul3A_623 = arith.constant 16 : i32
      %mul3A_624 = arith.muli %scan3A_621, %mul3A_623 : i32
      %swap3A = arith.index_cast %mul3A_624 : i32 to index
      %swap3A_625 = tpu.vector_load %arg12[%swap3A] {strides = array<i32>} : memref<2048xf32, #tpu.memory_space<vmem>>, vector<16xf32>,
      %swap3A_626 = vector.shape_cast %swap3A_625 : vector<16xf32> to vector<16xf32>
      %swap3A_627 = vector.shape_cast %broadcast_in_dim3A_622 : vector<16xf32> to vector<16xf32>
      tpu.vector_store %arg12[%swap3A], %swap3A_627 {strides = array<i32>} : memref<2048xf32, #tpu.memory_space<vmem>>, vector<16xf32>,
    }
    %scan3A_10 = arith.constant 128 : i32
    %mul3A = arith.constant 32768 : i32
    %mul3A_11 = arith.muli %arg1, %mul3A : i32
    %add3A = arith.constant 0 : i32
    %add3A_12 = arith.addi %add3A, %mul3A_11 : i32
    "tpu.region"() ({
      %run_scoped3A_621 = tpu.sem_alloc : memref<!tpu.dma_semaphore, #tpu.memory_space<semaphore_mem>>
      %dma_start3A = tpu.memref_slice %arg14[%add3A_12] : memref<1073152xf32, #tpu.memory_space<vmem_shared>> -> memref<32768xf32, #tpu.memory_space<vmem_shared>>
      %dma_start3A_622 = tpu.memref_slice %arg14[%add3A_12] : memref<1073152xf32, #tpu.memory_space<vmem_shared>> -> memref<32768xf32, #tpu.memory_space<vmem_shared>>
      tpu.enqueue_dma source(%arg13 : memref<32768xf32, #tpu.memory_space<vmem>>) target(%dma_start3A_622 : memref<32768xf32, #tpu.memory_space<vmem_shared>>) target_semaphore(%run_scoped3A_621 : memref<!tpu.dma_semaphore, #tpu.memory_space<semaphore_mem>>)
      %dma_wait3A = tpu.memref_slice %arg14[%add3A_12] : memref<1073152xf32, #tpu.memory_space<vmem_shared>> -> memref<32768xf32, #tpu.memory_space<vmem_shared>>
      %dma_wait3A_623 = tpu.memref_slice %arg14[%add3A_12] : memref<1073152xf32, #tpu.memory_space<vmem_shared>> -> memref<32768xf32, #tpu.memory_space<vmem_shared>>
      tpu.wait_dma2 semaphore(%run_scoped3A_621 : memref<!tpu.dma_semaphore, #tpu.memory_space<semaphore_mem>>) src(%arg13 : memref<32768xf32, #tpu.memory_space<vmem>>) dst(%dma_wait3A_623 : memref<32768xf32, #tpu.memory_space<vmem_shared>>)
      tpu.yield
    }) : () -> ()
    %mul3A_13 = arith.constant 32768 : i32
    %mul3A_14 = arith.muli %arg1, %mul3A_13 : i32
    %add3A_15 = arith.constant 524288 : i32
    %add3A_16 = arith.addi %add3A_15, %mul3A_14 : i32
    "tpu.region"() ({
      %run_scoped3A_621 = tpu.sem_alloc : memref<!tpu.dma_semaphore, #tpu.memory_space<semaphore_mem>>
      %dma_start3A = tpu.memref_slice %arg14[%add3A_16] : memref<1073152xf32, #tpu.memory_space<vmem_shared>> -> memref<32768xf32, #tpu.memory_space<vmem_shared>>
      %dma_start3A_622 = tpu.memref_slice %arg14[%add3A_16] : memref<1073152xf32, #tpu.memory_space<vmem_shared>> -> memref<32768xf32, #tpu.memory_space<vmem_shared>>
      tpu.enqueue_dma source(%arg13 : memref<32768xf32, #tpu.memory_space<vmem>>) target(%dma_start3A_622 : memref<32768xf32, #tpu.memory_space<vmem_shared>>) target_semaphore(%run_scoped3A_621 : memref<!tpu.dma_semaphore, #tpu.memory_space<semaphore_mem>>)
      %dma_wait3A = tpu.memref_slice %arg14[%add3A_16] : memref<1073152xf32, #tpu.memory_space<vmem_shared>> -> memref<32768xf32, #tpu.memory_space<vmem_shared>>
      %dma_wait3A_623 = tpu.memref_slice %arg14[%add3A_16] : memref<1073152xf32, #tpu.memory_space<vmem_shared>> -> memref<32768xf32, #tpu.memory_space<vmem_shared>>
      tpu.wait_dma2 semaphore(%run_scoped3A_621 : memref<!tpu.dma_semaphore, #tpu.memory_space<semaphore_mem>>) src(%arg13 : memref<32768xf32, #tpu.memory_space<vmem>>) dst(%dma_wait3A_623 : memref<32768xf32, #tpu.memory_space<vmem_shared>>)
      tpu.yield
    }) : () -> ()
    %mul3A_17 = arith.constant 1024 : i32
    %mul3A_18 = arith.muli %arg1, %mul3A_17 : i32
    %add3A_19 = arith.constant 1048576 : i32
    %add3A_20 = arith.addi %add3A_19, %mul3A_18 : i32
    "tpu.region"() ({
      %run_scoped3A_621 = tpu.sem_alloc : memref<!tpu.dma_semaphore, #tpu.memory_space<semaphore_mem>>
      %dma_start3A = arith.constant 0 : i32
      %dma_start3A_622 = tpu.memref_slice %arg13[%dma_start3A] : memref<32768xf32, #tpu.memory_space<vmem>> -> memref<1024xf32, #tpu.memory_space<vmem>>
      %dma_start3A_623 = tpu.memref_slice %arg14[%add3A_20] : memref<1073152xf32, #tpu.memory_space<vmem_shared>> -> memref<1024xf32, #tpu.memory_space<vmem_shared>>
      %dma_start3A_624 = tpu.memref_slice %arg14[%add3A_20] : memref<1073152xf32, #tpu.memory_space<vmem_shared>> -> memref<1024xf32, #tpu.memory_space<vmem_shared>>
      %dma_start3A_625 = arith.constant 0 : i32
      %dma_start3A_626 = tpu.memref_slice %arg13[%dma_start3A_625] : memref<32768xf32, #tpu.memory_space<vmem>> -> memref<1024xf32, #tpu.memory_space<vmem>>
      tpu.enqueue_dma source(%dma_start3A_626 : memref<1024xf32, #tpu.memory_space<vmem>>) target(%dma_start3A_624 : memref<1024xf32, #tpu.memory_space<vmem_shared>>) target_semaphore(%run_scoped3A_621 : memref<!tpu.dma_semaphore, #tpu.memory_space<semaphore_mem>>)
      %dma_wait3A = arith.constant 0 : i32
      %dma_wait3A_627 = tpu.memref_slice %arg13[%dma_wait3A] : memref<32768xf32, #tpu.memory_space<vmem>> -> memref<1024xf32, #tpu.memory_space<vmem>>
      %dma_wait3A_628 = tpu.memref_slice %arg14[%add3A_20] : memref<1073152xf32, #tpu.memory_space<vmem_shared>> -> memref<1024xf32, #tpu.memory_space<vmem_shared>>
      %dma_wait3A_629 = tpu.memref_slice %arg14[%add3A_20] : memref<1073152xf32, #tpu.memory_space<vmem_shared>> -> memref<1024xf32, #tpu.memory_space<vmem_shared>>
      %dma_wait3A_630 = arith.constant 0 : i32
      %dma_wait3A_631 = tpu.memref_slice %arg13[%dma_wait3A_630] : memref<32768xf32, #tpu.memory_space<vmem>> -> memref<1024xf32, #tpu.memory_space<vmem>>
      tpu.wait_dma2 semaphore(%run_scoped3A_621 : memref<!tpu.dma_semaphore, #tpu.memory_space<semaphore_mem>>) src(%dma_wait3A_631 : memref<1024xf32, #tpu.memory_space<vmem>>) dst(%dma_wait3A_629 : memref<1024xf32, #tpu.memory_space<vmem_shared>>)
      tpu.yield
    }) : () -> ()
    %barrier3A = arith.constant 0 : index
    tpu.barrier barrier_id(%barrier3A)
    %mul3A_21 = arith.constant 2048 : i32
    %mul3A_22 = arith.muli %arg1, %mul3A_21 : i32
    %run_scoped3A = arith.constant 0 : i32
    %run_scoped3A_23 = arith.constant 0 : i32
    "tpu.region"() ({
      %run_scoped3A_621 = tpu.sem_alloc : memref<!tpu.dma_semaphore, #tpu.memory_space<semaphore_mem>>
      %dma_start3A = tpu.memref_slice %arg2[%run_scoped3A, %run_scoped3A_23, %mul3A_22] : memref<8x2x32768xi32, #tpu.memory_space<hbm>> -> memref<1x1x2048xi32, #tpu.memory_space<hbm>>
      %dma_start3A_622 = tpu.memref_squeeze %dma_start3A : memref<1x1x2048xi32, #tpu.memory_space<hbm>> -> memref<2048xi32, #tpu.memory_space<hbm>>
      %dma_start3A_623 = tpu.memref_slice %arg2[%run_scoped3A, %run_scoped3A_23, %mul3A_22] : memref<8x2x32768xi32, #tpu.memory_space<hbm>> -> memref<1x1x2048xi32, #tpu.memory_space<hbm>>
      %dma_start3A_624 = tpu.memref_squeeze %dma_start3A_623 : memref<1x1x2048xi32, #tpu.memory_space<hbm>> -> memref<2048xi32, #tpu.memory_space<hbm>>
      tpu.enqueue_dma source(%dma_start3A_624 : memref<2048xi32, #tpu.memory_space<hbm>>) target(%arg5 : memref<2048xi32, #tpu.memory_space<vmem>>) target_semaphore(%run_scoped3A_621 : memref<!tpu.dma_semaphore, #tpu.memory_space<semaphore_mem>>)
      %dma_wait3A = tpu.memref_slice %arg2[%run_scoped3A, %run_scoped3A_23, %mul3A_22] : memref<8x2x32768xi32, #tpu.memory_space<hbm>> -> memref<1x1x2048xi32, #tpu.memory_space<hbm>>
      %dma_wait3A_625 = tpu.memref_squeeze %dma_wait3A : memref<1x1x2048xi32, #tpu.memory_space<hbm>> -> memref<2048xi32, #tpu.memory_space<hbm>>
      %dma_wait3A_626 = tpu.memref_slice %arg2[%run_scoped3A, %run_scoped3A_23, %mul3A_22] : memref<8x2x32768xi32, #tpu.memory_space<hbm>> -> memref<1x1x2048xi32, #tpu.memory_space<hbm>>
      %dma_wait3A_627 = tpu.memref_squeeze %dma_wait3A_626 : memref<1x1x2048xi32, #tpu.memory_space<hbm>> -> memref<2048xi32, #tpu.memory_space<hbm>>
      tpu.wait_dma2 semaphore(%run_scoped3A_621 : memref<!tpu.dma_semaphore, #tpu.memory_space<semaphore_mem>>) src(%dma_wait3A_627 : memref<2048xi32, #tpu.memory_space<hbm>>) dst(%arg5 : memref<2048xi32, #tpu.memory_space<vmem>>)
      tpu.yield
    }) : () -> ()
    %mul3A_24 = arith.constant 2048 : i32
    %mul3A_25 = arith.muli %arg1, %mul3A_24 : i32
    %run_scoped3A_26 = arith.constant 0 : i32
    %run_scoped3A_27 = arith.constant 1 : i32
    "tpu.region"() ({
      %run_scoped3A_621 = tpu.sem_alloc : memref<!tpu.dma_semaphore, #tpu.memory_space<semaphore_mem>>
      %dma_start3A = tpu.memref_slice %arg2[%run_scoped3A_26, %run_scoped3A_27, %mul3A_25] : memref<8x2x32768xi32, #tpu.memory_space<hbm>> -> memref<1x1x2048xi32, #tpu.memory_space<hbm>>
      %dma_start3A_622 = tpu.memref_squeeze %dma_start3A : memref<1x1x2048xi32, #tpu.memory_space<hbm>> -> memref<2048xi32, #tpu.memory_space<hbm>>
      %dma_start3A_623 = tpu.memref_slice %arg2[%run_scoped3A_26, %run_scoped3A_27, %mul3A_25] : memref<8x2x32768xi32, #tpu.memory_space<hbm>> -> memref<1x1x2048xi32, #tpu.memory_space<hbm>>
      %dma_start3A_624 = tpu.memref_squeeze %dma_start3A_623 : memref<1x1x2048xi32, #tpu.memory_space<hbm>> -> memref<2048xi32, #tpu.memory_space<hbm>>
      tpu.enqueue_dma source(%dma_start3A_624 : memref<2048xi32, #tpu.memory_space<hbm>>) target(%arg6 : memref<2048xi32, #tpu.memory_space<vmem>>) target_semaphore(%run_scoped3A_621 : memref<!tpu.dma_semaphore, #tpu.memory_space<semaphore_mem>>)
      %dma_wait3A = tpu.memref_slice %arg2[%run_scoped3A_26, %run_scoped3A_27, %mul3A_25] : memref<8x2x32768xi32, #tpu.memory_space<hbm>> -> memref<1x1x2048xi32, #tpu.memory_space<hbm>>
      %dma_wait3A_625 = tpu.memref_squeeze %dma_wait3A : memref<1x1x2048xi32, #tpu.memory_space<hbm>> -> memref<2048xi32, #tpu.memory_space<hbm>>
      %dma_wait3A_626 = tpu.memref_slice %arg2[%run_scoped3A_26, %run_scoped3A_27, %mul3A_25] : memref<8x2x32768xi32, #tpu.memory_space<hbm>> -> memref<1x1x2048xi32, #tpu.memory_space<hbm>>
      %dma_wait3A_627 = tpu.memref_squeeze %dma_wait3A_626 : memref<1x1x2048xi32, #tpu.memory_space<hbm>> -> memref<2048xi32, #tpu.memory_space<hbm>>
      tpu.wait_dma2 semaphore(%run_scoped3A_621 : memref<!tpu.dma_semaphore, #tpu.memory_space<semaphore_mem>>) src(%dma_wait3A_627 : memref<2048xi32, #tpu.memory_space<hbm>>) dst(%arg6 : memref<2048xi32, #tpu.memory_space<vmem>>)
      tpu.yield
    }) : () -> ()
    %scan3A_28 = arith.constant 0 : i32
    %scan3A_29 = arith.constant 0 : i32
    %scan3A_30 = arith.constant 128 : i32
    %scan3A_31 = arith.addi %scan3A_29, %scan3A_30 : i32
    %scan3A_32 = arith.constant 1 : i32
    scf.for %scan3A_621 = %scan3A_29 to %scan3A_31 step %scan3A_32  : i32 {
      %mul3A_622 = arith.constant 16 : i32
      %mul3A_623 = arith.muli %scan3A_621, %mul3A_622 : i32
      %get3A = arith.index_cast %mul3A_623 : i32 to index
      %get3A_624 = tpu.vector_load %arg5[%get3A] {strides = array<i32>} : memref<2048xi32, #tpu.memory_space<vmem>>, vector<16xi32>,
      %get3A_625 = vector.shape_cast %get3A_624 : vector<16xi32> to vector<16xi32>
      %mul3A_626 = arith.constant 16 : i32
      %mul3A_627 = arith.muli %scan3A_621, %mul3A_626 : i32
      %get3A_628 = arith.index_cast %mul3A_627 : i32 to index
      %get3A_629 = tpu.vector_load %arg6[%get3A_628] {strides = array<i32>} : memref<2048xi32, #tpu.memory_space<vmem>>, vector<16xi32>,
      %get3A_630 = vector.shape_cast %get3A_629 : vector<16xi32> to vector<16xi32>
      %shift_right_logical3A = arith.constant 8 : i32
      %shift_right_logical3A_631 = vector.broadcast %shift_right_logical3A : i32 to vector<16xi32>
      %shift_right_logical3A_632 = arith.shrui %get3A_630, %shift_right_logical3A_631 : vector<16xi32>
      %and3A = arith.constant 255 : i32
      %and3A_633 = vector.broadcast %and3A : i32 to vector<16xi32>
      %and3A_634 = arith.andi %get3A_630, %and3A_633 : vector<16xi32>
      %shift_left3A = arith.constant 11 : i32
      %shift_left3A_635 = vector.broadcast %shift_left3A : i32 to vector<16xi32>
      %shift_left3A_636 = arith.shli %and3A_634, %shift_left3A_635 : vector<16xi32>
      %add3A_637 = arith.addi %shift_left3A_636, %get3A_625 : vector<16xi32>
      %mul3A_638 = arith.constant 4 : i32
      %mul3A_639 = arith.muli %arg0, %mul3A_638 : i32
      %add3A_640 = arith.constant 0 : i32
      %add3A_641 = arith.addi %mul3A_639, %add3A_640 : i32
      %eq3A_642 = vector.broadcast %add3A_641 : i32 to vector<16xi32>
      %eq3A_643 = arith.cmpi eq, %shift_right_logical3A_632, %eq3A_642 : vector<16xi32>
      %add3A_644 = arith.constant 0 : i32
      %add3A_645 = vector.broadcast %add3A_644 : i32 to vector<16xi32>
      %add3A_646 = arith.addi %add3A_645, %add3A_637 : vector<16xi32>
      %jit3A = arith.constant 1056768 : i32
      %broadcast_in_dim3A = vector.broadcast %jit3A : i32 to vector<16xi32>
      %select_n3A = arith.select %eq3A_643, %add3A_646, %broadcast_in_dim3A : vector<16xi1>, vector<16xi32>
      %mul3A_647 = arith.constant 16 : i32
      %mul3A_648 = arith.muli %scan3A_621, %mul3A_647 : i32
      %swap3A = arith.index_cast %mul3A_648 : i32 to index
      %swap3A_649 = tpu.vector_load %arg7[%swap3A] {strides = array<i32>} : memref<2048xi32, #tpu.memory_space<vmem>>, vector<16xi32>,
      %swap3A_650 = vector.shape_cast %swap3A_649 : vector<16xi32> to vector<16xi32>
      %swap3A_651 = vector.shape_cast %select_n3A : vector<16xi32> to vector<16xi32>
      tpu.vector_store %arg7[%swap3A], %swap3A_651 {strides = array<i32>} : memref<2048xi32, #tpu.memory_space<vmem>>, vector<16xi32>,
      %mul3A_652 = arith.constant 4 : i32
      %mul3A_653 = arith.muli %arg0, %mul3A_652 : i32
      %add3A_654 = arith.constant 1 : i32
      %add3A_655 = arith.addi %mul3A_653, %add3A_654 : i32
      %eq3A_656 = vector.broadcast %add3A_655 : i32 to vector<16xi32>
      %eq3A_657 = arith.cmpi eq, %shift_right_logical3A_632, %eq3A_656 : vector<16xi32>
      %add3A_658 = arith.constant 524288 : i32
      %add3A_659 = vector.broadcast %add3A_658 : i32 to vector<16xi32>
      %add3A_660 = arith.addi %add3A_659, %add3A_637 : vector<16xi32>
      %jit3A_661 = arith.constant 1056768 : i32
      %broadcast_in_dim3A_662 = vector.broadcast %jit3A_661 : i32 to vector<16xi32>
      %select_n3A_663 = arith.select %eq3A_657, %add3A_660, %broadcast_in_dim3A_662 : vector<16xi1>, vector<16xi32>
      %mul3A_664 = arith.constant 16 : i32
      %mul3A_665 = arith.muli %scan3A_621, %mul3A_664 : i32
      %swap3A_666 = arith.index_cast %mul3A_665 : i32 to index
      %swap3A_667 = tpu.vector_load %arg8[%swap3A_666] {strides = array<i32>} : memref<2048xi32, #tpu.memory_space<vmem>>, vector<16xi32>,
      %swap3A_668 = vector.shape_cast %swap3A_667 : vector<16xi32> to vector<16xi32>
      %swap3A_669 = vector.shape_cast %select_n3A_663 : vector<16xi32> to vector<16xi32>
      tpu.vector_store %arg8[%swap3A_666], %swap3A_669 {strides = array<i32>} : memref<2048xi32, #tpu.memory_space<vmem>>, vector<16xi32>,
      %mul3A_670 = arith.constant 4 : i32
      %mul3A_671 = arith.muli %arg0, %mul3A_670 : i32
      %add3A_672 = arith.constant 2 : i32
      %add3A_673 = arith.addi %mul3A_671, %add3A_672 : i32
      %eq3A_674 = vector.broadcast %add3A_673 : i32 to vector<16xi32>
      %eq3A_675 = arith.cmpi eq, %shift_right_logical3A_632, %eq3A_674 : vector<16xi32>
      %add3A_676 = arith.constant 0 : i32
      %add3A_677 = vector.broadcast %add3A_676 : i32 to vector<16xi32>
      %add3A_678 = arith.addi %add3A_677, %add3A_637 : vector<16xi32>
      %jit3A_679 = arith.constant 1056768 : i32
      %broadcast_in_dim3A_680 = vector.broadcast %jit3A_679 : i32 to vector<16xi32>
      %select_n3A_681 = arith.select %eq3A_675, %add3A_678, %broadcast_in_dim3A_680 : vector<16xi1>, vector<16xi32>
      %mul3A_682 = arith.constant 16 : i32
      %mul3A_683 = arith.muli %scan3A_621, %mul3A_682 : i32
      %swap3A_684 = arith.index_cast %mul3A_683 : i32 to index
      %swap3A_685 = tpu.vector_load %arg9[%swap3A_684] {strides = array<i32>} : memref<2048xi32, #tpu.memory_space<vmem>>, vector<16xi32>,
      %swap3A_686 = vector.shape_cast %swap3A_685 : vector<16xi32> to vector<16xi32>
      %swap3A_687 = vector.shape_cast %select_n3A_681 : vector<16xi32> to vector<16xi32>
      tpu.vector_store %arg9[%swap3A_684], %swap3A_687 {strides = array<i32>} : memref<2048xi32, #tpu.memory_space<vmem>>, vector<16xi32>,
      %mul3A_688 = arith.constant 4 : i32
      %mul3A_689 = arith.muli %arg0, %mul3A_688 : i32
      %add3A_690 = arith.constant 3 : i32
      %add3A_691 = arith.addi %mul3A_689, %add3A_690 : i32
      %eq3A_692 = vector.broadcast %add3A_691 : i32 to vector<16xi32>
      %eq3A_693 = arith.cmpi eq, %shift_right_logical3A_632, %eq3A_692 : vector<16xi32>
      %add3A_694 = arith.constant 524288 : i32
      %add3A_695 = vector.broadcast %add3A_694 : i32 to vector<16xi32>
      %add3A_696 = arith.addi %add3A_695, %add3A_637 : vector<16xi32>
      %jit3A_697 = arith.constant 1056768 : i32
      %broadcast_in_dim3A_698 = vector.broadcast %jit3A_697 : i32 to vector<16xi32>
      %select_n3A_699 = arith.select %eq3A_693, %add3A_696, %broadcast_in_dim3A_698 : vector<16xi1>, vector<16xi32>
      %mul3A_700 = arith.constant 16 : i32
      %mul3A_701 = arith.muli %scan3A_621, %mul3A_700 : i32
      %swap3A_702 = arith.index_cast %mul3A_701 : i32 to index
      %swap3A_703 = tpu.vector_load %arg10[%swap3A_702] {strides = array<i32>} : memref<2048xi32, #tpu.memory_space<vmem>>, vector<16xi32>,
      %swap3A_704 = vector.shape_cast %swap3A_703 : vector<16xi32> to vector<16xi32>
      %swap3A_705 = vector.shape_cast %select_n3A_699 : vector<16xi32> to vector<16xi32>
      tpu.vector_store %arg10[%swap3A_702], %swap3A_705 {strides = array<i32>} : memref<2048xi32, #tpu.memory_space<vmem>>, vector<16xi32>,
      %add3A_706 = arith.constant 1048576 : i32
      %add3A_707 = vector.broadcast %add3A_706 : i32 to vector<16xi32>
      %add3A_708 = arith.addi %add3A_707, %get3A_630 : vector<16xi32>
      %mul3A_709 = arith.constant 16 : i32
      %mul3A_710 = arith.muli %scan3A_621, %mul3A_709 : i32
      %swap3A_711 = arith.index_cast %mul3A_710 : i32 to index
      %swap3A_712 = tpu.vector_load %arg11[%swap3A_711] {strides = array<i32>} : memref<2048xi32, #tpu.memory_space<vmem>>, vector<16xi32>,
      %swap3A_713 = vector.shape_cast %swap3A_712 : vector<16xi32> to vector<16xi32>
      %swap3A_714 = vector.shape_cast %add3A_708 : vector<16xi32> to vector<16xi32>
      tpu.vector_store %arg11[%swap3A_711], %swap3A_714 {strides = array<i32>} : memref<2048xi32, #tpu.memory_space<vmem>>, vector<16xi32>,
    }
    %scan3A_33 = arith.constant 128 : i32
    %eq3A = arith.constant 0 : i32
    %eq3A_34 = arith.cmpi eq, %arg0, %eq3A : i32
    %convert_element_type3A = arith.extui %eq3A_34 : i1 to i32
    %cond3A = arith.constant 0 : i32
    %cond3A_35 = arith.cmpi ne, %convert_element_type3A, %cond3A : i32
    scf.if %cond3A_35 {
      "tpu.region"() ({
        %run_scoped3A_621 = tpu.sem_alloc : memref<!tpu.dma_semaphore, #tpu.memory_space<semaphore_mem>>
        %dma_start3A = arith.constant 0 : i32
        %dma_start3A_622 = tpu.memref_slice %arg14[%dma_start3A] : memref<1073152xf32, #tpu.memory_space<vmem_shared>> -> memref<1073152xf32, #tpu.memory_space<vmem_shared>>
        tpu.enqueue_indirect_dma source(%arg12 : memref<2048xf32, #tpu.memory_space<vmem>>) target(%dma_start3A_622 : memref<1073152xf32, #tpu.memory_space<vmem_shared>>) offsets(%arg11 : memref<2048xi32, #tpu.memory_space<vmem>>) semaphore(%run_scoped3A_621 : memref<!tpu.dma_semaphore, #tpu.memory_space<semaphore_mem>>) {add = true}
        %dma_wait3A = arith.constant 0 : i32
        %dma_wait3A_623 = tpu.memref_slice %arg14[%dma_wait3A] : memref<1073152xf32, #tpu.memory_space<vmem_shared>> -> memref<1073152xf32, #tpu.memory_space<vmem_shared>>
        tpu.wait_indirect_dma semaphore(%run_scoped3A_621 : memref<!tpu.dma_semaphore, #tpu.memory_space<semaphore_mem>>) src(%arg12 : memref<2048xf32, #tpu.memory_space<vmem>>) dst(%dma_wait3A_623 : memref<1073152xf32, #tpu.memory_space<vmem_shared>>)
        tpu.yield
      }) : () -> ()
    } else {
    }
    "tpu.region"() ({
      %run_scoped3A_621 = tpu.sem_alloc : memref<!tpu.dma_semaphore, #tpu.memory_space<semaphore_mem>>
      %dma_start3A = arith.constant 0 : i32
      %dma_start3A_622 = tpu.memref_slice %arg14[%dma_start3A] : memref<1073152xf32, #tpu.memory_space<vmem_shared>> -> memref<1073152xf32, #tpu.memory_space<vmem_shared>>
      tpu.enqueue_indirect_dma source(%arg12 : memref<2048xf32, #tpu.memory_space<vmem>>) target(%dma_start3A_622 : memref<1073152xf32, #tpu.memory_space<vmem_shared>>) offsets(%arg7 : memref<2048xi32, #tpu.memory_space<vmem>>) semaphore(%run_scoped3A_621 : memref<!tpu.dma_semaphore, #tpu.memory_space<semaphore_mem>>) {add = true}
      %dma_wait3A = arith.constant 0 : i32
      %dma_wait3A_623 = tpu.memref_slice %arg14[%dma_wait3A] : memref<1073152xf32, #tpu.memory_space<vmem_shared>> -> memref<1073152xf32, #tpu.memory_space<vmem_shared>>
      tpu.wait_indirect_dma semaphore(%run_scoped3A_621 : memref<!tpu.dma_semaphore, #tpu.memory_space<semaphore_mem>>) src(%arg12 : memref<2048xf32, #tpu.memory_space<vmem>>) dst(%dma_wait3A_623 : memref<1073152xf32, #tpu.memory_space<vmem_shared>>)
      tpu.yield
    }) : () -> ()
    %barrier3A_36 = arith.constant 0 : index
    tpu.barrier barrier_id(%barrier3A_36)
    "tpu.region"() ({
      %run_scoped3A_621 = tpu.sem_alloc : memref<!tpu.dma_semaphore, #tpu.memory_space<semaphore_mem>>
      %dma_start3A = arith.constant 0 : i32
      %dma_start3A_622 = tpu.memref_slice %arg14[%dma_start3A] : memref<1073152xf32, #tpu.memory_space<vmem_shared>> -> memref<1073152xf32, #tpu.memory_space<vmem_shared>>
      tpu.enqueue_indirect_dma source(%arg12 : memref<2048xf32, #tpu.memory_space<vmem>>) target(%dma_start3A_622 : memref<1073152xf32, #tpu.memory_space<vmem_shared>>) offsets(%arg8 : memref<2048xi32, #tpu.memory_space<vmem>>) semaphore(%run_scoped3A_621 : memref<!tpu.dma_semaphore, #tpu.memory_space<semaphore_mem>>) {add = true}
      %dma_wait3A = arith.constant 0 : i32
      %dma_wait3A_623 = tpu.memref_slice %arg14[%dma_wait3A] : memref<1073152xf32, #tpu.memory_space<vmem_shared>> -> memref<1073152xf32, #tpu.memory_space<vmem_shared>>
      tpu.wait_indirect_dma semaphore(%run_scoped3A_621 : memref<!tpu.dma_semaphore, #tpu.memory_space<semaphore_mem>>) src(%arg12 : memref<2048xf32, #tpu.memory_space<vmem>>) dst(%dma_wait3A_623 : memref<1073152xf32, #tpu.memory_space<vmem_shared>>)
      tpu.yield
    }) : () -> ()
    %mul3A_37 = arith.constant 32768 : i32
    %mul3A_38 = arith.muli %arg1, %mul3A_37 : i32
    %add3A_39 = arith.constant 0 : i32
    %add3A_40 = arith.addi %add3A_39, %mul3A_38 : i32
    %mul3A_41 = arith.constant 4 : i32
    %mul3A_42 = arith.muli %arg0, %mul3A_41 : i32
    %add3A_43 = arith.constant 0 : i32
    %add3A_44 = arith.addi %mul3A_42, %add3A_43 : i32
    %run_scoped3A_45 = arith.constant 0 : i32
    "tpu.region"() ({
      %run_scoped3A_621 = tpu.sem_alloc : memref<!tpu.dma_semaphore, #tpu.memory_space<semaphore_mem>>
      %dma_start3A = arith.constant 0 : i32
      %dma_start3A_622 = tpu.memref_slice %arg3[%run_scoped3A_45, %add3A_44, %arg1, %dma_start3A] : memref<8x8x16x32768xf32, #tpu.memory_space<hbm>> -> memref<1x1x1x32768xf32, #tpu.memory_space<hbm>>
      %dma_start3A_623 = tpu.memref_squeeze %dma_start3A_622 : memref<1x1x1x32768xf32, #tpu.memory_space<hbm>> -> memref<32768xf32, #tpu.memory_space<hbm>>
      %dma_start3A_624 = tpu.memref_slice %arg14[%add3A_40] : memref<1073152xf32, #tpu.memory_space<vmem_shared>> -> memref<32768xf32, #tpu.memory_space<vmem_shared>>
      tpu.enqueue_dma source(%dma_start3A_624 : memref<32768xf32, #tpu.memory_space<vmem_shared>>) target(%dma_start3A_623 : memref<32768xf32, #tpu.memory_space<hbm>>) target_semaphore(%run_scoped3A_621 : memref<!tpu.dma_semaphore, #tpu.memory_space<semaphore_mem>>)
      %dma_wait3A = arith.constant 0 : i32
      %dma_wait3A_625 = tpu.memref_slice %arg3[%run_scoped3A_45, %add3A_44, %arg1, %dma_wait3A] : memref<8x8x16x32768xf32, #tpu.memory_space<hbm>> -> memref<1x1x1x32768xf32, #tpu.memory_space<hbm>>
      %dma_wait3A_626 = tpu.memref_squeeze %dma_wait3A_625 : memref<1x1x1x32768xf32, #tpu.memory_space<hbm>> -> memref<32768xf32, #tpu.memory_space<hbm>>
      %dma_wait3A_627 = tpu.memref_slice %arg14[%add3A_40] : memref<1073152xf32, #tpu.memory_space<vmem_shared>> -> memref<32768xf32, #tpu.memory_space<vmem_shared>>
      tpu.wait_dma2 semaphore(%run_scoped3A_621 : memref<!tpu.dma_semaphore, #tpu.memory_space<semaphore_mem>>) src(%dma_wait3A_627 : memref<32768xf32, #tpu.memory_space<vmem_shared>>) dst(%dma_wait3A_626 : memref<32768xf32, #tpu.memory_space<hbm>>)
      tpu.yield
    }) : () -> ()
    %mul3A_46 = arith.constant 32768 : i32
    %mul3A_47 = arith.muli %arg1, %mul3A_46 : i32
    %add3A_48 = arith.constant 0 : i32
    %add3A_49 = arith.addi %add3A_48, %mul3A_47 : i32
    "tpu.region"() ({
      %run_scoped3A_621 = tpu.sem_alloc : memref<!tpu.dma_semaphore, #tpu.memory_space<semaphore_mem>>
      %dma_start3A = tpu.memref_slice %arg14[%add3A_49] : memref<1073152xf32, #tpu.memory_space<vmem_shared>> -> memref<32768xf32, #tpu.memory_space<vmem_shared>>
      %dma_start3A_622 = tpu.memref_slice %arg14[%add3A_49] : memref<1073152xf32, #tpu.memory_space<vmem_shared>> -> memref<32768xf32, #tpu.memory_space<vmem_shared>>
      tpu.enqueue_dma source(%arg13 : memref<32768xf32, #tpu.memory_space<vmem>>) target(%dma_start3A_622 : memref<32768xf32, #tpu.memory_space<vmem_shared>>) target_semaphore(%run_scoped3A_621 : memref<!tpu.dma_semaphore, #tpu.memory_space<semaphore_mem>>)
      %dma_wait3A = tpu.memref_slice %arg14[%add3A_49] : memref<1073152xf32, #tpu.memory_space<vmem_shared>> -> memref<32768xf32, #tpu.memory_space<vmem_shared>>
      %dma_wait3A_623 = tpu.memref_slice %arg14[%add3A_49] : memref<1073152xf32, #tpu.memory_space<vmem_shared>> -> memref<32768xf32, #tpu.memory_space<vmem_shared>>
      tpu.wait_dma2 semaphore(%run_scoped3A_621 : memref<!tpu.dma_semaphore, #tpu.memory_space<semaphore_mem>>) src(%arg13 : memref<32768xf32, #tpu.memory_space<vmem>>) dst(%dma_wait3A_623 : memref<32768xf32, #tpu.memory_space<vmem_shared>>)
      tpu.yield
    }) : () -> ()
    %barrier3A_50 = arith.constant 0 : index
    tpu.barrier barrier_id(%barrier3A_50)
    "tpu.region"() ({
      %run_scoped3A_621 = tpu.sem_alloc : memref<!tpu.dma_semaphore, #tpu.memory_space<semaphore_mem>>
      %dma_start3A = arith.constant 0 : i32
      %dma_start3A_622 = tpu.memref_slice %arg14[%dma_start3A] : memref<1073152xf32, #tpu.memory_space<vmem_shared>> -> memref<1073152xf32, #tpu.memory_space<vmem_shared>>
      tpu.enqueue_indirect_dma source(%arg12 : memref<2048xf32, #tpu.memory_space<vmem>>) target(%dma_start3A_622 : memref<1073152xf32, #tpu.memory_space<vmem_shared>>) offsets(%arg9 : memref<2048xi32, #tpu.memory_space<vmem>>) semaphore(%run_scoped3A_621 : memref<!tpu.dma_semaphore, #tpu.memory_space<semaphore_mem>>) {add = true}
      %dma_wait3A = arith.constant 0 : i32
      %dma_wait3A_623 = tpu.memref_slice %arg14[%dma_wait3A] : memref<1073152xf32, #tpu.memory_space<vmem_shared>> -> memref<1073152xf32, #tpu.memory_space<vmem_shared>>
      tpu.wait_indirect_dma semaphore(%run_scoped3A_621 : memref<!tpu.dma_semaphore, #tpu.memory_space<semaphore_mem>>) src(%arg12 : memref<2048xf32, #tpu.memory_space<vmem>>) dst(%dma_wait3A_623 : memref<1073152xf32, #tpu.memory_space<vmem_shared>>)
      tpu.yield
    }) : () -> ()
    %mul3A_51 = arith.constant 32768 : i32
    %mul3A_52 = arith.muli %arg1, %mul3A_51 : i32
    %add3A_53 = arith.constant 524288 : i32
    %add3A_54 = arith.addi %add3A_53, %mul3A_52 : i32
    %mul3A_55 = arith.constant 4 : i32
    %mul3A_56 = arith.muli %arg0, %mul3A_55 : i32
    %add3A_57 = arith.constant 1 : i32
    %add3A_58 = arith.addi %mul3A_56, %add3A_57 : i32
    %run_scoped3A_59 = arith.constant 0 : i32
    "tpu.region"() ({
      %run_scoped3A_621 = tpu.sem_alloc : memref<!tpu.dma_semaphore, #tpu.memory_space<semaphore_mem>>
      %dma_start3A = arith.constant 0 : i32
      %dma_start3A_622 = tpu.memref_slice %arg3[%run_scoped3A_59, %add3A_58, %arg1, %dma_start3A] : memref<8x8x16x32768xf32, #tpu.memory_space<hbm>> -> memref<1x1x1x32768xf32, #tpu.memory_space<hbm>>
      %dma_start3A_623 = tpu.memref_squeeze %dma_start3A_622 : memref<1x1x1x32768xf32, #tpu.memory_space<hbm>> -> memref<32768xf32, #tpu.memory_space<hbm>>
      %dma_start3A_624 = tpu.memref_slice %arg14[%add3A_54] : memref<1073152xf32, #tpu.memory_space<vmem_shared>> -> memref<32768xf32, #tpu.memory_space<vmem_shared>>
      tpu.enqueue_dma source(%dma_start3A_624 : memref<32768xf32, #tpu.memory_space<vmem_shared>>) target(%dma_start3A_623 : memref<32768xf32, #tpu.memory_space<hbm>>) target_semaphore(%run_scoped3A_621 : memref<!tpu.dma_semaphore, #tpu.memory_space<semaphore_mem>>)
      %dma_wait3A = arith.constant 0 : i32
      %dma_wait3A_625 = tpu.memref_slice %arg3[%run_scoped3A_59, %add3A_58, %arg1, %dma_wait3A] : memref<8x8x16x32768xf32, #tpu.memory_space<hbm>> -> memref<1x1x1x32768xf32, #tpu.memory_space<hbm>>
      %dma_wait3A_626 = tpu.memref_squeeze %dma_wait3A_625 : memref<1x1x1x32768xf32, #tpu.memory_space<hbm>> -> memref<32768xf32, #tpu.memory_space<hbm>>
      %dma_wait3A_627 = tpu.memref_slice %arg14[%add3A_54] : memref<1073152xf32, #tpu.memory_space<vmem_shared>> -> memref<32768xf32, #tpu.memory_space<vmem_shared>>
      tpu.wait_dma2 semaphore(%run_scoped3A_621 : memref<!tpu.dma_semaphore, #tpu.memory_space<semaphore_mem>>) src(%dma_wait3A_627 : memref<32768xf32, #tpu.memory_space<vmem_shared>>) dst(%dma_wait3A_626 : memref<32768xf32, #tpu.memory_space<hbm>>)
      tpu.yield
    }) : () -> ()
    %mul3A_60 = arith.constant 32768 : i32
    %mul3A_61 = arith.muli %arg1, %mul3A_60 : i32
    %add3A_62 = arith.constant 524288 : i32
    %add3A_63 = arith.addi %add3A_62, %mul3A_61 : i32
    "tpu.region"() ({
      %run_scoped3A_621 = tpu.sem_alloc : memref<!tpu.dma_semaphore, #tpu.memory_space<semaphore_mem>>
      %dma_start3A = tpu.memref_slice %arg14[%add3A_63] : memref<1073152xf32, #tpu.memory_space<vmem_shared>> -> memref<32768xf32, #tpu.memory_space<vmem_shared>>
      %dma_start3A_622 = tpu.memref_slice %arg14[%add3A_63] : memref<1073152xf32, #tpu.memory_space<vmem_shared>> -> memref<32768xf32, #tpu.memory_space<vmem_shared>>
      tpu.enqueue_dma source(%arg13 : memref<32768xf32, #tpu.memory_space<vmem>>) target(%dma_start3A_622 : memref<32768xf32, #tpu.memory_space<vmem_shared>>) target_semaphore(%run_scoped3A_621 : memref<!tpu.dma_semaphore, #tpu.memory_space<semaphore_mem>>)
      %dma_wait3A = tpu.memref_slice %arg14[%add3A_63] : memref<1073152xf32, #tpu.memory_space<vmem_shared>> -> memref<32768xf32, #tpu.memory_space<vmem_shared>>
      %dma_wait3A_623 = tpu.memref_slice %arg14[%add3A_63] : memref<1073152xf32, #tpu.memory_space<vmem_shared>> -> memref<32768xf32, #tpu.memory_space<vmem_shared>>
      tpu.wait_dma2 semaphore(%run_scoped3A_621 : memref<!tpu.dma_semaphore, #tpu.memory_space<semaphore_mem>>) src(%arg13 : memref<32768xf32, #tpu.memory_space<vmem>>) dst(%dma_wait3A_623 : memref<32768xf32, #tpu.memory_space<vmem_shared>>)
      tpu.yield
    }) : () -> ()
    %barrier3A_64 = arith.constant 0 : index
    tpu.barrier barrier_id(%barrier3A_64)
    "tpu.region"() ({
      %run_scoped3A_621 = tpu.sem_alloc : memref<!tpu.dma_semaphore, #tpu.memory_space<semaphore_mem>>
      %dma_start3A = arith.constant 0 : i32
      %dma_start3A_622 = tpu.memref_slice %arg14[%dma_start3A] : memref<1073152xf32, #tpu.memory_space<vmem_shared>> -> memref<1073152xf32, #tpu.memory_space<vmem_shared>>
      tpu.enqueue_indirect_dma source(%arg12 : memref<2048xf32, #tpu.memory_space<vmem>>) target(%dma_start3A_622 : memref<1073152xf32, #tpu.memory_space<vmem_shared>>) offsets(%arg10 : memref<2048xi32, #tpu.memory_space<vmem>>) semaphore(%run_scoped3A_621 : memref<!tpu.dma_semaphore, #tpu.memory_space<semaphore_mem>>) {add = true}
      %dma_wait3A = arith.constant 0 : i32
      %dma_wait3A_623 = tpu.memref_slice %arg14[%dma_wait3A] : memref<1073152xf32, #tpu.memory_space<vmem_shared>> -> memref<1073152xf32, #tpu.memory_space<vmem_shared>>
      tpu.wait_indirect_dma semaphore(%run_scoped3A_621 : memref<!tpu.dma_semaphore, #tpu.memory_space<semaphore_mem>>) src(%arg12 : memref<2048xf32, #tpu.memory_space<vmem>>) dst(%dma_wait3A_623 : memref<1073152xf32, #tpu.memory_space<vmem_shared>>)
      tpu.yield
    }) : () -> ()
    %mul3A_65 = arith.constant 32768 : i32
    %mul3A_66 = arith.muli %arg1, %mul3A_65 : i32
    %add3A_67 = arith.constant 0 : i32
    %add3A_68 = arith.addi %add3A_67, %mul3A_66 : i32
    %mul3A_69 = arith.constant 4 : i32
    %mul3A_70 = arith.muli %arg0, %mul3A_69 : i32
    %add3A_71 = arith.constant 2 : i32
    %add3A_72 = arith.addi %mul3A_70, %add3A_71 : i32
    %run_scoped3A_73 = arith.constant 0 : i32
    "tpu.region"() ({
      %run_scoped3A_621 = tpu.sem_alloc : memref<!tpu.dma_semaphore, #tpu.memory_space<semaphore_mem>>
      %dma_start3A = arith.constant 0 : i32
      %dma_start3A_622 = tpu.memref_slice %arg3[%run_scoped3A_73, %add3A_72, %arg1, %dma_start3A] : memref<8x8x16x32768xf32, #tpu.memory_space<hbm>> -> memref<1x1x1x32768xf32, #tpu.memory_space<hbm>>
      %dma_start3A_623 = tpu.memref_squeeze %dma_start3A_622 : memref<1x1x1x32768xf32, #tpu.memory_space<hbm>> -> memref<32768xf32, #tpu.memory_space<hbm>>
      %dma_start3A_624 = tpu.memref_slice %arg14[%add3A_68] : memref<1073152xf32, #tpu.memory_space<vmem_shared>> -> memref<32768xf32, #tpu.memory_space<vmem_shared>>
      tpu.enqueue_dma source(%dma_start3A_624 : memref<32768xf32, #tpu.memory_space<vmem_shared>>) target(%dma_start3A_623 : memref<32768xf32, #tpu.memory_space<hbm>>) target_semaphore(%run_scoped3A_621 : memref<!tpu.dma_semaphore, #tpu.memory_space<semaphore_mem>>)
      %dma_wait3A = arith.constant 0 : i32
      %dma_wait3A_625 = tpu.memref_slice %arg3[%run_scoped3A_73, %add3A_72, %arg1, %dma_wait3A] : memref<8x8x16x32768xf32, #tpu.memory_space<hbm>> -> memref<1x1x1x32768xf32, #tpu.memory_space<hbm>>
      %dma_wait3A_626 = tpu.memref_squeeze %dma_wait3A_625 : memref<1x1x1x32768xf32, #tpu.memory_space<hbm>> -> memref<32768xf32, #tpu.memory_space<hbm>>
      %dma_wait3A_627 = tpu.memref_slice %arg14[%add3A_68] : memref<1073152xf32, #tpu.memory_space<vmem_shared>> -> memref<32768xf32, #tpu.memory_space<vmem_shared>>
      tpu.wait_dma2 semaphore(%run_scoped3A_621 : memref<!tpu.dma_semaphore, #tpu.memory_space<semaphore_mem>>) src(%dma_wait3A_627 : memref<32768xf32, #tpu.memory_space<vmem_shared>>) dst(%dma_wait3A_626 : memref<32768xf32, #tpu.memory_space<hbm>>)
      tpu.yield
    }) : () -> ()
    %mul3A_74 = arith.constant 32768 : i32
    %mul3A_75 = arith.muli %arg1, %mul3A_74 : i32
    %add3A_76 = arith.constant 0 : i32
    %add3A_77 = arith.addi %add3A_76, %mul3A_75 : i32
    "tpu.region"() ({
      %run_scoped3A_621 = tpu.sem_alloc : memref<!tpu.dma_semaphore, #tpu.memory_space<semaphore_mem>>
      %dma_start3A = tpu.memref_slice %arg14[%add3A_77] : memref<1073152xf32, #tpu.memory_space<vmem_shared>> -> memref<32768xf32, #tpu.memory_space<vmem_shared>>
      %dma_start3A_622 = tpu.memref_slice %arg14[%add3A_77] : memref<1073152xf32, #tpu.memory_space<vmem_shared>> -> memref<32768xf32, #tpu.memory_space<vmem_shared>>
      tpu.enqueue_dma source(%arg13 : memref<32768xf32, #tpu.memory_space<vmem>>) target(%dma_start3A_622 : memref<32768xf32, #tpu.memory_space<vmem_shared>>) target_semaphore(%run_scoped3A_621 : memref<!tpu.dma_semaphore, #tpu.memory_space<semaphore_mem>>)
      %dma_wait3A = tpu.memref_slice %arg14[%add3A_77] : memref<1073152xf32, #tpu.memory_space<vmem_shared>> -> memref<32768xf32, #tpu.memory_space<vmem_shared>>
      %dma_wait3A_623 = tpu.memref_slice %arg14[%add3A_77] : memref<1073152xf32, #tpu.memory_space<vmem_shared>> -> memref<32768xf32, #tpu.memory_space<vmem_shared>>
      tpu.wait_dma2 semaphore(%run_scoped3A_621 : memref<!tpu.dma_semaphore, #tpu.memory_space<semaphore_mem>>) src(%arg13 : memref<32768xf32, #tpu.memory_space<vmem>>) dst(%dma_wait3A_623 : memref<32768xf32, #tpu.memory_space<vmem_shared>>)
      tpu.yield
    }) : () -> ()
    %barrier3A_78 = arith.constant 0 : index
    tpu.barrier barrier_id(%barrier3A_78)
    %mul3A_79 = arith.constant 2048 : i32
    %mul3A_80 = arith.muli %arg1, %mul3A_79 : i32
    %run_scoped3A_81 = arith.constant 1 : i32
    %run_scoped3A_82 = arith.constant 0 : i32
    "tpu.region"() ({
      %run_scoped3A_621 = tpu.sem_alloc : memref<!tpu.dma_semaphore, #tpu.memory_space<semaphore_mem>>
      %dma_start3A = tpu.memref_slice %arg2[%run_scoped3A_81, %run_scoped3A_82, %mul3A_80] : memref<8x2x32768xi32, #tpu.memory_space<hbm>> -> memref<1x1x2048xi32, #tpu.memory_space<hbm>>
      %dma_start3A_622 = tpu.memref_squeeze %dma_start3A : memref<1x1x2048xi32, #tpu.memory_space<hbm>> -> memref<2048xi32, #tpu.memory_space<hbm>>
      %dma_start3A_623 = tpu.memref_slice %arg2[%run_scoped3A_81, %run_scoped3A_82, %mul3A_80] : memref<8x2x32768xi32, #tpu.memory_space<hbm>> -> memref<1x1x2048xi32, #tpu.memory_space<hbm>>
      %dma_start3A_624 = tpu.memref_squeeze %dma_start3A_623 : memref<1x1x2048xi32, #tpu.memory_space<hbm>> -> memref<2048xi32, #tpu.memory_space<hbm>>
      tpu.enqueue_dma source(%dma_start3A_624 : memref<2048xi32, #tpu.memory_space<hbm>>) target(%arg5 : memref<2048xi32, #tpu.memory_space<vmem>>) target_semaphore(%run_scoped3A_621 : memref<!tpu.dma_semaphore, #tpu.memory_space<semaphore_mem>>)
      %dma_wait3A = tpu.memref_slice %arg2[%run_scoped3A_81, %run_scoped3A_82, %mul3A_80] : memref<8x2x32768xi32, #tpu.memory_space<hbm>> -> memref<1x1x2048xi32, #tpu.memory_space<hbm>>
      %dma_wait3A_625 = tpu.memref_squeeze %dma_wait3A : memref<1x1x2048xi32, #tpu.memory_space<hbm>> -> memref<2048xi32, #tpu.memory_space<hbm>>
      %dma_wait3A_626 = tpu.memref_slice %arg2[%run_scoped3A_81, %run_scoped3A_82, %mul3A_80] : memref<8x2x32768xi32, #tpu.memory_space<hbm>> -> memref<1x1x2048xi32, #tpu.memory_space<hbm>>
      %dma_wait3A_627 = tpu.memref_squeeze %dma_wait3A_626 : memref<1x1x2048xi32, #tpu.memory_space<hbm>> -> memref<2048xi32, #tpu.memory_space<hbm>>
      tpu.wait_dma2 semaphore(%run_scoped3A_621 : memref<!tpu.dma_semaphore, #tpu.memory_space<semaphore_mem>>) src(%dma_wait3A_627 : memref<2048xi32, #tpu.memory_space<hbm>>) dst(%arg5 : memref<2048xi32, #tpu.memory_space<vmem>>)
      tpu.yield
    }) : () -> ()
    %mul3A_83 = arith.constant 2048 : i32
    %mul3A_84 = arith.muli %arg1, %mul3A_83 : i32
    %run_scoped3A_85 = arith.constant 1 : i32
    %run_scoped3A_86 = arith.constant 1 : i32
    "tpu.region"() ({
      %run_scoped3A_621 = tpu.sem_alloc : memref<!tpu.dma_semaphore, #tpu.memory_space<semaphore_mem>>
      %dma_start3A = tpu.memref_slice %arg2[%run_scoped3A_85, %run_scoped3A_86, %mul3A_84] : memref<8x2x32768xi32, #tpu.memory_space<hbm>> -> memref<1x1x2048xi32, #tpu.memory_space<hbm>>
      %dma_start3A_622 = tpu.memref_squeeze %dma_start3A : memref<1x1x2048xi32, #tpu.memory_space<hbm>> -> memref<2048xi32, #tpu.memory_space<hbm>>
      %dma_start3A_623 = tpu.memref_slice %arg2[%run_scoped3A_85, %run_scoped3A_86, %mul3A_84] : memref<8x2x32768xi32, #tpu.memory_space<hbm>> -> memref<1x1x2048xi32, #tpu.memory_space<hbm>>
      %dma_start3A_624 = tpu.memref_squeeze %dma_start3A_623 : memref<1x1x2048xi32, #tpu.memory_space<hbm>> -> memref<2048xi32, #tpu.memory_space<hbm>>
      tpu.enqueue_dma source(%dma_start3A_624 : memref<2048xi32, #tpu.memory_space<hbm>>) target(%arg6 : memref<2048xi32, #tpu.memory_space<vmem>>) target_semaphore(%run_scoped3A_621 : memref<!tpu.dma_semaphore, #tpu.memory_space<semaphore_mem>>)
      %dma_wait3A = tpu.memref_slice %arg2[%run_scoped3A_85, %run_scoped3A_86, %mul3A_84] : memref<8x2x32768xi32, #tpu.memory_space<hbm>> -> memref<1x1x2048xi32, #tpu.memory_space<hbm>>
      %dma_wait3A_625 = tpu.memref_squeeze %dma_wait3A : memref<1x1x2048xi32, #tpu.memory_space<hbm>> -> memref<2048xi32, #tpu.memory_space<hbm>>
      %dma_wait3A_626 = tpu.memref_slice %arg2[%run_scoped3A_85, %run_scoped3A_86, %mul3A_84] : memref<8x2x32768xi32, #tpu.memory_space<hbm>> -> memref<1x1x2048xi32, #tpu.memory_space<hbm>>
      %dma_wait3A_627 = tpu.memref_squeeze %dma_wait3A_626 : memref<1x1x2048xi32, #tpu.memory_space<hbm>> -> memref<2048xi32, #tpu.memory_space<hbm>>
      tpu.wait_dma2 semaphore(%run_scoped3A_621 : memref<!tpu.dma_semaphore, #tpu.memory_space<semaphore_mem>>) src(%dma_wait3A_627 : memref<2048xi32, #tpu.memory_space<hbm>>) dst(%arg6 : memref<2048xi32, #tpu.memory_space<vmem>>)
      tpu.yield
    }) : () -> ()
    %scan3A_87 = arith.constant 0 : i32
    %scan3A_88 = arith.constant 0 : i32
    %scan3A_89 = arith.constant 128 : i32
    %scan3A_90 = arith.addi %scan3A_88, %scan3A_89 : i32
    %scan3A_91 = arith.constant 1 : i32
    scf.for %scan3A_621 = %scan3A_88 to %scan3A_90 step %scan3A_91  : i32 {
      %mul3A_622 = arith.constant 16 : i32
      %mul3A_623 = arith.muli %scan3A_621, %mul3A_622 : i32
      %get3A = arith.index_cast %mul3A_623 : i32 to index
      %get3A_624 = tpu.vector_load %arg5[%get3A] {strides = array<i32>} : memref<2048xi32, #tpu.memory_space<vmem>>, vector<16xi32>,
      %get3A_625 = vector.shape_cast %get3A_624 : vector<16xi32> to vector<16xi32>
      %mul3A_626 = arith.constant 16 : i32
      %mul3A_627 = arith.muli %scan3A_621, %mul3A_626 : i32
      %get3A_628 = arith.index_cast %mul3A_627 : i32 to index
      %get3A_629 = tpu.vector_load %arg6[%get3A_628] {strides = array<i32>} : memref<2048xi32, #tpu.memory_space<vmem>>, vector<16xi32>,
      %get3A_630 = vector.shape_cast %get3A_629 : vector<16xi32> to vector<16xi32>
      %shift_right_logical3A = arith.constant 8 : i32
      %shift_right_logical3A_631 = vector.broadcast %shift_right_logical3A : i32 to vector<16xi32>
      %shift_right_logical3A_632 = arith.shrui %get3A_630, %shift_right_logical3A_631 : vector<16xi32>
      %and3A = arith.constant 255 : i32
      %and3A_633 = vector.broadcast %and3A : i32 to vector<16xi32>
      %and3A_634 = arith.andi %get3A_630, %and3A_633 : vector<16xi32>
      %shift_left3A = arith.constant 11 : i32
      %shift_left3A_635 = vector.broadcast %shift_left3A : i32 to vector<16xi32>
      %shift_left3A_636 = arith.shli %and3A_634, %shift_left3A_635 : vector<16xi32>
      %add3A_637 = arith.addi %shift_left3A_636, %get3A_625 : vector<16xi32>
      %mul3A_638 = arith.constant 4 : i32
      %mul3A_639 = arith.muli %arg0, %mul3A_638 : i32
      %add3A_640 = arith.constant 0 : i32
      %add3A_641 = arith.addi %mul3A_639, %add3A_640 : i32
      %eq3A_642 = vector.broadcast %add3A_641 : i32 to vector<16xi32>
      %eq3A_643 = arith.cmpi eq, %shift_right_logical3A_632, %eq3A_642 : vector<16xi32>
      %add3A_644 = arith.constant 0 : i32
      %add3A_645 = vector.broadcast %add3A_644 : i32 to vector<16xi32>
      %add3A_646 = arith.addi %add3A_645, %add3A_637 : vector<16xi32>
      %jit3A = arith.constant 1056768 : i32
      %broadcast_in_dim3A = vector.broadcast %jit3A : i32 to vector<16xi32>
      %select_n3A = arith.select %eq3A_643, %add3A_646, %broadcast_in_dim3A : vector<16xi1>, vector<16xi32>
      %mul3A_647 = arith.constant 16 : i32
      %mul3A_648 = arith.muli %scan3A_621, %mul3A_647 : i32
      %swap3A = arith.index_cast %mul3A_648 : i32 to index
      %swap3A_649 = tpu.vector_load %arg7[%swap3A] {strides = array<i32>} : memref<2048xi32, #tpu.memory_space<vmem>>, vector<16xi32>,
      %swap3A_650 = vector.shape_cast %swap3A_649 : vector<16xi32> to vector<16xi32>
      %swap3A_651 = vector.shape_cast %select_n3A : vector<16xi32> to vector<16xi32>
      tpu.vector_store %arg7[%swap3A], %swap3A_651 {strides = array<i32>} : memref<2048xi32, #tpu.memory_space<vmem>>, vector<16xi32>,
      %mul3A_652 = arith.constant 4 : i32
      %mul3A_653 = arith.muli %arg0, %mul3A_652 : i32
      %add3A_654 = arith.constant 1 : i32
      %add3A_655 = arith.addi %mul3A_653, %add3A_654 : i32
      %eq3A_656 = vector.broadcast %add3A_655 : i32 to vector<16xi32>
      %eq3A_657 = arith.cmpi eq, %shift_right_logical3A_632, %eq3A_656 : vector<16xi32>
      %add3A_658 = arith.constant 524288 : i32
      %add3A_659 = vector.broadcast %add3A_658 : i32 to vector<16xi32>
      %add3A_660 = arith.addi %add3A_659, %add3A_637 : vector<16xi32>
      %jit3A_661 = arith.constant 1056768 : i32
      %broadcast_in_dim3A_662 = vector.broadcast %jit3A_661 : i32 to vector<16xi32>
      %select_n3A_663 = arith.select %eq3A_657, %add3A_660, %broadcast_in_dim3A_662 : vector<16xi1>, vector<16xi32>
      %mul3A_664 = arith.constant 16 : i32
      %mul3A_665 = arith.muli %scan3A_621, %mul3A_664 : i32
      %swap3A_666 = arith.index_cast %mul3A_665 : i32 to index
      %swap3A_667 = tpu.vector_load %arg8[%swap3A_666] {strides = array<i32>} : memref<2048xi32, #tpu.memory_space<vmem>>, vector<16xi32>,
      %swap3A_668 = vector.shape_cast %swap3A_667 : vector<16xi32> to vector<16xi32>
      %swap3A_669 = vector.shape_cast %select_n3A_663 : vector<16xi32> to vector<16xi32>
      tpu.vector_store %arg8[%swap3A_666], %swap3A_669 {strides = array<i32>} : memref<2048xi32, #tpu.memory_space<vmem>>, vector<16xi32>,
      %mul3A_670 = arith.constant 4 : i32
      %mul3A_671 = arith.muli %arg0, %mul3A_670 : i32
      %add3A_672 = arith.constant 2 : i32
      %add3A_673 = arith.addi %mul3A_671, %add3A_672 : i32
      %eq3A_674 = vector.broadcast %add3A_673 : i32 to vector<16xi32>
      %eq3A_675 = arith.cmpi eq, %shift_right_logical3A_632, %eq3A_674 : vector<16xi32>
      %add3A_676 = arith.constant 0 : i32
      %add3A_677 = vector.broadcast %add3A_676 : i32 to vector<16xi32>
      %add3A_678 = arith.addi %add3A_677, %add3A_637 : vector<16xi32>
      %jit3A_679 = arith.constant 1056768 : i32
      %broadcast_in_dim3A_680 = vector.broadcast %jit3A_679 : i32 to vector<16xi32>
      %select_n3A_681 = arith.select %eq3A_675, %add3A_678, %broadcast_in_dim3A_680 : vector<16xi1>, vector<16xi32>
      %mul3A_682 = arith.constant 16 : i32
      %mul3A_683 = arith.muli %scan3A_621, %mul3A_682 : i32
      %swap3A_684 = arith.index_cast %mul3A_683 : i32 to index
      %swap3A_685 = tpu.vector_load %arg9[%swap3A_684] {strides = array<i32>} : memref<2048xi32, #tpu.memory_space<vmem>>, vector<16xi32>,
      %swap3A_686 = vector.shape_cast %swap3A_685 : vector<16xi32> to vector<16xi32>
      %swap3A_687 = vector.shape_cast %select_n3A_681 : vector<16xi32> to vector<16xi32>
      tpu.vector_store %arg9[%swap3A_684], %swap3A_687 {strides = array<i32>} : memref<2048xi32, #tpu.memory_space<vmem>>, vector<16xi32>,
      %mul3A_688 = arith.constant 4 : i32
      %mul3A_689 = arith.muli %arg0, %mul3A_688 : i32
      %add3A_690 = arith.constant 3 : i32
      %add3A_691 = arith.addi %mul3A_689, %add3A_690 : i32
      %eq3A_692 = vector.broadcast %add3A_691 : i32 to vector<16xi32>
      %eq3A_693 = arith.cmpi eq, %shift_right_logical3A_632, %eq3A_692 : vector<16xi32>
      %add3A_694 = arith.constant 524288 : i32
      %add3A_695 = vector.broadcast %add3A_694 : i32 to vector<16xi32>
      %add3A_696 = arith.addi %add3A_695, %add3A_637 : vector<16xi32>
      %jit3A_697 = arith.constant 1056768 : i32
      %broadcast_in_dim3A_698 = vector.broadcast %jit3A_697 : i32 to vector<16xi32>
      %select_n3A_699 = arith.select %eq3A_693, %add3A_696, %broadcast_in_dim3A_698 : vector<16xi1>, vector<16xi32>
      %mul3A_700 = arith.constant 16 : i32
      %mul3A_701 = arith.muli %scan3A_621, %mul3A_700 : i32
      %swap3A_702 = arith.index_cast %mul3A_701 : i32 to index
      %swap3A_703 = tpu.vector_load %arg10[%swap3A_702] {strides = array<i32>} : memref<2048xi32, #tpu.memory_space<vmem>>, vector<16xi32>,
      %swap3A_704 = vector.shape_cast %swap3A_703 : vector<16xi32> to vector<16xi32>
      %swap3A_705 = vector.shape_cast %select_n3A_699 : vector<16xi32> to vector<16xi32>
      tpu.vector_store %arg10[%swap3A_702], %swap3A_705 {strides = array<i32>} : memref<2048xi32, #tpu.memory_space<vmem>>, vector<16xi32>,
      %add3A_706 = arith.constant 1050624 : i32
      %add3A_707 = vector.broadcast %add3A_706 : i32 to vector<16xi32>
      %add3A_708 = arith.addi %add3A_707, %get3A_630 : vector<16xi32>
      %mul3A_709 = arith.constant 16 : i32
      %mul3A_710 = arith.muli %scan3A_621, %mul3A_709 : i32
      %swap3A_711 = arith.index_cast %mul3A_710 : i32 to index
      %swap3A_712 = tpu.vector_load %arg11[%swap3A_711] {strides = array<i32>} : memref<2048xi32, #tpu.memory_space<vmem>>, vector<16xi32>,
      %swap3A_713 = vector.shape_cast %swap3A_712 : vector<16xi32> to vector<16xi32>
      %swap3A_714 = vector.shape_cast %add3A_708 : vector<16xi32> to vector<16xi32>
      tpu.vector_store %arg11[%swap3A_711], %swap3A_714 {strides = array<i32>} : memref<2048xi32, #tpu.memory_space<vmem>>, vector<16xi32>,
    }
    %scan3A_92 = arith.constant 128 : i32
    %eq3A_93 = arith.constant 0 : i32
    %eq3A_94 = arith.cmpi eq, %arg0, %eq3A_93 : i32
    %convert_element_type3A_95 = arith.extui %eq3A_94 : i1 to i32
    %cond3A_96 = arith.constant 0 : i32
    %cond3A_97 = arith.cmpi ne, %convert_element_type3A_95, %cond3A_96 : i32
    scf.if %cond3A_97 {
      "tpu.region"() ({
        %run_scoped3A_621 = tpu.sem_alloc : memref<!tpu.dma_semaphore, #tpu.memory_space<semaphore_mem>>
        %dma_start3A = arith.constant 0 : i32
        %dma_start3A_622 = tpu.memref_slice %arg14[%dma_start3A] : memref<1073152xf32, #tpu.memory_space<vmem_shared>> -> memref<1073152xf32, #tpu.memory_space<vmem_shared>>
        tpu.enqueue_indirect_dma source(%arg12 : memref<2048xf32, #tpu.memory_space<vmem>>) target(%dma_start3A_622 : memref<1073152xf32, #tpu.memory_space<vmem_shared>>) offsets(%arg11 : memref<2048xi32, #tpu.memory_space<vmem>>) semaphore(%run_scoped3A_621 : memref<!tpu.dma_semaphore, #tpu.memory_space<semaphore_mem>>) {add = true}
        %dma_wait3A = arith.constant 0 : i32
        %dma_wait3A_623 = tpu.memref_slice %arg14[%dma_wait3A] : memref<1073152xf32, #tpu.memory_space<vmem_shared>> -> memref<1073152xf32, #tpu.memory_space<vmem_shared>>
        tpu.wait_indirect_dma semaphore(%run_scoped3A_621 : memref<!tpu.dma_semaphore, #tpu.memory_space<semaphore_mem>>) src(%arg12 : memref<2048xf32, #tpu.memory_space<vmem>>) dst(%dma_wait3A_623 : memref<1073152xf32, #tpu.memory_space<vmem_shared>>)
        tpu.yield
      }) : () -> ()
    } else {
    }
    "tpu.region"() ({
      %run_scoped3A_621 = tpu.sem_alloc : memref<!tpu.dma_semaphore, #tpu.memory_space<semaphore_mem>>
      %dma_start3A = arith.constant 0 : i32
      %dma_start3A_622 = tpu.memref_slice %arg14[%dma_start3A] : memref<1073152xf32, #tpu.memory_space<vmem_shared>> -> memref<1073152xf32, #tpu.memory_space<vmem_shared>>
      tpu.enqueue_indirect_dma source(%arg12 : memref<2048xf32, #tpu.memory_space<vmem>>) target(%dma_start3A_622 : memref<1073152xf32, #tpu.memory_space<vmem_shared>>) offsets(%arg7 : memref<2048xi32, #tpu.memory_space<vmem>>) semaphore(%run_scoped3A_621 : memref<!tpu.dma_semaphore, #tpu.memory_space<semaphore_mem>>) {add = true}
      %dma_wait3A = arith.constant 0 : i32
      %dma_wait3A_623 = tpu.memref_slice %arg14[%dma_wait3A] : memref<1073152xf32, #tpu.memory_space<vmem_shared>> -> memref<1073152xf32, #tpu.memory_space<vmem_shared>>
      tpu.wait_indirect_dma semaphore(%run_scoped3A_621 : memref<!tpu.dma_semaphore, #tpu.memory_space<semaphore_mem>>) src(%arg12 : memref<2048xf32, #tpu.memory_space<vmem>>) dst(%dma_wait3A_623 : memref<1073152xf32, #tpu.memory_space<vmem_shared>>)
      tpu.yield
    }) : () -> ()
    %mul3A_98 = arith.constant 32768 : i32
    %mul3A_99 = arith.muli %arg1, %mul3A_98 : i32
    %add3A_100 = arith.constant 524288 : i32
    %add3A_101 = arith.addi %add3A_100, %mul3A_99 : i32
    %mul3A_102 = arith.constant 4 : i32
    %mul3A_103 = arith.muli %arg0, %mul3A_102 : i32
    %add3A_104 = arith.constant 3 : i32
    %add3A_105 = arith.addi %mul3A_103, %add3A_104 : i32
    %run_scoped3A_106 = arith.constant 0 : i32
    "tpu.region"() ({
      %run_scoped3A_621 = tpu.sem_alloc : memref<!tpu.dma_semaphore, #tpu.memory_space<semaphore_mem>>
      %dma_start3A = arith.constant 0 : i32
      %dma_start3A_622 = tpu.memref_slice %arg3[%run_scoped3A_106, %add3A_105, %arg1, %dma_start3A] : memref<8x8x16x32768xf32, #tpu.memory_space<hbm>> -> memref<1x1x1x32768xf32, #tpu.memory_space<hbm>>
      %dma_start3A_623 = tpu.memref_squeeze %dma_start3A_622 : memref<1x1x1x32768xf32, #tpu.memory_space<hbm>> -> memref<32768xf32, #tpu.memory_space<hbm>>
      %dma_start3A_624 = tpu.memref_slice %arg14[%add3A_101] : memref<1073152xf32, #tpu.memory_space<vmem_shared>> -> memref<32768xf32, #tpu.memory_space<vmem_shared>>
      tpu.enqueue_dma source(%dma_start3A_624 : memref<32768xf32, #tpu.memory_space<vmem_shared>>) target(%dma_start3A_623 : memref<32768xf32, #tpu.memory_space<hbm>>) target_semaphore(%run_scoped3A_621 : memref<!tpu.dma_semaphore, #tpu.memory_space<semaphore_mem>>)
      %dma_wait3A = arith.constant 0 : i32
      %dma_wait3A_625 = tpu.memref_slice %arg3[%run_scoped3A_106, %add3A_105, %arg1, %dma_wait3A] : memref<8x8x16x32768xf32, #tpu.memory_space<hbm>> -> memref<1x1x1x32768xf32, #tpu.memory_space<hbm>>
      %dma_wait3A_626 = tpu.memref_squeeze %dma_wait3A_625 : memref<1x1x1x32768xf32, #tpu.memory_space<hbm>> -> memref<32768xf32, #tpu.memory_space<hbm>>
      %dma_wait3A_627 = tpu.memref_slice %arg14[%add3A_101] : memref<1073152xf32, #tpu.memory_space<vmem_shared>> -> memref<32768xf32, #tpu.memory_space<vmem_shared>>
      tpu.wait_dma2 semaphore(%run_scoped3A_621 : memref<!tpu.dma_semaphore, #tpu.memory_space<semaphore_mem>>) src(%dma_wait3A_627 : memref<32768xf32, #tpu.memory_space<vmem_shared>>) dst(%dma_wait3A_626 : memref<32768xf32, #tpu.memory_space<hbm>>)
      tpu.yield
    }) : () -> ()
    %mul3A_107 = arith.constant 32768 : i32
    %mul3A_108 = arith.muli %arg1, %mul3A_107 : i32
    %add3A_109 = arith.constant 524288 : i32
    %add3A_110 = arith.addi %add3A_109, %mul3A_108 : i32
    "tpu.region"() ({
      %run_scoped3A_621 = tpu.sem_alloc : memref<!tpu.dma_semaphore, #tpu.memory_space<semaphore_mem>>
      %dma_start3A = tpu.memref_slice %arg14[%add3A_110] : memref<1073152xf32, #tpu.memory_space<vmem_shared>> -> memref<32768xf32, #tpu.memory_space<vmem_shared>>
      %dma_start3A_622 = tpu.memref_slice %arg14[%add3A_110] : memref<1073152xf32, #tpu.memory_space<vmem_shared>> -> memref<32768xf32, #tpu.memory_space<vmem_shared>>
      tpu.enqueue_dma source(%arg13 : memref<32768xf32, #tpu.memory_space<vmem>>) target(%dma_start3A_622 : memref<32768xf32, #tpu.memory_space<vmem_shared>>) target_semaphore(%run_scoped3A_621 : memref<!tpu.dma_semaphore, #tpu.memory_space<semaphore_mem>>)
      %dma_wait3A = tpu.memref_slice %arg14[%add3A_110] : memref<1073152xf32, #tpu.memory_space<vmem_shared>> -> memref<32768xf32, #tpu.memory_space<vmem_shared>>
      %dma_wait3A_623 = tpu.memref_slice %arg14[%add3A_110] : memref<1073152xf32, #tpu.memory_space<vmem_shared>> -> memref<32768xf32, #tpu.memory_space<vmem_shared>>
      tpu.wait_dma2 semaphore(%run_scoped3A_621 : memref<!tpu.dma_semaphore, #tpu.memory_space<semaphore_mem>>) src(%arg13 : memref<32768xf32, #tpu.memory_space<vmem>>) dst(%dma_wait3A_623 : memref<32768xf32, #tpu.memory_space<vmem_shared>>)
      tpu.yield
    }) : () -> ()
    %barrier3A_111 = arith.constant 0 : index
    tpu.barrier barrier_id(%barrier3A_111)
    "tpu.region"() ({
      %run_scoped3A_621 = tpu.sem_alloc : memref<!tpu.dma_semaphore, #tpu.memory_space<semaphore_mem>>
      %dma_start3A = arith.constant 0 : i32
      %dma_start3A_622 = tpu.memref_slice %arg14[%dma_start3A] : memref<1073152xf32, #tpu.memory_space<vmem_shared>> -> memref<1073152xf32, #tpu.memory_space<vmem_shared>>
      tpu.enqueue_indirect_dma source(%arg12 : memref<2048xf32, #tpu.memory_space<vmem>>) target(%dma_start3A_622 : memref<1073152xf32, #tpu.memory_space<vmem_shared>>) offsets(%arg8 : memref<2048xi32, #tpu.memory_space<vmem>>) semaphore(%run_scoped3A_621 : memref<!tpu.dma_semaphore, #tpu.memory_space<semaphore_mem>>) {add = true}
      %dma_wait3A = arith.constant 0 : i32
      %dma_wait3A_623 = tpu.memref_slice %arg14[%dma_wait3A] : memref<1073152xf32, #tpu.memory_space<vmem_shared>> -> memref<1073152xf32, #tpu.memory_space<vmem_shared>>
      tpu.wait_indirect_dma semaphore(%run_scoped3A_621 : memref<!tpu.dma_semaphore, #tpu.memory_space<semaphore_mem>>) src(%arg12 : memref<2048xf32, #tpu.memory_space<vmem>>) dst(%dma_wait3A_623 : memref<1073152xf32, #tpu.memory_space<vmem_shared>>)
      tpu.yield
    }) : () -> ()
    %mul3A_112 = arith.constant 32768 : i32
    %mul3A_113 = arith.muli %arg1, %mul3A_112 : i32
    %add3A_114 = arith.constant 0 : i32
    %add3A_115 = arith.addi %add3A_114, %mul3A_113 : i32
    %mul3A_116 = arith.constant 4 : i32
    %mul3A_117 = arith.muli %arg0, %mul3A_116 : i32
    %add3A_118 = arith.constant 0 : i32
    %add3A_119 = arith.addi %mul3A_117, %add3A_118 : i32
    %run_scoped3A_120 = arith.constant 1 : i32
    "tpu.region"() ({
      %run_scoped3A_621 = tpu.sem_alloc : memref<!tpu.dma_semaphore, #tpu.memory_space<semaphore_mem>>
      %dma_start3A = arith.constant 0 : i32
      %dma_start3A_622 = tpu.memref_slice %arg3[%run_scoped3A_120, %add3A_119, %arg1, %dma_start3A] : memref<8x8x16x32768xf32, #tpu.memory_space<hbm>> -> memref<1x1x1x32768xf32, #tpu.memory_space<hbm>>
      %dma_start3A_623 = tpu.memref_squeeze %dma_start3A_622 : memref<1x1x1x32768xf32, #tpu.memory_space<hbm>> -> memref<32768xf32, #tpu.memory_space<hbm>>
      %dma_start3A_624 = tpu.memref_slice %arg14[%add3A_115] : memref<1073152xf32, #tpu.memory_space<vmem_shared>> -> memref<32768xf32, #tpu.memory_space<vmem_shared>>
      tpu.enqueue_dma source(%dma_start3A_624 : memref<32768xf32, #tpu.memory_space<vmem_shared>>) target(%dma_start3A_623 : memref<32768xf32, #tpu.memory_space<hbm>>) target_semaphore(%run_scoped3A_621 : memref<!tpu.dma_semaphore, #tpu.memory_space<semaphore_mem>>)
      %dma_wait3A = arith.constant 0 : i32
      %dma_wait3A_625 = tpu.memref_slice %arg3[%run_scoped3A_120, %add3A_119, %arg1, %dma_wait3A] : memref<8x8x16x32768xf32, #tpu.memory_space<hbm>> -> memref<1x1x1x32768xf32, #tpu.memory_space<hbm>>
      %dma_wait3A_626 = tpu.memref_squeeze %dma_wait3A_625 : memref<1x1x1x32768xf32, #tpu.memory_space<hbm>> -> memref<32768xf32, #tpu.memory_space<hbm>>
      %dma_wait3A_627 = tpu.memref_slice %arg14[%add3A_115] : memref<1073152xf32, #tpu.memory_space<vmem_shared>> -> memref<32768xf32, #tpu.memory_space<vmem_shared>>
      tpu.wait_dma2 semaphore(%run_scoped3A_621 : memref<!tpu.dma_semaphore, #tpu.memory_space<semaphore_mem>>) src(%dma_wait3A_627 : memref<32768xf32, #tpu.memory_space<vmem_shared>>) dst(%dma_wait3A_626 : memref<32768xf32, #tpu.memory_space<hbm>>)
      tpu.yield
    }) : () -> ()
    %mul3A_121 = arith.constant 32768 : i32
    %mul3A_122 = arith.muli %arg1, %mul3A_121 : i32
    %add3A_123 = arith.constant 0 : i32
    %add3A_124 = arith.addi %add3A_123, %mul3A_122 : i32
    "tpu.region"() ({
      %run_scoped3A_621 = tpu.sem_alloc : memref<!tpu.dma_semaphore, #tpu.memory_space<semaphore_mem>>
      %dma_start3A = tpu.memref_slice %arg14[%add3A_124] : memref<1073152xf32, #tpu.memory_space<vmem_shared>> -> memref<32768xf32, #tpu.memory_space<vmem_shared>>
      %dma_start3A_622 = tpu.memref_slice %arg14[%add3A_124] : memref<1073152xf32, #tpu.memory_space<vmem_shared>> -> memref<32768xf32, #tpu.memory_space<vmem_shared>>
      tpu.enqueue_dma source(%arg13 : memref<32768xf32, #tpu.memory_space<vmem>>) target(%dma_start3A_622 : memref<32768xf32, #tpu.memory_space<vmem_shared>>) target_semaphore(%run_scoped3A_621 : memref<!tpu.dma_semaphore, #tpu.memory_space<semaphore_mem>>)
      %dma_wait3A = tpu.memref_slice %arg14[%add3A_124] : memref<1073152xf32, #tpu.memory_space<vmem_shared>> -> memref<32768xf32, #tpu.memory_space<vmem_shared>>
      %dma_wait3A_623 = tpu.memref_slice %arg14[%add3A_124] : memref<1073152xf32, #tpu.memory_space<vmem_shared>> -> memref<32768xf32, #tpu.memory_space<vmem_shared>>
      tpu.wait_dma2 semaphore(%run_scoped3A_621 : memref<!tpu.dma_semaphore, #tpu.memory_space<semaphore_mem>>) src(%arg13 : memref<32768xf32, #tpu.memory_space<vmem>>) dst(%dma_wait3A_623 : memref<32768xf32, #tpu.memory_space<vmem_shared>>)
      tpu.yield
    }) : () -> ()
    %barrier3A_125 = arith.constant 0 : index
    tpu.barrier barrier_id(%barrier3A_125)
    "tpu.region"() ({
      %run_scoped3A_621 = tpu.sem_alloc : memref<!tpu.dma_semaphore, #tpu.memory_space<semaphore_mem>>
      %dma_start3A = arith.constant 0 : i32
      %dma_start3A_622 = tpu.memref_slice %arg14[%dma_start3A] : memref<1073152xf32, #tpu.memory_space<vmem_shared>> -> memref<1073152xf32, #tpu.memory_space<vmem_shared>>
      tpu.enqueue_indirect_dma source(%arg12 : memref<2048xf32, #tpu.memory_space<vmem>>) target(%dma_start3A_622 : memref<1073152xf32, #tpu.memory_space<vmem_shared>>) offsets(%arg9 : memref<2048xi32, #tpu.memory_space<vmem>>) semaphore(%run_scoped3A_621 : memref<!tpu.dma_semaphore, #tpu.memory_space<semaphore_mem>>) {add = true}
      %dma_wait3A = arith.constant 0 : i32
      %dma_wait3A_623 = tpu.memref_slice %arg14[%dma_wait3A] : memref<1073152xf32, #tpu.memory_space<vmem_shared>> -> memref<1073152xf32, #tpu.memory_space<vmem_shared>>
      tpu.wait_indirect_dma semaphore(%run_scoped3A_621 : memref<!tpu.dma_semaphore, #tpu.memory_space<semaphore_mem>>) src(%arg12 : memref<2048xf32, #tpu.memory_space<vmem>>) dst(%dma_wait3A_623 : memref<1073152xf32, #tpu.memory_space<vmem_shared>>)
      tpu.yield
    }) : () -> ()
    %mul3A_126 = arith.constant 32768 : i32
    %mul3A_127 = arith.muli %arg1, %mul3A_126 : i32
    %add3A_128 = arith.constant 524288 : i32
    %add3A_129 = arith.addi %add3A_128, %mul3A_127 : i32
    %mul3A_130 = arith.constant 4 : i32
    %mul3A_131 = arith.muli %arg0, %mul3A_130 : i32
    %add3A_132 = arith.constant 1 : i32
    %add3A_133 = arith.addi %mul3A_131, %add3A_132 : i32
    %run_scoped3A_134 = arith.constant 1 : i32
    "tpu.region"() ({
      %run_scoped3A_621 = tpu.sem_alloc : memref<!tpu.dma_semaphore, #tpu.memory_space<semaphore_mem>>
      %dma_start3A = arith.constant 0 : i32
      %dma_start3A_622 = tpu.memref_slice %arg3[%run_scoped3A_134, %add3A_133, %arg1, %dma_start3A] : memref<8x8x16x32768xf32, #tpu.memory_space<hbm>> -> memref<1x1x1x32768xf32, #tpu.memory_space<hbm>>
      %dma_start3A_623 = tpu.memref_squeeze %dma_start3A_622 : memref<1x1x1x32768xf32, #tpu.memory_space<hbm>> -> memref<32768xf32, #tpu.memory_space<hbm>>
      %dma_start3A_624 = tpu.memref_slice %arg14[%add3A_129] : memref<1073152xf32, #tpu.memory_space<vmem_shared>> -> memref<32768xf32, #tpu.memory_space<vmem_shared>>
      tpu.enqueue_dma source(%dma_start3A_624 : memref<32768xf32, #tpu.memory_space<vmem_shared>>) target(%dma_start3A_623 : memref<32768xf32, #tpu.memory_space<hbm>>) target_semaphore(%run_scoped3A_621 : memref<!tpu.dma_semaphore, #tpu.memory_space<semaphore_mem>>)
      %dma_wait3A = arith.constant 0 : i32
      %dma_wait3A_625 = tpu.memref_slice %arg3[%run_scoped3A_134, %add3A_133, %arg1, %dma_wait3A] : memref<8x8x16x32768xf32, #tpu.memory_space<hbm>> -> memref<1x1x1x32768xf32, #tpu.memory_space<hbm>>
      %dma_wait3A_626 = tpu.memref_squeeze %dma_wait3A_625 : memref<1x1x1x32768xf32, #tpu.memory_space<hbm>> -> memref<32768xf32, #tpu.memory_space<hbm>>
      %dma_wait3A_627 = tpu.memref_slice %arg14[%add3A_129] : memref<1073152xf32, #tpu.memory_space<vmem_shared>> -> memref<32768xf32, #tpu.memory_space<vmem_shared>>
      tpu.wait_dma2 semaphore(%run_scoped3A_621 : memref<!tpu.dma_semaphore, #tpu.memory_space<semaphore_mem>>) src(%dma_wait3A_627 : memref<32768xf32, #tpu.memory_space<vmem_shared>>) dst(%dma_wait3A_626 : memref<32768xf32, #tpu.memory_space<hbm>>)
      tpu.yield
    }) : () -> ()
    %mul3A_135 = arith.constant 32768 : i32
    %mul3A_136 = arith.muli %arg1, %mul3A_135 : i32
    %add3A_137 = arith.constant 524288 : i32
    %add3A_138 = arith.addi %add3A_137, %mul3A_136 : i32
    "tpu.region"() ({
      %run_scoped3A_621 = tpu.sem_alloc : memref<!tpu.dma_semaphore, #tpu.memory_space<semaphore_mem>>
      %dma_start3A = tpu.memref_slice %arg14[%add3A_138] : memref<1073152xf32, #tpu.memory_space<vmem_shared>> -> memref<32768xf32, #tpu.memory_space<vmem_shared>>
      %dma_start3A_622 = tpu.memref_slice %arg14[%add3A_138] : memref<1073152xf32, #tpu.memory_space<vmem_shared>> -> memref<32768xf32, #tpu.memory_space<vmem_shared>>
      tpu.enqueue_dma source(%arg13 : memref<32768xf32, #tpu.memory_space<vmem>>) target(%dma_start3A_622 : memref<32768xf32, #tpu.memory_space<vmem_shared>>) target_semaphore(%run_scoped3A_621 : memref<!tpu.dma_semaphore, #tpu.memory_space<semaphore_mem>>)
      %dma_wait3A = tpu.memref_slice %arg14[%add3A_138] : memref<1073152xf32, #tpu.memory_space<vmem_shared>> -> memref<32768xf32, #tpu.memory_space<vmem_shared>>
      %dma_wait3A_623 = tpu.memref_slice %arg14[%add3A_138] : memref<1073152xf32, #tpu.memory_space<vmem_shared>> -> memref<32768xf32, #tpu.memory_space<vmem_shared>>
      tpu.wait_dma2 semaphore(%run_scoped3A_621 : memref<!tpu.dma_semaphore, #tpu.memory_space<semaphore_mem>>) src(%arg13 : memref<32768xf32, #tpu.memory_space<vmem>>) dst(%dma_wait3A_623 : memref<32768xf32, #tpu.memory_space<vmem_shared>>)
      tpu.yield
    }) : () -> ()
    %barrier3A_139 = arith.constant 0 : index
    tpu.barrier barrier_id(%barrier3A_139)
    "tpu.region"() ({
      %run_scoped3A_621 = tpu.sem_alloc : memref<!tpu.dma_semaphore, #tpu.memory_space<semaphore_mem>>
      %dma_start3A = arith.constant 0 : i32
      %dma_start3A_622 = tpu.memref_slice %arg14[%dma_start3A] : memref<1073152xf32, #tpu.memory_space<vmem_shared>> -> memref<1073152xf32, #tpu.memory_space<vmem_shared>>
      tpu.enqueue_indirect_dma source(%arg12 : memref<2048xf32, #tpu.memory_space<vmem>>) target(%dma_start3A_622 : memref<1073152xf32, #tpu.memory_space<vmem_shared>>) offsets(%arg10 : memref<2048xi32, #tpu.memory_space<vmem>>) semaphore(%run_scoped3A_621 : memref<!tpu.dma_semaphore, #tpu.memory_space<semaphore_mem>>) {add = true}
      %dma_wait3A = arith.constant 0 : i32
      %dma_wait3A_623 = tpu.memref_slice %arg14[%dma_wait3A] : memref<1073152xf32, #tpu.memory_space<vmem_shared>> -> memref<1073152xf32, #tpu.memory_space<vmem_shared>>
      tpu.wait_indirect_dma semaphore(%run_scoped3A_621 : memref<!tpu.dma_semaphore, #tpu.memory_space<semaphore_mem>>) src(%arg12 : memref<2048xf32, #tpu.memory_space<vmem>>) dst(%dma_wait3A_623 : memref<1073152xf32, #tpu.memory_space<vmem_shared>>)
      tpu.yield
    }) : () -> ()
    %mul3A_140 = arith.constant 32768 : i32
    %mul3A_141 = arith.muli %arg1, %mul3A_140 : i32
    %add3A_142 = arith.constant 0 : i32
    %add3A_143 = arith.addi %add3A_142, %mul3A_141 : i32
    %mul3A_144 = arith.constant 4 : i32
    %mul3A_145 = arith.muli %arg0, %mul3A_144 : i32
    %add3A_146 = arith.constant 2 : i32
    %add3A_147 = arith.addi %mul3A_145, %add3A_146 : i32
    %run_scoped3A_148 = arith.constant 1 : i32
    "tpu.region"() ({
      %run_scoped3A_621 = tpu.sem_alloc : memref<!tpu.dma_semaphore, #tpu.memory_space<semaphore_mem>>
      %dma_start3A = arith.constant 0 : i32
      %dma_start3A_622 = tpu.memref_slice %arg3[%run_scoped3A_148, %add3A_147, %arg1, %dma_start3A] : memref<8x8x16x32768xf32, #tpu.memory_space<hbm>> -> memref<1x1x1x32768xf32, #tpu.memory_space<hbm>>
      %dma_start3A_623 = tpu.memref_squeeze %dma_start3A_622 : memref<1x1x1x32768xf32, #tpu.memory_space<hbm>> -> memref<32768xf32, #tpu.memory_space<hbm>>
      %dma_start3A_624 = tpu.memref_slice %arg14[%add3A_143] : memref<1073152xf32, #tpu.memory_space<vmem_shared>> -> memref<32768xf32, #tpu.memory_space<vmem_shared>>
      tpu.enqueue_dma source(%dma_start3A_624 : memref<32768xf32, #tpu.memory_space<vmem_shared>>) target(%dma_start3A_623 : memref<32768xf32, #tpu.memory_space<hbm>>) target_semaphore(%run_scoped3A_621 : memref<!tpu.dma_semaphore, #tpu.memory_space<semaphore_mem>>)
      %dma_wait3A = arith.constant 0 : i32
      %dma_wait3A_625 = tpu.memref_slice %arg3[%run_scoped3A_148, %add3A_147, %arg1, %dma_wait3A] : memref<8x8x16x32768xf32, #tpu.memory_space<hbm>> -> memref<1x1x1x32768xf32, #tpu.memory_space<hbm>>
      %dma_wait3A_626 = tpu.memref_squeeze %dma_wait3A_625 : memref<1x1x1x32768xf32, #tpu.memory_space<hbm>> -> memref<32768xf32, #tpu.memory_space<hbm>>
      %dma_wait3A_627 = tpu.memref_slice %arg14[%add3A_143] : memref<1073152xf32, #tpu.memory_space<vmem_shared>> -> memref<32768xf32, #tpu.memory_space<vmem_shared>>
      tpu.wait_dma2 semaphore(%run_scoped3A_621 : memref<!tpu.dma_semaphore, #tpu.memory_space<semaphore_mem>>) src(%dma_wait3A_627 : memref<32768xf32, #tpu.memory_space<vmem_shared>>) dst(%dma_wait3A_626 : memref<32768xf32, #tpu.memory_space<hbm>>)
      tpu.yield
    }) : () -> ()
    %mul3A_149 = arith.constant 32768 : i32
    %mul3A_150 = arith.muli %arg1, %mul3A_149 : i32
    %add3A_151 = arith.constant 0 : i32
    %add3A_152 = arith.addi %add3A_151, %mul3A_150 : i32
    "tpu.region"() ({
      %run_scoped3A_621 = tpu.sem_alloc : memref<!tpu.dma_semaphore, #tpu.memory_space<semaphore_mem>>
      %dma_start3A = tpu.memref_slice %arg14[%add3A_152] : memref<1073152xf32, #tpu.memory_space<vmem_shared>> -> memref<32768xf32, #tpu.memory_space<vmem_shared>>
      %dma_start3A_622 = tpu.memref_slice %arg14[%add3A_152] : memref<1073152xf32, #tpu.memory_space<vmem_shared>> -> memref<32768xf32, #tpu.memory_space<vmem_shared>>
      tpu.enqueue_dma source(%arg13 : memref<32768xf32, #tpu.memory_space<vmem>>) target(%dma_start3A_622 : memref<32768xf32, #tpu.memory_space<vmem_shared>>) target_semaphore(%run_scoped3A_621 : memref<!tpu.dma_semaphore, #tpu.memory_space<semaphore_mem>>)
      %dma_wait3A = tpu.memref_slice %arg14[%add3A_152] : memref<1073152xf32, #tpu.memory_space<vmem_shared>> -> memref<32768xf32, #tpu.memory_space<vmem_shared>>
      %dma_wait3A_623 = tpu.memref_slice %arg14[%add3A_152] : memref<1073152xf32, #tpu.memory_space<vmem_shared>> -> memref<32768xf32, #tpu.memory_space<vmem_shared>>
      tpu.wait_dma2 semaphore(%run_scoped3A_621 : memref<!tpu.dma_semaphore, #tpu.memory_space<semaphore_mem>>) src(%arg13 : memref<32768xf32, #tpu.memory_space<vmem>>) dst(%dma_wait3A_623 : memref<32768xf32, #tpu.memory_space<vmem_shared>>)
      tpu.yield
    }) : () -> ()
    %barrier3A_153 = arith.constant 0 : index
    tpu.barrier barrier_id(%barrier3A_153)
    %mul3A_154 = arith.constant 2048 : i32
    %mul3A_155 = arith.muli %arg1, %mul3A_154 : i32
    %run_scoped3A_156 = arith.constant 2 : i32
    %run_scoped3A_157 = arith.constant 0 : i32
    "tpu.region"() ({
      %run_scoped3A_621 = tpu.sem_alloc : memref<!tpu.dma_semaphore, #tpu.memory_space<semaphore_mem>>
      %dma_start3A = tpu.memref_slice %arg2[%run_scoped3A_156, %run_scoped3A_157, %mul3A_155] : memref<8x2x32768xi32, #tpu.memory_space<hbm>> -> memref<1x1x2048xi32, #tpu.memory_space<hbm>>
      %dma_start3A_622 = tpu.memref_squeeze %dma_start3A : memref<1x1x2048xi32, #tpu.memory_space<hbm>> -> memref<2048xi32, #tpu.memory_space<hbm>>
      %dma_start3A_623 = tpu.memref_slice %arg2[%run_scoped3A_156, %run_scoped3A_157, %mul3A_155] : memref<8x2x32768xi32, #tpu.memory_space<hbm>> -> memref<1x1x2048xi32, #tpu.memory_space<hbm>>
      %dma_start3A_624 = tpu.memref_squeeze %dma_start3A_623 : memref<1x1x2048xi32, #tpu.memory_space<hbm>> -> memref<2048xi32, #tpu.memory_space<hbm>>
      tpu.enqueue_dma source(%dma_start3A_624 : memref<2048xi32, #tpu.memory_space<hbm>>) target(%arg5 : memref<2048xi32, #tpu.memory_space<vmem>>) target_semaphore(%run_scoped3A_621 : memref<!tpu.dma_semaphore, #tpu.memory_space<semaphore_mem>>)
      %dma_wait3A = tpu.memref_slice %arg2[%run_scoped3A_156, %run_scoped3A_157, %mul3A_155] : memref<8x2x32768xi32, #tpu.memory_space<hbm>> -> memref<1x1x2048xi32, #tpu.memory_space<hbm>>
      %dma_wait3A_625 = tpu.memref_squeeze %dma_wait3A : memref<1x1x2048xi32, #tpu.memory_space<hbm>> -> memref<2048xi32, #tpu.memory_space<hbm>>
      %dma_wait3A_626 = tpu.memref_slice %arg2[%run_scoped3A_156, %run_scoped3A_157, %mul3A_155] : memref<8x2x32768xi32, #tpu.memory_space<hbm>> -> memref<1x1x2048xi32, #tpu.memory_space<hbm>>
      %dma_wait3A_627 = tpu.memref_squeeze %dma_wait3A_626 : memref<1x1x2048xi32, #tpu.memory_space<hbm>> -> memref<2048xi32, #tpu.memory_space<hbm>>
      tpu.wait_dma2 semaphore(%run_scoped3A_621 : memref<!tpu.dma_semaphore, #tpu.memory_space<semaphore_mem>>) src(%dma_wait3A_627 : memref<2048xi32, #tpu.memory_space<hbm>>) dst(%arg5 : memref<2048xi32, #tpu.memory_space<vmem>>)
      tpu.yield
    }) : () -> ()
    %mul3A_158 = arith.constant 2048 : i32
    %mul3A_159 = arith.muli %arg1, %mul3A_158 : i32
    %run_scoped3A_160 = arith.constant 2 : i32
    %run_scoped3A_161 = arith.constant 1 : i32
    "tpu.region"() ({
      %run_scoped3A_621 = tpu.sem_alloc : memref<!tpu.dma_semaphore, #tpu.memory_space<semaphore_mem>>
      %dma_start3A = tpu.memref_slice %arg2[%run_scoped3A_160, %run_scoped3A_161, %mul3A_159] : memref<8x2x32768xi32, #tpu.memory_space<hbm>> -> memref<1x1x2048xi32, #tpu.memory_space<hbm>>
      %dma_start3A_622 = tpu.memref_squeeze %dma_start3A : memref<1x1x2048xi32, #tpu.memory_space<hbm>> -> memref<2048xi32, #tpu.memory_space<hbm>>
      %dma_start3A_623 = tpu.memref_slice %arg2[%run_scoped3A_160, %run_scoped3A_161, %mul3A_159] : memref<8x2x32768xi32, #tpu.memory_space<hbm>> -> memref<1x1x2048xi32, #tpu.memory_space<hbm>>
      %dma_start3A_624 = tpu.memref_squeeze %dma_start3A_623 : memref<1x1x2048xi32, #tpu.memory_space<hbm>> -> memref<2048xi32, #tpu.memory_space<hbm>>
      tpu.enqueue_dma source(%dma_start3A_624 : memref<2048xi32, #tpu.memory_space<hbm>>) target(%arg6 : memref<2048xi32, #tpu.memory_space<vmem>>) target_semaphore(%run_scoped3A_621 : memref<!tpu.dma_semaphore, #tpu.memory_space<semaphore_mem>>)
      %dma_wait3A = tpu.memref_slice %arg2[%run_scoped3A_160, %run_scoped3A_161, %mul3A_159] : memref<8x2x32768xi32, #tpu.memory_space<hbm>> -> memref<1x1x2048xi32, #tpu.memory_space<hbm>>
      %dma_wait3A_625 = tpu.memref_squeeze %dma_wait3A : memref<1x1x2048xi32, #tpu.memory_space<hbm>> -> memref<2048xi32, #tpu.memory_space<hbm>>
      %dma_wait3A_626 = tpu.memref_slice %arg2[%run_scoped3A_160, %run_scoped3A_161, %mul3A_159] : memref<8x2x32768xi32, #tpu.memory_space<hbm>> -> memref<1x1x2048xi32, #tpu.memory_space<hbm>>
      %dma_wait3A_627 = tpu.memref_squeeze %dma_wait3A_626 : memref<1x1x2048xi32, #tpu.memory_space<hbm>> -> memref<2048xi32, #tpu.memory_space<hbm>>
      tpu.wait_dma2 semaphore(%run_scoped3A_621 : memref<!tpu.dma_semaphore, #tpu.memory_space<semaphore_mem>>) src(%dma_wait3A_627 : memref<2048xi32, #tpu.memory_space<hbm>>) dst(%arg6 : memref<2048xi32, #tpu.memory_space<vmem>>)
      tpu.yield
    }) : () -> ()
    %scan3A_162 = arith.constant 0 : i32
    %scan3A_163 = arith.constant 0 : i32
    %scan3A_164 = arith.constant 128 : i32
    %scan3A_165 = arith.addi %scan3A_163, %scan3A_164 : i32
    %scan3A_166 = arith.constant 1 : i32
    scf.for %scan3A_621 = %scan3A_163 to %scan3A_165 step %scan3A_166  : i32 {
      %mul3A_622 = arith.constant 16 : i32
      %mul3A_623 = arith.muli %scan3A_621, %mul3A_622 : i32
      %get3A = arith.index_cast %mul3A_623 : i32 to index
      %get3A_624 = tpu.vector_load %arg5[%get3A] {strides = array<i32>} : memref<2048xi32, #tpu.memory_space<vmem>>, vector<16xi32>,
      %get3A_625 = vector.shape_cast %get3A_624 : vector<16xi32> to vector<16xi32>
      %mul3A_626 = arith.constant 16 : i32
      %mul3A_627 = arith.muli %scan3A_621, %mul3A_626 : i32
      %get3A_628 = arith.index_cast %mul3A_627 : i32 to index
      %get3A_629 = tpu.vector_load %arg6[%get3A_628] {strides = array<i32>} : memref<2048xi32, #tpu.memory_space<vmem>>, vector<16xi32>,
      %get3A_630 = vector.shape_cast %get3A_629 : vector<16xi32> to vector<16xi32>
      %shift_right_logical3A = arith.constant 8 : i32
      %shift_right_logical3A_631 = vector.broadcast %shift_right_logical3A : i32 to vector<16xi32>
      %shift_right_logical3A_632 = arith.shrui %get3A_630, %shift_right_logical3A_631 : vector<16xi32>
      %and3A = arith.constant 255 : i32
      %and3A_633 = vector.broadcast %and3A : i32 to vector<16xi32>
      %and3A_634 = arith.andi %get3A_630, %and3A_633 : vector<16xi32>
      %shift_left3A = arith.constant 11 : i32
      %shift_left3A_635 = vector.broadcast %shift_left3A : i32 to vector<16xi32>
      %shift_left3A_636 = arith.shli %and3A_634, %shift_left3A_635 : vector<16xi32>
      %add3A_637 = arith.addi %shift_left3A_636, %get3A_625 : vector<16xi32>
      %mul3A_638 = arith.constant 4 : i32
      %mul3A_639 = arith.muli %arg0, %mul3A_638 : i32
      %add3A_640 = arith.constant 0 : i32
      %add3A_641 = arith.addi %mul3A_639, %add3A_640 : i32
      %eq3A_642 = vector.broadcast %add3A_641 : i32 to vector<16xi32>
      %eq3A_643 = arith.cmpi eq, %shift_right_logical3A_632, %eq3A_642 : vector<16xi32>
      %add3A_644 = arith.constant 0 : i32
      %add3A_645 = vector.broadcast %add3A_644 : i32 to vector<16xi32>
      %add3A_646 = arith.addi %add3A_645, %add3A_637 : vector<16xi32>
      %jit3A = arith.constant 1056768 : i32
      %broadcast_in_dim3A = vector.broadcast %jit3A : i32 to vector<16xi32>
      %select_n3A = arith.select %eq3A_643, %add3A_646, %broadcast_in_dim3A : vector<16xi1>, vector<16xi32>
      %mul3A_647 = arith.constant 16 : i32
      %mul3A_648 = arith.muli %scan3A_621, %mul3A_647 : i32
      %swap3A = arith.index_cast %mul3A_648 : i32 to index
      %swap3A_649 = tpu.vector_load %arg7[%swap3A] {strides = array<i32>} : memref<2048xi32, #tpu.memory_space<vmem>>, vector<16xi32>,
      %swap3A_650 = vector.shape_cast %swap3A_649 : vector<16xi32> to vector<16xi32>
      %swap3A_651 = vector.shape_cast %select_n3A : vector<16xi32> to vector<16xi32>
      tpu.vector_store %arg7[%swap3A], %swap3A_651 {strides = array<i32>} : memref<2048xi32, #tpu.memory_space<vmem>>, vector<16xi32>,
      %mul3A_652 = arith.constant 4 : i32
      %mul3A_653 = arith.muli %arg0, %mul3A_652 : i32
      %add3A_654 = arith.constant 1 : i32
      %add3A_655 = arith.addi %mul3A_653, %add3A_654 : i32
      %eq3A_656 = vector.broadcast %add3A_655 : i32 to vector<16xi32>
      %eq3A_657 = arith.cmpi eq, %shift_right_logical3A_632, %eq3A_656 : vector<16xi32>
      %add3A_658 = arith.constant 524288 : i32
      %add3A_659 = vector.broadcast %add3A_658 : i32 to vector<16xi32>
      %add3A_660 = arith.addi %add3A_659, %add3A_637 : vector<16xi32>
      %jit3A_661 = arith.constant 1056768 : i32
      %broadcast_in_dim3A_662 = vector.broadcast %jit3A_661 : i32 to vector<16xi32>
      %select_n3A_663 = arith.select %eq3A_657, %add3A_660, %broadcast_in_dim3A_662 : vector<16xi1>, vector<16xi32>
      %mul3A_664 = arith.constant 16 : i32
      %mul3A_665 = arith.muli %scan3A_621, %mul3A_664 : i32
      %swap3A_666 = arith.index_cast %mul3A_665 : i32 to index
      %swap3A_667 = tpu.vector_load %arg8[%swap3A_666] {strides = array<i32>} : memref<2048xi32, #tpu.memory_space<vmem>>, vector<16xi32>,
      %swap3A_668 = vector.shape_cast %swap3A_667 : vector<16xi32> to vector<16xi32>
      %swap3A_669 = vector.shape_cast %select_n3A_663 : vector<16xi32> to vector<16xi32>
      tpu.vector_store %arg8[%swap3A_666], %swap3A_669 {strides = array<i32>} : memref<2048xi32, #tpu.memory_space<vmem>>, vector<16xi32>,
      %mul3A_670 = arith.constant 4 : i32
      %mul3A_671 = arith.muli %arg0, %mul3A_670 : i32
      %add3A_672 = arith.constant 2 : i32
      %add3A_673 = arith.addi %mul3A_671, %add3A_672 : i32
      %eq3A_674 = vector.broadcast %add3A_673 : i32 to vector<16xi32>
      %eq3A_675 = arith.cmpi eq, %shift_right_logical3A_632, %eq3A_674 : vector<16xi32>
      %add3A_676 = arith.constant 0 : i32
      %add3A_677 = vector.broadcast %add3A_676 : i32 to vector<16xi32>
      %add3A_678 = arith.addi %add3A_677, %add3A_637 : vector<16xi32>
      %jit3A_679 = arith.constant 1056768 : i32
      %broadcast_in_dim3A_680 = vector.broadcast %jit3A_679 : i32 to vector<16xi32>
      %select_n3A_681 = arith.select %eq3A_675, %add3A_678, %broadcast_in_dim3A_680 : vector<16xi1>, vector<16xi32>
      %mul3A_682 = arith.constant 16 : i32
      %mul3A_683 = arith.muli %scan3A_621, %mul3A_682 : i32
      %swap3A_684 = arith.index_cast %mul3A_683 : i32 to index
      %swap3A_685 = tpu.vector_load %arg9[%swap3A_684] {strides = array<i32>} : memref<2048xi32, #tpu.memory_space<vmem>>, vector<16xi32>,
      %swap3A_686 = vector.shape_cast %swap3A_685 : vector<16xi32> to vector<16xi32>
      %swap3A_687 = vector.shape_cast %select_n3A_681 : vector<16xi32> to vector<16xi32>
      tpu.vector_store %arg9[%swap3A_684], %swap3A_687 {strides = array<i32>} : memref<2048xi32, #tpu.memory_space<vmem>>, vector<16xi32>,
      %mul3A_688 = arith.constant 4 : i32
      %mul3A_689 = arith.muli %arg0, %mul3A_688 : i32
      %add3A_690 = arith.constant 3 : i32
      %add3A_691 = arith.addi %mul3A_689, %add3A_690 : i32
      %eq3A_692 = vector.broadcast %add3A_691 : i32 to vector<16xi32>
      %eq3A_693 = arith.cmpi eq, %shift_right_logical3A_632, %eq3A_692 : vector<16xi32>
      %add3A_694 = arith.constant 524288 : i32
      %add3A_695 = vector.broadcast %add3A_694 : i32 to vector<16xi32>
      %add3A_696 = arith.addi %add3A_695, %add3A_637 : vector<16xi32>
      %jit3A_697 = arith.constant 1056768 : i32
      %broadcast_in_dim3A_698 = vector.broadcast %jit3A_697 : i32 to vector<16xi32>
      %select_n3A_699 = arith.select %eq3A_693, %add3A_696, %broadcast_in_dim3A_698 : vector<16xi1>, vector<16xi32>
      %mul3A_700 = arith.constant 16 : i32
      %mul3A_701 = arith.muli %scan3A_621, %mul3A_700 : i32
      %swap3A_702 = arith.index_cast %mul3A_701 : i32 to index
      %swap3A_703 = tpu.vector_load %arg10[%swap3A_702] {strides = array<i32>} : memref<2048xi32, #tpu.memory_space<vmem>>, vector<16xi32>,
      %swap3A_704 = vector.shape_cast %swap3A_703 : vector<16xi32> to vector<16xi32>
      %swap3A_705 = vector.shape_cast %select_n3A_699 : vector<16xi32> to vector<16xi32>
      tpu.vector_store %arg10[%swap3A_702], %swap3A_705 {strides = array<i32>} : memref<2048xi32, #tpu.memory_space<vmem>>, vector<16xi32>,
      %add3A_706 = arith.constant 1052672 : i32
      %add3A_707 = vector.broadcast %add3A_706 : i32 to vector<16xi32>
      %add3A_708 = arith.addi %add3A_707, %get3A_630 : vector<16xi32>
      %mul3A_709 = arith.constant 16 : i32
      %mul3A_710 = arith.muli %scan3A_621, %mul3A_709 : i32
      %swap3A_711 = arith.index_cast %mul3A_710 : i32 to index
      %swap3A_712 = tpu.vector_load %arg11[%swap3A_711] {strides = array<i32>} : memref<2048xi32, #tpu.memory_space<vmem>>, vector<16xi32>,
      %swap3A_713 = vector.shape_cast %swap3A_712 : vector<16xi32> to vector<16xi32>
      %swap3A_714 = vector.shape_cast %add3A_708 : vector<16xi32> to vector<16xi32>
      tpu.vector_store %arg11[%swap3A_711], %swap3A_714 {strides = array<i32>} : memref<2048xi32, #tpu.memory_space<vmem>>, vector<16xi32>,
    }
    %scan3A_167 = arith.constant 128 : i32
    %eq3A_168 = arith.constant 0 : i32
    %eq3A_169 = arith.cmpi eq, %arg0, %eq3A_168 : i32
    %convert_element_type3A_170 = arith.extui %eq3A_169 : i1 to i32
    %cond3A_171 = arith.constant 0 : i32
    %cond3A_172 = arith.cmpi ne, %convert_element_type3A_170, %cond3A_171 : i32
    scf.if %cond3A_172 {
      "tpu.region"() ({
        %run_scoped3A_621 = tpu.sem_alloc : memref<!tpu.dma_semaphore, #tpu.memory_space<semaphore_mem>>
        %dma_start3A = arith.constant 0 : i32
        %dma_start3A_622 = tpu.memref_slice %arg14[%dma_start3A] : memref<1073152xf32, #tpu.memory_space<vmem_shared>> -> memref<1073152xf32, #tpu.memory_space<vmem_shared>>
        tpu.enqueue_indirect_dma source(%arg12 : memref<2048xf32, #tpu.memory_space<vmem>>) target(%dma_start3A_622 : memref<1073152xf32, #tpu.memory_space<vmem_shared>>) offsets(%arg11 : memref<2048xi32, #tpu.memory_space<vmem>>) semaphore(%run_scoped3A_621 : memref<!tpu.dma_semaphore, #tpu.memory_space<semaphore_mem>>) {add = true}
        %dma_wait3A = arith.constant 0 : i32
        %dma_wait3A_623 = tpu.memref_slice %arg14[%dma_wait3A] : memref<1073152xf32, #tpu.memory_space<vmem_shared>> -> memref<1073152xf32, #tpu.memory_space<vmem_shared>>
        tpu.wait_indirect_dma semaphore(%run_scoped3A_621 : memref<!tpu.dma_semaphore, #tpu.memory_space<semaphore_mem>>) src(%arg12 : memref<2048xf32, #tpu.memory_space<vmem>>) dst(%dma_wait3A_623 : memref<1073152xf32, #tpu.memory_space<vmem_shared>>)
        tpu.yield
      }) : () -> ()
    } else {
    }
    "tpu.region"() ({
      %run_scoped3A_621 = tpu.sem_alloc : memref<!tpu.dma_semaphore, #tpu.memory_space<semaphore_mem>>
      %dma_start3A = arith.constant 0 : i32
      %dma_start3A_622 = tpu.memref_slice %arg14[%dma_start3A] : memref<1073152xf32, #tpu.memory_space<vmem_shared>> -> memref<1073152xf32, #tpu.memory_space<vmem_shared>>
      tpu.enqueue_indirect_dma source(%arg12 : memref<2048xf32, #tpu.memory_space<vmem>>) target(%dma_start3A_622 : memref<1073152xf32, #tpu.memory_space<vmem_shared>>) offsets(%arg7 : memref<2048xi32, #tpu.memory_space<vmem>>) semaphore(%run_scoped3A_621 : memref<!tpu.dma_semaphore, #tpu.memory_space<semaphore_mem>>) {add = true}
      %dma_wait3A = arith.constant 0 : i32
      %dma_wait3A_623 = tpu.memref_slice %arg14[%dma_wait3A] : memref<1073152xf32, #tpu.memory_space<vmem_shared>> -> memref<1073152xf32, #tpu.memory_space<vmem_shared>>
      tpu.wait_indirect_dma semaphore(%run_scoped3A_621 : memref<!tpu.dma_semaphore, #tpu.memory_space<semaphore_mem>>) src(%arg12 : memref<2048xf32, #tpu.memory_space<vmem>>) dst(%dma_wait3A_623 : memref<1073152xf32, #tpu.memory_space<vmem_shared>>)
      tpu.yield
    }) : () -> ()
    %mul3A_173 = arith.constant 32768 : i32
    %mul3A_174 = arith.muli %arg1, %mul3A_173 : i32
    %add3A_175 = arith.constant 524288 : i32
    %add3A_176 = arith.addi %add3A_175, %mul3A_174 : i32
    %mul3A_177 = arith.constant 4 : i32
    %mul3A_178 = arith.muli %arg0, %mul3A_177 : i32
    %add3A_179 = arith.constant 3 : i32
    %add3A_180 = arith.addi %mul3A_178, %add3A_179 : i32
    %run_scoped3A_181 = arith.constant 1 : i32
    "tpu.region"() ({
      %run_scoped3A_621 = tpu.sem_alloc : memref<!tpu.dma_semaphore, #tpu.memory_space<semaphore_mem>>
      %dma_start3A = arith.constant 0 : i32
      %dma_start3A_622 = tpu.memref_slice %arg3[%run_scoped3A_181, %add3A_180, %arg1, %dma_start3A] : memref<8x8x16x32768xf32, #tpu.memory_space<hbm>> -> memref<1x1x1x32768xf32, #tpu.memory_space<hbm>>
      %dma_start3A_623 = tpu.memref_squeeze %dma_start3A_622 : memref<1x1x1x32768xf32, #tpu.memory_space<hbm>> -> memref<32768xf32, #tpu.memory_space<hbm>>
      %dma_start3A_624 = tpu.memref_slice %arg14[%add3A_176] : memref<1073152xf32, #tpu.memory_space<vmem_shared>> -> memref<32768xf32, #tpu.memory_space<vmem_shared>>
      tpu.enqueue_dma source(%dma_start3A_624 : memref<32768xf32, #tpu.memory_space<vmem_shared>>) target(%dma_start3A_623 : memref<32768xf32, #tpu.memory_space<hbm>>) target_semaphore(%run_scoped3A_621 : memref<!tpu.dma_semaphore, #tpu.memory_space<semaphore_mem>>)
      %dma_wait3A = arith.constant 0 : i32
      %dma_wait3A_625 = tpu.memref_slice %arg3[%run_scoped3A_181, %add3A_180, %arg1, %dma_wait3A] : memref<8x8x16x32768xf32, #tpu.memory_space<hbm>> -> memref<1x1x1x32768xf32, #tpu.memory_space<hbm>>
      %dma_wait3A_626 = tpu.memref_squeeze %dma_wait3A_625 : memref<1x1x1x32768xf32, #tpu.memory_space<hbm>> -> memref<32768xf32, #tpu.memory_space<hbm>>
      %dma_wait3A_627 = tpu.memref_slice %arg14[%add3A_176] : memref<1073152xf32, #tpu.memory_space<vmem_shared>> -> memref<32768xf32, #tpu.memory_space<vmem_shared>>
      tpu.wait_dma2 semaphore(%run_scoped3A_621 : memref<!tpu.dma_semaphore, #tpu.memory_space<semaphore_mem>>) src(%dma_wait3A_627 : memref<32768xf32, #tpu.memory_space<vmem_shared>>) dst(%dma_wait3A_626 : memref<32768xf32, #tpu.memory_space<hbm>>)
      tpu.yield
    }) : () -> ()
    %mul3A_182 = arith.constant 32768 : i32
    %mul3A_183 = arith.muli %arg1, %mul3A_182 : i32
    %add3A_184 = arith.constant 524288 : i32
    %add3A_185 = arith.addi %add3A_184, %mul3A_183 : i32
    "tpu.region"() ({
      %run_scoped3A_621 = tpu.sem_alloc : memref<!tpu.dma_semaphore, #tpu.memory_space<semaphore_mem>>
      %dma_start3A = tpu.memref_slice %arg14[%add3A_185] : memref<1073152xf32, #tpu.memory_space<vmem_shared>> -> memref<32768xf32, #tpu.memory_space<vmem_shared>>
      %dma_start3A_622 = tpu.memref_slice %arg14[%add3A_185] : memref<1073152xf32, #tpu.memory_space<vmem_shared>> -> memref<32768xf32, #tpu.memory_space<vmem_shared>>
      tpu.enqueue_dma source(%arg13 : memref<32768xf32, #tpu.memory_space<vmem>>) target(%dma_start3A_622 : memref<32768xf32, #tpu.memory_space<vmem_shared>>) target_semaphore(%run_scoped3A_621 : memref<!tpu.dma_semaphore, #tpu.memory_space<semaphore_mem>>)
      %dma_wait3A = tpu.memref_slice %arg14[%add3A_185] : memref<1073152xf32, #tpu.memory_space<vmem_shared>> -> memref<32768xf32, #tpu.memory_space<vmem_shared>>
      %dma_wait3A_623 = tpu.memref_slice %arg14[%add3A_185] : memref<1073152xf32, #tpu.memory_space<vmem_shared>> -> memref<32768xf32, #tpu.memory_space<vmem_shared>>
      tpu.wait_dma2 semaphore(%run_scoped3A_621 : memref<!tpu.dma_semaphore, #tpu.memory_space<semaphore_mem>>) src(%arg13 : memref<32768xf32, #tpu.memory_space<vmem>>) dst(%dma_wait3A_623 : memref<32768xf32, #tpu.memory_space<vmem_shared>>)
      tpu.yield
    }) : () -> ()
    %barrier3A_186 = arith.constant 0 : index
    tpu.barrier barrier_id(%barrier3A_186)
    "tpu.region"() ({
      %run_scoped3A_621 = tpu.sem_alloc : memref<!tpu.dma_semaphore, #tpu.memory_space<semaphore_mem>>
      %dma_start3A = arith.constant 0 : i32
      %dma_start3A_622 = tpu.memref_slice %arg14[%dma_start3A] : memref<1073152xf32, #tpu.memory_space<vmem_shared>> -> memref<1073152xf32, #tpu.memory_space<vmem_shared>>
      tpu.enqueue_indirect_dma source(%arg12 : memref<2048xf32, #tpu.memory_space<vmem>>) target(%dma_start3A_622 : memref<1073152xf32, #tpu.memory_space<vmem_shared>>) offsets(%arg8 : memref<2048xi32, #tpu.memory_space<vmem>>) semaphore(%run_scoped3A_621 : memref<!tpu.dma_semaphore, #tpu.memory_space<semaphore_mem>>) {add = true}
      %dma_wait3A = arith.constant 0 : i32
      %dma_wait3A_623 = tpu.memref_slice %arg14[%dma_wait3A] : memref<1073152xf32, #tpu.memory_space<vmem_shared>> -> memref<1073152xf32, #tpu.memory_space<vmem_shared>>
      tpu.wait_indirect_dma semaphore(%run_scoped3A_621 : memref<!tpu.dma_semaphore, #tpu.memory_space<semaphore_mem>>) src(%arg12 : memref<2048xf32, #tpu.memory_space<vmem>>) dst(%dma_wait3A_623 : memref<1073152xf32, #tpu.memory_space<vmem_shared>>)
      tpu.yield
    }) : () -> ()
    %mul3A_187 = arith.constant 32768 : i32
    %mul3A_188 = arith.muli %arg1, %mul3A_187 : i32
    %add3A_189 = arith.constant 0 : i32
    %add3A_190 = arith.addi %add3A_189, %mul3A_188 : i32
    %mul3A_191 = arith.constant 4 : i32
    %mul3A_192 = arith.muli %arg0, %mul3A_191 : i32
    %add3A_193 = arith.constant 0 : i32
    %add3A_194 = arith.addi %mul3A_192, %add3A_193 : i32
    %run_scoped3A_195 = arith.constant 2 : i32
    "tpu.region"() ({
      %run_scoped3A_621 = tpu.sem_alloc : memref<!tpu.dma_semaphore, #tpu.memory_space<semaphore_mem>>
      %dma_start3A = arith.constant 0 : i32
      %dma_start3A_622 = tpu.memref_slice %arg3[%run_scoped3A_195, %add3A_194, %arg1, %dma_start3A] : memref<8x8x16x32768xf32, #tpu.memory_space<hbm>> -> memref<1x1x1x32768xf32, #tpu.memory_space<hbm>>
      %dma_start3A_623 = tpu.memref_squeeze %dma_start3A_622 : memref<1x1x1x32768xf32, #tpu.memory_space<hbm>> -> memref<32768xf32, #tpu.memory_space<hbm>>
      %dma_start3A_624 = tpu.memref_slice %arg14[%add3A_190] : memref<1073152xf32, #tpu.memory_space<vmem_shared>> -> memref<32768xf32, #tpu.memory_space<vmem_shared>>
      tpu.enqueue_dma source(%dma_start3A_624 : memref<32768xf32, #tpu.memory_space<vmem_shared>>) target(%dma_start3A_623 : memref<32768xf32, #tpu.memory_space<hbm>>) target_semaphore(%run_scoped3A_621 : memref<!tpu.dma_semaphore, #tpu.memory_space<semaphore_mem>>)
      %dma_wait3A = arith.constant 0 : i32
      %dma_wait3A_625 = tpu.memref_slice %arg3[%run_scoped3A_195, %add3A_194, %arg1, %dma_wait3A] : memref<8x8x16x32768xf32, #tpu.memory_space<hbm>> -> memref<1x1x1x32768xf32, #tpu.memory_space<hbm>>
      %dma_wait3A_626 = tpu.memref_squeeze %dma_wait3A_625 : memref<1x1x1x32768xf32, #tpu.memory_space<hbm>> -> memref<32768xf32, #tpu.memory_space<hbm>>
      %dma_wait3A_627 = tpu.memref_slice %arg14[%add3A_190] : memref<1073152xf32, #tpu.memory_space<vmem_shared>> -> memref<32768xf32, #tpu.memory_space<vmem_shared>>
      tpu.wait_dma2 semaphore(%run_scoped3A_621 : memref<!tpu.dma_semaphore, #tpu.memory_space<semaphore_mem>>) src(%dma_wait3A_627 : memref<32768xf32, #tpu.memory_space<vmem_shared>>) dst(%dma_wait3A_626 : memref<32768xf32, #tpu.memory_space<hbm>>)
      tpu.yield
    }) : () -> ()
    %mul3A_196 = arith.constant 32768 : i32
    %mul3A_197 = arith.muli %arg1, %mul3A_196 : i32
    %add3A_198 = arith.constant 0 : i32
    %add3A_199 = arith.addi %add3A_198, %mul3A_197 : i32
    "tpu.region"() ({
      %run_scoped3A_621 = tpu.sem_alloc : memref<!tpu.dma_semaphore, #tpu.memory_space<semaphore_mem>>
      %dma_start3A = tpu.memref_slice %arg14[%add3A_199] : memref<1073152xf32, #tpu.memory_space<vmem_shared>> -> memref<32768xf32, #tpu.memory_space<vmem_shared>>
      %dma_start3A_622 = tpu.memref_slice %arg14[%add3A_199] : memref<1073152xf32, #tpu.memory_space<vmem_shared>> -> memref<32768xf32, #tpu.memory_space<vmem_shared>>
      tpu.enqueue_dma source(%arg13 : memref<32768xf32, #tpu.memory_space<vmem>>) target(%dma_start3A_622 : memref<32768xf32, #tpu.memory_space<vmem_shared>>) target_semaphore(%run_scoped3A_621 : memref<!tpu.dma_semaphore, #tpu.memory_space<semaphore_mem>>)
      %dma_wait3A = tpu.memref_slice %arg14[%add3A_199] : memref<1073152xf32, #tpu.memory_space<vmem_shared>> -> memref<32768xf32, #tpu.memory_space<vmem_shared>>
      %dma_wait3A_623 = tpu.memref_slice %arg14[%add3A_199] : memref<1073152xf32, #tpu.memory_space<vmem_shared>> -> memref<32768xf32, #tpu.memory_space<vmem_shared>>
      tpu.wait_dma2 semaphore(%run_scoped3A_621 : memref<!tpu.dma_semaphore, #tpu.memory_space<semaphore_mem>>) src(%arg13 : memref<32768xf32, #tpu.memory_space<vmem>>) dst(%dma_wait3A_623 : memref<32768xf32, #tpu.memory_space<vmem_shared>>)
      tpu.yield
    }) : () -> ()
    %barrier3A_200 = arith.constant 0 : index
    tpu.barrier barrier_id(%barrier3A_200)
    "tpu.region"() ({
      %run_scoped3A_621 = tpu.sem_alloc : memref<!tpu.dma_semaphore, #tpu.memory_space<semaphore_mem>>
      %dma_start3A = arith.constant 0 : i32
      %dma_start3A_622 = tpu.memref_slice %arg14[%dma_start3A] : memref<1073152xf32, #tpu.memory_space<vmem_shared>> -> memref<1073152xf32, #tpu.memory_space<vmem_shared>>
      tpu.enqueue_indirect_dma source(%arg12 : memref<2048xf32, #tpu.memory_space<vmem>>) target(%dma_start3A_622 : memref<1073152xf32, #tpu.memory_space<vmem_shared>>) offsets(%arg9 : memref<2048xi32, #tpu.memory_space<vmem>>) semaphore(%run_scoped3A_621 : memref<!tpu.dma_semaphore, #tpu.memory_space<semaphore_mem>>) {add = true}
      %dma_wait3A = arith.constant 0 : i32
      %dma_wait3A_623 = tpu.memref_slice %arg14[%dma_wait3A] : memref<1073152xf32, #tpu.memory_space<vmem_shared>> -> memref<1073152xf32, #tpu.memory_space<vmem_shared>>
      tpu.wait_indirect_dma semaphore(%run_scoped3A_621 : memref<!tpu.dma_semaphore, #tpu.memory_space<semaphore_mem>>) src(%arg12 : memref<2048xf32, #tpu.memory_space<vmem>>) dst(%dma_wait3A_623 : memref<1073152xf32, #tpu.memory_space<vmem_shared>>)
      tpu.yield
    }) : () -> ()
    %mul3A_201 = arith.constant 32768 : i32
    %mul3A_202 = arith.muli %arg1, %mul3A_201 : i32
    %add3A_203 = arith.constant 524288 : i32
    %add3A_204 = arith.addi %add3A_203, %mul3A_202 : i32
    %mul3A_205 = arith.constant 4 : i32
    %mul3A_206 = arith.muli %arg0, %mul3A_205 : i32
    %add3A_207 = arith.constant 1 : i32
    %add3A_208 = arith.addi %mul3A_206, %add3A_207 : i32
    %run_scoped3A_209 = arith.constant 2 : i32
    "tpu.region"() ({
      %run_scoped3A_621 = tpu.sem_alloc : memref<!tpu.dma_semaphore, #tpu.memory_space<semaphore_mem>>
      %dma_start3A = arith.constant 0 : i32
      %dma_start3A_622 = tpu.memref_slice %arg3[%run_scoped3A_209, %add3A_208, %arg1, %dma_start3A] : memref<8x8x16x32768xf32, #tpu.memory_space<hbm>> -> memref<1x1x1x32768xf32, #tpu.memory_space<hbm>>
      %dma_start3A_623 = tpu.memref_squeeze %dma_start3A_622 : memref<1x1x1x32768xf32, #tpu.memory_space<hbm>> -> memref<32768xf32, #tpu.memory_space<hbm>>
      %dma_start3A_624 = tpu.memref_slice %arg14[%add3A_204] : memref<1073152xf32, #tpu.memory_space<vmem_shared>> -> memref<32768xf32, #tpu.memory_space<vmem_shared>>
      tpu.enqueue_dma source(%dma_start3A_624 : memref<32768xf32, #tpu.memory_space<vmem_shared>>) target(%dma_start3A_623 : memref<32768xf32, #tpu.memory_space<hbm>>) target_semaphore(%run_scoped3A_621 : memref<!tpu.dma_semaphore, #tpu.memory_space<semaphore_mem>>)
      %dma_wait3A = arith.constant 0 : i32
      %dma_wait3A_625 = tpu.memref_slice %arg3[%run_scoped3A_209, %add3A_208, %arg1, %dma_wait3A] : memref<8x8x16x32768xf32, #tpu.memory_space<hbm>> -> memref<1x1x1x32768xf32, #tpu.memory_space<hbm>>
      %dma_wait3A_626 = tpu.memref_squeeze %dma_wait3A_625 : memref<1x1x1x32768xf32, #tpu.memory_space<hbm>> -> memref<32768xf32, #tpu.memory_space<hbm>>
      %dma_wait3A_627 = tpu.memref_slice %arg14[%add3A_204] : memref<1073152xf32, #tpu.memory_space<vmem_shared>> -> memref<32768xf32, #tpu.memory_space<vmem_shared>>
      tpu.wait_dma2 semaphore(%run_scoped3A_621 : memref<!tpu.dma_semaphore, #tpu.memory_space<semaphore_mem>>) src(%dma_wait3A_627 : memref<32768xf32, #tpu.memory_space<vmem_shared>>) dst(%dma_wait3A_626 : memref<32768xf32, #tpu.memory_space<hbm>>)
      tpu.yield
    }) : () -> ()
    %mul3A_210 = arith.constant 32768 : i32
    %mul3A_211 = arith.muli %arg1, %mul3A_210 : i32
    %add3A_212 = arith.constant 524288 : i32
    %add3A_213 = arith.addi %add3A_212, %mul3A_211 : i32
    "tpu.region"() ({
      %run_scoped3A_621 = tpu.sem_alloc : memref<!tpu.dma_semaphore, #tpu.memory_space<semaphore_mem>>
      %dma_start3A = tpu.memref_slice %arg14[%add3A_213] : memref<1073152xf32, #tpu.memory_space<vmem_shared>> -> memref<32768xf32, #tpu.memory_space<vmem_shared>>
      %dma_start3A_622 = tpu.memref_slice %arg14[%add3A_213] : memref<1073152xf32, #tpu.memory_space<vmem_shared>> -> memref<32768xf32, #tpu.memory_space<vmem_shared>>
      tpu.enqueue_dma source(%arg13 : memref<32768xf32, #tpu.memory_space<vmem>>) target(%dma_start3A_622 : memref<32768xf32, #tpu.memory_space<vmem_shared>>) target_semaphore(%run_scoped3A_621 : memref<!tpu.dma_semaphore, #tpu.memory_space<semaphore_mem>>)
      %dma_wait3A = tpu.memref_slice %arg14[%add3A_213] : memref<1073152xf32, #tpu.memory_space<vmem_shared>> -> memref<32768xf32, #tpu.memory_space<vmem_shared>>
      %dma_wait3A_623 = tpu.memref_slice %arg14[%add3A_213] : memref<1073152xf32, #tpu.memory_space<vmem_shared>> -> memref<32768xf32, #tpu.memory_space<vmem_shared>>
      tpu.wait_dma2 semaphore(%run_scoped3A_621 : memref<!tpu.dma_semaphore, #tpu.memory_space<semaphore_mem>>) src(%arg13 : memref<32768xf32, #tpu.memory_space<vmem>>) dst(%dma_wait3A_623 : memref<32768xf32, #tpu.memory_space<vmem_shared>>)
      tpu.yield
    }) : () -> ()
    %barrier3A_214 = arith.constant 0 : index
    tpu.barrier barrier_id(%barrier3A_214)
    "tpu.region"() ({
      %run_scoped3A_621 = tpu.sem_alloc : memref<!tpu.dma_semaphore, #tpu.memory_space<semaphore_mem>>
      %dma_start3A = arith.constant 0 : i32
      %dma_start3A_622 = tpu.memref_slice %arg14[%dma_start3A] : memref<1073152xf32, #tpu.memory_space<vmem_shared>> -> memref<1073152xf32, #tpu.memory_space<vmem_shared>>
      tpu.enqueue_indirect_dma source(%arg12 : memref<2048xf32, #tpu.memory_space<vmem>>) target(%dma_start3A_622 : memref<1073152xf32, #tpu.memory_space<vmem_shared>>) offsets(%arg10 : memref<2048xi32, #tpu.memory_space<vmem>>) semaphore(%run_scoped3A_621 : memref<!tpu.dma_semaphore, #tpu.memory_space<semaphore_mem>>) {add = true}
      %dma_wait3A = arith.constant 0 : i32
      %dma_wait3A_623 = tpu.memref_slice %arg14[%dma_wait3A] : memref<1073152xf32, #tpu.memory_space<vmem_shared>> -> memref<1073152xf32, #tpu.memory_space<vmem_shared>>
      tpu.wait_indirect_dma semaphore(%run_scoped3A_621 : memref<!tpu.dma_semaphore, #tpu.memory_space<semaphore_mem>>) src(%arg12 : memref<2048xf32, #tpu.memory_space<vmem>>) dst(%dma_wait3A_623 : memref<1073152xf32, #tpu.memory_space<vmem_shared>>)
      tpu.yield
    }) : () -> ()
    %mul3A_215 = arith.constant 32768 : i32
    %mul3A_216 = arith.muli %arg1, %mul3A_215 : i32
    %add3A_217 = arith.constant 0 : i32
    %add3A_218 = arith.addi %add3A_217, %mul3A_216 : i32
    %mul3A_219 = arith.constant 4 : i32
    %mul3A_220 = arith.muli %arg0, %mul3A_219 : i32
    %add3A_221 = arith.constant 2 : i32
    %add3A_222 = arith.addi %mul3A_220, %add3A_221 : i32
    %run_scoped3A_223 = arith.constant 2 : i32
    "tpu.region"() ({
      %run_scoped3A_621 = tpu.sem_alloc : memref<!tpu.dma_semaphore, #tpu.memory_space<semaphore_mem>>
      %dma_start3A = arith.constant 0 : i32
      %dma_start3A_622 = tpu.memref_slice %arg3[%run_scoped3A_223, %add3A_222, %arg1, %dma_start3A] : memref<8x8x16x32768xf32, #tpu.memory_space<hbm>> -> memref<1x1x1x32768xf32, #tpu.memory_space<hbm>>
      %dma_start3A_623 = tpu.memref_squeeze %dma_start3A_622 : memref<1x1x1x32768xf32, #tpu.memory_space<hbm>> -> memref<32768xf32, #tpu.memory_space<hbm>>
      %dma_start3A_624 = tpu.memref_slice %arg14[%add3A_218] : memref<1073152xf32, #tpu.memory_space<vmem_shared>> -> memref<32768xf32, #tpu.memory_space<vmem_shared>>
      tpu.enqueue_dma source(%dma_start3A_624 : memref<32768xf32, #tpu.memory_space<vmem_shared>>) target(%dma_start3A_623 : memref<32768xf32, #tpu.memory_space<hbm>>) target_semaphore(%run_scoped3A_621 : memref<!tpu.dma_semaphore, #tpu.memory_space<semaphore_mem>>)
      %dma_wait3A = arith.constant 0 : i32
      %dma_wait3A_625 = tpu.memref_slice %arg3[%run_scoped3A_223, %add3A_222, %arg1, %dma_wait3A] : memref<8x8x16x32768xf32, #tpu.memory_space<hbm>> -> memref<1x1x1x32768xf32, #tpu.memory_space<hbm>>
      %dma_wait3A_626 = tpu.memref_squeeze %dma_wait3A_625 : memref<1x1x1x32768xf32, #tpu.memory_space<hbm>> -> memref<32768xf32, #tpu.memory_space<hbm>>
      %dma_wait3A_627 = tpu.memref_slice %arg14[%add3A_218] : memref<1073152xf32, #tpu.memory_space<vmem_shared>> -> memref<32768xf32, #tpu.memory_space<vmem_shared>>
      tpu.wait_dma2 semaphore(%run_scoped3A_621 : memref<!tpu.dma_semaphore, #tpu.memory_space<semaphore_mem>>) src(%dma_wait3A_627 : memref<32768xf32, #tpu.memory_space<vmem_shared>>) dst(%dma_wait3A_626 : memref<32768xf32, #tpu.memory_space<hbm>>)
      tpu.yield
    }) : () -> ()
    %mul3A_224 = arith.constant 32768 : i32
    %mul3A_225 = arith.muli %arg1, %mul3A_224 : i32
    %add3A_226 = arith.constant 0 : i32
    %add3A_227 = arith.addi %add3A_226, %mul3A_225 : i32
    "tpu.region"() ({
      %run_scoped3A_621 = tpu.sem_alloc : memref<!tpu.dma_semaphore, #tpu.memory_space<semaphore_mem>>
      %dma_start3A = tpu.memref_slice %arg14[%add3A_227] : memref<1073152xf32, #tpu.memory_space<vmem_shared>> -> memref<32768xf32, #tpu.memory_space<vmem_shared>>
      %dma_start3A_622 = tpu.memref_slice %arg14[%add3A_227] : memref<1073152xf32, #tpu.memory_space<vmem_shared>> -> memref<32768xf32, #tpu.memory_space<vmem_shared>>
      tpu.enqueue_dma source(%arg13 : memref<32768xf32, #tpu.memory_space<vmem>>) target(%dma_start3A_622 : memref<32768xf32, #tpu.memory_space<vmem_shared>>) target_semaphore(%run_scoped3A_621 : memref<!tpu.dma_semaphore, #tpu.memory_space<semaphore_mem>>)
      %dma_wait3A = tpu.memref_slice %arg14[%add3A_227] : memref<1073152xf32, #tpu.memory_space<vmem_shared>> -> memref<32768xf32, #tpu.memory_space<vmem_shared>>
      %dma_wait3A_623 = tpu.memref_slice %arg14[%add3A_227] : memref<1073152xf32, #tpu.memory_space<vmem_shared>> -> memref<32768xf32, #tpu.memory_space<vmem_shared>>
      tpu.wait_dma2 semaphore(%run_scoped3A_621 : memref<!tpu.dma_semaphore, #tpu.memory_space<semaphore_mem>>) src(%arg13 : memref<32768xf32, #tpu.memory_space<vmem>>) dst(%dma_wait3A_623 : memref<32768xf32, #tpu.memory_space<vmem_shared>>)
      tpu.yield
    }) : () -> ()
    %barrier3A_228 = arith.constant 0 : index
    tpu.barrier barrier_id(%barrier3A_228)
    %mul3A_229 = arith.constant 2048 : i32
    %mul3A_230 = arith.muli %arg1, %mul3A_229 : i32
    %run_scoped3A_231 = arith.constant 3 : i32
    %run_scoped3A_232 = arith.constant 0 : i32
    "tpu.region"() ({
      %run_scoped3A_621 = tpu.sem_alloc : memref<!tpu.dma_semaphore, #tpu.memory_space<semaphore_mem>>
      %dma_start3A = tpu.memref_slice %arg2[%run_scoped3A_231, %run_scoped3A_232, %mul3A_230] : memref<8x2x32768xi32, #tpu.memory_space<hbm>> -> memref<1x1x2048xi32, #tpu.memory_space<hbm>>
      %dma_start3A_622 = tpu.memref_squeeze %dma_start3A : memref<1x1x2048xi32, #tpu.memory_space<hbm>> -> memref<2048xi32, #tpu.memory_space<hbm>>
      %dma_start3A_623 = tpu.memref_slice %arg2[%run_scoped3A_231, %run_scoped3A_232, %mul3A_230] : memref<8x2x32768xi32, #tpu.memory_space<hbm>> -> memref<1x1x2048xi32, #tpu.memory_space<hbm>>
      %dma_start3A_624 = tpu.memref_squeeze %dma_start3A_623 : memref<1x1x2048xi32, #tpu.memory_space<hbm>> -> memref<2048xi32, #tpu.memory_space<hbm>>
      tpu.enqueue_dma source(%dma_start3A_624 : memref<2048xi32, #tpu.memory_space<hbm>>) target(%arg5 : memref<2048xi32, #tpu.memory_space<vmem>>) target_semaphore(%run_scoped3A_621 : memref<!tpu.dma_semaphore, #tpu.memory_space<semaphore_mem>>)
      %dma_wait3A = tpu.memref_slice %arg2[%run_scoped3A_231, %run_scoped3A_232, %mul3A_230] : memref<8x2x32768xi32, #tpu.memory_space<hbm>> -> memref<1x1x2048xi32, #tpu.memory_space<hbm>>
      %dma_wait3A_625 = tpu.memref_squeeze %dma_wait3A : memref<1x1x2048xi32, #tpu.memory_space<hbm>> -> memref<2048xi32, #tpu.memory_space<hbm>>
      %dma_wait3A_626 = tpu.memref_slice %arg2[%run_scoped3A_231, %run_scoped3A_232, %mul3A_230] : memref<8x2x32768xi32, #tpu.memory_space<hbm>> -> memref<1x1x2048xi32, #tpu.memory_space<hbm>>
      %dma_wait3A_627 = tpu.memref_squeeze %dma_wait3A_626 : memref<1x1x2048xi32, #tpu.memory_space<hbm>> -> memref<2048xi32, #tpu.memory_space<hbm>>
      tpu.wait_dma2 semaphore(%run_scoped3A_621 : memref<!tpu.dma_semaphore, #tpu.memory_space<semaphore_mem>>) src(%dma_wait3A_627 : memref<2048xi32, #tpu.memory_space<hbm>>) dst(%arg5 : memref<2048xi32, #tpu.memory_space<vmem>>)
      tpu.yield
    }) : () -> ()
    %mul3A_233 = arith.constant 2048 : i32
    %mul3A_234 = arith.muli %arg1, %mul3A_233 : i32
    %run_scoped3A_235 = arith.constant 3 : i32
    %run_scoped3A_236 = arith.constant 1 : i32
    "tpu.region"() ({
      %run_scoped3A_621 = tpu.sem_alloc : memref<!tpu.dma_semaphore, #tpu.memory_space<semaphore_mem>>
      %dma_start3A = tpu.memref_slice %arg2[%run_scoped3A_235, %run_scoped3A_236, %mul3A_234] : memref<8x2x32768xi32, #tpu.memory_space<hbm>> -> memref<1x1x2048xi32, #tpu.memory_space<hbm>>
      %dma_start3A_622 = tpu.memref_squeeze %dma_start3A : memref<1x1x2048xi32, #tpu.memory_space<hbm>> -> memref<2048xi32, #tpu.memory_space<hbm>>
      %dma_start3A_623 = tpu.memref_slice %arg2[%run_scoped3A_235, %run_scoped3A_236, %mul3A_234] : memref<8x2x32768xi32, #tpu.memory_space<hbm>> -> memref<1x1x2048xi32, #tpu.memory_space<hbm>>
      %dma_start3A_624 = tpu.memref_squeeze %dma_start3A_623 : memref<1x1x2048xi32, #tpu.memory_space<hbm>> -> memref<2048xi32, #tpu.memory_space<hbm>>
      tpu.enqueue_dma source(%dma_start3A_624 : memref<2048xi32, #tpu.memory_space<hbm>>) target(%arg6 : memref<2048xi32, #tpu.memory_space<vmem>>) target_semaphore(%run_scoped3A_621 : memref<!tpu.dma_semaphore, #tpu.memory_space<semaphore_mem>>)
      %dma_wait3A = tpu.memref_slice %arg2[%run_scoped3A_235, %run_scoped3A_236, %mul3A_234] : memref<8x2x32768xi32, #tpu.memory_space<hbm>> -> memref<1x1x2048xi32, #tpu.memory_space<hbm>>
      %dma_wait3A_625 = tpu.memref_squeeze %dma_wait3A : memref<1x1x2048xi32, #tpu.memory_space<hbm>> -> memref<2048xi32, #tpu.memory_space<hbm>>
      %dma_wait3A_626 = tpu.memref_slice %arg2[%run_scoped3A_235, %run_scoped3A_236, %mul3A_234] : memref<8x2x32768xi32, #tpu.memory_space<hbm>> -> memref<1x1x2048xi32, #tpu.memory_space<hbm>>
      %dma_wait3A_627 = tpu.memref_squeeze %dma_wait3A_626 : memref<1x1x2048xi32, #tpu.memory_space<hbm>> -> memref<2048xi32, #tpu.memory_space<hbm>>
      tpu.wait_dma2 semaphore(%run_scoped3A_621 : memref<!tpu.dma_semaphore, #tpu.memory_space<semaphore_mem>>) src(%dma_wait3A_627 : memref<2048xi32, #tpu.memory_space<hbm>>) dst(%arg6 : memref<2048xi32, #tpu.memory_space<vmem>>)
      tpu.yield
    }) : () -> ()
    %scan3A_237 = arith.constant 0 : i32
    %scan3A_238 = arith.constant 0 : i32
    %scan3A_239 = arith.constant 128 : i32
    %scan3A_240 = arith.addi %scan3A_238, %scan3A_239 : i32
    %scan3A_241 = arith.constant 1 : i32
    scf.for %scan3A_621 = %scan3A_238 to %scan3A_240 step %scan3A_241  : i32 {
      %mul3A_622 = arith.constant 16 : i32
      %mul3A_623 = arith.muli %scan3A_621, %mul3A_622 : i32
      %get3A = arith.index_cast %mul3A_623 : i32 to index
      %get3A_624 = tpu.vector_load %arg5[%get3A] {strides = array<i32>} : memref<2048xi32, #tpu.memory_space<vmem>>, vector<16xi32>,
      %get3A_625 = vector.shape_cast %get3A_624 : vector<16xi32> to vector<16xi32>
      %mul3A_626 = arith.constant 16 : i32
      %mul3A_627 = arith.muli %scan3A_621, %mul3A_626 : i32
      %get3A_628 = arith.index_cast %mul3A_627 : i32 to index
      %get3A_629 = tpu.vector_load %arg6[%get3A_628] {strides = array<i32>} : memref<2048xi32, #tpu.memory_space<vmem>>, vector<16xi32>,
      %get3A_630 = vector.shape_cast %get3A_629 : vector<16xi32> to vector<16xi32>
      %shift_right_logical3A = arith.constant 8 : i32
      %shift_right_logical3A_631 = vector.broadcast %shift_right_logical3A : i32 to vector<16xi32>
      %shift_right_logical3A_632 = arith.shrui %get3A_630, %shift_right_logical3A_631 : vector<16xi32>
      %and3A = arith.constant 255 : i32
      %and3A_633 = vector.broadcast %and3A : i32 to vector<16xi32>
      %and3A_634 = arith.andi %get3A_630, %and3A_633 : vector<16xi32>
      %shift_left3A = arith.constant 11 : i32
      %shift_left3A_635 = vector.broadcast %shift_left3A : i32 to vector<16xi32>
      %shift_left3A_636 = arith.shli %and3A_634, %shift_left3A_635 : vector<16xi32>
      %add3A_637 = arith.addi %shift_left3A_636, %get3A_625 : vector<16xi32>
      %mul3A_638 = arith.constant 4 : i32
      %mul3A_639 = arith.muli %arg0, %mul3A_638 : i32
      %add3A_640 = arith.constant 0 : i32
      %add3A_641 = arith.addi %mul3A_639, %add3A_640 : i32
      %eq3A_642 = vector.broadcast %add3A_641 : i32 to vector<16xi32>
      %eq3A_643 = arith.cmpi eq, %shift_right_logical3A_632, %eq3A_642 : vector<16xi32>
      %add3A_644 = arith.constant 0 : i32
      %add3A_645 = vector.broadcast %add3A_644 : i32 to vector<16xi32>
      %add3A_646 = arith.addi %add3A_645, %add3A_637 : vector<16xi32>
      %jit3A = arith.constant 1056768 : i32
      %broadcast_in_dim3A = vector.broadcast %jit3A : i32 to vector<16xi32>
      %select_n3A = arith.select %eq3A_643, %add3A_646, %broadcast_in_dim3A : vector<16xi1>, vector<16xi32>
      %mul3A_647 = arith.constant 16 : i32
      %mul3A_648 = arith.muli %scan3A_621, %mul3A_647 : i32
      %swap3A = arith.index_cast %mul3A_648 : i32 to index
      %swap3A_649 = tpu.vector_load %arg7[%swap3A] {strides = array<i32>} : memref<2048xi32, #tpu.memory_space<vmem>>, vector<16xi32>,
      %swap3A_650 = vector.shape_cast %swap3A_649 : vector<16xi32> to vector<16xi32>
      %swap3A_651 = vector.shape_cast %select_n3A : vector<16xi32> to vector<16xi32>
      tpu.vector_store %arg7[%swap3A], %swap3A_651 {strides = array<i32>} : memref<2048xi32, #tpu.memory_space<vmem>>, vector<16xi32>,
      %mul3A_652 = arith.constant 4 : i32
      %mul3A_653 = arith.muli %arg0, %mul3A_652 : i32
      %add3A_654 = arith.constant 1 : i32
      %add3A_655 = arith.addi %mul3A_653, %add3A_654 : i32
      %eq3A_656 = vector.broadcast %add3A_655 : i32 to vector<16xi32>
      %eq3A_657 = arith.cmpi eq, %shift_right_logical3A_632, %eq3A_656 : vector<16xi32>
      %add3A_658 = arith.constant 524288 : i32
      %add3A_659 = vector.broadcast %add3A_658 : i32 to vector<16xi32>
      %add3A_660 = arith.addi %add3A_659, %add3A_637 : vector<16xi32>
      %jit3A_661 = arith.constant 1056768 : i32
      %broadcast_in_dim3A_662 = vector.broadcast %jit3A_661 : i32 to vector<16xi32>
      %select_n3A_663 = arith.select %eq3A_657, %add3A_660, %broadcast_in_dim3A_662 : vector<16xi1>, vector<16xi32>
      %mul3A_664 = arith.constant 16 : i32
      %mul3A_665 = arith.muli %scan3A_621, %mul3A_664 : i32
      %swap3A_666 = arith.index_cast %mul3A_665 : i32 to index
      %swap3A_667 = tpu.vector_load %arg8[%swap3A_666] {strides = array<i32>} : memref<2048xi32, #tpu.memory_space<vmem>>, vector<16xi32>,
      %swap3A_668 = vector.shape_cast %swap3A_667 : vector<16xi32> to vector<16xi32>
      %swap3A_669 = vector.shape_cast %select_n3A_663 : vector<16xi32> to vector<16xi32>
      tpu.vector_store %arg8[%swap3A_666], %swap3A_669 {strides = array<i32>} : memref<2048xi32, #tpu.memory_space<vmem>>, vector<16xi32>,
      %mul3A_670 = arith.constant 4 : i32
      %mul3A_671 = arith.muli %arg0, %mul3A_670 : i32
      %add3A_672 = arith.constant 2 : i32
      %add3A_673 = arith.addi %mul3A_671, %add3A_672 : i32
      %eq3A_674 = vector.broadcast %add3A_673 : i32 to vector<16xi32>
      %eq3A_675 = arith.cmpi eq, %shift_right_logical3A_632, %eq3A_674 : vector<16xi32>
      %add3A_676 = arith.constant 0 : i32
      %add3A_677 = vector.broadcast %add3A_676 : i32 to vector<16xi32>
      %add3A_678 = arith.addi %add3A_677, %add3A_637 : vector<16xi32>
      %jit3A_679 = arith.constant 1056768 : i32
      %broadcast_in_dim3A_680 = vector.broadcast %jit3A_679 : i32 to vector<16xi32>
      %select_n3A_681 = arith.select %eq3A_675, %add3A_678, %broadcast_in_dim3A_680 : vector<16xi1>, vector<16xi32>
      %mul3A_682 = arith.constant 16 : i32
      %mul3A_683 = arith.muli %scan3A_621, %mul3A_682 : i32
      %swap3A_684 = arith.index_cast %mul3A_683 : i32 to index
      %swap3A_685 = tpu.vector_load %arg9[%swap3A_684] {strides = array<i32>} : memref<2048xi32, #tpu.memory_space<vmem>>, vector<16xi32>,
      %swap3A_686 = vector.shape_cast %swap3A_685 : vector<16xi32> to vector<16xi32>
      %swap3A_687 = vector.shape_cast %select_n3A_681 : vector<16xi32> to vector<16xi32>
      tpu.vector_store %arg9[%swap3A_684], %swap3A_687 {strides = array<i32>} : memref<2048xi32, #tpu.memory_space<vmem>>, vector<16xi32>,
      %mul3A_688 = arith.constant 4 : i32
      %mul3A_689 = arith.muli %arg0, %mul3A_688 : i32
      %add3A_690 = arith.constant 3 : i32
      %add3A_691 = arith.addi %mul3A_689, %add3A_690 : i32
      %eq3A_692 = vector.broadcast %add3A_691 : i32 to vector<16xi32>
      %eq3A_693 = arith.cmpi eq, %shift_right_logical3A_632, %eq3A_692 : vector<16xi32>
      %add3A_694 = arith.constant 524288 : i32
      %add3A_695 = vector.broadcast %add3A_694 : i32 to vector<16xi32>
      %add3A_696 = arith.addi %add3A_695, %add3A_637 : vector<16xi32>
      %jit3A_697 = arith.constant 1056768 : i32
      %broadcast_in_dim3A_698 = vector.broadcast %jit3A_697 : i32 to vector<16xi32>
      %select_n3A_699 = arith.select %eq3A_693, %add3A_696, %broadcast_in_dim3A_698 : vector<16xi1>, vector<16xi32>
      %mul3A_700 = arith.constant 16 : i32
      %mul3A_701 = arith.muli %scan3A_621, %mul3A_700 : i32
      %swap3A_702 = arith.index_cast %mul3A_701 : i32 to index
      %swap3A_703 = tpu.vector_load %arg10[%swap3A_702] {strides = array<i32>} : memref<2048xi32, #tpu.memory_space<vmem>>, vector<16xi32>,
      %swap3A_704 = vector.shape_cast %swap3A_703 : vector<16xi32> to vector<16xi32>
      %swap3A_705 = vector.shape_cast %select_n3A_699 : vector<16xi32> to vector<16xi32>
      tpu.vector_store %arg10[%swap3A_702], %swap3A_705 {strides = array<i32>} : memref<2048xi32, #tpu.memory_space<vmem>>, vector<16xi32>,
      %add3A_706 = arith.constant 1054720 : i32
      %add3A_707 = vector.broadcast %add3A_706 : i32 to vector<16xi32>
      %add3A_708 = arith.addi %add3A_707, %get3A_630 : vector<16xi32>
      %mul3A_709 = arith.constant 16 : i32
      %mul3A_710 = arith.muli %scan3A_621, %mul3A_709 : i32
      %swap3A_711 = arith.index_cast %mul3A_710 : i32 to index
      %swap3A_712 = tpu.vector_load %arg11[%swap3A_711] {strides = array<i32>} : memref<2048xi32, #tpu.memory_space<vmem>>, vector<16xi32>,
      %swap3A_713 = vector.shape_cast %swap3A_712 : vector<16xi32> to vector<16xi32>
      %swap3A_714 = vector.shape_cast %add3A_708 : vector<16xi32> to vector<16xi32>
      tpu.vector_store %arg11[%swap3A_711], %swap3A_714 {strides = array<i32>} : memref<2048xi32, #tpu.memory_space<vmem>>, vector<16xi32>,
    }
    %scan3A_242 = arith.constant 128 : i32
    %eq3A_243 = arith.constant 0 : i32
    %eq3A_244 = arith.cmpi eq, %arg0, %eq3A_243 : i32
    %convert_element_type3A_245 = arith.extui %eq3A_244 : i1 to i32
    %cond3A_246 = arith.constant 0 : i32
    %cond3A_247 = arith.cmpi ne, %convert_element_type3A_245, %cond3A_246 : i32
    scf.if %cond3A_247 {
      "tpu.region"() ({
        %run_scoped3A_621 = tpu.sem_alloc : memref<!tpu.dma_semaphore, #tpu.memory_space<semaphore_mem>>
        %dma_start3A = arith.constant 0 : i32
        %dma_start3A_622 = tpu.memref_slice %arg14[%dma_start3A] : memref<1073152xf32, #tpu.memory_space<vmem_shared>> -> memref<1073152xf32, #tpu.memory_space<vmem_shared>>
        tpu.enqueue_indirect_dma source(%arg12 : memref<2048xf32, #tpu.memory_space<vmem>>) target(%dma_start3A_622 : memref<1073152xf32, #tpu.memory_space<vmem_shared>>) offsets(%arg11 : memref<2048xi32, #tpu.memory_space<vmem>>) semaphore(%run_scoped3A_621 : memref<!tpu.dma_semaphore, #tpu.memory_space<semaphore_mem>>) {add = true}
        %dma_wait3A = arith.constant 0 : i32
        %dma_wait3A_623 = tpu.memref_slice %arg14[%dma_wait3A] : memref<1073152xf32, #tpu.memory_space<vmem_shared>> -> memref<1073152xf32, #tpu.memory_space<vmem_shared>>
        tpu.wait_indirect_dma semaphore(%run_scoped3A_621 : memref<!tpu.dma_semaphore, #tpu.memory_space<semaphore_mem>>) src(%arg12 : memref<2048xf32, #tpu.memory_space<vmem>>) dst(%dma_wait3A_623 : memref<1073152xf32, #tpu.memory_space<vmem_shared>>)
        tpu.yield
      }) : () -> ()
    } else {
    }
    "tpu.region"() ({
      %run_scoped3A_621 = tpu.sem_alloc : memref<!tpu.dma_semaphore, #tpu.memory_space<semaphore_mem>>
      %dma_start3A = arith.constant 0 : i32
      %dma_start3A_622 = tpu.memref_slice %arg14[%dma_start3A] : memref<1073152xf32, #tpu.memory_space<vmem_shared>> -> memref<1073152xf32, #tpu.memory_space<vmem_shared>>
      tpu.enqueue_indirect_dma source(%arg12 : memref<2048xf32, #tpu.memory_space<vmem>>) target(%dma_start3A_622 : memref<1073152xf32, #tpu.memory_space<vmem_shared>>) offsets(%arg7 : memref<2048xi32, #tpu.memory_space<vmem>>) semaphore(%run_scoped3A_621 : memref<!tpu.dma_semaphore, #tpu.memory_space<semaphore_mem>>) {add = true}
      %dma_wait3A = arith.constant 0 : i32
      %dma_wait3A_623 = tpu.memref_slice %arg14[%dma_wait3A] : memref<1073152xf32, #tpu.memory_space<vmem_shared>> -> memref<1073152xf32, #tpu.memory_space<vmem_shared>>
      tpu.wait_indirect_dma semaphore(%run_scoped3A_621 : memref<!tpu.dma_semaphore, #tpu.memory_space<semaphore_mem>>) src(%arg12 : memref<2048xf32, #tpu.memory_space<vmem>>) dst(%dma_wait3A_623 : memref<1073152xf32, #tpu.memory_space<vmem_shared>>)
      tpu.yield
    }) : () -> ()
    %mul3A_248 = arith.constant 32768 : i32
    %mul3A_249 = arith.muli %arg1, %mul3A_248 : i32
    %add3A_250 = arith.constant 524288 : i32
    %add3A_251 = arith.addi %add3A_250, %mul3A_249 : i32
    %mul3A_252 = arith.constant 4 : i32
    %mul3A_253 = arith.muli %arg0, %mul3A_252 : i32
    %add3A_254 = arith.constant 3 : i32
    %add3A_255 = arith.addi %mul3A_253, %add3A_254 : i32
    %run_scoped3A_256 = arith.constant 2 : i32
    "tpu.region"() ({
      %run_scoped3A_621 = tpu.sem_alloc : memref<!tpu.dma_semaphore, #tpu.memory_space<semaphore_mem>>
      %dma_start3A = arith.constant 0 : i32
      %dma_start3A_622 = tpu.memref_slice %arg3[%run_scoped3A_256, %add3A_255, %arg1, %dma_start3A] : memref<8x8x16x32768xf32, #tpu.memory_space<hbm>> -> memref<1x1x1x32768xf32, #tpu.memory_space<hbm>>
      %dma_start3A_623 = tpu.memref_squeeze %dma_start3A_622 : memref<1x1x1x32768xf32, #tpu.memory_space<hbm>> -> memref<32768xf32, #tpu.memory_space<hbm>>
      %dma_start3A_624 = tpu.memref_slice %arg14[%add3A_251] : memref<1073152xf32, #tpu.memory_space<vmem_shared>> -> memref<32768xf32, #tpu.memory_space<vmem_shared>>
      tpu.enqueue_dma source(%dma_start3A_624 : memref<32768xf32, #tpu.memory_space<vmem_shared>>) target(%dma_start3A_623 : memref<32768xf32, #tpu.memory_space<hbm>>) target_semaphore(%run_scoped3A_621 : memref<!tpu.dma_semaphore, #tpu.memory_space<semaphore_mem>>)
      %dma_wait3A = arith.constant 0 : i32
      %dma_wait3A_625 = tpu.memref_slice %arg3[%run_scoped3A_256, %add3A_255, %arg1, %dma_wait3A] : memref<8x8x16x32768xf32, #tpu.memory_space<hbm>> -> memref<1x1x1x32768xf32, #tpu.memory_space<hbm>>
      %dma_wait3A_626 = tpu.memref_squeeze %dma_wait3A_625 : memref<1x1x1x32768xf32, #tpu.memory_space<hbm>> -> memref<32768xf32, #tpu.memory_space<hbm>>
      %dma_wait3A_627 = tpu.memref_slice %arg14[%add3A_251] : memref<1073152xf32, #tpu.memory_space<vmem_shared>> -> memref<32768xf32, #tpu.memory_space<vmem_shared>>
      tpu.wait_dma2 semaphore(%run_scoped3A_621 : memref<!tpu.dma_semaphore, #tpu.memory_space<semaphore_mem>>) src(%dma_wait3A_627 : memref<32768xf32, #tpu.memory_space<vmem_shared>>) dst(%dma_wait3A_626 : memref<32768xf32, #tpu.memory_space<hbm>>)
      tpu.yield
    }) : () -> ()
    %mul3A_257 = arith.constant 32768 : i32
    %mul3A_258 = arith.muli %arg1, %mul3A_257 : i32
    %add3A_259 = arith.constant 524288 : i32
    %add3A_260 = arith.addi %add3A_259, %mul3A_258 : i32
    "tpu.region"() ({
      %run_scoped3A_621 = tpu.sem_alloc : memref<!tpu.dma_semaphore, #tpu.memory_space<semaphore_mem>>
      %dma_start3A = tpu.memref_slice %arg14[%add3A_260] : memref<1073152xf32, #tpu.memory_space<vmem_shared>> -> memref<32768xf32, #tpu.memory_space<vmem_shared>>
      %dma_start3A_622 = tpu.memref_slice %arg14[%add3A_260] : memref<1073152xf32, #tpu.memory_space<vmem_shared>> -> memref<32768xf32, #tpu.memory_space<vmem_shared>>
      tpu.enqueue_dma source(%arg13 : memref<32768xf32, #tpu.memory_space<vmem>>) target(%dma_start3A_622 : memref<32768xf32, #tpu.memory_space<vmem_shared>>) target_semaphore(%run_scoped3A_621 : memref<!tpu.dma_semaphore, #tpu.memory_space<semaphore_mem>>)
      %dma_wait3A = tpu.memref_slice %arg14[%add3A_260] : memref<1073152xf32, #tpu.memory_space<vmem_shared>> -> memref<32768xf32, #tpu.memory_space<vmem_shared>>
      %dma_wait3A_623 = tpu.memref_slice %arg14[%add3A_260] : memref<1073152xf32, #tpu.memory_space<vmem_shared>> -> memref<32768xf32, #tpu.memory_space<vmem_shared>>
      tpu.wait_dma2 semaphore(%run_scoped3A_621 : memref<!tpu.dma_semaphore, #tpu.memory_space<semaphore_mem>>) src(%arg13 : memref<32768xf32, #tpu.memory_space<vmem>>) dst(%dma_wait3A_623 : memref<32768xf32, #tpu.memory_space<vmem_shared>>)
      tpu.yield
    }) : () -> ()
    %barrier3A_261 = arith.constant 0 : index
    tpu.barrier barrier_id(%barrier3A_261)
    "tpu.region"() ({
      %run_scoped3A_621 = tpu.sem_alloc : memref<!tpu.dma_semaphore, #tpu.memory_space<semaphore_mem>>
      %dma_start3A = arith.constant 0 : i32
      %dma_start3A_622 = tpu.memref_slice %arg14[%dma_start3A] : memref<1073152xf32, #tpu.memory_space<vmem_shared>> -> memref<1073152xf32, #tpu.memory_space<vmem_shared>>
      tpu.enqueue_indirect_dma source(%arg12 : memref<2048xf32, #tpu.memory_space<vmem>>) target(%dma_start3A_622 : memref<1073152xf32, #tpu.memory_space<vmem_shared>>) offsets(%arg8 : memref<2048xi32, #tpu.memory_space<vmem>>) semaphore(%run_scoped3A_621 : memref<!tpu.dma_semaphore, #tpu.memory_space<semaphore_mem>>) {add = true}
      %dma_wait3A = arith.constant 0 : i32
      %dma_wait3A_623 = tpu.memref_slice %arg14[%dma_wait3A] : memref<1073152xf32, #tpu.memory_space<vmem_shared>> -> memref<1073152xf32, #tpu.memory_space<vmem_shared>>
      tpu.wait_indirect_dma semaphore(%run_scoped3A_621 : memref<!tpu.dma_semaphore, #tpu.memory_space<semaphore_mem>>) src(%arg12 : memref<2048xf32, #tpu.memory_space<vmem>>) dst(%dma_wait3A_623 : memref<1073152xf32, #tpu.memory_space<vmem_shared>>)
      tpu.yield
    }) : () -> ()
    %mul3A_262 = arith.constant 32768 : i32
    %mul3A_263 = arith.muli %arg1, %mul3A_262 : i32
    %add3A_264 = arith.constant 0 : i32
    %add3A_265 = arith.addi %add3A_264, %mul3A_263 : i32
    %mul3A_266 = arith.constant 4 : i32
    %mul3A_267 = arith.muli %arg0, %mul3A_266 : i32
    %add3A_268 = arith.constant 0 : i32
    %add3A_269 = arith.addi %mul3A_267, %add3A_268 : i32
    %run_scoped3A_270 = arith.constant 3 : i32
    "tpu.region"() ({
      %run_scoped3A_621 = tpu.sem_alloc : memref<!tpu.dma_semaphore, #tpu.memory_space<semaphore_mem>>
      %dma_start3A = arith.constant 0 : i32
      %dma_start3A_622 = tpu.memref_slice %arg3[%run_scoped3A_270, %add3A_269, %arg1, %dma_start3A] : memref<8x8x16x32768xf32, #tpu.memory_space<hbm>> -> memref<1x1x1x32768xf32, #tpu.memory_space<hbm>>
      %dma_start3A_623 = tpu.memref_squeeze %dma_start3A_622 : memref<1x1x1x32768xf32, #tpu.memory_space<hbm>> -> memref<32768xf32, #tpu.memory_space<hbm>>
      %dma_start3A_624 = tpu.memref_slice %arg14[%add3A_265] : memref<1073152xf32, #tpu.memory_space<vmem_shared>> -> memref<32768xf32, #tpu.memory_space<vmem_shared>>
      tpu.enqueue_dma source(%dma_start3A_624 : memref<32768xf32, #tpu.memory_space<vmem_shared>>) target(%dma_start3A_623 : memref<32768xf32, #tpu.memory_space<hbm>>) target_semaphore(%run_scoped3A_621 : memref<!tpu.dma_semaphore, #tpu.memory_space<semaphore_mem>>)
      %dma_wait3A = arith.constant 0 : i32
      %dma_wait3A_625 = tpu.memref_slice %arg3[%run_scoped3A_270, %add3A_269, %arg1, %dma_wait3A] : memref<8x8x16x32768xf32, #tpu.memory_space<hbm>> -> memref<1x1x1x32768xf32, #tpu.memory_space<hbm>>
      %dma_wait3A_626 = tpu.memref_squeeze %dma_wait3A_625 : memref<1x1x1x32768xf32, #tpu.memory_space<hbm>> -> memref<32768xf32, #tpu.memory_space<hbm>>
      %dma_wait3A_627 = tpu.memref_slice %arg14[%add3A_265] : memref<1073152xf32, #tpu.memory_space<vmem_shared>> -> memref<32768xf32, #tpu.memory_space<vmem_shared>>
      tpu.wait_dma2 semaphore(%run_scoped3A_621 : memref<!tpu.dma_semaphore, #tpu.memory_space<semaphore_mem>>) src(%dma_wait3A_627 : memref<32768xf32, #tpu.memory_space<vmem_shared>>) dst(%dma_wait3A_626 : memref<32768xf32, #tpu.memory_space<hbm>>)
      tpu.yield
    }) : () -> ()
    %mul3A_271 = arith.constant 32768 : i32
    %mul3A_272 = arith.muli %arg1, %mul3A_271 : i32
    %add3A_273 = arith.constant 0 : i32
    %add3A_274 = arith.addi %add3A_273, %mul3A_272 : i32
    "tpu.region"() ({
      %run_scoped3A_621 = tpu.sem_alloc : memref<!tpu.dma_semaphore, #tpu.memory_space<semaphore_mem>>
      %dma_start3A = tpu.memref_slice %arg14[%add3A_274] : memref<1073152xf32, #tpu.memory_space<vmem_shared>> -> memref<32768xf32, #tpu.memory_space<vmem_shared>>
      %dma_start3A_622 = tpu.memref_slice %arg14[%add3A_274] : memref<1073152xf32, #tpu.memory_space<vmem_shared>> -> memref<32768xf32, #tpu.memory_space<vmem_shared>>
      tpu.enqueue_dma source(%arg13 : memref<32768xf32, #tpu.memory_space<vmem>>) target(%dma_start3A_622 : memref<32768xf32, #tpu.memory_space<vmem_shared>>) target_semaphore(%run_scoped3A_621 : memref<!tpu.dma_semaphore, #tpu.memory_space<semaphore_mem>>)
      %dma_wait3A = tpu.memref_slice %arg14[%add3A_274] : memref<1073152xf32, #tpu.memory_space<vmem_shared>> -> memref<32768xf32, #tpu.memory_space<vmem_shared>>
      %dma_wait3A_623 = tpu.memref_slice %arg14[%add3A_274] : memref<1073152xf32, #tpu.memory_space<vmem_shared>> -> memref<32768xf32, #tpu.memory_space<vmem_shared>>
      tpu.wait_dma2 semaphore(%run_scoped3A_621 : memref<!tpu.dma_semaphore, #tpu.memory_space<semaphore_mem>>) src(%arg13 : memref<32768xf32, #tpu.memory_space<vmem>>) dst(%dma_wait3A_623 : memref<32768xf32, #tpu.memory_space<vmem_shared>>)
      tpu.yield
    }) : () -> ()
    %barrier3A_275 = arith.constant 0 : index
    tpu.barrier barrier_id(%barrier3A_275)
    "tpu.region"() ({
      %run_scoped3A_621 = tpu.sem_alloc : memref<!tpu.dma_semaphore, #tpu.memory_space<semaphore_mem>>
      %dma_start3A = arith.constant 0 : i32
      %dma_start3A_622 = tpu.memref_slice %arg14[%dma_start3A] : memref<1073152xf32, #tpu.memory_space<vmem_shared>> -> memref<1073152xf32, #tpu.memory_space<vmem_shared>>
      tpu.enqueue_indirect_dma source(%arg12 : memref<2048xf32, #tpu.memory_space<vmem>>) target(%dma_start3A_622 : memref<1073152xf32, #tpu.memory_space<vmem_shared>>) offsets(%arg9 : memref<2048xi32, #tpu.memory_space<vmem>>) semaphore(%run_scoped3A_621 : memref<!tpu.dma_semaphore, #tpu.memory_space<semaphore_mem>>) {add = true}
      %dma_wait3A = arith.constant 0 : i32
      %dma_wait3A_623 = tpu.memref_slice %arg14[%dma_wait3A] : memref<1073152xf32, #tpu.memory_space<vmem_shared>> -> memref<1073152xf32, #tpu.memory_space<vmem_shared>>
      tpu.wait_indirect_dma semaphore(%run_scoped3A_621 : memref<!tpu.dma_semaphore, #tpu.memory_space<semaphore_mem>>) src(%arg12 : memref<2048xf32, #tpu.memory_space<vmem>>) dst(%dma_wait3A_623 : memref<1073152xf32, #tpu.memory_space<vmem_shared>>)
      tpu.yield
    }) : () -> ()
    %mul3A_276 = arith.constant 32768 : i32
    %mul3A_277 = arith.muli %arg1, %mul3A_276 : i32
    %add3A_278 = arith.constant 524288 : i32
    %add3A_279 = arith.addi %add3A_278, %mul3A_277 : i32
    %mul3A_280 = arith.constant 4 : i32
    %mul3A_281 = arith.muli %arg0, %mul3A_280 : i32
    %add3A_282 = arith.constant 1 : i32
    %add3A_283 = arith.addi %mul3A_281, %add3A_282 : i32
    %run_scoped3A_284 = arith.constant 3 : i32
    "tpu.region"() ({
      %run_scoped3A_621 = tpu.sem_alloc : memref<!tpu.dma_semaphore, #tpu.memory_space<semaphore_mem>>
      %dma_start3A = arith.constant 0 : i32
      %dma_start3A_622 = tpu.memref_slice %arg3[%run_scoped3A_284, %add3A_283, %arg1, %dma_start3A] : memref<8x8x16x32768xf32, #tpu.memory_space<hbm>> -> memref<1x1x1x32768xf32, #tpu.memory_space<hbm>>
      %dma_start3A_623 = tpu.memref_squeeze %dma_start3A_622 : memref<1x1x1x32768xf32, #tpu.memory_space<hbm>> -> memref<32768xf32, #tpu.memory_space<hbm>>
      %dma_start3A_624 = tpu.memref_slice %arg14[%add3A_279] : memref<1073152xf32, #tpu.memory_space<vmem_shared>> -> memref<32768xf32, #tpu.memory_space<vmem_shared>>
      tpu.enqueue_dma source(%dma_start3A_624 : memref<32768xf32, #tpu.memory_space<vmem_shared>>) target(%dma_start3A_623 : memref<32768xf32, #tpu.memory_space<hbm>>) target_semaphore(%run_scoped3A_621 : memref<!tpu.dma_semaphore, #tpu.memory_space<semaphore_mem>>)
      %dma_wait3A = arith.constant 0 : i32
      %dma_wait3A_625 = tpu.memref_slice %arg3[%run_scoped3A_284, %add3A_283, %arg1, %dma_wait3A] : memref<8x8x16x32768xf32, #tpu.memory_space<hbm>> -> memref<1x1x1x32768xf32, #tpu.memory_space<hbm>>
      %dma_wait3A_626 = tpu.memref_squeeze %dma_wait3A_625 : memref<1x1x1x32768xf32, #tpu.memory_space<hbm>> -> memref<32768xf32, #tpu.memory_space<hbm>>
      %dma_wait3A_627 = tpu.memref_slice %arg14[%add3A_279] : memref<1073152xf32, #tpu.memory_space<vmem_shared>> -> memref<32768xf32, #tpu.memory_space<vmem_shared>>
      tpu.wait_dma2 semaphore(%run_scoped3A_621 : memref<!tpu.dma_semaphore, #tpu.memory_space<semaphore_mem>>) src(%dma_wait3A_627 : memref<32768xf32, #tpu.memory_space<vmem_shared>>) dst(%dma_wait3A_626 : memref<32768xf32, #tpu.memory_space<hbm>>)
      tpu.yield
    }) : () -> ()
    %mul3A_285 = arith.constant 32768 : i32
    %mul3A_286 = arith.muli %arg1, %mul3A_285 : i32
    %add3A_287 = arith.constant 524288 : i32
    %add3A_288 = arith.addi %add3A_287, %mul3A_286 : i32
    "tpu.region"() ({
      %run_scoped3A_621 = tpu.sem_alloc : memref<!tpu.dma_semaphore, #tpu.memory_space<semaphore_mem>>
      %dma_start3A = tpu.memref_slice %arg14[%add3A_288] : memref<1073152xf32, #tpu.memory_space<vmem_shared>> -> memref<32768xf32, #tpu.memory_space<vmem_shared>>
      %dma_start3A_622 = tpu.memref_slice %arg14[%add3A_288] : memref<1073152xf32, #tpu.memory_space<vmem_shared>> -> memref<32768xf32, #tpu.memory_space<vmem_shared>>
      tpu.enqueue_dma source(%arg13 : memref<32768xf32, #tpu.memory_space<vmem>>) target(%dma_start3A_622 : memref<32768xf32, #tpu.memory_space<vmem_shared>>) target_semaphore(%run_scoped3A_621 : memref<!tpu.dma_semaphore, #tpu.memory_space<semaphore_mem>>)
      %dma_wait3A = tpu.memref_slice %arg14[%add3A_288] : memref<1073152xf32, #tpu.memory_space<vmem_shared>> -> memref<32768xf32, #tpu.memory_space<vmem_shared>>
      %dma_wait3A_623 = tpu.memref_slice %arg14[%add3A_288] : memref<1073152xf32, #tpu.memory_space<vmem_shared>> -> memref<32768xf32, #tpu.memory_space<vmem_shared>>
      tpu.wait_dma2 semaphore(%run_scoped3A_621 : memref<!tpu.dma_semaphore, #tpu.memory_space<semaphore_mem>>) src(%arg13 : memref<32768xf32, #tpu.memory_space<vmem>>) dst(%dma_wait3A_623 : memref<32768xf32, #tpu.memory_space<vmem_shared>>)
      tpu.yield
    }) : () -> ()
    %barrier3A_289 = arith.constant 0 : index
    tpu.barrier barrier_id(%barrier3A_289)
    "tpu.region"() ({
      %run_scoped3A_621 = tpu.sem_alloc : memref<!tpu.dma_semaphore, #tpu.memory_space<semaphore_mem>>
      %dma_start3A = arith.constant 0 : i32
      %dma_start3A_622 = tpu.memref_slice %arg14[%dma_start3A] : memref<1073152xf32, #tpu.memory_space<vmem_shared>> -> memref<1073152xf32, #tpu.memory_space<vmem_shared>>
      tpu.enqueue_indirect_dma source(%arg12 : memref<2048xf32, #tpu.memory_space<vmem>>) target(%dma_start3A_622 : memref<1073152xf32, #tpu.memory_space<vmem_shared>>) offsets(%arg10 : memref<2048xi32, #tpu.memory_space<vmem>>) semaphore(%run_scoped3A_621 : memref<!tpu.dma_semaphore, #tpu.memory_space<semaphore_mem>>) {add = true}
      %dma_wait3A = arith.constant 0 : i32
      %dma_wait3A_623 = tpu.memref_slice %arg14[%dma_wait3A] : memref<1073152xf32, #tpu.memory_space<vmem_shared>> -> memref<1073152xf32, #tpu.memory_space<vmem_shared>>
      tpu.wait_indirect_dma semaphore(%run_scoped3A_621 : memref<!tpu.dma_semaphore, #tpu.memory_space<semaphore_mem>>) src(%arg12 : memref<2048xf32, #tpu.memory_space<vmem>>) dst(%dma_wait3A_623 : memref<1073152xf32, #tpu.memory_space<vmem_shared>>)
      tpu.yield
    }) : () -> ()
    %mul3A_290 = arith.constant 32768 : i32
    %mul3A_291 = arith.muli %arg1, %mul3A_290 : i32
    %add3A_292 = arith.constant 0 : i32
    %add3A_293 = arith.addi %add3A_292, %mul3A_291 : i32
    %mul3A_294 = arith.constant 4 : i32
    %mul3A_295 = arith.muli %arg0, %mul3A_294 : i32
    %add3A_296 = arith.constant 2 : i32
    %add3A_297 = arith.addi %mul3A_295, %add3A_296 : i32
    %run_scoped3A_298 = arith.constant 3 : i32
    "tpu.region"() ({
      %run_scoped3A_621 = tpu.sem_alloc : memref<!tpu.dma_semaphore, #tpu.memory_space<semaphore_mem>>
      %dma_start3A = arith.constant 0 : i32
      %dma_start3A_622 = tpu.memref_slice %arg3[%run_scoped3A_298, %add3A_297, %arg1, %dma_start3A] : memref<8x8x16x32768xf32, #tpu.memory_space<hbm>> -> memref<1x1x1x32768xf32, #tpu.memory_space<hbm>>
      %dma_start3A_623 = tpu.memref_squeeze %dma_start3A_622 : memref<1x1x1x32768xf32, #tpu.memory_space<hbm>> -> memref<32768xf32, #tpu.memory_space<hbm>>
      %dma_start3A_624 = tpu.memref_slice %arg14[%add3A_293] : memref<1073152xf32, #tpu.memory_space<vmem_shared>> -> memref<32768xf32, #tpu.memory_space<vmem_shared>>
      tpu.enqueue_dma source(%dma_start3A_624 : memref<32768xf32, #tpu.memory_space<vmem_shared>>) target(%dma_start3A_623 : memref<32768xf32, #tpu.memory_space<hbm>>) target_semaphore(%run_scoped3A_621 : memref<!tpu.dma_semaphore, #tpu.memory_space<semaphore_mem>>)
      %dma_wait3A = arith.constant 0 : i32
      %dma_wait3A_625 = tpu.memref_slice %arg3[%run_scoped3A_298, %add3A_297, %arg1, %dma_wait3A] : memref<8x8x16x32768xf32, #tpu.memory_space<hbm>> -> memref<1x1x1x32768xf32, #tpu.memory_space<hbm>>
      %dma_wait3A_626 = tpu.memref_squeeze %dma_wait3A_625 : memref<1x1x1x32768xf32, #tpu.memory_space<hbm>> -> memref<32768xf32, #tpu.memory_space<hbm>>
      %dma_wait3A_627 = tpu.memref_slice %arg14[%add3A_293] : memref<1073152xf32, #tpu.memory_space<vmem_shared>> -> memref<32768xf32, #tpu.memory_space<vmem_shared>>
      tpu.wait_dma2 semaphore(%run_scoped3A_621 : memref<!tpu.dma_semaphore, #tpu.memory_space<semaphore_mem>>) src(%dma_wait3A_627 : memref<32768xf32, #tpu.memory_space<vmem_shared>>) dst(%dma_wait3A_626 : memref<32768xf32, #tpu.memory_space<hbm>>)
      tpu.yield
    }) : () -> ()
    %mul3A_299 = arith.constant 32768 : i32
    %mul3A_300 = arith.muli %arg1, %mul3A_299 : i32
    %add3A_301 = arith.constant 0 : i32
    %add3A_302 = arith.addi %add3A_301, %mul3A_300 : i32
    "tpu.region"() ({
      %run_scoped3A_621 = tpu.sem_alloc : memref<!tpu.dma_semaphore, #tpu.memory_space<semaphore_mem>>
      %dma_start3A = tpu.memref_slice %arg14[%add3A_302] : memref<1073152xf32, #tpu.memory_space<vmem_shared>> -> memref<32768xf32, #tpu.memory_space<vmem_shared>>
      %dma_start3A_622 = tpu.memref_slice %arg14[%add3A_302] : memref<1073152xf32, #tpu.memory_space<vmem_shared>> -> memref<32768xf32, #tpu.memory_space<vmem_shared>>
      tpu.enqueue_dma source(%arg13 : memref<32768xf32, #tpu.memory_space<vmem>>) target(%dma_start3A_622 : memref<32768xf32, #tpu.memory_space<vmem_shared>>) target_semaphore(%run_scoped3A_621 : memref<!tpu.dma_semaphore, #tpu.memory_space<semaphore_mem>>)
      %dma_wait3A = tpu.memref_slice %arg14[%add3A_302] : memref<1073152xf32, #tpu.memory_space<vmem_shared>> -> memref<32768xf32, #tpu.memory_space<vmem_shared>>
      %dma_wait3A_623 = tpu.memref_slice %arg14[%add3A_302] : memref<1073152xf32, #tpu.memory_space<vmem_shared>> -> memref<32768xf32, #tpu.memory_space<vmem_shared>>
      tpu.wait_dma2 semaphore(%run_scoped3A_621 : memref<!tpu.dma_semaphore, #tpu.memory_space<semaphore_mem>>) src(%arg13 : memref<32768xf32, #tpu.memory_space<vmem>>) dst(%dma_wait3A_623 : memref<32768xf32, #tpu.memory_space<vmem_shared>>)
      tpu.yield
    }) : () -> ()
    %barrier3A_303 = arith.constant 0 : index
    tpu.barrier barrier_id(%barrier3A_303)
    %mul3A_304 = arith.constant 2048 : i32
    %mul3A_305 = arith.muli %arg1, %mul3A_304 : i32
    %run_scoped3A_306 = arith.constant 4 : i32
    %run_scoped3A_307 = arith.constant 0 : i32
    "tpu.region"() ({
      %run_scoped3A_621 = tpu.sem_alloc : memref<!tpu.dma_semaphore, #tpu.memory_space<semaphore_mem>>
      %dma_start3A = tpu.memref_slice %arg2[%run_scoped3A_306, %run_scoped3A_307, %mul3A_305] : memref<8x2x32768xi32, #tpu.memory_space<hbm>> -> memref<1x1x2048xi32, #tpu.memory_space<hbm>>
      %dma_start3A_622 = tpu.memref_squeeze %dma_start3A : memref<1x1x2048xi32, #tpu.memory_space<hbm>> -> memref<2048xi32, #tpu.memory_space<hbm>>
      %dma_start3A_623 = tpu.memref_slice %arg2[%run_scoped3A_306, %run_scoped3A_307, %mul3A_305] : memref<8x2x32768xi32, #tpu.memory_space<hbm>> -> memref<1x1x2048xi32, #tpu.memory_space<hbm>>
      %dma_start3A_624 = tpu.memref_squeeze %dma_start3A_623 : memref<1x1x2048xi32, #tpu.memory_space<hbm>> -> memref<2048xi32, #tpu.memory_space<hbm>>
      tpu.enqueue_dma source(%dma_start3A_624 : memref<2048xi32, #tpu.memory_space<hbm>>) target(%arg5 : memref<2048xi32, #tpu.memory_space<vmem>>) target_semaphore(%run_scoped3A_621 : memref<!tpu.dma_semaphore, #tpu.memory_space<semaphore_mem>>)
      %dma_wait3A = tpu.memref_slice %arg2[%run_scoped3A_306, %run_scoped3A_307, %mul3A_305] : memref<8x2x32768xi32, #tpu.memory_space<hbm>> -> memref<1x1x2048xi32, #tpu.memory_space<hbm>>
      %dma_wait3A_625 = tpu.memref_squeeze %dma_wait3A : memref<1x1x2048xi32, #tpu.memory_space<hbm>> -> memref<2048xi32, #tpu.memory_space<hbm>>
      %dma_wait3A_626 = tpu.memref_slice %arg2[%run_scoped3A_306, %run_scoped3A_307, %mul3A_305] : memref<8x2x32768xi32, #tpu.memory_space<hbm>> -> memref<1x1x2048xi32, #tpu.memory_space<hbm>>
      %dma_wait3A_627 = tpu.memref_squeeze %dma_wait3A_626 : memref<1x1x2048xi32, #tpu.memory_space<hbm>> -> memref<2048xi32, #tpu.memory_space<hbm>>
      tpu.wait_dma2 semaphore(%run_scoped3A_621 : memref<!tpu.dma_semaphore, #tpu.memory_space<semaphore_mem>>) src(%dma_wait3A_627 : memref<2048xi32, #tpu.memory_space<hbm>>) dst(%arg5 : memref<2048xi32, #tpu.memory_space<vmem>>)
      tpu.yield
    }) : () -> ()
    %mul3A_308 = arith.constant 2048 : i32
    %mul3A_309 = arith.muli %arg1, %mul3A_308 : i32
    %run_scoped3A_310 = arith.constant 4 : i32
    %run_scoped3A_311 = arith.constant 1 : i32
    "tpu.region"() ({
      %run_scoped3A_621 = tpu.sem_alloc : memref<!tpu.dma_semaphore, #tpu.memory_space<semaphore_mem>>
      %dma_start3A = tpu.memref_slice %arg2[%run_scoped3A_310, %run_scoped3A_311, %mul3A_309] : memref<8x2x32768xi32, #tpu.memory_space<hbm>> -> memref<1x1x2048xi32, #tpu.memory_space<hbm>>
      %dma_start3A_622 = tpu.memref_squeeze %dma_start3A : memref<1x1x2048xi32, #tpu.memory_space<hbm>> -> memref<2048xi32, #tpu.memory_space<hbm>>
      %dma_start3A_623 = tpu.memref_slice %arg2[%run_scoped3A_310, %run_scoped3A_311, %mul3A_309] : memref<8x2x32768xi32, #tpu.memory_space<hbm>> -> memref<1x1x2048xi32, #tpu.memory_space<hbm>>
      %dma_start3A_624 = tpu.memref_squeeze %dma_start3A_623 : memref<1x1x2048xi32, #tpu.memory_space<hbm>> -> memref<2048xi32, #tpu.memory_space<hbm>>
      tpu.enqueue_dma source(%dma_start3A_624 : memref<2048xi32, #tpu.memory_space<hbm>>) target(%arg6 : memref<2048xi32, #tpu.memory_space<vmem>>) target_semaphore(%run_scoped3A_621 : memref<!tpu.dma_semaphore, #tpu.memory_space<semaphore_mem>>)
      %dma_wait3A = tpu.memref_slice %arg2[%run_scoped3A_310, %run_scoped3A_311, %mul3A_309] : memref<8x2x32768xi32, #tpu.memory_space<hbm>> -> memref<1x1x2048xi32, #tpu.memory_space<hbm>>
      %dma_wait3A_625 = tpu.memref_squeeze %dma_wait3A : memref<1x1x2048xi32, #tpu.memory_space<hbm>> -> memref<2048xi32, #tpu.memory_space<hbm>>
      %dma_wait3A_626 = tpu.memref_slice %arg2[%run_scoped3A_310, %run_scoped3A_311, %mul3A_309] : memref<8x2x32768xi32, #tpu.memory_space<hbm>> -> memref<1x1x2048xi32, #tpu.memory_space<hbm>>
      %dma_wait3A_627 = tpu.memref_squeeze %dma_wait3A_626 : memref<1x1x2048xi32, #tpu.memory_space<hbm>> -> memref<2048xi32, #tpu.memory_space<hbm>>
      tpu.wait_dma2 semaphore(%run_scoped3A_621 : memref<!tpu.dma_semaphore, #tpu.memory_space<semaphore_mem>>) src(%dma_wait3A_627 : memref<2048xi32, #tpu.memory_space<hbm>>) dst(%arg6 : memref<2048xi32, #tpu.memory_space<vmem>>)
      tpu.yield
    }) : () -> ()
    %scan3A_312 = arith.constant 0 : i32
    %scan3A_313 = arith.constant 0 : i32
    %scan3A_314 = arith.constant 128 : i32
    %scan3A_315 = arith.addi %scan3A_313, %scan3A_314 : i32
    %scan3A_316 = arith.constant 1 : i32
    scf.for %scan3A_621 = %scan3A_313 to %scan3A_315 step %scan3A_316  : i32 {
      %mul3A_622 = arith.constant 16 : i32
      %mul3A_623 = arith.muli %scan3A_621, %mul3A_622 : i32
      %get3A = arith.index_cast %mul3A_623 : i32 to index
      %get3A_624 = tpu.vector_load %arg5[%get3A] {strides = array<i32>} : memref<2048xi32, #tpu.memory_space<vmem>>, vector<16xi32>,
      %get3A_625 = vector.shape_cast %get3A_624 : vector<16xi32> to vector<16xi32>
      %mul3A_626 = arith.constant 16 : i32
      %mul3A_627 = arith.muli %scan3A_621, %mul3A_626 : i32
      %get3A_628 = arith.index_cast %mul3A_627 : i32 to index
      %get3A_629 = tpu.vector_load %arg6[%get3A_628] {strides = array<i32>} : memref<2048xi32, #tpu.memory_space<vmem>>, vector<16xi32>,
      %get3A_630 = vector.shape_cast %get3A_629 : vector<16xi32> to vector<16xi32>
      %shift_right_logical3A = arith.constant 8 : i32
      %shift_right_logical3A_631 = vector.broadcast %shift_right_logical3A : i32 to vector<16xi32>
      %shift_right_logical3A_632 = arith.shrui %get3A_630, %shift_right_logical3A_631 : vector<16xi32>
      %and3A = arith.constant 255 : i32
      %and3A_633 = vector.broadcast %and3A : i32 to vector<16xi32>
      %and3A_634 = arith.andi %get3A_630, %and3A_633 : vector<16xi32>
      %shift_left3A = arith.constant 11 : i32
      %shift_left3A_635 = vector.broadcast %shift_left3A : i32 to vector<16xi32>
      %shift_left3A_636 = arith.shli %and3A_634, %shift_left3A_635 : vector<16xi32>
      %add3A_637 = arith.addi %shift_left3A_636, %get3A_625 : vector<16xi32>
      %mul3A_638 = arith.constant 4 : i32
      %mul3A_639 = arith.muli %arg0, %mul3A_638 : i32
      %add3A_640 = arith.constant 0 : i32
      %add3A_641 = arith.addi %mul3A_639, %add3A_640 : i32
      %eq3A_642 = vector.broadcast %add3A_641 : i32 to vector<16xi32>
      %eq3A_643 = arith.cmpi eq, %shift_right_logical3A_632, %eq3A_642 : vector<16xi32>
      %add3A_644 = arith.constant 0 : i32
      %add3A_645 = vector.broadcast %add3A_644 : i32 to vector<16xi32>
      %add3A_646 = arith.addi %add3A_645, %add3A_637 : vector<16xi32>
      %jit3A = arith.constant 1056768 : i32
      %broadcast_in_dim3A = vector.broadcast %jit3A : i32 to vector<16xi32>
      %select_n3A = arith.select %eq3A_643, %add3A_646, %broadcast_in_dim3A : vector<16xi1>, vector<16xi32>
      %mul3A_647 = arith.constant 16 : i32
      %mul3A_648 = arith.muli %scan3A_621, %mul3A_647 : i32
      %swap3A = arith.index_cast %mul3A_648 : i32 to index
      %swap3A_649 = tpu.vector_load %arg7[%swap3A] {strides = array<i32>} : memref<2048xi32, #tpu.memory_space<vmem>>, vector<16xi32>,
      %swap3A_650 = vector.shape_cast %swap3A_649 : vector<16xi32> to vector<16xi32>
      %swap3A_651 = vector.shape_cast %select_n3A : vector<16xi32> to vector<16xi32>
      tpu.vector_store %arg7[%swap3A], %swap3A_651 {strides = array<i32>} : memref<2048xi32, #tpu.memory_space<vmem>>, vector<16xi32>,
      %mul3A_652 = arith.constant 4 : i32
      %mul3A_653 = arith.muli %arg0, %mul3A_652 : i32
      %add3A_654 = arith.constant 1 : i32
      %add3A_655 = arith.addi %mul3A_653, %add3A_654 : i32
      %eq3A_656 = vector.broadcast %add3A_655 : i32 to vector<16xi32>
      %eq3A_657 = arith.cmpi eq, %shift_right_logical3A_632, %eq3A_656 : vector<16xi32>
      %add3A_658 = arith.constant 524288 : i32
      %add3A_659 = vector.broadcast %add3A_658 : i32 to vector<16xi32>
      %add3A_660 = arith.addi %add3A_659, %add3A_637 : vector<16xi32>
      %jit3A_661 = arith.constant 1056768 : i32
      %broadcast_in_dim3A_662 = vector.broadcast %jit3A_661 : i32 to vector<16xi32>
      %select_n3A_663 = arith.select %eq3A_657, %add3A_660, %broadcast_in_dim3A_662 : vector<16xi1>, vector<16xi32>
      %mul3A_664 = arith.constant 16 : i32
      %mul3A_665 = arith.muli %scan3A_621, %mul3A_664 : i32
      %swap3A_666 = arith.index_cast %mul3A_665 : i32 to index
      %swap3A_667 = tpu.vector_load %arg8[%swap3A_666] {strides = array<i32>} : memref<2048xi32, #tpu.memory_space<vmem>>, vector<16xi32>,
      %swap3A_668 = vector.shape_cast %swap3A_667 : vector<16xi32> to vector<16xi32>
      %swap3A_669 = vector.shape_cast %select_n3A_663 : vector<16xi32> to vector<16xi32>
      tpu.vector_store %arg8[%swap3A_666], %swap3A_669 {strides = array<i32>} : memref<2048xi32, #tpu.memory_space<vmem>>, vector<16xi32>,
      %mul3A_670 = arith.constant 4 : i32
      %mul3A_671 = arith.muli %arg0, %mul3A_670 : i32
      %add3A_672 = arith.constant 2 : i32
      %add3A_673 = arith.addi %mul3A_671, %add3A_672 : i32
      %eq3A_674 = vector.broadcast %add3A_673 : i32 to vector<16xi32>
      %eq3A_675 = arith.cmpi eq, %shift_right_logical3A_632, %eq3A_674 : vector<16xi32>
      %add3A_676 = arith.constant 0 : i32
      %add3A_677 = vector.broadcast %add3A_676 : i32 to vector<16xi32>
      %add3A_678 = arith.addi %add3A_677, %add3A_637 : vector<16xi32>
      %jit3A_679 = arith.constant 1056768 : i32
      %broadcast_in_dim3A_680 = vector.broadcast %jit3A_679 : i32 to vector<16xi32>
      %select_n3A_681 = arith.select %eq3A_675, %add3A_678, %broadcast_in_dim3A_680 : vector<16xi1>, vector<16xi32>
      %mul3A_682 = arith.constant 16 : i32
      %mul3A_683 = arith.muli %scan3A_621, %mul3A_682 : i32
      %swap3A_684 = arith.index_cast %mul3A_683 : i32 to index
      %swap3A_685 = tpu.vector_load %arg9[%swap3A_684] {strides = array<i32>} : memref<2048xi32, #tpu.memory_space<vmem>>, vector<16xi32>,
      %swap3A_686 = vector.shape_cast %swap3A_685 : vector<16xi32> to vector<16xi32>
      %swap3A_687 = vector.shape_cast %select_n3A_681 : vector<16xi32> to vector<16xi32>
      tpu.vector_store %arg9[%swap3A_684], %swap3A_687 {strides = array<i32>} : memref<2048xi32, #tpu.memory_space<vmem>>, vector<16xi32>,
      %mul3A_688 = arith.constant 4 : i32
      %mul3A_689 = arith.muli %arg0, %mul3A_688 : i32
      %add3A_690 = arith.constant 3 : i32
      %add3A_691 = arith.addi %mul3A_689, %add3A_690 : i32
      %eq3A_692 = vector.broadcast %add3A_691 : i32 to vector<16xi32>
      %eq3A_693 = arith.cmpi eq, %shift_right_logical3A_632, %eq3A_692 : vector<16xi32>
      %add3A_694 = arith.constant 524288 : i32
      %add3A_695 = vector.broadcast %add3A_694 : i32 to vector<16xi32>
      %add3A_696 = arith.addi %add3A_695, %add3A_637 : vector<16xi32>
      %jit3A_697 = arith.constant 1056768 : i32
      %broadcast_in_dim3A_698 = vector.broadcast %jit3A_697 : i32 to vector<16xi32>
      %select_n3A_699 = arith.select %eq3A_693, %add3A_696, %broadcast_in_dim3A_698 : vector<16xi1>, vector<16xi32>
      %mul3A_700 = arith.constant 16 : i32
      %mul3A_701 = arith.muli %scan3A_621, %mul3A_700 : i32
      %swap3A_702 = arith.index_cast %mul3A_701 : i32 to index
      %swap3A_703 = tpu.vector_load %arg10[%swap3A_702] {strides = array<i32>} : memref<2048xi32, #tpu.memory_space<vmem>>, vector<16xi32>,
      %swap3A_704 = vector.shape_cast %swap3A_703 : vector<16xi32> to vector<16xi32>
      %swap3A_705 = vector.shape_cast %select_n3A_699 : vector<16xi32> to vector<16xi32>
      tpu.vector_store %arg10[%swap3A_702], %swap3A_705 {strides = array<i32>} : memref<2048xi32, #tpu.memory_space<vmem>>, vector<16xi32>,
      %add3A_706 = arith.constant 1048576 : i32
      %add3A_707 = vector.broadcast %add3A_706 : i32 to vector<16xi32>
      %add3A_708 = arith.addi %add3A_707, %get3A_630 : vector<16xi32>
      %mul3A_709 = arith.constant 16 : i32
      %mul3A_710 = arith.muli %scan3A_621, %mul3A_709 : i32
      %swap3A_711 = arith.index_cast %mul3A_710 : i32 to index
      %swap3A_712 = tpu.vector_load %arg11[%swap3A_711] {strides = array<i32>} : memref<2048xi32, #tpu.memory_space<vmem>>, vector<16xi32>,
      %swap3A_713 = vector.shape_cast %swap3A_712 : vector<16xi32> to vector<16xi32>
      %swap3A_714 = vector.shape_cast %add3A_708 : vector<16xi32> to vector<16xi32>
      tpu.vector_store %arg11[%swap3A_711], %swap3A_714 {strides = array<i32>} : memref<2048xi32, #tpu.memory_space<vmem>>, vector<16xi32>,
    }
    %scan3A_317 = arith.constant 128 : i32
    %eq3A_318 = arith.constant 1 : i32
    %eq3A_319 = arith.cmpi eq, %arg0, %eq3A_318 : i32
    %convert_element_type3A_320 = arith.extui %eq3A_319 : i1 to i32
    %cond3A_321 = arith.constant 0 : i32
    %cond3A_322 = arith.cmpi ne, %convert_element_type3A_320, %cond3A_321 : i32
    scf.if %cond3A_322 {
      "tpu.region"() ({
        %run_scoped3A_621 = tpu.sem_alloc : memref<!tpu.dma_semaphore, #tpu.memory_space<semaphore_mem>>
        %dma_start3A = arith.constant 0 : i32
        %dma_start3A_622 = tpu.memref_slice %arg14[%dma_start3A] : memref<1073152xf32, #tpu.memory_space<vmem_shared>> -> memref<1073152xf32, #tpu.memory_space<vmem_shared>>
        tpu.enqueue_indirect_dma source(%arg12 : memref<2048xf32, #tpu.memory_space<vmem>>) target(%dma_start3A_622 : memref<1073152xf32, #tpu.memory_space<vmem_shared>>) offsets(%arg11 : memref<2048xi32, #tpu.memory_space<vmem>>) semaphore(%run_scoped3A_621 : memref<!tpu.dma_semaphore, #tpu.memory_space<semaphore_mem>>) {add = true}
        %dma_wait3A = arith.constant 0 : i32
        %dma_wait3A_623 = tpu.memref_slice %arg14[%dma_wait3A] : memref<1073152xf32, #tpu.memory_space<vmem_shared>> -> memref<1073152xf32, #tpu.memory_space<vmem_shared>>
        tpu.wait_indirect_dma semaphore(%run_scoped3A_621 : memref<!tpu.dma_semaphore, #tpu.memory_space<semaphore_mem>>) src(%arg12 : memref<2048xf32, #tpu.memory_space<vmem>>) dst(%dma_wait3A_623 : memref<1073152xf32, #tpu.memory_space<vmem_shared>>)
        tpu.yield
      }) : () -> ()
    } else {
    }
    "tpu.region"() ({
      %run_scoped3A_621 = tpu.sem_alloc : memref<!tpu.dma_semaphore, #tpu.memory_space<semaphore_mem>>
      %dma_start3A = arith.constant 0 : i32
      %dma_start3A_622 = tpu.memref_slice %arg14[%dma_start3A] : memref<1073152xf32, #tpu.memory_space<vmem_shared>> -> memref<1073152xf32, #tpu.memory_space<vmem_shared>>
      tpu.enqueue_indirect_dma source(%arg12 : memref<2048xf32, #tpu.memory_space<vmem>>) target(%dma_start3A_622 : memref<1073152xf32, #tpu.memory_space<vmem_shared>>) offsets(%arg7 : memref<2048xi32, #tpu.memory_space<vmem>>) semaphore(%run_scoped3A_621 : memref<!tpu.dma_semaphore, #tpu.memory_space<semaphore_mem>>) {add = true}
      %dma_wait3A = arith.constant 0 : i32
      %dma_wait3A_623 = tpu.memref_slice %arg14[%dma_wait3A] : memref<1073152xf32, #tpu.memory_space<vmem_shared>> -> memref<1073152xf32, #tpu.memory_space<vmem_shared>>
      tpu.wait_indirect_dma semaphore(%run_scoped3A_621 : memref<!tpu.dma_semaphore, #tpu.memory_space<semaphore_mem>>) src(%arg12 : memref<2048xf32, #tpu.memory_space<vmem>>) dst(%dma_wait3A_623 : memref<1073152xf32, #tpu.memory_space<vmem_shared>>)
      tpu.yield
    }) : () -> ()
    %mul3A_323 = arith.constant 32768 : i32
    %mul3A_324 = arith.muli %arg1, %mul3A_323 : i32
    %add3A_325 = arith.constant 524288 : i32
    %add3A_326 = arith.addi %add3A_325, %mul3A_324 : i32
    %mul3A_327 = arith.constant 4 : i32
    %mul3A_328 = arith.muli %arg0, %mul3A_327 : i32
    %add3A_329 = arith.constant 3 : i32
    %add3A_330 = arith.addi %mul3A_328, %add3A_329 : i32
    %run_scoped3A_331 = arith.constant 3 : i32
    "tpu.region"() ({
      %run_scoped3A_621 = tpu.sem_alloc : memref<!tpu.dma_semaphore, #tpu.memory_space<semaphore_mem>>
      %dma_start3A = arith.constant 0 : i32
      %dma_start3A_622 = tpu.memref_slice %arg3[%run_scoped3A_331, %add3A_330, %arg1, %dma_start3A] : memref<8x8x16x32768xf32, #tpu.memory_space<hbm>> -> memref<1x1x1x32768xf32, #tpu.memory_space<hbm>>
      %dma_start3A_623 = tpu.memref_squeeze %dma_start3A_622 : memref<1x1x1x32768xf32, #tpu.memory_space<hbm>> -> memref<32768xf32, #tpu.memory_space<hbm>>
      %dma_start3A_624 = tpu.memref_slice %arg14[%add3A_326] : memref<1073152xf32, #tpu.memory_space<vmem_shared>> -> memref<32768xf32, #tpu.memory_space<vmem_shared>>
      tpu.enqueue_dma source(%dma_start3A_624 : memref<32768xf32, #tpu.memory_space<vmem_shared>>) target(%dma_start3A_623 : memref<32768xf32, #tpu.memory_space<hbm>>) target_semaphore(%run_scoped3A_621 : memref<!tpu.dma_semaphore, #tpu.memory_space<semaphore_mem>>)
      %dma_wait3A = arith.constant 0 : i32
      %dma_wait3A_625 = tpu.memref_slice %arg3[%run_scoped3A_331, %add3A_330, %arg1, %dma_wait3A] : memref<8x8x16x32768xf32, #tpu.memory_space<hbm>> -> memref<1x1x1x32768xf32, #tpu.memory_space<hbm>>
      %dma_wait3A_626 = tpu.memref_squeeze %dma_wait3A_625 : memref<1x1x1x32768xf32, #tpu.memory_space<hbm>> -> memref<32768xf32, #tpu.memory_space<hbm>>
      %dma_wait3A_627 = tpu.memref_slice %arg14[%add3A_326] : memref<1073152xf32, #tpu.memory_space<vmem_shared>> -> memref<32768xf32, #tpu.memory_space<vmem_shared>>
      tpu.wait_dma2 semaphore(%run_scoped3A_621 : memref<!tpu.dma_semaphore, #tpu.memory_space<semaphore_mem>>) src(%dma_wait3A_627 : memref<32768xf32, #tpu.memory_space<vmem_shared>>) dst(%dma_wait3A_626 : memref<32768xf32, #tpu.memory_space<hbm>>)
      tpu.yield
    }) : () -> ()
    %mul3A_332 = arith.constant 32768 : i32
    %mul3A_333 = arith.muli %arg1, %mul3A_332 : i32
    %add3A_334 = arith.constant 524288 : i32
    %add3A_335 = arith.addi %add3A_334, %mul3A_333 : i32
    "tpu.region"() ({
      %run_scoped3A_621 = tpu.sem_alloc : memref<!tpu.dma_semaphore, #tpu.memory_space<semaphore_mem>>
      %dma_start3A = tpu.memref_slice %arg14[%add3A_335] : memref<1073152xf32, #tpu.memory_space<vmem_shared>> -> memref<32768xf32, #tpu.memory_space<vmem_shared>>
      %dma_start3A_622 = tpu.memref_slice %arg14[%add3A_335] : memref<1073152xf32, #tpu.memory_space<vmem_shared>> -> memref<32768xf32, #tpu.memory_space<vmem_shared>>
      tpu.enqueue_dma source(%arg13 : memref<32768xf32, #tpu.memory_space<vmem>>) target(%dma_start3A_622 : memref<32768xf32, #tpu.memory_space<vmem_shared>>) target_semaphore(%run_scoped3A_621 : memref<!tpu.dma_semaphore, #tpu.memory_space<semaphore_mem>>)
      %dma_wait3A = tpu.memref_slice %arg14[%add3A_335] : memref<1073152xf32, #tpu.memory_space<vmem_shared>> -> memref<32768xf32, #tpu.memory_space<vmem_shared>>
      %dma_wait3A_623 = tpu.memref_slice %arg14[%add3A_335] : memref<1073152xf32, #tpu.memory_space<vmem_shared>> -> memref<32768xf32, #tpu.memory_space<vmem_shared>>
      tpu.wait_dma2 semaphore(%run_scoped3A_621 : memref<!tpu.dma_semaphore, #tpu.memory_space<semaphore_mem>>) src(%arg13 : memref<32768xf32, #tpu.memory_space<vmem>>) dst(%dma_wait3A_623 : memref<32768xf32, #tpu.memory_space<vmem_shared>>)
      tpu.yield
    }) : () -> ()
    %barrier3A_336 = arith.constant 0 : index
    tpu.barrier barrier_id(%barrier3A_336)
    "tpu.region"() ({
      %run_scoped3A_621 = tpu.sem_alloc : memref<!tpu.dma_semaphore, #tpu.memory_space<semaphore_mem>>
      %dma_start3A = arith.constant 0 : i32
      %dma_start3A_622 = tpu.memref_slice %arg14[%dma_start3A] : memref<1073152xf32, #tpu.memory_space<vmem_shared>> -> memref<1073152xf32, #tpu.memory_space<vmem_shared>>
      tpu.enqueue_indirect_dma source(%arg12 : memref<2048xf32, #tpu.memory_space<vmem>>) target(%dma_start3A_622 : memref<1073152xf32, #tpu.memory_space<vmem_shared>>) offsets(%arg8 : memref<2048xi32, #tpu.memory_space<vmem>>) semaphore(%run_scoped3A_621 : memref<!tpu.dma_semaphore, #tpu.memory_space<semaphore_mem>>) {add = true}
      %dma_wait3A = arith.constant 0 : i32
      %dma_wait3A_623 = tpu.memref_slice %arg14[%dma_wait3A] : memref<1073152xf32, #tpu.memory_space<vmem_shared>> -> memref<1073152xf32, #tpu.memory_space<vmem_shared>>
      tpu.wait_indirect_dma semaphore(%run_scoped3A_621 : memref<!tpu.dma_semaphore, #tpu.memory_space<semaphore_mem>>) src(%arg12 : memref<2048xf32, #tpu.memory_space<vmem>>) dst(%dma_wait3A_623 : memref<1073152xf32, #tpu.memory_space<vmem_shared>>)
      tpu.yield
    }) : () -> ()
    %mul3A_337 = arith.constant 32768 : i32
    %mul3A_338 = arith.muli %arg1, %mul3A_337 : i32
    %add3A_339 = arith.constant 0 : i32
    %add3A_340 = arith.addi %add3A_339, %mul3A_338 : i32
    %mul3A_341 = arith.constant 4 : i32
    %mul3A_342 = arith.muli %arg0, %mul3A_341 : i32
    %add3A_343 = arith.constant 0 : i32
    %add3A_344 = arith.addi %mul3A_342, %add3A_343 : i32
    %run_scoped3A_345 = arith.constant 4 : i32
    "tpu.region"() ({
      %run_scoped3A_621 = tpu.sem_alloc : memref<!tpu.dma_semaphore, #tpu.memory_space<semaphore_mem>>
      %dma_start3A = arith.constant 0 : i32
      %dma_start3A_622 = tpu.memref_slice %arg3[%run_scoped3A_345, %add3A_344, %arg1, %dma_start3A] : memref<8x8x16x32768xf32, #tpu.memory_space<hbm>> -> memref<1x1x1x32768xf32, #tpu.memory_space<hbm>>
      %dma_start3A_623 = tpu.memref_squeeze %dma_start3A_622 : memref<1x1x1x32768xf32, #tpu.memory_space<hbm>> -> memref<32768xf32, #tpu.memory_space<hbm>>
      %dma_start3A_624 = tpu.memref_slice %arg14[%add3A_340] : memref<1073152xf32, #tpu.memory_space<vmem_shared>> -> memref<32768xf32, #tpu.memory_space<vmem_shared>>
      tpu.enqueue_dma source(%dma_start3A_624 : memref<32768xf32, #tpu.memory_space<vmem_shared>>) target(%dma_start3A_623 : memref<32768xf32, #tpu.memory_space<hbm>>) target_semaphore(%run_scoped3A_621 : memref<!tpu.dma_semaphore, #tpu.memory_space<semaphore_mem>>)
      %dma_wait3A = arith.constant 0 : i32
      %dma_wait3A_625 = tpu.memref_slice %arg3[%run_scoped3A_345, %add3A_344, %arg1, %dma_wait3A] : memref<8x8x16x32768xf32, #tpu.memory_space<hbm>> -> memref<1x1x1x32768xf32, #tpu.memory_space<hbm>>
      %dma_wait3A_626 = tpu.memref_squeeze %dma_wait3A_625 : memref<1x1x1x32768xf32, #tpu.memory_space<hbm>> -> memref<32768xf32, #tpu.memory_space<hbm>>
      %dma_wait3A_627 = tpu.memref_slice %arg14[%add3A_340] : memref<1073152xf32, #tpu.memory_space<vmem_shared>> -> memref<32768xf32, #tpu.memory_space<vmem_shared>>
      tpu.wait_dma2 semaphore(%run_scoped3A_621 : memref<!tpu.dma_semaphore, #tpu.memory_space<semaphore_mem>>) src(%dma_wait3A_627 : memref<32768xf32, #tpu.memory_space<vmem_shared>>) dst(%dma_wait3A_626 : memref<32768xf32, #tpu.memory_space<hbm>>)
      tpu.yield
    }) : () -> ()
    %mul3A_346 = arith.constant 32768 : i32
    %mul3A_347 = arith.muli %arg1, %mul3A_346 : i32
    %add3A_348 = arith.constant 0 : i32
    %add3A_349 = arith.addi %add3A_348, %mul3A_347 : i32
    "tpu.region"() ({
      %run_scoped3A_621 = tpu.sem_alloc : memref<!tpu.dma_semaphore, #tpu.memory_space<semaphore_mem>>
      %dma_start3A = tpu.memref_slice %arg14[%add3A_349] : memref<1073152xf32, #tpu.memory_space<vmem_shared>> -> memref<32768xf32, #tpu.memory_space<vmem_shared>>
      %dma_start3A_622 = tpu.memref_slice %arg14[%add3A_349] : memref<1073152xf32, #tpu.memory_space<vmem_shared>> -> memref<32768xf32, #tpu.memory_space<vmem_shared>>
      tpu.enqueue_dma source(%arg13 : memref<32768xf32, #tpu.memory_space<vmem>>) target(%dma_start3A_622 : memref<32768xf32, #tpu.memory_space<vmem_shared>>) target_semaphore(%run_scoped3A_621 : memref<!tpu.dma_semaphore, #tpu.memory_space<semaphore_mem>>)
      %dma_wait3A = tpu.memref_slice %arg14[%add3A_349] : memref<1073152xf32, #tpu.memory_space<vmem_shared>> -> memref<32768xf32, #tpu.memory_space<vmem_shared>>
      %dma_wait3A_623 = tpu.memref_slice %arg14[%add3A_349] : memref<1073152xf32, #tpu.memory_space<vmem_shared>> -> memref<32768xf32, #tpu.memory_space<vmem_shared>>
      tpu.wait_dma2 semaphore(%run_scoped3A_621 : memref<!tpu.dma_semaphore, #tpu.memory_space<semaphore_mem>>) src(%arg13 : memref<32768xf32, #tpu.memory_space<vmem>>) dst(%dma_wait3A_623 : memref<32768xf32, #tpu.memory_space<vmem_shared>>)
      tpu.yield
    }) : () -> ()
    %barrier3A_350 = arith.constant 0 : index
    tpu.barrier barrier_id(%barrier3A_350)
    "tpu.region"() ({
      %run_scoped3A_621 = tpu.sem_alloc : memref<!tpu.dma_semaphore, #tpu.memory_space<semaphore_mem>>
      %dma_start3A = arith.constant 0 : i32
      %dma_start3A_622 = tpu.memref_slice %arg14[%dma_start3A] : memref<1073152xf32, #tpu.memory_space<vmem_shared>> -> memref<1073152xf32, #tpu.memory_space<vmem_shared>>
      tpu.enqueue_indirect_dma source(%arg12 : memref<2048xf32, #tpu.memory_space<vmem>>) target(%dma_start3A_622 : memref<1073152xf32, #tpu.memory_space<vmem_shared>>) offsets(%arg9 : memref<2048xi32, #tpu.memory_space<vmem>>) semaphore(%run_scoped3A_621 : memref<!tpu.dma_semaphore, #tpu.memory_space<semaphore_mem>>) {add = true}
      %dma_wait3A = arith.constant 0 : i32
      %dma_wait3A_623 = tpu.memref_slice %arg14[%dma_wait3A] : memref<1073152xf32, #tpu.memory_space<vmem_shared>> -> memref<1073152xf32, #tpu.memory_space<vmem_shared>>
      tpu.wait_indirect_dma semaphore(%run_scoped3A_621 : memref<!tpu.dma_semaphore, #tpu.memory_space<semaphore_mem>>) src(%arg12 : memref<2048xf32, #tpu.memory_space<vmem>>) dst(%dma_wait3A_623 : memref<1073152xf32, #tpu.memory_space<vmem_shared>>)
      tpu.yield
    }) : () -> ()
    %mul3A_351 = arith.constant 32768 : i32
    %mul3A_352 = arith.muli %arg1, %mul3A_351 : i32
    %add3A_353 = arith.constant 524288 : i32
    %add3A_354 = arith.addi %add3A_353, %mul3A_352 : i32
    %mul3A_355 = arith.constant 4 : i32
    %mul3A_356 = arith.muli %arg0, %mul3A_355 : i32
    %add3A_357 = arith.constant 1 : i32
    %add3A_358 = arith.addi %mul3A_356, %add3A_357 : i32
    %run_scoped3A_359 = arith.constant 4 : i32
    "tpu.region"() ({
      %run_scoped3A_621 = tpu.sem_alloc : memref<!tpu.dma_semaphore, #tpu.memory_space<semaphore_mem>>
      %dma_start3A = arith.constant 0 : i32
      %dma_start3A_622 = tpu.memref_slice %arg3[%run_scoped3A_359, %add3A_358, %arg1, %dma_start3A] : memref<8x8x16x32768xf32, #tpu.memory_space<hbm>> -> memref<1x1x1x32768xf32, #tpu.memory_space<hbm>>
      %dma_start3A_623 = tpu.memref_squeeze %dma_start3A_622 : memref<1x1x1x32768xf32, #tpu.memory_space<hbm>> -> memref<32768xf32, #tpu.memory_space<hbm>>
      %dma_start3A_624 = tpu.memref_slice %arg14[%add3A_354] : memref<1073152xf32, #tpu.memory_space<vmem_shared>> -> memref<32768xf32, #tpu.memory_space<vmem_shared>>
      tpu.enqueue_dma source(%dma_start3A_624 : memref<32768xf32, #tpu.memory_space<vmem_shared>>) target(%dma_start3A_623 : memref<32768xf32, #tpu.memory_space<hbm>>) target_semaphore(%run_scoped3A_621 : memref<!tpu.dma_semaphore, #tpu.memory_space<semaphore_mem>>)
      %dma_wait3A = arith.constant 0 : i32
      %dma_wait3A_625 = tpu.memref_slice %arg3[%run_scoped3A_359, %add3A_358, %arg1, %dma_wait3A] : memref<8x8x16x32768xf32, #tpu.memory_space<hbm>> -> memref<1x1x1x32768xf32, #tpu.memory_space<hbm>>
      %dma_wait3A_626 = tpu.memref_squeeze %dma_wait3A_625 : memref<1x1x1x32768xf32, #tpu.memory_space<hbm>> -> memref<32768xf32, #tpu.memory_space<hbm>>
      %dma_wait3A_627 = tpu.memref_slice %arg14[%add3A_354] : memref<1073152xf32, #tpu.memory_space<vmem_shared>> -> memref<32768xf32, #tpu.memory_space<vmem_shared>>
      tpu.wait_dma2 semaphore(%run_scoped3A_621 : memref<!tpu.dma_semaphore, #tpu.memory_space<semaphore_mem>>) src(%dma_wait3A_627 : memref<32768xf32, #tpu.memory_space<vmem_shared>>) dst(%dma_wait3A_626 : memref<32768xf32, #tpu.memory_space<hbm>>)
      tpu.yield
    }) : () -> ()
    %mul3A_360 = arith.constant 32768 : i32
    %mul3A_361 = arith.muli %arg1, %mul3A_360 : i32
    %add3A_362 = arith.constant 524288 : i32
    %add3A_363 = arith.addi %add3A_362, %mul3A_361 : i32
    "tpu.region"() ({
      %run_scoped3A_621 = tpu.sem_alloc : memref<!tpu.dma_semaphore, #tpu.memory_space<semaphore_mem>>
      %dma_start3A = tpu.memref_slice %arg14[%add3A_363] : memref<1073152xf32, #tpu.memory_space<vmem_shared>> -> memref<32768xf32, #tpu.memory_space<vmem_shared>>
      %dma_start3A_622 = tpu.memref_slice %arg14[%add3A_363] : memref<1073152xf32, #tpu.memory_space<vmem_shared>> -> memref<32768xf32, #tpu.memory_space<vmem_shared>>
      tpu.enqueue_dma source(%arg13 : memref<32768xf32, #tpu.memory_space<vmem>>) target(%dma_start3A_622 : memref<32768xf32, #tpu.memory_space<vmem_shared>>) target_semaphore(%run_scoped3A_621 : memref<!tpu.dma_semaphore, #tpu.memory_space<semaphore_mem>>)
      %dma_wait3A = tpu.memref_slice %arg14[%add3A_363] : memref<1073152xf32, #tpu.memory_space<vmem_shared>> -> memref<32768xf32, #tpu.memory_space<vmem_shared>>
      %dma_wait3A_623 = tpu.memref_slice %arg14[%add3A_363] : memref<1073152xf32, #tpu.memory_space<vmem_shared>> -> memref<32768xf32, #tpu.memory_space<vmem_shared>>
      tpu.wait_dma2 semaphore(%run_scoped3A_621 : memref<!tpu.dma_semaphore, #tpu.memory_space<semaphore_mem>>) src(%arg13 : memref<32768xf32, #tpu.memory_space<vmem>>) dst(%dma_wait3A_623 : memref<32768xf32, #tpu.memory_space<vmem_shared>>)
      tpu.yield
    }) : () -> ()
    %barrier3A_364 = arith.constant 0 : index
    tpu.barrier barrier_id(%barrier3A_364)
    "tpu.region"() ({
      %run_scoped3A_621 = tpu.sem_alloc : memref<!tpu.dma_semaphore, #tpu.memory_space<semaphore_mem>>
      %dma_start3A = arith.constant 0 : i32
      %dma_start3A_622 = tpu.memref_slice %arg14[%dma_start3A] : memref<1073152xf32, #tpu.memory_space<vmem_shared>> -> memref<1073152xf32, #tpu.memory_space<vmem_shared>>
      tpu.enqueue_indirect_dma source(%arg12 : memref<2048xf32, #tpu.memory_space<vmem>>) target(%dma_start3A_622 : memref<1073152xf32, #tpu.memory_space<vmem_shared>>) offsets(%arg10 : memref<2048xi32, #tpu.memory_space<vmem>>) semaphore(%run_scoped3A_621 : memref<!tpu.dma_semaphore, #tpu.memory_space<semaphore_mem>>) {add = true}
      %dma_wait3A = arith.constant 0 : i32
      %dma_wait3A_623 = tpu.memref_slice %arg14[%dma_wait3A] : memref<1073152xf32, #tpu.memory_space<vmem_shared>> -> memref<1073152xf32, #tpu.memory_space<vmem_shared>>
      tpu.wait_indirect_dma semaphore(%run_scoped3A_621 : memref<!tpu.dma_semaphore, #tpu.memory_space<semaphore_mem>>) src(%arg12 : memref<2048xf32, #tpu.memory_space<vmem>>) dst(%dma_wait3A_623 : memref<1073152xf32, #tpu.memory_space<vmem_shared>>)
      tpu.yield
    }) : () -> ()
    %mul3A_365 = arith.constant 32768 : i32
    %mul3A_366 = arith.muli %arg1, %mul3A_365 : i32
    %add3A_367 = arith.constant 0 : i32
    %add3A_368 = arith.addi %add3A_367, %mul3A_366 : i32
    %mul3A_369 = arith.constant 4 : i32
    %mul3A_370 = arith.muli %arg0, %mul3A_369 : i32
    %add3A_371 = arith.constant 2 : i32
    %add3A_372 = arith.addi %mul3A_370, %add3A_371 : i32
    %run_scoped3A_373 = arith.constant 4 : i32
    "tpu.region"() ({
      %run_scoped3A_621 = tpu.sem_alloc : memref<!tpu.dma_semaphore, #tpu.memory_space<semaphore_mem>>
      %dma_start3A = arith.constant 0 : i32
      %dma_start3A_622 = tpu.memref_slice %arg3[%run_scoped3A_373, %add3A_372, %arg1, %dma_start3A] : memref<8x8x16x32768xf32, #tpu.memory_space<hbm>> -> memref<1x1x1x32768xf32, #tpu.memory_space<hbm>>
      %dma_start3A_623 = tpu.memref_squeeze %dma_start3A_622 : memref<1x1x1x32768xf32, #tpu.memory_space<hbm>> -> memref<32768xf32, #tpu.memory_space<hbm>>
      %dma_start3A_624 = tpu.memref_slice %arg14[%add3A_368] : memref<1073152xf32, #tpu.memory_space<vmem_shared>> -> memref<32768xf32, #tpu.memory_space<vmem_shared>>
      tpu.enqueue_dma source(%dma_start3A_624 : memref<32768xf32, #tpu.memory_space<vmem_shared>>) target(%dma_start3A_623 : memref<32768xf32, #tpu.memory_space<hbm>>) target_semaphore(%run_scoped3A_621 : memref<!tpu.dma_semaphore, #tpu.memory_space<semaphore_mem>>)
      %dma_wait3A = arith.constant 0 : i32
      %dma_wait3A_625 = tpu.memref_slice %arg3[%run_scoped3A_373, %add3A_372, %arg1, %dma_wait3A] : memref<8x8x16x32768xf32, #tpu.memory_space<hbm>> -> memref<1x1x1x32768xf32, #tpu.memory_space<hbm>>
      %dma_wait3A_626 = tpu.memref_squeeze %dma_wait3A_625 : memref<1x1x1x32768xf32, #tpu.memory_space<hbm>> -> memref<32768xf32, #tpu.memory_space<hbm>>
      %dma_wait3A_627 = tpu.memref_slice %arg14[%add3A_368] : memref<1073152xf32, #tpu.memory_space<vmem_shared>> -> memref<32768xf32, #tpu.memory_space<vmem_shared>>
      tpu.wait_dma2 semaphore(%run_scoped3A_621 : memref<!tpu.dma_semaphore, #tpu.memory_space<semaphore_mem>>) src(%dma_wait3A_627 : memref<32768xf32, #tpu.memory_space<vmem_shared>>) dst(%dma_wait3A_626 : memref<32768xf32, #tpu.memory_space<hbm>>)
      tpu.yield
    }) : () -> ()
    %mul3A_374 = arith.constant 32768 : i32
    %mul3A_375 = arith.muli %arg1, %mul3A_374 : i32
    %add3A_376 = arith.constant 0 : i32
    %add3A_377 = arith.addi %add3A_376, %mul3A_375 : i32
    "tpu.region"() ({
      %run_scoped3A_621 = tpu.sem_alloc : memref<!tpu.dma_semaphore, #tpu.memory_space<semaphore_mem>>
      %dma_start3A = tpu.memref_slice %arg14[%add3A_377] : memref<1073152xf32, #tpu.memory_space<vmem_shared>> -> memref<32768xf32, #tpu.memory_space<vmem_shared>>
      %dma_start3A_622 = tpu.memref_slice %arg14[%add3A_377] : memref<1073152xf32, #tpu.memory_space<vmem_shared>> -> memref<32768xf32, #tpu.memory_space<vmem_shared>>
      tpu.enqueue_dma source(%arg13 : memref<32768xf32, #tpu.memory_space<vmem>>) target(%dma_start3A_622 : memref<32768xf32, #tpu.memory_space<vmem_shared>>) target_semaphore(%run_scoped3A_621 : memref<!tpu.dma_semaphore, #tpu.memory_space<semaphore_mem>>)
      %dma_wait3A = tpu.memref_slice %arg14[%add3A_377] : memref<1073152xf32, #tpu.memory_space<vmem_shared>> -> memref<32768xf32, #tpu.memory_space<vmem_shared>>
      %dma_wait3A_623 = tpu.memref_slice %arg14[%add3A_377] : memref<1073152xf32, #tpu.memory_space<vmem_shared>> -> memref<32768xf32, #tpu.memory_space<vmem_shared>>
      tpu.wait_dma2 semaphore(%run_scoped3A_621 : memref<!tpu.dma_semaphore, #tpu.memory_space<semaphore_mem>>) src(%arg13 : memref<32768xf32, #tpu.memory_space<vmem>>) dst(%dma_wait3A_623 : memref<32768xf32, #tpu.memory_space<vmem_shared>>)
      tpu.yield
    }) : () -> ()
    %barrier3A_378 = arith.constant 0 : index
    tpu.barrier barrier_id(%barrier3A_378)
    %mul3A_379 = arith.constant 2048 : i32
    %mul3A_380 = arith.muli %arg1, %mul3A_379 : i32
    %run_scoped3A_381 = arith.constant 5 : i32
    %run_scoped3A_382 = arith.constant 0 : i32
    "tpu.region"() ({
      %run_scoped3A_621 = tpu.sem_alloc : memref<!tpu.dma_semaphore, #tpu.memory_space<semaphore_mem>>
      %dma_start3A = tpu.memref_slice %arg2[%run_scoped3A_381, %run_scoped3A_382, %mul3A_380] : memref<8x2x32768xi32, #tpu.memory_space<hbm>> -> memref<1x1x2048xi32, #tpu.memory_space<hbm>>
      %dma_start3A_622 = tpu.memref_squeeze %dma_start3A : memref<1x1x2048xi32, #tpu.memory_space<hbm>> -> memref<2048xi32, #tpu.memory_space<hbm>>
      %dma_start3A_623 = tpu.memref_slice %arg2[%run_scoped3A_381, %run_scoped3A_382, %mul3A_380] : memref<8x2x32768xi32, #tpu.memory_space<hbm>> -> memref<1x1x2048xi32, #tpu.memory_space<hbm>>
      %dma_start3A_624 = tpu.memref_squeeze %dma_start3A_623 : memref<1x1x2048xi32, #tpu.memory_space<hbm>> -> memref<2048xi32, #tpu.memory_space<hbm>>
      tpu.enqueue_dma source(%dma_start3A_624 : memref<2048xi32, #tpu.memory_space<hbm>>) target(%arg5 : memref<2048xi32, #tpu.memory_space<vmem>>) target_semaphore(%run_scoped3A_621 : memref<!tpu.dma_semaphore, #tpu.memory_space<semaphore_mem>>)
      %dma_wait3A = tpu.memref_slice %arg2[%run_scoped3A_381, %run_scoped3A_382, %mul3A_380] : memref<8x2x32768xi32, #tpu.memory_space<hbm>> -> memref<1x1x2048xi32, #tpu.memory_space<hbm>>
      %dma_wait3A_625 = tpu.memref_squeeze %dma_wait3A : memref<1x1x2048xi32, #tpu.memory_space<hbm>> -> memref<2048xi32, #tpu.memory_space<hbm>>
      %dma_wait3A_626 = tpu.memref_slice %arg2[%run_scoped3A_381, %run_scoped3A_382, %mul3A_380] : memref<8x2x32768xi32, #tpu.memory_space<hbm>> -> memref<1x1x2048xi32, #tpu.memory_space<hbm>>
      %dma_wait3A_627 = tpu.memref_squeeze %dma_wait3A_626 : memref<1x1x2048xi32, #tpu.memory_space<hbm>> -> memref<2048xi32, #tpu.memory_space<hbm>>
      tpu.wait_dma2 semaphore(%run_scoped3A_621 : memref<!tpu.dma_semaphore, #tpu.memory_space<semaphore_mem>>) src(%dma_wait3A_627 : memref<2048xi32, #tpu.memory_space<hbm>>) dst(%arg5 : memref<2048xi32, #tpu.memory_space<vmem>>)
      tpu.yield
    }) : () -> ()
    %mul3A_383 = arith.constant 2048 : i32
    %mul3A_384 = arith.muli %arg1, %mul3A_383 : i32
    %run_scoped3A_385 = arith.constant 5 : i32
    %run_scoped3A_386 = arith.constant 1 : i32
    "tpu.region"() ({
      %run_scoped3A_621 = tpu.sem_alloc : memref<!tpu.dma_semaphore, #tpu.memory_space<semaphore_mem>>
      %dma_start3A = tpu.memref_slice %arg2[%run_scoped3A_385, %run_scoped3A_386, %mul3A_384] : memref<8x2x32768xi32, #tpu.memory_space<hbm>> -> memref<1x1x2048xi32, #tpu.memory_space<hbm>>
      %dma_start3A_622 = tpu.memref_squeeze %dma_start3A : memref<1x1x2048xi32, #tpu.memory_space<hbm>> -> memref<2048xi32, #tpu.memory_space<hbm>>
      %dma_start3A_623 = tpu.memref_slice %arg2[%run_scoped3A_385, %run_scoped3A_386, %mul3A_384] : memref<8x2x32768xi32, #tpu.memory_space<hbm>> -> memref<1x1x2048xi32, #tpu.memory_space<hbm>>
      %dma_start3A_624 = tpu.memref_squeeze %dma_start3A_623 : memref<1x1x2048xi32, #tpu.memory_space<hbm>> -> memref<2048xi32, #tpu.memory_space<hbm>>
      tpu.enqueue_dma source(%dma_start3A_624 : memref<2048xi32, #tpu.memory_space<hbm>>) target(%arg6 : memref<2048xi32, #tpu.memory_space<vmem>>) target_semaphore(%run_scoped3A_621 : memref<!tpu.dma_semaphore, #tpu.memory_space<semaphore_mem>>)
      %dma_wait3A = tpu.memref_slice %arg2[%run_scoped3A_385, %run_scoped3A_386, %mul3A_384] : memref<8x2x32768xi32, #tpu.memory_space<hbm>> -> memref<1x1x2048xi32, #tpu.memory_space<hbm>>
      %dma_wait3A_625 = tpu.memref_squeeze %dma_wait3A : memref<1x1x2048xi32, #tpu.memory_space<hbm>> -> memref<2048xi32, #tpu.memory_space<hbm>>
      %dma_wait3A_626 = tpu.memref_slice %arg2[%run_scoped3A_385, %run_scoped3A_386, %mul3A_384] : memref<8x2x32768xi32, #tpu.memory_space<hbm>> -> memref<1x1x2048xi32, #tpu.memory_space<hbm>>
      %dma_wait3A_627 = tpu.memref_squeeze %dma_wait3A_626 : memref<1x1x2048xi32, #tpu.memory_space<hbm>> -> memref<2048xi32, #tpu.memory_space<hbm>>
      tpu.wait_dma2 semaphore(%run_scoped3A_621 : memref<!tpu.dma_semaphore, #tpu.memory_space<semaphore_mem>>) src(%dma_wait3A_627 : memref<2048xi32, #tpu.memory_space<hbm>>) dst(%arg6 : memref<2048xi32, #tpu.memory_space<vmem>>)
      tpu.yield
    }) : () -> ()
    %scan3A_387 = arith.constant 0 : i32
    %scan3A_388 = arith.constant 0 : i32
    %scan3A_389 = arith.constant 128 : i32
    %scan3A_390 = arith.addi %scan3A_388, %scan3A_389 : i32
    %scan3A_391 = arith.constant 1 : i32
    scf.for %scan3A_621 = %scan3A_388 to %scan3A_390 step %scan3A_391  : i32 {
      %mul3A_622 = arith.constant 16 : i32
      %mul3A_623 = arith.muli %scan3A_621, %mul3A_622 : i32
      %get3A = arith.index_cast %mul3A_623 : i32 to index
      %get3A_624 = tpu.vector_load %arg5[%get3A] {strides = array<i32>} : memref<2048xi32, #tpu.memory_space<vmem>>, vector<16xi32>,
      %get3A_625 = vector.shape_cast %get3A_624 : vector<16xi32> to vector<16xi32>
      %mul3A_626 = arith.constant 16 : i32
      %mul3A_627 = arith.muli %scan3A_621, %mul3A_626 : i32
      %get3A_628 = arith.index_cast %mul3A_627 : i32 to index
      %get3A_629 = tpu.vector_load %arg6[%get3A_628] {strides = array<i32>} : memref<2048xi32, #tpu.memory_space<vmem>>, vector<16xi32>,
      %get3A_630 = vector.shape_cast %get3A_629 : vector<16xi32> to vector<16xi32>
      %shift_right_logical3A = arith.constant 8 : i32
      %shift_right_logical3A_631 = vector.broadcast %shift_right_logical3A : i32 to vector<16xi32>
      %shift_right_logical3A_632 = arith.shrui %get3A_630, %shift_right_logical3A_631 : vector<16xi32>
      %and3A = arith.constant 255 : i32
      %and3A_633 = vector.broadcast %and3A : i32 to vector<16xi32>
      %and3A_634 = arith.andi %get3A_630, %and3A_633 : vector<16xi32>
      %shift_left3A = arith.constant 11 : i32
      %shift_left3A_635 = vector.broadcast %shift_left3A : i32 to vector<16xi32>
      %shift_left3A_636 = arith.shli %and3A_634, %shift_left3A_635 : vector<16xi32>
      %add3A_637 = arith.addi %shift_left3A_636, %get3A_625 : vector<16xi32>
      %mul3A_638 = arith.constant 4 : i32
      %mul3A_639 = arith.muli %arg0, %mul3A_638 : i32
      %add3A_640 = arith.constant 0 : i32
      %add3A_641 = arith.addi %mul3A_639, %add3A_640 : i32
      %eq3A_642 = vector.broadcast %add3A_641 : i32 to vector<16xi32>
      %eq3A_643 = arith.cmpi eq, %shift_right_logical3A_632, %eq3A_642 : vector<16xi32>
      %add3A_644 = arith.constant 0 : i32
      %add3A_645 = vector.broadcast %add3A_644 : i32 to vector<16xi32>
      %add3A_646 = arith.addi %add3A_645, %add3A_637 : vector<16xi32>
      %jit3A = arith.constant 1056768 : i32
      %broadcast_in_dim3A = vector.broadcast %jit3A : i32 to vector<16xi32>
      %select_n3A = arith.select %eq3A_643, %add3A_646, %broadcast_in_dim3A : vector<16xi1>, vector<16xi32>
      %mul3A_647 = arith.constant 16 : i32
      %mul3A_648 = arith.muli %scan3A_621, %mul3A_647 : i32
      %swap3A = arith.index_cast %mul3A_648 : i32 to index
      %swap3A_649 = tpu.vector_load %arg7[%swap3A] {strides = array<i32>} : memref<2048xi32, #tpu.memory_space<vmem>>, vector<16xi32>,
      %swap3A_650 = vector.shape_cast %swap3A_649 : vector<16xi32> to vector<16xi32>
      %swap3A_651 = vector.shape_cast %select_n3A : vector<16xi32> to vector<16xi32>
      tpu.vector_store %arg7[%swap3A], %swap3A_651 {strides = array<i32>} : memref<2048xi32, #tpu.memory_space<vmem>>, vector<16xi32>,
      %mul3A_652 = arith.constant 4 : i32
      %mul3A_653 = arith.muli %arg0, %mul3A_652 : i32
      %add3A_654 = arith.constant 1 : i32
      %add3A_655 = arith.addi %mul3A_653, %add3A_654 : i32
      %eq3A_656 = vector.broadcast %add3A_655 : i32 to vector<16xi32>
      %eq3A_657 = arith.cmpi eq, %shift_right_logical3A_632, %eq3A_656 : vector<16xi32>
      %add3A_658 = arith.constant 524288 : i32
      %add3A_659 = vector.broadcast %add3A_658 : i32 to vector<16xi32>
      %add3A_660 = arith.addi %add3A_659, %add3A_637 : vector<16xi32>
      %jit3A_661 = arith.constant 1056768 : i32
      %broadcast_in_dim3A_662 = vector.broadcast %jit3A_661 : i32 to vector<16xi32>
      %select_n3A_663 = arith.select %eq3A_657, %add3A_660, %broadcast_in_dim3A_662 : vector<16xi1>, vector<16xi32>
      %mul3A_664 = arith.constant 16 : i32
      %mul3A_665 = arith.muli %scan3A_621, %mul3A_664 : i32
      %swap3A_666 = arith.index_cast %mul3A_665 : i32 to index
      %swap3A_667 = tpu.vector_load %arg8[%swap3A_666] {strides = array<i32>} : memref<2048xi32, #tpu.memory_space<vmem>>, vector<16xi32>,
      %swap3A_668 = vector.shape_cast %swap3A_667 : vector<16xi32> to vector<16xi32>
      %swap3A_669 = vector.shape_cast %select_n3A_663 : vector<16xi32> to vector<16xi32>
      tpu.vector_store %arg8[%swap3A_666], %swap3A_669 {strides = array<i32>} : memref<2048xi32, #tpu.memory_space<vmem>>, vector<16xi32>,
      %mul3A_670 = arith.constant 4 : i32
      %mul3A_671 = arith.muli %arg0, %mul3A_670 : i32
      %add3A_672 = arith.constant 2 : i32
      %add3A_673 = arith.addi %mul3A_671, %add3A_672 : i32
      %eq3A_674 = vector.broadcast %add3A_673 : i32 to vector<16xi32>
      %eq3A_675 = arith.cmpi eq, %shift_right_logical3A_632, %eq3A_674 : vector<16xi32>
      %add3A_676 = arith.constant 0 : i32
      %add3A_677 = vector.broadcast %add3A_676 : i32 to vector<16xi32>
      %add3A_678 = arith.addi %add3A_677, %add3A_637 : vector<16xi32>
      %jit3A_679 = arith.constant 1056768 : i32
      %broadcast_in_dim3A_680 = vector.broadcast %jit3A_679 : i32 to vector<16xi32>
      %select_n3A_681 = arith.select %eq3A_675, %add3A_678, %broadcast_in_dim3A_680 : vector<16xi1>, vector<16xi32>
      %mul3A_682 = arith.constant 16 : i32
      %mul3A_683 = arith.muli %scan3A_621, %mul3A_682 : i32
      %swap3A_684 = arith.index_cast %mul3A_683 : i32 to index
      %swap3A_685 = tpu.vector_load %arg9[%swap3A_684] {strides = array<i32>} : memref<2048xi32, #tpu.memory_space<vmem>>, vector<16xi32>,
      %swap3A_686 = vector.shape_cast %swap3A_685 : vector<16xi32> to vector<16xi32>
      %swap3A_687 = vector.shape_cast %select_n3A_681 : vector<16xi32> to vector<16xi32>
      tpu.vector_store %arg9[%swap3A_684], %swap3A_687 {strides = array<i32>} : memref<2048xi32, #tpu.memory_space<vmem>>, vector<16xi32>,
      %mul3A_688 = arith.constant 4 : i32
      %mul3A_689 = arith.muli %arg0, %mul3A_688 : i32
      %add3A_690 = arith.constant 3 : i32
      %add3A_691 = arith.addi %mul3A_689, %add3A_690 : i32
      %eq3A_692 = vector.broadcast %add3A_691 : i32 to vector<16xi32>
      %eq3A_693 = arith.cmpi eq, %shift_right_logical3A_632, %eq3A_692 : vector<16xi32>
      %add3A_694 = arith.constant 524288 : i32
      %add3A_695 = vector.broadcast %add3A_694 : i32 to vector<16xi32>
      %add3A_696 = arith.addi %add3A_695, %add3A_637 : vector<16xi32>
      %jit3A_697 = arith.constant 1056768 : i32
      %broadcast_in_dim3A_698 = vector.broadcast %jit3A_697 : i32 to vector<16xi32>
      %select_n3A_699 = arith.select %eq3A_693, %add3A_696, %broadcast_in_dim3A_698 : vector<16xi1>, vector<16xi32>
      %mul3A_700 = arith.constant 16 : i32
      %mul3A_701 = arith.muli %scan3A_621, %mul3A_700 : i32
      %swap3A_702 = arith.index_cast %mul3A_701 : i32 to index
      %swap3A_703 = tpu.vector_load %arg10[%swap3A_702] {strides = array<i32>} : memref<2048xi32, #tpu.memory_space<vmem>>, vector<16xi32>,
      %swap3A_704 = vector.shape_cast %swap3A_703 : vector<16xi32> to vector<16xi32>
      %swap3A_705 = vector.shape_cast %select_n3A_699 : vector<16xi32> to vector<16xi32>
      tpu.vector_store %arg10[%swap3A_702], %swap3A_705 {strides = array<i32>} : memref<2048xi32, #tpu.memory_space<vmem>>, vector<16xi32>,
      %add3A_706 = arith.constant 1050624 : i32
      %add3A_707 = vector.broadcast %add3A_706 : i32 to vector<16xi32>
      %add3A_708 = arith.addi %add3A_707, %get3A_630 : vector<16xi32>
      %mul3A_709 = arith.constant 16 : i32
      %mul3A_710 = arith.muli %scan3A_621, %mul3A_709 : i32
      %swap3A_711 = arith.index_cast %mul3A_710 : i32 to index
      %swap3A_712 = tpu.vector_load %arg11[%swap3A_711] {strides = array<i32>} : memref<2048xi32, #tpu.memory_space<vmem>>, vector<16xi32>,
      %swap3A_713 = vector.shape_cast %swap3A_712 : vector<16xi32> to vector<16xi32>
      %swap3A_714 = vector.shape_cast %add3A_708 : vector<16xi32> to vector<16xi32>
      tpu.vector_store %arg11[%swap3A_711], %swap3A_714 {strides = array<i32>} : memref<2048xi32, #tpu.memory_space<vmem>>, vector<16xi32>,
    }
    %scan3A_392 = arith.constant 128 : i32
    %eq3A_393 = arith.constant 1 : i32
    %eq3A_394 = arith.cmpi eq, %arg0, %eq3A_393 : i32
    %convert_element_type3A_395 = arith.extui %eq3A_394 : i1 to i32
    %cond3A_396 = arith.constant 0 : i32
    %cond3A_397 = arith.cmpi ne, %convert_element_type3A_395, %cond3A_396 : i32
    scf.if %cond3A_397 {
      "tpu.region"() ({
        %run_scoped3A_621 = tpu.sem_alloc : memref<!tpu.dma_semaphore, #tpu.memory_space<semaphore_mem>>
        %dma_start3A = arith.constant 0 : i32
        %dma_start3A_622 = tpu.memref_slice %arg14[%dma_start3A] : memref<1073152xf32, #tpu.memory_space<vmem_shared>> -> memref<1073152xf32, #tpu.memory_space<vmem_shared>>
        tpu.enqueue_indirect_dma source(%arg12 : memref<2048xf32, #tpu.memory_space<vmem>>) target(%dma_start3A_622 : memref<1073152xf32, #tpu.memory_space<vmem_shared>>) offsets(%arg11 : memref<2048xi32, #tpu.memory_space<vmem>>) semaphore(%run_scoped3A_621 : memref<!tpu.dma_semaphore, #tpu.memory_space<semaphore_mem>>) {add = true}
        %dma_wait3A = arith.constant 0 : i32
        %dma_wait3A_623 = tpu.memref_slice %arg14[%dma_wait3A] : memref<1073152xf32, #tpu.memory_space<vmem_shared>> -> memref<1073152xf32, #tpu.memory_space<vmem_shared>>
        tpu.wait_indirect_dma semaphore(%run_scoped3A_621 : memref<!tpu.dma_semaphore, #tpu.memory_space<semaphore_mem>>) src(%arg12 : memref<2048xf32, #tpu.memory_space<vmem>>) dst(%dma_wait3A_623 : memref<1073152xf32, #tpu.memory_space<vmem_shared>>)
        tpu.yield
      }) : () -> ()
    } else {
    }
    "tpu.region"() ({
      %run_scoped3A_621 = tpu.sem_alloc : memref<!tpu.dma_semaphore, #tpu.memory_space<semaphore_mem>>
      %dma_start3A = arith.constant 0 : i32
      %dma_start3A_622 = tpu.memref_slice %arg14[%dma_start3A] : memref<1073152xf32, #tpu.memory_space<vmem_shared>> -> memref<1073152xf32, #tpu.memory_space<vmem_shared>>
      tpu.enqueue_indirect_dma source(%arg12 : memref<2048xf32, #tpu.memory_space<vmem>>) target(%dma_start3A_622 : memref<1073152xf32, #tpu.memory_space<vmem_shared>>) offsets(%arg7 : memref<2048xi32, #tpu.memory_space<vmem>>) semaphore(%run_scoped3A_621 : memref<!tpu.dma_semaphore, #tpu.memory_space<semaphore_mem>>) {add = true}
      %dma_wait3A = arith.constant 0 : i32
      %dma_wait3A_623 = tpu.memref_slice %arg14[%dma_wait3A] : memref<1073152xf32, #tpu.memory_space<vmem_shared>> -> memref<1073152xf32, #tpu.memory_space<vmem_shared>>
      tpu.wait_indirect_dma semaphore(%run_scoped3A_621 : memref<!tpu.dma_semaphore, #tpu.memory_space<semaphore_mem>>) src(%arg12 : memref<2048xf32, #tpu.memory_space<vmem>>) dst(%dma_wait3A_623 : memref<1073152xf32, #tpu.memory_space<vmem_shared>>)
      tpu.yield
    }) : () -> ()
    %mul3A_398 = arith.constant 32768 : i32
    %mul3A_399 = arith.muli %arg1, %mul3A_398 : i32
    %add3A_400 = arith.constant 524288 : i32
    %add3A_401 = arith.addi %add3A_400, %mul3A_399 : i32
    %mul3A_402 = arith.constant 4 : i32
    %mul3A_403 = arith.muli %arg0, %mul3A_402 : i32
    %add3A_404 = arith.constant 3 : i32
    %add3A_405 = arith.addi %mul3A_403, %add3A_404 : i32
    %run_scoped3A_406 = arith.constant 4 : i32
    "tpu.region"() ({
      %run_scoped3A_621 = tpu.sem_alloc : memref<!tpu.dma_semaphore, #tpu.memory_space<semaphore_mem>>
      %dma_start3A = arith.constant 0 : i32
      %dma_start3A_622 = tpu.memref_slice %arg3[%run_scoped3A_406, %add3A_405, %arg1, %dma_start3A] : memref<8x8x16x32768xf32, #tpu.memory_space<hbm>> -> memref<1x1x1x32768xf32, #tpu.memory_space<hbm>>
      %dma_start3A_623 = tpu.memref_squeeze %dma_start3A_622 : memref<1x1x1x32768xf32, #tpu.memory_space<hbm>> -> memref<32768xf32, #tpu.memory_space<hbm>>
      %dma_start3A_624 = tpu.memref_slice %arg14[%add3A_401] : memref<1073152xf32, #tpu.memory_space<vmem_shared>> -> memref<32768xf32, #tpu.memory_space<vmem_shared>>
      tpu.enqueue_dma source(%dma_start3A_624 : memref<32768xf32, #tpu.memory_space<vmem_shared>>) target(%dma_start3A_623 : memref<32768xf32, #tpu.memory_space<hbm>>) target_semaphore(%run_scoped3A_621 : memref<!tpu.dma_semaphore, #tpu.memory_space<semaphore_mem>>)
      %dma_wait3A = arith.constant 0 : i32
      %dma_wait3A_625 = tpu.memref_slice %arg3[%run_scoped3A_406, %add3A_405, %arg1, %dma_wait3A] : memref<8x8x16x32768xf32, #tpu.memory_space<hbm>> -> memref<1x1x1x32768xf32, #tpu.memory_space<hbm>>
      %dma_wait3A_626 = tpu.memref_squeeze %dma_wait3A_625 : memref<1x1x1x32768xf32, #tpu.memory_space<hbm>> -> memref<32768xf32, #tpu.memory_space<hbm>>
      %dma_wait3A_627 = tpu.memref_slice %arg14[%add3A_401] : memref<1073152xf32, #tpu.memory_space<vmem_shared>> -> memref<32768xf32, #tpu.memory_space<vmem_shared>>
      tpu.wait_dma2 semaphore(%run_scoped3A_621 : memref<!tpu.dma_semaphore, #tpu.memory_space<semaphore_mem>>) src(%dma_wait3A_627 : memref<32768xf32, #tpu.memory_space<vmem_shared>>) dst(%dma_wait3A_626 : memref<32768xf32, #tpu.memory_space<hbm>>)
      tpu.yield
    }) : () -> ()
    %mul3A_407 = arith.constant 32768 : i32
    %mul3A_408 = arith.muli %arg1, %mul3A_407 : i32
    %add3A_409 = arith.constant 524288 : i32
    %add3A_410 = arith.addi %add3A_409, %mul3A_408 : i32
    "tpu.region"() ({
      %run_scoped3A_621 = tpu.sem_alloc : memref<!tpu.dma_semaphore, #tpu.memory_space<semaphore_mem>>
      %dma_start3A = tpu.memref_slice %arg14[%add3A_410] : memref<1073152xf32, #tpu.memory_space<vmem_shared>> -> memref<32768xf32, #tpu.memory_space<vmem_shared>>
      %dma_start3A_622 = tpu.memref_slice %arg14[%add3A_410] : memref<1073152xf32, #tpu.memory_space<vmem_shared>> -> memref<32768xf32, #tpu.memory_space<vmem_shared>>
      tpu.enqueue_dma source(%arg13 : memref<32768xf32, #tpu.memory_space<vmem>>) target(%dma_start3A_622 : memref<32768xf32, #tpu.memory_space<vmem_shared>>) target_semaphore(%run_scoped3A_621 : memref<!tpu.dma_semaphore, #tpu.memory_space<semaphore_mem>>)
      %dma_wait3A = tpu.memref_slice %arg14[%add3A_410] : memref<1073152xf32, #tpu.memory_space<vmem_shared>> -> memref<32768xf32, #tpu.memory_space<vmem_shared>>
      %dma_wait3A_623 = tpu.memref_slice %arg14[%add3A_410] : memref<1073152xf32, #tpu.memory_space<vmem_shared>> -> memref<32768xf32, #tpu.memory_space<vmem_shared>>
      tpu.wait_dma2 semaphore(%run_scoped3A_621 : memref<!tpu.dma_semaphore, #tpu.memory_space<semaphore_mem>>) src(%arg13 : memref<32768xf32, #tpu.memory_space<vmem>>) dst(%dma_wait3A_623 : memref<32768xf32, #tpu.memory_space<vmem_shared>>)
      tpu.yield
    }) : () -> ()
    %barrier3A_411 = arith.constant 0 : index
    tpu.barrier barrier_id(%barrier3A_411)
    "tpu.region"() ({
      %run_scoped3A_621 = tpu.sem_alloc : memref<!tpu.dma_semaphore, #tpu.memory_space<semaphore_mem>>
      %dma_start3A = arith.constant 0 : i32
      %dma_start3A_622 = tpu.memref_slice %arg14[%dma_start3A] : memref<1073152xf32, #tpu.memory_space<vmem_shared>> -> memref<1073152xf32, #tpu.memory_space<vmem_shared>>
      tpu.enqueue_indirect_dma source(%arg12 : memref<2048xf32, #tpu.memory_space<vmem>>) target(%dma_start3A_622 : memref<1073152xf32, #tpu.memory_space<vmem_shared>>) offsets(%arg8 : memref<2048xi32, #tpu.memory_space<vmem>>) semaphore(%run_scoped3A_621 : memref<!tpu.dma_semaphore, #tpu.memory_space<semaphore_mem>>) {add = true}
      %dma_wait3A = arith.constant 0 : i32
      %dma_wait3A_623 = tpu.memref_slice %arg14[%dma_wait3A] : memref<1073152xf32, #tpu.memory_space<vmem_shared>> -> memref<1073152xf32, #tpu.memory_space<vmem_shared>>
      tpu.wait_indirect_dma semaphore(%run_scoped3A_621 : memref<!tpu.dma_semaphore, #tpu.memory_space<semaphore_mem>>) src(%arg12 : memref<2048xf32, #tpu.memory_space<vmem>>) dst(%dma_wait3A_623 : memref<1073152xf32, #tpu.memory_space<vmem_shared>>)
      tpu.yield
    }) : () -> ()
    %mul3A_412 = arith.constant 32768 : i32
    %mul3A_413 = arith.muli %arg1, %mul3A_412 : i32
    %add3A_414 = arith.constant 0 : i32
    %add3A_415 = arith.addi %add3A_414, %mul3A_413 : i32
    %mul3A_416 = arith.constant 4 : i32
    %mul3A_417 = arith.muli %arg0, %mul3A_416 : i32
    %add3A_418 = arith.constant 0 : i32
    %add3A_419 = arith.addi %mul3A_417, %add3A_418 : i32
    %run_scoped3A_420 = arith.constant 5 : i32
    "tpu.region"() ({
      %run_scoped3A_621 = tpu.sem_alloc : memref<!tpu.dma_semaphore, #tpu.memory_space<semaphore_mem>>
      %dma_start3A = arith.constant 0 : i32
      %dma_start3A_622 = tpu.memref_slice %arg3[%run_scoped3A_420, %add3A_419, %arg1, %dma_start3A] : memref<8x8x16x32768xf32, #tpu.memory_space<hbm>> -> memref<1x1x1x32768xf32, #tpu.memory_space<hbm>>
      %dma_start3A_623 = tpu.memref_squeeze %dma_start3A_622 : memref<1x1x1x32768xf32, #tpu.memory_space<hbm>> -> memref<32768xf32, #tpu.memory_space<hbm>>
      %dma_start3A_624 = tpu.memref_slice %arg14[%add3A_415] : memref<1073152xf32, #tpu.memory_space<vmem_shared>> -> memref<32768xf32, #tpu.memory_space<vmem_shared>>
      tpu.enqueue_dma source(%dma_start3A_624 : memref<32768xf32, #tpu.memory_space<vmem_shared>>) target(%dma_start3A_623 : memref<32768xf32, #tpu.memory_space<hbm>>) target_semaphore(%run_scoped3A_621 : memref<!tpu.dma_semaphore, #tpu.memory_space<semaphore_mem>>)
      %dma_wait3A = arith.constant 0 : i32
      %dma_wait3A_625 = tpu.memref_slice %arg3[%run_scoped3A_420, %add3A_419, %arg1, %dma_wait3A] : memref<8x8x16x32768xf32, #tpu.memory_space<hbm>> -> memref<1x1x1x32768xf32, #tpu.memory_space<hbm>>
      %dma_wait3A_626 = tpu.memref_squeeze %dma_wait3A_625 : memref<1x1x1x32768xf32, #tpu.memory_space<hbm>> -> memref<32768xf32, #tpu.memory_space<hbm>>
      %dma_wait3A_627 = tpu.memref_slice %arg14[%add3A_415] : memref<1073152xf32, #tpu.memory_space<vmem_shared>> -> memref<32768xf32, #tpu.memory_space<vmem_shared>>
      tpu.wait_dma2 semaphore(%run_scoped3A_621 : memref<!tpu.dma_semaphore, #tpu.memory_space<semaphore_mem>>) src(%dma_wait3A_627 : memref<32768xf32, #tpu.memory_space<vmem_shared>>) dst(%dma_wait3A_626 : memref<32768xf32, #tpu.memory_space<hbm>>)
      tpu.yield
    }) : () -> ()
    %mul3A_421 = arith.constant 32768 : i32
    %mul3A_422 = arith.muli %arg1, %mul3A_421 : i32
    %add3A_423 = arith.constant 0 : i32
    %add3A_424 = arith.addi %add3A_423, %mul3A_422 : i32
    "tpu.region"() ({
      %run_scoped3A_621 = tpu.sem_alloc : memref<!tpu.dma_semaphore, #tpu.memory_space<semaphore_mem>>
      %dma_start3A = tpu.memref_slice %arg14[%add3A_424] : memref<1073152xf32, #tpu.memory_space<vmem_shared>> -> memref<32768xf32, #tpu.memory_space<vmem_shared>>
      %dma_start3A_622 = tpu.memref_slice %arg14[%add3A_424] : memref<1073152xf32, #tpu.memory_space<vmem_shared>> -> memref<32768xf32, #tpu.memory_space<vmem_shared>>
      tpu.enqueue_dma source(%arg13 : memref<32768xf32, #tpu.memory_space<vmem>>) target(%dma_start3A_622 : memref<32768xf32, #tpu.memory_space<vmem_shared>>) target_semaphore(%run_scoped3A_621 : memref<!tpu.dma_semaphore, #tpu.memory_space<semaphore_mem>>)
      %dma_wait3A = tpu.memref_slice %arg14[%add3A_424] : memref<1073152xf32, #tpu.memory_space<vmem_shared>> -> memref<32768xf32, #tpu.memory_space<vmem_shared>>
      %dma_wait3A_623 = tpu.memref_slice %arg14[%add3A_424] : memref<1073152xf32, #tpu.memory_space<vmem_shared>> -> memref<32768xf32, #tpu.memory_space<vmem_shared>>
      tpu.wait_dma2 semaphore(%run_scoped3A_621 : memref<!tpu.dma_semaphore, #tpu.memory_space<semaphore_mem>>) src(%arg13 : memref<32768xf32, #tpu.memory_space<vmem>>) dst(%dma_wait3A_623 : memref<32768xf32, #tpu.memory_space<vmem_shared>>)
      tpu.yield
    }) : () -> ()
    %barrier3A_425 = arith.constant 0 : index
    tpu.barrier barrier_id(%barrier3A_425)
    "tpu.region"() ({
      %run_scoped3A_621 = tpu.sem_alloc : memref<!tpu.dma_semaphore, #tpu.memory_space<semaphore_mem>>
      %dma_start3A = arith.constant 0 : i32
      %dma_start3A_622 = tpu.memref_slice %arg14[%dma_start3A] : memref<1073152xf32, #tpu.memory_space<vmem_shared>> -> memref<1073152xf32, #tpu.memory_space<vmem_shared>>
      tpu.enqueue_indirect_dma source(%arg12 : memref<2048xf32, #tpu.memory_space<vmem>>) target(%dma_start3A_622 : memref<1073152xf32, #tpu.memory_space<vmem_shared>>) offsets(%arg9 : memref<2048xi32, #tpu.memory_space<vmem>>) semaphore(%run_scoped3A_621 : memref<!tpu.dma_semaphore, #tpu.memory_space<semaphore_mem>>) {add = true}
      %dma_wait3A = arith.constant 0 : i32
      %dma_wait3A_623 = tpu.memref_slice %arg14[%dma_wait3A] : memref<1073152xf32, #tpu.memory_space<vmem_shared>> -> memref<1073152xf32, #tpu.memory_space<vmem_shared>>
      tpu.wait_indirect_dma semaphore(%run_scoped3A_621 : memref<!tpu.dma_semaphore, #tpu.memory_space<semaphore_mem>>) src(%arg12 : memref<2048xf32, #tpu.memory_space<vmem>>) dst(%dma_wait3A_623 : memref<1073152xf32, #tpu.memory_space<vmem_shared>>)
      tpu.yield
    }) : () -> ()
    %mul3A_426 = arith.constant 32768 : i32
    %mul3A_427 = arith.muli %arg1, %mul3A_426 : i32
    %add3A_428 = arith.constant 524288 : i32
    %add3A_429 = arith.addi %add3A_428, %mul3A_427 : i32
    %mul3A_430 = arith.constant 4 : i32
    %mul3A_431 = arith.muli %arg0, %mul3A_430 : i32
    %add3A_432 = arith.constant 1 : i32
    %add3A_433 = arith.addi %mul3A_431, %add3A_432 : i32
    %run_scoped3A_434 = arith.constant 5 : i32
    "tpu.region"() ({
      %run_scoped3A_621 = tpu.sem_alloc : memref<!tpu.dma_semaphore, #tpu.memory_space<semaphore_mem>>
      %dma_start3A = arith.constant 0 : i32
      %dma_start3A_622 = tpu.memref_slice %arg3[%run_scoped3A_434, %add3A_433, %arg1, %dma_start3A] : memref<8x8x16x32768xf32, #tpu.memory_space<hbm>> -> memref<1x1x1x32768xf32, #tpu.memory_space<hbm>>
      %dma_start3A_623 = tpu.memref_squeeze %dma_start3A_622 : memref<1x1x1x32768xf32, #tpu.memory_space<hbm>> -> memref<32768xf32, #tpu.memory_space<hbm>>
      %dma_start3A_624 = tpu.memref_slice %arg14[%add3A_429] : memref<1073152xf32, #tpu.memory_space<vmem_shared>> -> memref<32768xf32, #tpu.memory_space<vmem_shared>>
      tpu.enqueue_dma source(%dma_start3A_624 : memref<32768xf32, #tpu.memory_space<vmem_shared>>) target(%dma_start3A_623 : memref<32768xf32, #tpu.memory_space<hbm>>) target_semaphore(%run_scoped3A_621 : memref<!tpu.dma_semaphore, #tpu.memory_space<semaphore_mem>>)
      %dma_wait3A = arith.constant 0 : i32
      %dma_wait3A_625 = tpu.memref_slice %arg3[%run_scoped3A_434, %add3A_433, %arg1, %dma_wait3A] : memref<8x8x16x32768xf32, #tpu.memory_space<hbm>> -> memref<1x1x1x32768xf32, #tpu.memory_space<hbm>>
      %dma_wait3A_626 = tpu.memref_squeeze %dma_wait3A_625 : memref<1x1x1x32768xf32, #tpu.memory_space<hbm>> -> memref<32768xf32, #tpu.memory_space<hbm>>
      %dma_wait3A_627 = tpu.memref_slice %arg14[%add3A_429] : memref<1073152xf32, #tpu.memory_space<vmem_shared>> -> memref<32768xf32, #tpu.memory_space<vmem_shared>>
      tpu.wait_dma2 semaphore(%run_scoped3A_621 : memref<!tpu.dma_semaphore, #tpu.memory_space<semaphore_mem>>) src(%dma_wait3A_627 : memref<32768xf32, #tpu.memory_space<vmem_shared>>) dst(%dma_wait3A_626 : memref<32768xf32, #tpu.memory_space<hbm>>)
      tpu.yield
    }) : () -> ()
    %mul3A_435 = arith.constant 32768 : i32
    %mul3A_436 = arith.muli %arg1, %mul3A_435 : i32
    %add3A_437 = arith.constant 524288 : i32
    %add3A_438 = arith.addi %add3A_437, %mul3A_436 : i32
    "tpu.region"() ({
      %run_scoped3A_621 = tpu.sem_alloc : memref<!tpu.dma_semaphore, #tpu.memory_space<semaphore_mem>>
      %dma_start3A = tpu.memref_slice %arg14[%add3A_438] : memref<1073152xf32, #tpu.memory_space<vmem_shared>> -> memref<32768xf32, #tpu.memory_space<vmem_shared>>
      %dma_start3A_622 = tpu.memref_slice %arg14[%add3A_438] : memref<1073152xf32, #tpu.memory_space<vmem_shared>> -> memref<32768xf32, #tpu.memory_space<vmem_shared>>
      tpu.enqueue_dma source(%arg13 : memref<32768xf32, #tpu.memory_space<vmem>>) target(%dma_start3A_622 : memref<32768xf32, #tpu.memory_space<vmem_shared>>) target_semaphore(%run_scoped3A_621 : memref<!tpu.dma_semaphore, #tpu.memory_space<semaphore_mem>>)
      %dma_wait3A = tpu.memref_slice %arg14[%add3A_438] : memref<1073152xf32, #tpu.memory_space<vmem_shared>> -> memref<32768xf32, #tpu.memory_space<vmem_shared>>
      %dma_wait3A_623 = tpu.memref_slice %arg14[%add3A_438] : memref<1073152xf32, #tpu.memory_space<vmem_shared>> -> memref<32768xf32, #tpu.memory_space<vmem_shared>>
      tpu.wait_dma2 semaphore(%run_scoped3A_621 : memref<!tpu.dma_semaphore, #tpu.memory_space<semaphore_mem>>) src(%arg13 : memref<32768xf32, #tpu.memory_space<vmem>>) dst(%dma_wait3A_623 : memref<32768xf32, #tpu.memory_space<vmem_shared>>)
      tpu.yield
    }) : () -> ()
    %barrier3A_439 = arith.constant 0 : index
    tpu.barrier barrier_id(%barrier3A_439)
    "tpu.region"() ({
      %run_scoped3A_621 = tpu.sem_alloc : memref<!tpu.dma_semaphore, #tpu.memory_space<semaphore_mem>>
      %dma_start3A = arith.constant 0 : i32
      %dma_start3A_622 = tpu.memref_slice %arg14[%dma_start3A] : memref<1073152xf32, #tpu.memory_space<vmem_shared>> -> memref<1073152xf32, #tpu.memory_space<vmem_shared>>
      tpu.enqueue_indirect_dma source(%arg12 : memref<2048xf32, #tpu.memory_space<vmem>>) target(%dma_start3A_622 : memref<1073152xf32, #tpu.memory_space<vmem_shared>>) offsets(%arg10 : memref<2048xi32, #tpu.memory_space<vmem>>) semaphore(%run_scoped3A_621 : memref<!tpu.dma_semaphore, #tpu.memory_space<semaphore_mem>>) {add = true}
      %dma_wait3A = arith.constant 0 : i32
      %dma_wait3A_623 = tpu.memref_slice %arg14[%dma_wait3A] : memref<1073152xf32, #tpu.memory_space<vmem_shared>> -> memref<1073152xf32, #tpu.memory_space<vmem_shared>>
      tpu.wait_indirect_dma semaphore(%run_scoped3A_621 : memref<!tpu.dma_semaphore, #tpu.memory_space<semaphore_mem>>) src(%arg12 : memref<2048xf32, #tpu.memory_space<vmem>>) dst(%dma_wait3A_623 : memref<1073152xf32, #tpu.memory_space<vmem_shared>>)
      tpu.yield
    }) : () -> ()
    %mul3A_440 = arith.constant 32768 : i32
    %mul3A_441 = arith.muli %arg1, %mul3A_440 : i32
    %add3A_442 = arith.constant 0 : i32
    %add3A_443 = arith.addi %add3A_442, %mul3A_441 : i32
    %mul3A_444 = arith.constant 4 : i32
    %mul3A_445 = arith.muli %arg0, %mul3A_444 : i32
    %add3A_446 = arith.constant 2 : i32
    %add3A_447 = arith.addi %mul3A_445, %add3A_446 : i32
    %run_scoped3A_448 = arith.constant 5 : i32
    "tpu.region"() ({
      %run_scoped3A_621 = tpu.sem_alloc : memref<!tpu.dma_semaphore, #tpu.memory_space<semaphore_mem>>
      %dma_start3A = arith.constant 0 : i32
      %dma_start3A_622 = tpu.memref_slice %arg3[%run_scoped3A_448, %add3A_447, %arg1, %dma_start3A] : memref<8x8x16x32768xf32, #tpu.memory_space<hbm>> -> memref<1x1x1x32768xf32, #tpu.memory_space<hbm>>
      %dma_start3A_623 = tpu.memref_squeeze %dma_start3A_622 : memref<1x1x1x32768xf32, #tpu.memory_space<hbm>> -> memref<32768xf32, #tpu.memory_space<hbm>>
      %dma_start3A_624 = tpu.memref_slice %arg14[%add3A_443] : memref<1073152xf32, #tpu.memory_space<vmem_shared>> -> memref<32768xf32, #tpu.memory_space<vmem_shared>>
      tpu.enqueue_dma source(%dma_start3A_624 : memref<32768xf32, #tpu.memory_space<vmem_shared>>) target(%dma_start3A_623 : memref<32768xf32, #tpu.memory_space<hbm>>) target_semaphore(%run_scoped3A_621 : memref<!tpu.dma_semaphore, #tpu.memory_space<semaphore_mem>>)
      %dma_wait3A = arith.constant 0 : i32
      %dma_wait3A_625 = tpu.memref_slice %arg3[%run_scoped3A_448, %add3A_447, %arg1, %dma_wait3A] : memref<8x8x16x32768xf32, #tpu.memory_space<hbm>> -> memref<1x1x1x32768xf32, #tpu.memory_space<hbm>>
      %dma_wait3A_626 = tpu.memref_squeeze %dma_wait3A_625 : memref<1x1x1x32768xf32, #tpu.memory_space<hbm>> -> memref<32768xf32, #tpu.memory_space<hbm>>
      %dma_wait3A_627 = tpu.memref_slice %arg14[%add3A_443] : memref<1073152xf32, #tpu.memory_space<vmem_shared>> -> memref<32768xf32, #tpu.memory_space<vmem_shared>>
      tpu.wait_dma2 semaphore(%run_scoped3A_621 : memref<!tpu.dma_semaphore, #tpu.memory_space<semaphore_mem>>) src(%dma_wait3A_627 : memref<32768xf32, #tpu.memory_space<vmem_shared>>) dst(%dma_wait3A_626 : memref<32768xf32, #tpu.memory_space<hbm>>)
      tpu.yield
    }) : () -> ()
    %mul3A_449 = arith.constant 32768 : i32
    %mul3A_450 = arith.muli %arg1, %mul3A_449 : i32
    %add3A_451 = arith.constant 0 : i32
    %add3A_452 = arith.addi %add3A_451, %mul3A_450 : i32
    "tpu.region"() ({
      %run_scoped3A_621 = tpu.sem_alloc : memref<!tpu.dma_semaphore, #tpu.memory_space<semaphore_mem>>
      %dma_start3A = tpu.memref_slice %arg14[%add3A_452] : memref<1073152xf32, #tpu.memory_space<vmem_shared>> -> memref<32768xf32, #tpu.memory_space<vmem_shared>>
      %dma_start3A_622 = tpu.memref_slice %arg14[%add3A_452] : memref<1073152xf32, #tpu.memory_space<vmem_shared>> -> memref<32768xf32, #tpu.memory_space<vmem_shared>>
      tpu.enqueue_dma source(%arg13 : memref<32768xf32, #tpu.memory_space<vmem>>) target(%dma_start3A_622 : memref<32768xf32, #tpu.memory_space<vmem_shared>>) target_semaphore(%run_scoped3A_621 : memref<!tpu.dma_semaphore, #tpu.memory_space<semaphore_mem>>)
      %dma_wait3A = tpu.memref_slice %arg14[%add3A_452] : memref<1073152xf32, #tpu.memory_space<vmem_shared>> -> memref<32768xf32, #tpu.memory_space<vmem_shared>>
      %dma_wait3A_623 = tpu.memref_slice %arg14[%add3A_452] : memref<1073152xf32, #tpu.memory_space<vmem_shared>> -> memref<32768xf32, #tpu.memory_space<vmem_shared>>
      tpu.wait_dma2 semaphore(%run_scoped3A_621 : memref<!tpu.dma_semaphore, #tpu.memory_space<semaphore_mem>>) src(%arg13 : memref<32768xf32, #tpu.memory_space<vmem>>) dst(%dma_wait3A_623 : memref<32768xf32, #tpu.memory_space<vmem_shared>>)
      tpu.yield
    }) : () -> ()
    %barrier3A_453 = arith.constant 0 : index
    tpu.barrier barrier_id(%barrier3A_453)
    %mul3A_454 = arith.constant 2048 : i32
    %mul3A_455 = arith.muli %arg1, %mul3A_454 : i32
    %run_scoped3A_456 = arith.constant 6 : i32
    %run_scoped3A_457 = arith.constant 0 : i32
    "tpu.region"() ({
      %run_scoped3A_621 = tpu.sem_alloc : memref<!tpu.dma_semaphore, #tpu.memory_space<semaphore_mem>>
      %dma_start3A = tpu.memref_slice %arg2[%run_scoped3A_456, %run_scoped3A_457, %mul3A_455] : memref<8x2x32768xi32, #tpu.memory_space<hbm>> -> memref<1x1x2048xi32, #tpu.memory_space<hbm>>
      %dma_start3A_622 = tpu.memref_squeeze %dma_start3A : memref<1x1x2048xi32, #tpu.memory_space<hbm>> -> memref<2048xi32, #tpu.memory_space<hbm>>
      %dma_start3A_623 = tpu.memref_slice %arg2[%run_scoped3A_456, %run_scoped3A_457, %mul3A_455] : memref<8x2x32768xi32, #tpu.memory_space<hbm>> -> memref<1x1x2048xi32, #tpu.memory_space<hbm>>
      %dma_start3A_624 = tpu.memref_squeeze %dma_start3A_623 : memref<1x1x2048xi32, #tpu.memory_space<hbm>> -> memref<2048xi32, #tpu.memory_space<hbm>>
      tpu.enqueue_dma source(%dma_start3A_624 : memref<2048xi32, #tpu.memory_space<hbm>>) target(%arg5 : memref<2048xi32, #tpu.memory_space<vmem>>) target_semaphore(%run_scoped3A_621 : memref<!tpu.dma_semaphore, #tpu.memory_space<semaphore_mem>>)
      %dma_wait3A = tpu.memref_slice %arg2[%run_scoped3A_456, %run_scoped3A_457, %mul3A_455] : memref<8x2x32768xi32, #tpu.memory_space<hbm>> -> memref<1x1x2048xi32, #tpu.memory_space<hbm>>
      %dma_wait3A_625 = tpu.memref_squeeze %dma_wait3A : memref<1x1x2048xi32, #tpu.memory_space<hbm>> -> memref<2048xi32, #tpu.memory_space<hbm>>
      %dma_wait3A_626 = tpu.memref_slice %arg2[%run_scoped3A_456, %run_scoped3A_457, %mul3A_455] : memref<8x2x32768xi32, #tpu.memory_space<hbm>> -> memref<1x1x2048xi32, #tpu.memory_space<hbm>>
      %dma_wait3A_627 = tpu.memref_squeeze %dma_wait3A_626 : memref<1x1x2048xi32, #tpu.memory_space<hbm>> -> memref<2048xi32, #tpu.memory_space<hbm>>
      tpu.wait_dma2 semaphore(%run_scoped3A_621 : memref<!tpu.dma_semaphore, #tpu.memory_space<semaphore_mem>>) src(%dma_wait3A_627 : memref<2048xi32, #tpu.memory_space<hbm>>) dst(%arg5 : memref<2048xi32, #tpu.memory_space<vmem>>)
      tpu.yield
    }) : () -> ()
    %mul3A_458 = arith.constant 2048 : i32
    %mul3A_459 = arith.muli %arg1, %mul3A_458 : i32
    %run_scoped3A_460 = arith.constant 6 : i32
    %run_scoped3A_461 = arith.constant 1 : i32
    "tpu.region"() ({
      %run_scoped3A_621 = tpu.sem_alloc : memref<!tpu.dma_semaphore, #tpu.memory_space<semaphore_mem>>
      %dma_start3A = tpu.memref_slice %arg2[%run_scoped3A_460, %run_scoped3A_461, %mul3A_459] : memref<8x2x32768xi32, #tpu.memory_space<hbm>> -> memref<1x1x2048xi32, #tpu.memory_space<hbm>>
      %dma_start3A_622 = tpu.memref_squeeze %dma_start3A : memref<1x1x2048xi32, #tpu.memory_space<hbm>> -> memref<2048xi32, #tpu.memory_space<hbm>>
      %dma_start3A_623 = tpu.memref_slice %arg2[%run_scoped3A_460, %run_scoped3A_461, %mul3A_459] : memref<8x2x32768xi32, #tpu.memory_space<hbm>> -> memref<1x1x2048xi32, #tpu.memory_space<hbm>>
      %dma_start3A_624 = tpu.memref_squeeze %dma_start3A_623 : memref<1x1x2048xi32, #tpu.memory_space<hbm>> -> memref<2048xi32, #tpu.memory_space<hbm>>
      tpu.enqueue_dma source(%dma_start3A_624 : memref<2048xi32, #tpu.memory_space<hbm>>) target(%arg6 : memref<2048xi32, #tpu.memory_space<vmem>>) target_semaphore(%run_scoped3A_621 : memref<!tpu.dma_semaphore, #tpu.memory_space<semaphore_mem>>)
      %dma_wait3A = tpu.memref_slice %arg2[%run_scoped3A_460, %run_scoped3A_461, %mul3A_459] : memref<8x2x32768xi32, #tpu.memory_space<hbm>> -> memref<1x1x2048xi32, #tpu.memory_space<hbm>>
      %dma_wait3A_625 = tpu.memref_squeeze %dma_wait3A : memref<1x1x2048xi32, #tpu.memory_space<hbm>> -> memref<2048xi32, #tpu.memory_space<hbm>>
      %dma_wait3A_626 = tpu.memref_slice %arg2[%run_scoped3A_460, %run_scoped3A_461, %mul3A_459] : memref<8x2x32768xi32, #tpu.memory_space<hbm>> -> memref<1x1x2048xi32, #tpu.memory_space<hbm>>
      %dma_wait3A_627 = tpu.memref_squeeze %dma_wait3A_626 : memref<1x1x2048xi32, #tpu.memory_space<hbm>> -> memref<2048xi32, #tpu.memory_space<hbm>>
      tpu.wait_dma2 semaphore(%run_scoped3A_621 : memref<!tpu.dma_semaphore, #tpu.memory_space<semaphore_mem>>) src(%dma_wait3A_627 : memref<2048xi32, #tpu.memory_space<hbm>>) dst(%arg6 : memref<2048xi32, #tpu.memory_space<vmem>>)
      tpu.yield
    }) : () -> ()
    %scan3A_462 = arith.constant 0 : i32
    %scan3A_463 = arith.constant 0 : i32
    %scan3A_464 = arith.constant 128 : i32
    %scan3A_465 = arith.addi %scan3A_463, %scan3A_464 : i32
    %scan3A_466 = arith.constant 1 : i32
    scf.for %scan3A_621 = %scan3A_463 to %scan3A_465 step %scan3A_466  : i32 {
      %mul3A_622 = arith.constant 16 : i32
      %mul3A_623 = arith.muli %scan3A_621, %mul3A_622 : i32
      %get3A = arith.index_cast %mul3A_623 : i32 to index
      %get3A_624 = tpu.vector_load %arg5[%get3A] {strides = array<i32>} : memref<2048xi32, #tpu.memory_space<vmem>>, vector<16xi32>,
      %get3A_625 = vector.shape_cast %get3A_624 : vector<16xi32> to vector<16xi32>
      %mul3A_626 = arith.constant 16 : i32
      %mul3A_627 = arith.muli %scan3A_621, %mul3A_626 : i32
      %get3A_628 = arith.index_cast %mul3A_627 : i32 to index
      %get3A_629 = tpu.vector_load %arg6[%get3A_628] {strides = array<i32>} : memref<2048xi32, #tpu.memory_space<vmem>>, vector<16xi32>,
      %get3A_630 = vector.shape_cast %get3A_629 : vector<16xi32> to vector<16xi32>
      %shift_right_logical3A = arith.constant 8 : i32
      %shift_right_logical3A_631 = vector.broadcast %shift_right_logical3A : i32 to vector<16xi32>
      %shift_right_logical3A_632 = arith.shrui %get3A_630, %shift_right_logical3A_631 : vector<16xi32>
      %and3A = arith.constant 255 : i32
      %and3A_633 = vector.broadcast %and3A : i32 to vector<16xi32>
      %and3A_634 = arith.andi %get3A_630, %and3A_633 : vector<16xi32>
      %shift_left3A = arith.constant 11 : i32
      %shift_left3A_635 = vector.broadcast %shift_left3A : i32 to vector<16xi32>
      %shift_left3A_636 = arith.shli %and3A_634, %shift_left3A_635 : vector<16xi32>
      %add3A_637 = arith.addi %shift_left3A_636, %get3A_625 : vector<16xi32>
      %mul3A_638 = arith.constant 4 : i32
      %mul3A_639 = arith.muli %arg0, %mul3A_638 : i32
      %add3A_640 = arith.constant 0 : i32
      %add3A_641 = arith.addi %mul3A_639, %add3A_640 : i32
      %eq3A_642 = vector.broadcast %add3A_641 : i32 to vector<16xi32>
      %eq3A_643 = arith.cmpi eq, %shift_right_logical3A_632, %eq3A_642 : vector<16xi32>
      %add3A_644 = arith.constant 0 : i32
      %add3A_645 = vector.broadcast %add3A_644 : i32 to vector<16xi32>
      %add3A_646 = arith.addi %add3A_645, %add3A_637 : vector<16xi32>
      %jit3A = arith.constant 1056768 : i32
      %broadcast_in_dim3A = vector.broadcast %jit3A : i32 to vector<16xi32>
      %select_n3A = arith.select %eq3A_643, %add3A_646, %broadcast_in_dim3A : vector<16xi1>, vector<16xi32>
      %mul3A_647 = arith.constant 16 : i32
      %mul3A_648 = arith.muli %scan3A_621, %mul3A_647 : i32
      %swap3A = arith.index_cast %mul3A_648 : i32 to index
      %swap3A_649 = tpu.vector_load %arg7[%swap3A] {strides = array<i32>} : memref<2048xi32, #tpu.memory_space<vmem>>, vector<16xi32>,
      %swap3A_650 = vector.shape_cast %swap3A_649 : vector<16xi32> to vector<16xi32>
      %swap3A_651 = vector.shape_cast %select_n3A : vector<16xi32> to vector<16xi32>
      tpu.vector_store %arg7[%swap3A], %swap3A_651 {strides = array<i32>} : memref<2048xi32, #tpu.memory_space<vmem>>, vector<16xi32>,
      %mul3A_652 = arith.constant 4 : i32
      %mul3A_653 = arith.muli %arg0, %mul3A_652 : i32
      %add3A_654 = arith.constant 1 : i32
      %add3A_655 = arith.addi %mul3A_653, %add3A_654 : i32
      %eq3A_656 = vector.broadcast %add3A_655 : i32 to vector<16xi32>
      %eq3A_657 = arith.cmpi eq, %shift_right_logical3A_632, %eq3A_656 : vector<16xi32>
      %add3A_658 = arith.constant 524288 : i32
      %add3A_659 = vector.broadcast %add3A_658 : i32 to vector<16xi32>
      %add3A_660 = arith.addi %add3A_659, %add3A_637 : vector<16xi32>
      %jit3A_661 = arith.constant 1056768 : i32
      %broadcast_in_dim3A_662 = vector.broadcast %jit3A_661 : i32 to vector<16xi32>
      %select_n3A_663 = arith.select %eq3A_657, %add3A_660, %broadcast_in_dim3A_662 : vector<16xi1>, vector<16xi32>
      %mul3A_664 = arith.constant 16 : i32
      %mul3A_665 = arith.muli %scan3A_621, %mul3A_664 : i32
      %swap3A_666 = arith.index_cast %mul3A_665 : i32 to index
      %swap3A_667 = tpu.vector_load %arg8[%swap3A_666] {strides = array<i32>} : memref<2048xi32, #tpu.memory_space<vmem>>, vector<16xi32>,
      %swap3A_668 = vector.shape_cast %swap3A_667 : vector<16xi32> to vector<16xi32>
      %swap3A_669 = vector.shape_cast %select_n3A_663 : vector<16xi32> to vector<16xi32>
      tpu.vector_store %arg8[%swap3A_666], %swap3A_669 {strides = array<i32>} : memref<2048xi32, #tpu.memory_space<vmem>>, vector<16xi32>,
      %mul3A_670 = arith.constant 4 : i32
      %mul3A_671 = arith.muli %arg0, %mul3A_670 : i32
      %add3A_672 = arith.constant 2 : i32
      %add3A_673 = arith.addi %mul3A_671, %add3A_672 : i32
      %eq3A_674 = vector.broadcast %add3A_673 : i32 to vector<16xi32>
      %eq3A_675 = arith.cmpi eq, %shift_right_logical3A_632, %eq3A_674 : vector<16xi32>
      %add3A_676 = arith.constant 0 : i32
      %add3A_677 = vector.broadcast %add3A_676 : i32 to vector<16xi32>
      %add3A_678 = arith.addi %add3A_677, %add3A_637 : vector<16xi32>
      %jit3A_679 = arith.constant 1056768 : i32
      %broadcast_in_dim3A_680 = vector.broadcast %jit3A_679 : i32 to vector<16xi32>
      %select_n3A_681 = arith.select %eq3A_675, %add3A_678, %broadcast_in_dim3A_680 : vector<16xi1>, vector<16xi32>
      %mul3A_682 = arith.constant 16 : i32
      %mul3A_683 = arith.muli %scan3A_621, %mul3A_682 : i32
      %swap3A_684 = arith.index_cast %mul3A_683 : i32 to index
      %swap3A_685 = tpu.vector_load %arg9[%swap3A_684] {strides = array<i32>} : memref<2048xi32, #tpu.memory_space<vmem>>, vector<16xi32>,
      %swap3A_686 = vector.shape_cast %swap3A_685 : vector<16xi32> to vector<16xi32>
      %swap3A_687 = vector.shape_cast %select_n3A_681 : vector<16xi32> to vector<16xi32>
      tpu.vector_store %arg9[%swap3A_684], %swap3A_687 {strides = array<i32>} : memref<2048xi32, #tpu.memory_space<vmem>>, vector<16xi32>,
      %mul3A_688 = arith.constant 4 : i32
      %mul3A_689 = arith.muli %arg0, %mul3A_688 : i32
      %add3A_690 = arith.constant 3 : i32
      %add3A_691 = arith.addi %mul3A_689, %add3A_690 : i32
      %eq3A_692 = vector.broadcast %add3A_691 : i32 to vector<16xi32>
      %eq3A_693 = arith.cmpi eq, %shift_right_logical3A_632, %eq3A_692 : vector<16xi32>
      %add3A_694 = arith.constant 524288 : i32
      %add3A_695 = vector.broadcast %add3A_694 : i32 to vector<16xi32>
      %add3A_696 = arith.addi %add3A_695, %add3A_637 : vector<16xi32>
      %jit3A_697 = arith.constant 1056768 : i32
      %broadcast_in_dim3A_698 = vector.broadcast %jit3A_697 : i32 to vector<16xi32>
      %select_n3A_699 = arith.select %eq3A_693, %add3A_696, %broadcast_in_dim3A_698 : vector<16xi1>, vector<16xi32>
      %mul3A_700 = arith.constant 16 : i32
      %mul3A_701 = arith.muli %scan3A_621, %mul3A_700 : i32
      %swap3A_702 = arith.index_cast %mul3A_701 : i32 to index
      %swap3A_703 = tpu.vector_load %arg10[%swap3A_702] {strides = array<i32>} : memref<2048xi32, #tpu.memory_space<vmem>>, vector<16xi32>,
      %swap3A_704 = vector.shape_cast %swap3A_703 : vector<16xi32> to vector<16xi32>
      %swap3A_705 = vector.shape_cast %select_n3A_699 : vector<16xi32> to vector<16xi32>
      tpu.vector_store %arg10[%swap3A_702], %swap3A_705 {strides = array<i32>} : memref<2048xi32, #tpu.memory_space<vmem>>, vector<16xi32>,
      %add3A_706 = arith.constant 1052672 : i32
      %add3A_707 = vector.broadcast %add3A_706 : i32 to vector<16xi32>
      %add3A_708 = arith.addi %add3A_707, %get3A_630 : vector<16xi32>
      %mul3A_709 = arith.constant 16 : i32
      %mul3A_710 = arith.muli %scan3A_621, %mul3A_709 : i32
      %swap3A_711 = arith.index_cast %mul3A_710 : i32 to index
      %swap3A_712 = tpu.vector_load %arg11[%swap3A_711] {strides = array<i32>} : memref<2048xi32, #tpu.memory_space<vmem>>, vector<16xi32>,
      %swap3A_713 = vector.shape_cast %swap3A_712 : vector<16xi32> to vector<16xi32>
      %swap3A_714 = vector.shape_cast %add3A_708 : vector<16xi32> to vector<16xi32>
      tpu.vector_store %arg11[%swap3A_711], %swap3A_714 {strides = array<i32>} : memref<2048xi32, #tpu.memory_space<vmem>>, vector<16xi32>,
    }
    %scan3A_467 = arith.constant 128 : i32
    %eq3A_468 = arith.constant 1 : i32
    %eq3A_469 = arith.cmpi eq, %arg0, %eq3A_468 : i32
    %convert_element_type3A_470 = arith.extui %eq3A_469 : i1 to i32
    %cond3A_471 = arith.constant 0 : i32
    %cond3A_472 = arith.cmpi ne, %convert_element_type3A_470, %cond3A_471 : i32
    scf.if %cond3A_472 {
      "tpu.region"() ({
        %run_scoped3A_621 = tpu.sem_alloc : memref<!tpu.dma_semaphore, #tpu.memory_space<semaphore_mem>>
        %dma_start3A = arith.constant 0 : i32
        %dma_start3A_622 = tpu.memref_slice %arg14[%dma_start3A] : memref<1073152xf32, #tpu.memory_space<vmem_shared>> -> memref<1073152xf32, #tpu.memory_space<vmem_shared>>
        tpu.enqueue_indirect_dma source(%arg12 : memref<2048xf32, #tpu.memory_space<vmem>>) target(%dma_start3A_622 : memref<1073152xf32, #tpu.memory_space<vmem_shared>>) offsets(%arg11 : memref<2048xi32, #tpu.memory_space<vmem>>) semaphore(%run_scoped3A_621 : memref<!tpu.dma_semaphore, #tpu.memory_space<semaphore_mem>>) {add = true}
        %dma_wait3A = arith.constant 0 : i32
        %dma_wait3A_623 = tpu.memref_slice %arg14[%dma_wait3A] : memref<1073152xf32, #tpu.memory_space<vmem_shared>> -> memref<1073152xf32, #tpu.memory_space<vmem_shared>>
        tpu.wait_indirect_dma semaphore(%run_scoped3A_621 : memref<!tpu.dma_semaphore, #tpu.memory_space<semaphore_mem>>) src(%arg12 : memref<2048xf32, #tpu.memory_space<vmem>>) dst(%dma_wait3A_623 : memref<1073152xf32, #tpu.memory_space<vmem_shared>>)
        tpu.yield
      }) : () -> ()
    } else {
    }
    "tpu.region"() ({
      %run_scoped3A_621 = tpu.sem_alloc : memref<!tpu.dma_semaphore, #tpu.memory_space<semaphore_mem>>
      %dma_start3A = arith.constant 0 : i32
      %dma_start3A_622 = tpu.memref_slice %arg14[%dma_start3A] : memref<1073152xf32, #tpu.memory_space<vmem_shared>> -> memref<1073152xf32, #tpu.memory_space<vmem_shared>>
      tpu.enqueue_indirect_dma source(%arg12 : memref<2048xf32, #tpu.memory_space<vmem>>) target(%dma_start3A_622 : memref<1073152xf32, #tpu.memory_space<vmem_shared>>) offsets(%arg7 : memref<2048xi32, #tpu.memory_space<vmem>>) semaphore(%run_scoped3A_621 : memref<!tpu.dma_semaphore, #tpu.memory_space<semaphore_mem>>) {add = true}
      %dma_wait3A = arith.constant 0 : i32
      %dma_wait3A_623 = tpu.memref_slice %arg14[%dma_wait3A] : memref<1073152xf32, #tpu.memory_space<vmem_shared>> -> memref<1073152xf32, #tpu.memory_space<vmem_shared>>
      tpu.wait_indirect_dma semaphore(%run_scoped3A_621 : memref<!tpu.dma_semaphore, #tpu.memory_space<semaphore_mem>>) src(%arg12 : memref<2048xf32, #tpu.memory_space<vmem>>) dst(%dma_wait3A_623 : memref<1073152xf32, #tpu.memory_space<vmem_shared>>)
      tpu.yield
    }) : () -> ()
    %mul3A_473 = arith.constant 32768 : i32
    %mul3A_474 = arith.muli %arg1, %mul3A_473 : i32
    %add3A_475 = arith.constant 524288 : i32
    %add3A_476 = arith.addi %add3A_475, %mul3A_474 : i32
    %mul3A_477 = arith.constant 4 : i32
    %mul3A_478 = arith.muli %arg0, %mul3A_477 : i32
    %add3A_479 = arith.constant 3 : i32
    %add3A_480 = arith.addi %mul3A_478, %add3A_479 : i32
    %run_scoped3A_481 = arith.constant 5 : i32
    "tpu.region"() ({
      %run_scoped3A_621 = tpu.sem_alloc : memref<!tpu.dma_semaphore, #tpu.memory_space<semaphore_mem>>
      %dma_start3A = arith.constant 0 : i32
      %dma_start3A_622 = tpu.memref_slice %arg3[%run_scoped3A_481, %add3A_480, %arg1, %dma_start3A] : memref<8x8x16x32768xf32, #tpu.memory_space<hbm>> -> memref<1x1x1x32768xf32, #tpu.memory_space<hbm>>
      %dma_start3A_623 = tpu.memref_squeeze %dma_start3A_622 : memref<1x1x1x32768xf32, #tpu.memory_space<hbm>> -> memref<32768xf32, #tpu.memory_space<hbm>>
      %dma_start3A_624 = tpu.memref_slice %arg14[%add3A_476] : memref<1073152xf32, #tpu.memory_space<vmem_shared>> -> memref<32768xf32, #tpu.memory_space<vmem_shared>>
      tpu.enqueue_dma source(%dma_start3A_624 : memref<32768xf32, #tpu.memory_space<vmem_shared>>) target(%dma_start3A_623 : memref<32768xf32, #tpu.memory_space<hbm>>) target_semaphore(%run_scoped3A_621 : memref<!tpu.dma_semaphore, #tpu.memory_space<semaphore_mem>>)
      %dma_wait3A = arith.constant 0 : i32
      %dma_wait3A_625 = tpu.memref_slice %arg3[%run_scoped3A_481, %add3A_480, %arg1, %dma_wait3A] : memref<8x8x16x32768xf32, #tpu.memory_space<hbm>> -> memref<1x1x1x32768xf32, #tpu.memory_space<hbm>>
      %dma_wait3A_626 = tpu.memref_squeeze %dma_wait3A_625 : memref<1x1x1x32768xf32, #tpu.memory_space<hbm>> -> memref<32768xf32, #tpu.memory_space<hbm>>
      %dma_wait3A_627 = tpu.memref_slice %arg14[%add3A_476] : memref<1073152xf32, #tpu.memory_space<vmem_shared>> -> memref<32768xf32, #tpu.memory_space<vmem_shared>>
      tpu.wait_dma2 semaphore(%run_scoped3A_621 : memref<!tpu.dma_semaphore, #tpu.memory_space<semaphore_mem>>) src(%dma_wait3A_627 : memref<32768xf32, #tpu.memory_space<vmem_shared>>) dst(%dma_wait3A_626 : memref<32768xf32, #tpu.memory_space<hbm>>)
      tpu.yield
    }) : () -> ()
    %mul3A_482 = arith.constant 32768 : i32
    %mul3A_483 = arith.muli %arg1, %mul3A_482 : i32
    %add3A_484 = arith.constant 524288 : i32
    %add3A_485 = arith.addi %add3A_484, %mul3A_483 : i32
    "tpu.region"() ({
      %run_scoped3A_621 = tpu.sem_alloc : memref<!tpu.dma_semaphore, #tpu.memory_space<semaphore_mem>>
      %dma_start3A = tpu.memref_slice %arg14[%add3A_485] : memref<1073152xf32, #tpu.memory_space<vmem_shared>> -> memref<32768xf32, #tpu.memory_space<vmem_shared>>
      %dma_start3A_622 = tpu.memref_slice %arg14[%add3A_485] : memref<1073152xf32, #tpu.memory_space<vmem_shared>> -> memref<32768xf32, #tpu.memory_space<vmem_shared>>
      tpu.enqueue_dma source(%arg13 : memref<32768xf32, #tpu.memory_space<vmem>>) target(%dma_start3A_622 : memref<32768xf32, #tpu.memory_space<vmem_shared>>) target_semaphore(%run_scoped3A_621 : memref<!tpu.dma_semaphore, #tpu.memory_space<semaphore_mem>>)
      %dma_wait3A = tpu.memref_slice %arg14[%add3A_485] : memref<1073152xf32, #tpu.memory_space<vmem_shared>> -> memref<32768xf32, #tpu.memory_space<vmem_shared>>
      %dma_wait3A_623 = tpu.memref_slice %arg14[%add3A_485] : memref<1073152xf32, #tpu.memory_space<vmem_shared>> -> memref<32768xf32, #tpu.memory_space<vmem_shared>>
      tpu.wait_dma2 semaphore(%run_scoped3A_621 : memref<!tpu.dma_semaphore, #tpu.memory_space<semaphore_mem>>) src(%arg13 : memref<32768xf32, #tpu.memory_space<vmem>>) dst(%dma_wait3A_623 : memref<32768xf32, #tpu.memory_space<vmem_shared>>)
      tpu.yield
    }) : () -> ()
    %barrier3A_486 = arith.constant 0 : index
    tpu.barrier barrier_id(%barrier3A_486)
    "tpu.region"() ({
      %run_scoped3A_621 = tpu.sem_alloc : memref<!tpu.dma_semaphore, #tpu.memory_space<semaphore_mem>>
      %dma_start3A = arith.constant 0 : i32
      %dma_start3A_622 = tpu.memref_slice %arg14[%dma_start3A] : memref<1073152xf32, #tpu.memory_space<vmem_shared>> -> memref<1073152xf32, #tpu.memory_space<vmem_shared>>
      tpu.enqueue_indirect_dma source(%arg12 : memref<2048xf32, #tpu.memory_space<vmem>>) target(%dma_start3A_622 : memref<1073152xf32, #tpu.memory_space<vmem_shared>>) offsets(%arg8 : memref<2048xi32, #tpu.memory_space<vmem>>) semaphore(%run_scoped3A_621 : memref<!tpu.dma_semaphore, #tpu.memory_space<semaphore_mem>>) {add = true}
      %dma_wait3A = arith.constant 0 : i32
      %dma_wait3A_623 = tpu.memref_slice %arg14[%dma_wait3A] : memref<1073152xf32, #tpu.memory_space<vmem_shared>> -> memref<1073152xf32, #tpu.memory_space<vmem_shared>>
      tpu.wait_indirect_dma semaphore(%run_scoped3A_621 : memref<!tpu.dma_semaphore, #tpu.memory_space<semaphore_mem>>) src(%arg12 : memref<2048xf32, #tpu.memory_space<vmem>>) dst(%dma_wait3A_623 : memref<1073152xf32, #tpu.memory_space<vmem_shared>>)
      tpu.yield
    }) : () -> ()
    %mul3A_487 = arith.constant 32768 : i32
    %mul3A_488 = arith.muli %arg1, %mul3A_487 : i32
    %add3A_489 = arith.constant 0 : i32
    %add3A_490 = arith.addi %add3A_489, %mul3A_488 : i32
    %mul3A_491 = arith.constant 4 : i32
    %mul3A_492 = arith.muli %arg0, %mul3A_491 : i32
    %add3A_493 = arith.constant 0 : i32
    %add3A_494 = arith.addi %mul3A_492, %add3A_493 : i32
    %run_scoped3A_495 = arith.constant 6 : i32
    "tpu.region"() ({
      %run_scoped3A_621 = tpu.sem_alloc : memref<!tpu.dma_semaphore, #tpu.memory_space<semaphore_mem>>
      %dma_start3A = arith.constant 0 : i32
      %dma_start3A_622 = tpu.memref_slice %arg3[%run_scoped3A_495, %add3A_494, %arg1, %dma_start3A] : memref<8x8x16x32768xf32, #tpu.memory_space<hbm>> -> memref<1x1x1x32768xf32, #tpu.memory_space<hbm>>
      %dma_start3A_623 = tpu.memref_squeeze %dma_start3A_622 : memref<1x1x1x32768xf32, #tpu.memory_space<hbm>> -> memref<32768xf32, #tpu.memory_space<hbm>>
      %dma_start3A_624 = tpu.memref_slice %arg14[%add3A_490] : memref<1073152xf32, #tpu.memory_space<vmem_shared>> -> memref<32768xf32, #tpu.memory_space<vmem_shared>>
      tpu.enqueue_dma source(%dma_start3A_624 : memref<32768xf32, #tpu.memory_space<vmem_shared>>) target(%dma_start3A_623 : memref<32768xf32, #tpu.memory_space<hbm>>) target_semaphore(%run_scoped3A_621 : memref<!tpu.dma_semaphore, #tpu.memory_space<semaphore_mem>>)
      %dma_wait3A = arith.constant 0 : i32
      %dma_wait3A_625 = tpu.memref_slice %arg3[%run_scoped3A_495, %add3A_494, %arg1, %dma_wait3A] : memref<8x8x16x32768xf32, #tpu.memory_space<hbm>> -> memref<1x1x1x32768xf32, #tpu.memory_space<hbm>>
      %dma_wait3A_626 = tpu.memref_squeeze %dma_wait3A_625 : memref<1x1x1x32768xf32, #tpu.memory_space<hbm>> -> memref<32768xf32, #tpu.memory_space<hbm>>
      %dma_wait3A_627 = tpu.memref_slice %arg14[%add3A_490] : memref<1073152xf32, #tpu.memory_space<vmem_shared>> -> memref<32768xf32, #tpu.memory_space<vmem_shared>>
      tpu.wait_dma2 semaphore(%run_scoped3A_621 : memref<!tpu.dma_semaphore, #tpu.memory_space<semaphore_mem>>) src(%dma_wait3A_627 : memref<32768xf32, #tpu.memory_space<vmem_shared>>) dst(%dma_wait3A_626 : memref<32768xf32, #tpu.memory_space<hbm>>)
      tpu.yield
    }) : () -> ()
    %mul3A_496 = arith.constant 32768 : i32
    %mul3A_497 = arith.muli %arg1, %mul3A_496 : i32
    %add3A_498 = arith.constant 0 : i32
    %add3A_499 = arith.addi %add3A_498, %mul3A_497 : i32
    "tpu.region"() ({
      %run_scoped3A_621 = tpu.sem_alloc : memref<!tpu.dma_semaphore, #tpu.memory_space<semaphore_mem>>
      %dma_start3A = tpu.memref_slice %arg14[%add3A_499] : memref<1073152xf32, #tpu.memory_space<vmem_shared>> -> memref<32768xf32, #tpu.memory_space<vmem_shared>>
      %dma_start3A_622 = tpu.memref_slice %arg14[%add3A_499] : memref<1073152xf32, #tpu.memory_space<vmem_shared>> -> memref<32768xf32, #tpu.memory_space<vmem_shared>>
      tpu.enqueue_dma source(%arg13 : memref<32768xf32, #tpu.memory_space<vmem>>) target(%dma_start3A_622 : memref<32768xf32, #tpu.memory_space<vmem_shared>>) target_semaphore(%run_scoped3A_621 : memref<!tpu.dma_semaphore, #tpu.memory_space<semaphore_mem>>)
      %dma_wait3A = tpu.memref_slice %arg14[%add3A_499] : memref<1073152xf32, #tpu.memory_space<vmem_shared>> -> memref<32768xf32, #tpu.memory_space<vmem_shared>>
      %dma_wait3A_623 = tpu.memref_slice %arg14[%add3A_499] : memref<1073152xf32, #tpu.memory_space<vmem_shared>> -> memref<32768xf32, #tpu.memory_space<vmem_shared>>
      tpu.wait_dma2 semaphore(%run_scoped3A_621 : memref<!tpu.dma_semaphore, #tpu.memory_space<semaphore_mem>>) src(%arg13 : memref<32768xf32, #tpu.memory_space<vmem>>) dst(%dma_wait3A_623 : memref<32768xf32, #tpu.memory_space<vmem_shared>>)
      tpu.yield
    }) : () -> ()
    %barrier3A_500 = arith.constant 0 : index
    tpu.barrier barrier_id(%barrier3A_500)
    "tpu.region"() ({
      %run_scoped3A_621 = tpu.sem_alloc : memref<!tpu.dma_semaphore, #tpu.memory_space<semaphore_mem>>
      %dma_start3A = arith.constant 0 : i32
      %dma_start3A_622 = tpu.memref_slice %arg14[%dma_start3A] : memref<1073152xf32, #tpu.memory_space<vmem_shared>> -> memref<1073152xf32, #tpu.memory_space<vmem_shared>>
      tpu.enqueue_indirect_dma source(%arg12 : memref<2048xf32, #tpu.memory_space<vmem>>) target(%dma_start3A_622 : memref<1073152xf32, #tpu.memory_space<vmem_shared>>) offsets(%arg9 : memref<2048xi32, #tpu.memory_space<vmem>>) semaphore(%run_scoped3A_621 : memref<!tpu.dma_semaphore, #tpu.memory_space<semaphore_mem>>) {add = true}
      %dma_wait3A = arith.constant 0 : i32
      %dma_wait3A_623 = tpu.memref_slice %arg14[%dma_wait3A] : memref<1073152xf32, #tpu.memory_space<vmem_shared>> -> memref<1073152xf32, #tpu.memory_space<vmem_shared>>
      tpu.wait_indirect_dma semaphore(%run_scoped3A_621 : memref<!tpu.dma_semaphore, #tpu.memory_space<semaphore_mem>>) src(%arg12 : memref<2048xf32, #tpu.memory_space<vmem>>) dst(%dma_wait3A_623 : memref<1073152xf32, #tpu.memory_space<vmem_shared>>)
      tpu.yield
    }) : () -> ()
    %mul3A_501 = arith.constant 32768 : i32
    %mul3A_502 = arith.muli %arg1, %mul3A_501 : i32
    %add3A_503 = arith.constant 524288 : i32
    %add3A_504 = arith.addi %add3A_503, %mul3A_502 : i32
    %mul3A_505 = arith.constant 4 : i32
    %mul3A_506 = arith.muli %arg0, %mul3A_505 : i32
    %add3A_507 = arith.constant 1 : i32
    %add3A_508 = arith.addi %mul3A_506, %add3A_507 : i32
    %run_scoped3A_509 = arith.constant 6 : i32
    "tpu.region"() ({
      %run_scoped3A_621 = tpu.sem_alloc : memref<!tpu.dma_semaphore, #tpu.memory_space<semaphore_mem>>
      %dma_start3A = arith.constant 0 : i32
      %dma_start3A_622 = tpu.memref_slice %arg3[%run_scoped3A_509, %add3A_508, %arg1, %dma_start3A] : memref<8x8x16x32768xf32, #tpu.memory_space<hbm>> -> memref<1x1x1x32768xf32, #tpu.memory_space<hbm>>
      %dma_start3A_623 = tpu.memref_squeeze %dma_start3A_622 : memref<1x1x1x32768xf32, #tpu.memory_space<hbm>> -> memref<32768xf32, #tpu.memory_space<hbm>>
      %dma_start3A_624 = tpu.memref_slice %arg14[%add3A_504] : memref<1073152xf32, #tpu.memory_space<vmem_shared>> -> memref<32768xf32, #tpu.memory_space<vmem_shared>>
      tpu.enqueue_dma source(%dma_start3A_624 : memref<32768xf32, #tpu.memory_space<vmem_shared>>) target(%dma_start3A_623 : memref<32768xf32, #tpu.memory_space<hbm>>) target_semaphore(%run_scoped3A_621 : memref<!tpu.dma_semaphore, #tpu.memory_space<semaphore_mem>>)
      %dma_wait3A = arith.constant 0 : i32
      %dma_wait3A_625 = tpu.memref_slice %arg3[%run_scoped3A_509, %add3A_508, %arg1, %dma_wait3A] : memref<8x8x16x32768xf32, #tpu.memory_space<hbm>> -> memref<1x1x1x32768xf32, #tpu.memory_space<hbm>>
      %dma_wait3A_626 = tpu.memref_squeeze %dma_wait3A_625 : memref<1x1x1x32768xf32, #tpu.memory_space<hbm>> -> memref<32768xf32, #tpu.memory_space<hbm>>
      %dma_wait3A_627 = tpu.memref_slice %arg14[%add3A_504] : memref<1073152xf32, #tpu.memory_space<vmem_shared>> -> memref<32768xf32, #tpu.memory_space<vmem_shared>>
      tpu.wait_dma2 semaphore(%run_scoped3A_621 : memref<!tpu.dma_semaphore, #tpu.memory_space<semaphore_mem>>) src(%dma_wait3A_627 : memref<32768xf32, #tpu.memory_space<vmem_shared>>) dst(%dma_wait3A_626 : memref<32768xf32, #tpu.memory_space<hbm>>)
      tpu.yield
    }) : () -> ()
    %mul3A_510 = arith.constant 32768 : i32
    %mul3A_511 = arith.muli %arg1, %mul3A_510 : i32
    %add3A_512 = arith.constant 524288 : i32
    %add3A_513 = arith.addi %add3A_512, %mul3A_511 : i32
    "tpu.region"() ({
      %run_scoped3A_621 = tpu.sem_alloc : memref<!tpu.dma_semaphore, #tpu.memory_space<semaphore_mem>>
      %dma_start3A = tpu.memref_slice %arg14[%add3A_513] : memref<1073152xf32, #tpu.memory_space<vmem_shared>> -> memref<32768xf32, #tpu.memory_space<vmem_shared>>
      %dma_start3A_622 = tpu.memref_slice %arg14[%add3A_513] : memref<1073152xf32, #tpu.memory_space<vmem_shared>> -> memref<32768xf32, #tpu.memory_space<vmem_shared>>
      tpu.enqueue_dma source(%arg13 : memref<32768xf32, #tpu.memory_space<vmem>>) target(%dma_start3A_622 : memref<32768xf32, #tpu.memory_space<vmem_shared>>) target_semaphore(%run_scoped3A_621 : memref<!tpu.dma_semaphore, #tpu.memory_space<semaphore_mem>>)
      %dma_wait3A = tpu.memref_slice %arg14[%add3A_513] : memref<1073152xf32, #tpu.memory_space<vmem_shared>> -> memref<32768xf32, #tpu.memory_space<vmem_shared>>
      %dma_wait3A_623 = tpu.memref_slice %arg14[%add3A_513] : memref<1073152xf32, #tpu.memory_space<vmem_shared>> -> memref<32768xf32, #tpu.memory_space<vmem_shared>>
      tpu.wait_dma2 semaphore(%run_scoped3A_621 : memref<!tpu.dma_semaphore, #tpu.memory_space<semaphore_mem>>) src(%arg13 : memref<32768xf32, #tpu.memory_space<vmem>>) dst(%dma_wait3A_623 : memref<32768xf32, #tpu.memory_space<vmem_shared>>)
      tpu.yield
    }) : () -> ()
    %barrier3A_514 = arith.constant 0 : index
    tpu.barrier barrier_id(%barrier3A_514)
    "tpu.region"() ({
      %run_scoped3A_621 = tpu.sem_alloc : memref<!tpu.dma_semaphore, #tpu.memory_space<semaphore_mem>>
      %dma_start3A = arith.constant 0 : i32
      %dma_start3A_622 = tpu.memref_slice %arg14[%dma_start3A] : memref<1073152xf32, #tpu.memory_space<vmem_shared>> -> memref<1073152xf32, #tpu.memory_space<vmem_shared>>
      tpu.enqueue_indirect_dma source(%arg12 : memref<2048xf32, #tpu.memory_space<vmem>>) target(%dma_start3A_622 : memref<1073152xf32, #tpu.memory_space<vmem_shared>>) offsets(%arg10 : memref<2048xi32, #tpu.memory_space<vmem>>) semaphore(%run_scoped3A_621 : memref<!tpu.dma_semaphore, #tpu.memory_space<semaphore_mem>>) {add = true}
      %dma_wait3A = arith.constant 0 : i32
      %dma_wait3A_623 = tpu.memref_slice %arg14[%dma_wait3A] : memref<1073152xf32, #tpu.memory_space<vmem_shared>> -> memref<1073152xf32, #tpu.memory_space<vmem_shared>>
      tpu.wait_indirect_dma semaphore(%run_scoped3A_621 : memref<!tpu.dma_semaphore, #tpu.memory_space<semaphore_mem>>) src(%arg12 : memref<2048xf32, #tpu.memory_space<vmem>>) dst(%dma_wait3A_623 : memref<1073152xf32, #tpu.memory_space<vmem_shared>>)
      tpu.yield
    }) : () -> ()
    %mul3A_515 = arith.constant 32768 : i32
    %mul3A_516 = arith.muli %arg1, %mul3A_515 : i32
    %add3A_517 = arith.constant 0 : i32
    %add3A_518 = arith.addi %add3A_517, %mul3A_516 : i32
    %mul3A_519 = arith.constant 4 : i32
    %mul3A_520 = arith.muli %arg0, %mul3A_519 : i32
    %add3A_521 = arith.constant 2 : i32
    %add3A_522 = arith.addi %mul3A_520, %add3A_521 : i32
    %run_scoped3A_523 = arith.constant 6 : i32
    "tpu.region"() ({
      %run_scoped3A_621 = tpu.sem_alloc : memref<!tpu.dma_semaphore, #tpu.memory_space<semaphore_mem>>
      %dma_start3A = arith.constant 0 : i32
      %dma_start3A_622 = tpu.memref_slice %arg3[%run_scoped3A_523, %add3A_522, %arg1, %dma_start3A] : memref<8x8x16x32768xf32, #tpu.memory_space<hbm>> -> memref<1x1x1x32768xf32, #tpu.memory_space<hbm>>
      %dma_start3A_623 = tpu.memref_squeeze %dma_start3A_622 : memref<1x1x1x32768xf32, #tpu.memory_space<hbm>> -> memref<32768xf32, #tpu.memory_space<hbm>>
      %dma_start3A_624 = tpu.memref_slice %arg14[%add3A_518] : memref<1073152xf32, #tpu.memory_space<vmem_shared>> -> memref<32768xf32, #tpu.memory_space<vmem_shared>>
      tpu.enqueue_dma source(%dma_start3A_624 : memref<32768xf32, #tpu.memory_space<vmem_shared>>) target(%dma_start3A_623 : memref<32768xf32, #tpu.memory_space<hbm>>) target_semaphore(%run_scoped3A_621 : memref<!tpu.dma_semaphore, #tpu.memory_space<semaphore_mem>>)
      %dma_wait3A = arith.constant 0 : i32
      %dma_wait3A_625 = tpu.memref_slice %arg3[%run_scoped3A_523, %add3A_522, %arg1, %dma_wait3A] : memref<8x8x16x32768xf32, #tpu.memory_space<hbm>> -> memref<1x1x1x32768xf32, #tpu.memory_space<hbm>>
      %dma_wait3A_626 = tpu.memref_squeeze %dma_wait3A_625 : memref<1x1x1x32768xf32, #tpu.memory_space<hbm>> -> memref<32768xf32, #tpu.memory_space<hbm>>
      %dma_wait3A_627 = tpu.memref_slice %arg14[%add3A_518] : memref<1073152xf32, #tpu.memory_space<vmem_shared>> -> memref<32768xf32, #tpu.memory_space<vmem_shared>>
      tpu.wait_dma2 semaphore(%run_scoped3A_621 : memref<!tpu.dma_semaphore, #tpu.memory_space<semaphore_mem>>) src(%dma_wait3A_627 : memref<32768xf32, #tpu.memory_space<vmem_shared>>) dst(%dma_wait3A_626 : memref<32768xf32, #tpu.memory_space<hbm>>)
      tpu.yield
    }) : () -> ()
    %mul3A_524 = arith.constant 32768 : i32
    %mul3A_525 = arith.muli %arg1, %mul3A_524 : i32
    %add3A_526 = arith.constant 0 : i32
    %add3A_527 = arith.addi %add3A_526, %mul3A_525 : i32
    "tpu.region"() ({
      %run_scoped3A_621 = tpu.sem_alloc : memref<!tpu.dma_semaphore, #tpu.memory_space<semaphore_mem>>
      %dma_start3A = tpu.memref_slice %arg14[%add3A_527] : memref<1073152xf32, #tpu.memory_space<vmem_shared>> -> memref<32768xf32, #tpu.memory_space<vmem_shared>>
      %dma_start3A_622 = tpu.memref_slice %arg14[%add3A_527] : memref<1073152xf32, #tpu.memory_space<vmem_shared>> -> memref<32768xf32, #tpu.memory_space<vmem_shared>>
      tpu.enqueue_dma source(%arg13 : memref<32768xf32, #tpu.memory_space<vmem>>) target(%dma_start3A_622 : memref<32768xf32, #tpu.memory_space<vmem_shared>>) target_semaphore(%run_scoped3A_621 : memref<!tpu.dma_semaphore, #tpu.memory_space<semaphore_mem>>)
      %dma_wait3A = tpu.memref_slice %arg14[%add3A_527] : memref<1073152xf32, #tpu.memory_space<vmem_shared>> -> memref<32768xf32, #tpu.memory_space<vmem_shared>>
      %dma_wait3A_623 = tpu.memref_slice %arg14[%add3A_527] : memref<1073152xf32, #tpu.memory_space<vmem_shared>> -> memref<32768xf32, #tpu.memory_space<vmem_shared>>
      tpu.wait_dma2 semaphore(%run_scoped3A_621 : memref<!tpu.dma_semaphore, #tpu.memory_space<semaphore_mem>>) src(%arg13 : memref<32768xf32, #tpu.memory_space<vmem>>) dst(%dma_wait3A_623 : memref<32768xf32, #tpu.memory_space<vmem_shared>>)
      tpu.yield
    }) : () -> ()
    %barrier3A_528 = arith.constant 0 : index
    tpu.barrier barrier_id(%barrier3A_528)
    %mul3A_529 = arith.constant 2048 : i32
    %mul3A_530 = arith.muli %arg1, %mul3A_529 : i32
    %run_scoped3A_531 = arith.constant 7 : i32
    %run_scoped3A_532 = arith.constant 0 : i32
    "tpu.region"() ({
      %run_scoped3A_621 = tpu.sem_alloc : memref<!tpu.dma_semaphore, #tpu.memory_space<semaphore_mem>>
      %dma_start3A = tpu.memref_slice %arg2[%run_scoped3A_531, %run_scoped3A_532, %mul3A_530] : memref<8x2x32768xi32, #tpu.memory_space<hbm>> -> memref<1x1x2048xi32, #tpu.memory_space<hbm>>
      %dma_start3A_622 = tpu.memref_squeeze %dma_start3A : memref<1x1x2048xi32, #tpu.memory_space<hbm>> -> memref<2048xi32, #tpu.memory_space<hbm>>
      %dma_start3A_623 = tpu.memref_slice %arg2[%run_scoped3A_531, %run_scoped3A_532, %mul3A_530] : memref<8x2x32768xi32, #tpu.memory_space<hbm>> -> memref<1x1x2048xi32, #tpu.memory_space<hbm>>
      %dma_start3A_624 = tpu.memref_squeeze %dma_start3A_623 : memref<1x1x2048xi32, #tpu.memory_space<hbm>> -> memref<2048xi32, #tpu.memory_space<hbm>>
      tpu.enqueue_dma source(%dma_start3A_624 : memref<2048xi32, #tpu.memory_space<hbm>>) target(%arg5 : memref<2048xi32, #tpu.memory_space<vmem>>) target_semaphore(%run_scoped3A_621 : memref<!tpu.dma_semaphore, #tpu.memory_space<semaphore_mem>>)
      %dma_wait3A = tpu.memref_slice %arg2[%run_scoped3A_531, %run_scoped3A_532, %mul3A_530] : memref<8x2x32768xi32, #tpu.memory_space<hbm>> -> memref<1x1x2048xi32, #tpu.memory_space<hbm>>
      %dma_wait3A_625 = tpu.memref_squeeze %dma_wait3A : memref<1x1x2048xi32, #tpu.memory_space<hbm>> -> memref<2048xi32, #tpu.memory_space<hbm>>
      %dma_wait3A_626 = tpu.memref_slice %arg2[%run_scoped3A_531, %run_scoped3A_532, %mul3A_530] : memref<8x2x32768xi32, #tpu.memory_space<hbm>> -> memref<1x1x2048xi32, #tpu.memory_space<hbm>>
      %dma_wait3A_627 = tpu.memref_squeeze %dma_wait3A_626 : memref<1x1x2048xi32, #tpu.memory_space<hbm>> -> memref<2048xi32, #tpu.memory_space<hbm>>
      tpu.wait_dma2 semaphore(%run_scoped3A_621 : memref<!tpu.dma_semaphore, #tpu.memory_space<semaphore_mem>>) src(%dma_wait3A_627 : memref<2048xi32, #tpu.memory_space<hbm>>) dst(%arg5 : memref<2048xi32, #tpu.memory_space<vmem>>)
      tpu.yield
    }) : () -> ()
    %mul3A_533 = arith.constant 2048 : i32
    %mul3A_534 = arith.muli %arg1, %mul3A_533 : i32
    %run_scoped3A_535 = arith.constant 7 : i32
    %run_scoped3A_536 = arith.constant 1 : i32
    "tpu.region"() ({
      %run_scoped3A_621 = tpu.sem_alloc : memref<!tpu.dma_semaphore, #tpu.memory_space<semaphore_mem>>
      %dma_start3A = tpu.memref_slice %arg2[%run_scoped3A_535, %run_scoped3A_536, %mul3A_534] : memref<8x2x32768xi32, #tpu.memory_space<hbm>> -> memref<1x1x2048xi32, #tpu.memory_space<hbm>>
      %dma_start3A_622 = tpu.memref_squeeze %dma_start3A : memref<1x1x2048xi32, #tpu.memory_space<hbm>> -> memref<2048xi32, #tpu.memory_space<hbm>>
      %dma_start3A_623 = tpu.memref_slice %arg2[%run_scoped3A_535, %run_scoped3A_536, %mul3A_534] : memref<8x2x32768xi32, #tpu.memory_space<hbm>> -> memref<1x1x2048xi32, #tpu.memory_space<hbm>>
      %dma_start3A_624 = tpu.memref_squeeze %dma_start3A_623 : memref<1x1x2048xi32, #tpu.memory_space<hbm>> -> memref<2048xi32, #tpu.memory_space<hbm>>
      tpu.enqueue_dma source(%dma_start3A_624 : memref<2048xi32, #tpu.memory_space<hbm>>) target(%arg6 : memref<2048xi32, #tpu.memory_space<vmem>>) target_semaphore(%run_scoped3A_621 : memref<!tpu.dma_semaphore, #tpu.memory_space<semaphore_mem>>)
      %dma_wait3A = tpu.memref_slice %arg2[%run_scoped3A_535, %run_scoped3A_536, %mul3A_534] : memref<8x2x32768xi32, #tpu.memory_space<hbm>> -> memref<1x1x2048xi32, #tpu.memory_space<hbm>>
      %dma_wait3A_625 = tpu.memref_squeeze %dma_wait3A : memref<1x1x2048xi32, #tpu.memory_space<hbm>> -> memref<2048xi32, #tpu.memory_space<hbm>>
      %dma_wait3A_626 = tpu.memref_slice %arg2[%run_scoped3A_535, %run_scoped3A_536, %mul3A_534] : memref<8x2x32768xi32, #tpu.memory_space<hbm>> -> memref<1x1x2048xi32, #tpu.memory_space<hbm>>
      %dma_wait3A_627 = tpu.memref_squeeze %dma_wait3A_626 : memref<1x1x2048xi32, #tpu.memory_space<hbm>> -> memref<2048xi32, #tpu.memory_space<hbm>>
      tpu.wait_dma2 semaphore(%run_scoped3A_621 : memref<!tpu.dma_semaphore, #tpu.memory_space<semaphore_mem>>) src(%dma_wait3A_627 : memref<2048xi32, #tpu.memory_space<hbm>>) dst(%arg6 : memref<2048xi32, #tpu.memory_space<vmem>>)
      tpu.yield
    }) : () -> ()
    %scan3A_537 = arith.constant 0 : i32
    %scan3A_538 = arith.constant 0 : i32
    %scan3A_539 = arith.constant 128 : i32
    %scan3A_540 = arith.addi %scan3A_538, %scan3A_539 : i32
    %scan3A_541 = arith.constant 1 : i32
    scf.for %scan3A_621 = %scan3A_538 to %scan3A_540 step %scan3A_541  : i32 {
      %mul3A_622 = arith.constant 16 : i32
      %mul3A_623 = arith.muli %scan3A_621, %mul3A_622 : i32
      %get3A = arith.index_cast %mul3A_623 : i32 to index
      %get3A_624 = tpu.vector_load %arg5[%get3A] {strides = array<i32>} : memref<2048xi32, #tpu.memory_space<vmem>>, vector<16xi32>,
      %get3A_625 = vector.shape_cast %get3A_624 : vector<16xi32> to vector<16xi32>
      %mul3A_626 = arith.constant 16 : i32
      %mul3A_627 = arith.muli %scan3A_621, %mul3A_626 : i32
      %get3A_628 = arith.index_cast %mul3A_627 : i32 to index
      %get3A_629 = tpu.vector_load %arg6[%get3A_628] {strides = array<i32>} : memref<2048xi32, #tpu.memory_space<vmem>>, vector<16xi32>,
      %get3A_630 = vector.shape_cast %get3A_629 : vector<16xi32> to vector<16xi32>
      %shift_right_logical3A = arith.constant 8 : i32
      %shift_right_logical3A_631 = vector.broadcast %shift_right_logical3A : i32 to vector<16xi32>
      %shift_right_logical3A_632 = arith.shrui %get3A_630, %shift_right_logical3A_631 : vector<16xi32>
      %and3A = arith.constant 255 : i32
      %and3A_633 = vector.broadcast %and3A : i32 to vector<16xi32>
      %and3A_634 = arith.andi %get3A_630, %and3A_633 : vector<16xi32>
      %shift_left3A = arith.constant 11 : i32
      %shift_left3A_635 = vector.broadcast %shift_left3A : i32 to vector<16xi32>
      %shift_left3A_636 = arith.shli %and3A_634, %shift_left3A_635 : vector<16xi32>
      %add3A_637 = arith.addi %shift_left3A_636, %get3A_625 : vector<16xi32>
      %mul3A_638 = arith.constant 4 : i32
      %mul3A_639 = arith.muli %arg0, %mul3A_638 : i32
      %add3A_640 = arith.constant 0 : i32
      %add3A_641 = arith.addi %mul3A_639, %add3A_640 : i32
      %eq3A_642 = vector.broadcast %add3A_641 : i32 to vector<16xi32>
      %eq3A_643 = arith.cmpi eq, %shift_right_logical3A_632, %eq3A_642 : vector<16xi32>
      %add3A_644 = arith.constant 0 : i32
      %add3A_645 = vector.broadcast %add3A_644 : i32 to vector<16xi32>
      %add3A_646 = arith.addi %add3A_645, %add3A_637 : vector<16xi32>
      %jit3A = arith.constant 1056768 : i32
      %broadcast_in_dim3A = vector.broadcast %jit3A : i32 to vector<16xi32>
      %select_n3A = arith.select %eq3A_643, %add3A_646, %broadcast_in_dim3A : vector<16xi1>, vector<16xi32>
      %mul3A_647 = arith.constant 16 : i32
      %mul3A_648 = arith.muli %scan3A_621, %mul3A_647 : i32
      %swap3A = arith.index_cast %mul3A_648 : i32 to index
      %swap3A_649 = tpu.vector_load %arg7[%swap3A] {strides = array<i32>} : memref<2048xi32, #tpu.memory_space<vmem>>, vector<16xi32>,
      %swap3A_650 = vector.shape_cast %swap3A_649 : vector<16xi32> to vector<16xi32>
      %swap3A_651 = vector.shape_cast %select_n3A : vector<16xi32> to vector<16xi32>
      tpu.vector_store %arg7[%swap3A], %swap3A_651 {strides = array<i32>} : memref<2048xi32, #tpu.memory_space<vmem>>, vector<16xi32>,
      %mul3A_652 = arith.constant 4 : i32
      %mul3A_653 = arith.muli %arg0, %mul3A_652 : i32
      %add3A_654 = arith.constant 1 : i32
      %add3A_655 = arith.addi %mul3A_653, %add3A_654 : i32
      %eq3A_656 = vector.broadcast %add3A_655 : i32 to vector<16xi32>
      %eq3A_657 = arith.cmpi eq, %shift_right_logical3A_632, %eq3A_656 : vector<16xi32>
      %add3A_658 = arith.constant 524288 : i32
      %add3A_659 = vector.broadcast %add3A_658 : i32 to vector<16xi32>
      %add3A_660 = arith.addi %add3A_659, %add3A_637 : vector<16xi32>
      %jit3A_661 = arith.constant 1056768 : i32
      %broadcast_in_dim3A_662 = vector.broadcast %jit3A_661 : i32 to vector<16xi32>
      %select_n3A_663 = arith.select %eq3A_657, %add3A_660, %broadcast_in_dim3A_662 : vector<16xi1>, vector<16xi32>
      %mul3A_664 = arith.constant 16 : i32
      %mul3A_665 = arith.muli %scan3A_621, %mul3A_664 : i32
      %swap3A_666 = arith.index_cast %mul3A_665 : i32 to index
      %swap3A_667 = tpu.vector_load %arg8[%swap3A_666] {strides = array<i32>} : memref<2048xi32, #tpu.memory_space<vmem>>, vector<16xi32>,
      %swap3A_668 = vector.shape_cast %swap3A_667 : vector<16xi32> to vector<16xi32>
      %swap3A_669 = vector.shape_cast %select_n3A_663 : vector<16xi32> to vector<16xi32>
      tpu.vector_store %arg8[%swap3A_666], %swap3A_669 {strides = array<i32>} : memref<2048xi32, #tpu.memory_space<vmem>>, vector<16xi32>,
      %mul3A_670 = arith.constant 4 : i32
      %mul3A_671 = arith.muli %arg0, %mul3A_670 : i32
      %add3A_672 = arith.constant 2 : i32
      %add3A_673 = arith.addi %mul3A_671, %add3A_672 : i32
      %eq3A_674 = vector.broadcast %add3A_673 : i32 to vector<16xi32>
      %eq3A_675 = arith.cmpi eq, %shift_right_logical3A_632, %eq3A_674 : vector<16xi32>
      %add3A_676 = arith.constant 0 : i32
      %add3A_677 = vector.broadcast %add3A_676 : i32 to vector<16xi32>
      %add3A_678 = arith.addi %add3A_677, %add3A_637 : vector<16xi32>
      %jit3A_679 = arith.constant 1056768 : i32
      %broadcast_in_dim3A_680 = vector.broadcast %jit3A_679 : i32 to vector<16xi32>
      %select_n3A_681 = arith.select %eq3A_675, %add3A_678, %broadcast_in_dim3A_680 : vector<16xi1>, vector<16xi32>
      %mul3A_682 = arith.constant 16 : i32
      %mul3A_683 = arith.muli %scan3A_621, %mul3A_682 : i32
      %swap3A_684 = arith.index_cast %mul3A_683 : i32 to index
      %swap3A_685 = tpu.vector_load %arg9[%swap3A_684] {strides = array<i32>} : memref<2048xi32, #tpu.memory_space<vmem>>, vector<16xi32>,
      %swap3A_686 = vector.shape_cast %swap3A_685 : vector<16xi32> to vector<16xi32>
      %swap3A_687 = vector.shape_cast %select_n3A_681 : vector<16xi32> to vector<16xi32>
      tpu.vector_store %arg9[%swap3A_684], %swap3A_687 {strides = array<i32>} : memref<2048xi32, #tpu.memory_space<vmem>>, vector<16xi32>,
      %mul3A_688 = arith.constant 4 : i32
      %mul3A_689 = arith.muli %arg0, %mul3A_688 : i32
      %add3A_690 = arith.constant 3 : i32
      %add3A_691 = arith.addi %mul3A_689, %add3A_690 : i32
      %eq3A_692 = vector.broadcast %add3A_691 : i32 to vector<16xi32>
      %eq3A_693 = arith.cmpi eq, %shift_right_logical3A_632, %eq3A_692 : vector<16xi32>
      %add3A_694 = arith.constant 524288 : i32
      %add3A_695 = vector.broadcast %add3A_694 : i32 to vector<16xi32>
      %add3A_696 = arith.addi %add3A_695, %add3A_637 : vector<16xi32>
      %jit3A_697 = arith.constant 1056768 : i32
      %broadcast_in_dim3A_698 = vector.broadcast %jit3A_697 : i32 to vector<16xi32>
      %select_n3A_699 = arith.select %eq3A_693, %add3A_696, %broadcast_in_dim3A_698 : vector<16xi1>, vector<16xi32>
      %mul3A_700 = arith.constant 16 : i32
      %mul3A_701 = arith.muli %scan3A_621, %mul3A_700 : i32
      %swap3A_702 = arith.index_cast %mul3A_701 : i32 to index
      %swap3A_703 = tpu.vector_load %arg10[%swap3A_702] {strides = array<i32>} : memref<2048xi32, #tpu.memory_space<vmem>>, vector<16xi32>,
      %swap3A_704 = vector.shape_cast %swap3A_703 : vector<16xi32> to vector<16xi32>
      %swap3A_705 = vector.shape_cast %select_n3A_699 : vector<16xi32> to vector<16xi32>
      tpu.vector_store %arg10[%swap3A_702], %swap3A_705 {strides = array<i32>} : memref<2048xi32, #tpu.memory_space<vmem>>, vector<16xi32>,
      %add3A_706 = arith.constant 1054720 : i32
      %add3A_707 = vector.broadcast %add3A_706 : i32 to vector<16xi32>
      %add3A_708 = arith.addi %add3A_707, %get3A_630 : vector<16xi32>
      %mul3A_709 = arith.constant 16 : i32
      %mul3A_710 = arith.muli %scan3A_621, %mul3A_709 : i32
      %swap3A_711 = arith.index_cast %mul3A_710 : i32 to index
      %swap3A_712 = tpu.vector_load %arg11[%swap3A_711] {strides = array<i32>} : memref<2048xi32, #tpu.memory_space<vmem>>, vector<16xi32>,
      %swap3A_713 = vector.shape_cast %swap3A_712 : vector<16xi32> to vector<16xi32>
      %swap3A_714 = vector.shape_cast %add3A_708 : vector<16xi32> to vector<16xi32>
      tpu.vector_store %arg11[%swap3A_711], %swap3A_714 {strides = array<i32>} : memref<2048xi32, #tpu.memory_space<vmem>>, vector<16xi32>,
    }
    %scan3A_542 = arith.constant 128 : i32
    %eq3A_543 = arith.constant 1 : i32
    %eq3A_544 = arith.cmpi eq, %arg0, %eq3A_543 : i32
    %convert_element_type3A_545 = arith.extui %eq3A_544 : i1 to i32
    %cond3A_546 = arith.constant 0 : i32
    %cond3A_547 = arith.cmpi ne, %convert_element_type3A_545, %cond3A_546 : i32
    scf.if %cond3A_547 {
      "tpu.region"() ({
        %run_scoped3A_621 = tpu.sem_alloc : memref<!tpu.dma_semaphore, #tpu.memory_space<semaphore_mem>>
        %dma_start3A = arith.constant 0 : i32
        %dma_start3A_622 = tpu.memref_slice %arg14[%dma_start3A] : memref<1073152xf32, #tpu.memory_space<vmem_shared>> -> memref<1073152xf32, #tpu.memory_space<vmem_shared>>
        tpu.enqueue_indirect_dma source(%arg12 : memref<2048xf32, #tpu.memory_space<vmem>>) target(%dma_start3A_622 : memref<1073152xf32, #tpu.memory_space<vmem_shared>>) offsets(%arg11 : memref<2048xi32, #tpu.memory_space<vmem>>) semaphore(%run_scoped3A_621 : memref<!tpu.dma_semaphore, #tpu.memory_space<semaphore_mem>>) {add = true}
        %dma_wait3A = arith.constant 0 : i32
        %dma_wait3A_623 = tpu.memref_slice %arg14[%dma_wait3A] : memref<1073152xf32, #tpu.memory_space<vmem_shared>> -> memref<1073152xf32, #tpu.memory_space<vmem_shared>>
        tpu.wait_indirect_dma semaphore(%run_scoped3A_621 : memref<!tpu.dma_semaphore, #tpu.memory_space<semaphore_mem>>) src(%arg12 : memref<2048xf32, #tpu.memory_space<vmem>>) dst(%dma_wait3A_623 : memref<1073152xf32, #tpu.memory_space<vmem_shared>>)
        tpu.yield
      }) : () -> ()
    } else {
    }
    "tpu.region"() ({
      %run_scoped3A_621 = tpu.sem_alloc : memref<!tpu.dma_semaphore, #tpu.memory_space<semaphore_mem>>
      %dma_start3A = arith.constant 0 : i32
      %dma_start3A_622 = tpu.memref_slice %arg14[%dma_start3A] : memref<1073152xf32, #tpu.memory_space<vmem_shared>> -> memref<1073152xf32, #tpu.memory_space<vmem_shared>>
      tpu.enqueue_indirect_dma source(%arg12 : memref<2048xf32, #tpu.memory_space<vmem>>) target(%dma_start3A_622 : memref<1073152xf32, #tpu.memory_space<vmem_shared>>) offsets(%arg7 : memref<2048xi32, #tpu.memory_space<vmem>>) semaphore(%run_scoped3A_621 : memref<!tpu.dma_semaphore, #tpu.memory_space<semaphore_mem>>) {add = true}
      %dma_wait3A = arith.constant 0 : i32
      %dma_wait3A_623 = tpu.memref_slice %arg14[%dma_wait3A] : memref<1073152xf32, #tpu.memory_space<vmem_shared>> -> memref<1073152xf32, #tpu.memory_space<vmem_shared>>
      tpu.wait_indirect_dma semaphore(%run_scoped3A_621 : memref<!tpu.dma_semaphore, #tpu.memory_space<semaphore_mem>>) src(%arg12 : memref<2048xf32, #tpu.memory_space<vmem>>) dst(%dma_wait3A_623 : memref<1073152xf32, #tpu.memory_space<vmem_shared>>)
      tpu.yield
    }) : () -> ()
    %mul3A_548 = arith.constant 32768 : i32
    %mul3A_549 = arith.muli %arg1, %mul3A_548 : i32
    %add3A_550 = arith.constant 524288 : i32
    %add3A_551 = arith.addi %add3A_550, %mul3A_549 : i32
    %mul3A_552 = arith.constant 4 : i32
    %mul3A_553 = arith.muli %arg0, %mul3A_552 : i32
    %add3A_554 = arith.constant 3 : i32
    %add3A_555 = arith.addi %mul3A_553, %add3A_554 : i32
    %run_scoped3A_556 = arith.constant 6 : i32
    "tpu.region"() ({
      %run_scoped3A_621 = tpu.sem_alloc : memref<!tpu.dma_semaphore, #tpu.memory_space<semaphore_mem>>
      %dma_start3A = arith.constant 0 : i32
      %dma_start3A_622 = tpu.memref_slice %arg3[%run_scoped3A_556, %add3A_555, %arg1, %dma_start3A] : memref<8x8x16x32768xf32, #tpu.memory_space<hbm>> -> memref<1x1x1x32768xf32, #tpu.memory_space<hbm>>
      %dma_start3A_623 = tpu.memref_squeeze %dma_start3A_622 : memref<1x1x1x32768xf32, #tpu.memory_space<hbm>> -> memref<32768xf32, #tpu.memory_space<hbm>>
      %dma_start3A_624 = tpu.memref_slice %arg14[%add3A_551] : memref<1073152xf32, #tpu.memory_space<vmem_shared>> -> memref<32768xf32, #tpu.memory_space<vmem_shared>>
      tpu.enqueue_dma source(%dma_start3A_624 : memref<32768xf32, #tpu.memory_space<vmem_shared>>) target(%dma_start3A_623 : memref<32768xf32, #tpu.memory_space<hbm>>) target_semaphore(%run_scoped3A_621 : memref<!tpu.dma_semaphore, #tpu.memory_space<semaphore_mem>>)
      %dma_wait3A = arith.constant 0 : i32
      %dma_wait3A_625 = tpu.memref_slice %arg3[%run_scoped3A_556, %add3A_555, %arg1, %dma_wait3A] : memref<8x8x16x32768xf32, #tpu.memory_space<hbm>> -> memref<1x1x1x32768xf32, #tpu.memory_space<hbm>>
      %dma_wait3A_626 = tpu.memref_squeeze %dma_wait3A_625 : memref<1x1x1x32768xf32, #tpu.memory_space<hbm>> -> memref<32768xf32, #tpu.memory_space<hbm>>
      %dma_wait3A_627 = tpu.memref_slice %arg14[%add3A_551] : memref<1073152xf32, #tpu.memory_space<vmem_shared>> -> memref<32768xf32, #tpu.memory_space<vmem_shared>>
      tpu.wait_dma2 semaphore(%run_scoped3A_621 : memref<!tpu.dma_semaphore, #tpu.memory_space<semaphore_mem>>) src(%dma_wait3A_627 : memref<32768xf32, #tpu.memory_space<vmem_shared>>) dst(%dma_wait3A_626 : memref<32768xf32, #tpu.memory_space<hbm>>)
      tpu.yield
    }) : () -> ()
    %mul3A_557 = arith.constant 32768 : i32
    %mul3A_558 = arith.muli %arg1, %mul3A_557 : i32
    %add3A_559 = arith.constant 524288 : i32
    %add3A_560 = arith.addi %add3A_559, %mul3A_558 : i32
    "tpu.region"() ({
      %run_scoped3A_621 = tpu.sem_alloc : memref<!tpu.dma_semaphore, #tpu.memory_space<semaphore_mem>>
      %dma_start3A = tpu.memref_slice %arg14[%add3A_560] : memref<1073152xf32, #tpu.memory_space<vmem_shared>> -> memref<32768xf32, #tpu.memory_space<vmem_shared>>
      %dma_start3A_622 = tpu.memref_slice %arg14[%add3A_560] : memref<1073152xf32, #tpu.memory_space<vmem_shared>> -> memref<32768xf32, #tpu.memory_space<vmem_shared>>
      tpu.enqueue_dma source(%arg13 : memref<32768xf32, #tpu.memory_space<vmem>>) target(%dma_start3A_622 : memref<32768xf32, #tpu.memory_space<vmem_shared>>) target_semaphore(%run_scoped3A_621 : memref<!tpu.dma_semaphore, #tpu.memory_space<semaphore_mem>>)
      %dma_wait3A = tpu.memref_slice %arg14[%add3A_560] : memref<1073152xf32, #tpu.memory_space<vmem_shared>> -> memref<32768xf32, #tpu.memory_space<vmem_shared>>
      %dma_wait3A_623 = tpu.memref_slice %arg14[%add3A_560] : memref<1073152xf32, #tpu.memory_space<vmem_shared>> -> memref<32768xf32, #tpu.memory_space<vmem_shared>>
      tpu.wait_dma2 semaphore(%run_scoped3A_621 : memref<!tpu.dma_semaphore, #tpu.memory_space<semaphore_mem>>) src(%arg13 : memref<32768xf32, #tpu.memory_space<vmem>>) dst(%dma_wait3A_623 : memref<32768xf32, #tpu.memory_space<vmem_shared>>)
      tpu.yield
    }) : () -> ()
    %barrier3A_561 = arith.constant 0 : index
    tpu.barrier barrier_id(%barrier3A_561)
    "tpu.region"() ({
      %run_scoped3A_621 = tpu.sem_alloc : memref<!tpu.dma_semaphore, #tpu.memory_space<semaphore_mem>>
      %dma_start3A = arith.constant 0 : i32
      %dma_start3A_622 = tpu.memref_slice %arg14[%dma_start3A] : memref<1073152xf32, #tpu.memory_space<vmem_shared>> -> memref<1073152xf32, #tpu.memory_space<vmem_shared>>
      tpu.enqueue_indirect_dma source(%arg12 : memref<2048xf32, #tpu.memory_space<vmem>>) target(%dma_start3A_622 : memref<1073152xf32, #tpu.memory_space<vmem_shared>>) offsets(%arg8 : memref<2048xi32, #tpu.memory_space<vmem>>) semaphore(%run_scoped3A_621 : memref<!tpu.dma_semaphore, #tpu.memory_space<semaphore_mem>>) {add = true}
      %dma_wait3A = arith.constant 0 : i32
      %dma_wait3A_623 = tpu.memref_slice %arg14[%dma_wait3A] : memref<1073152xf32, #tpu.memory_space<vmem_shared>> -> memref<1073152xf32, #tpu.memory_space<vmem_shared>>
      tpu.wait_indirect_dma semaphore(%run_scoped3A_621 : memref<!tpu.dma_semaphore, #tpu.memory_space<semaphore_mem>>) src(%arg12 : memref<2048xf32, #tpu.memory_space<vmem>>) dst(%dma_wait3A_623 : memref<1073152xf32, #tpu.memory_space<vmem_shared>>)
      tpu.yield
    }) : () -> ()
    %mul3A_562 = arith.constant 32768 : i32
    %mul3A_563 = arith.muli %arg1, %mul3A_562 : i32
    %add3A_564 = arith.constant 0 : i32
    %add3A_565 = arith.addi %add3A_564, %mul3A_563 : i32
    %mul3A_566 = arith.constant 4 : i32
    %mul3A_567 = arith.muli %arg0, %mul3A_566 : i32
    %add3A_568 = arith.constant 0 : i32
    %add3A_569 = arith.addi %mul3A_567, %add3A_568 : i32
    %run_scoped3A_570 = arith.constant 7 : i32
    "tpu.region"() ({
      %run_scoped3A_621 = tpu.sem_alloc : memref<!tpu.dma_semaphore, #tpu.memory_space<semaphore_mem>>
      %dma_start3A = arith.constant 0 : i32
      %dma_start3A_622 = tpu.memref_slice %arg3[%run_scoped3A_570, %add3A_569, %arg1, %dma_start3A] : memref<8x8x16x32768xf32, #tpu.memory_space<hbm>> -> memref<1x1x1x32768xf32, #tpu.memory_space<hbm>>
      %dma_start3A_623 = tpu.memref_squeeze %dma_start3A_622 : memref<1x1x1x32768xf32, #tpu.memory_space<hbm>> -> memref<32768xf32, #tpu.memory_space<hbm>>
      %dma_start3A_624 = tpu.memref_slice %arg14[%add3A_565] : memref<1073152xf32, #tpu.memory_space<vmem_shared>> -> memref<32768xf32, #tpu.memory_space<vmem_shared>>
      tpu.enqueue_dma source(%dma_start3A_624 : memref<32768xf32, #tpu.memory_space<vmem_shared>>) target(%dma_start3A_623 : memref<32768xf32, #tpu.memory_space<hbm>>) target_semaphore(%run_scoped3A_621 : memref<!tpu.dma_semaphore, #tpu.memory_space<semaphore_mem>>)
      %dma_wait3A = arith.constant 0 : i32
      %dma_wait3A_625 = tpu.memref_slice %arg3[%run_scoped3A_570, %add3A_569, %arg1, %dma_wait3A] : memref<8x8x16x32768xf32, #tpu.memory_space<hbm>> -> memref<1x1x1x32768xf32, #tpu.memory_space<hbm>>
      %dma_wait3A_626 = tpu.memref_squeeze %dma_wait3A_625 : memref<1x1x1x32768xf32, #tpu.memory_space<hbm>> -> memref<32768xf32, #tpu.memory_space<hbm>>
      %dma_wait3A_627 = tpu.memref_slice %arg14[%add3A_565] : memref<1073152xf32, #tpu.memory_space<vmem_shared>> -> memref<32768xf32, #tpu.memory_space<vmem_shared>>
      tpu.wait_dma2 semaphore(%run_scoped3A_621 : memref<!tpu.dma_semaphore, #tpu.memory_space<semaphore_mem>>) src(%dma_wait3A_627 : memref<32768xf32, #tpu.memory_space<vmem_shared>>) dst(%dma_wait3A_626 : memref<32768xf32, #tpu.memory_space<hbm>>)
      tpu.yield
    }) : () -> ()
    %mul3A_571 = arith.constant 32768 : i32
    %mul3A_572 = arith.muli %arg1, %mul3A_571 : i32
    %add3A_573 = arith.constant 0 : i32
    %add3A_574 = arith.addi %add3A_573, %mul3A_572 : i32
    "tpu.region"() ({
      %run_scoped3A_621 = tpu.sem_alloc : memref<!tpu.dma_semaphore, #tpu.memory_space<semaphore_mem>>
      %dma_start3A = tpu.memref_slice %arg14[%add3A_574] : memref<1073152xf32, #tpu.memory_space<vmem_shared>> -> memref<32768xf32, #tpu.memory_space<vmem_shared>>
      %dma_start3A_622 = tpu.memref_slice %arg14[%add3A_574] : memref<1073152xf32, #tpu.memory_space<vmem_shared>> -> memref<32768xf32, #tpu.memory_space<vmem_shared>>
      tpu.enqueue_dma source(%arg13 : memref<32768xf32, #tpu.memory_space<vmem>>) target(%dma_start3A_622 : memref<32768xf32, #tpu.memory_space<vmem_shared>>) target_semaphore(%run_scoped3A_621 : memref<!tpu.dma_semaphore, #tpu.memory_space<semaphore_mem>>)
      %dma_wait3A = tpu.memref_slice %arg14[%add3A_574] : memref<1073152xf32, #tpu.memory_space<vmem_shared>> -> memref<32768xf32, #tpu.memory_space<vmem_shared>>
      %dma_wait3A_623 = tpu.memref_slice %arg14[%add3A_574] : memref<1073152xf32, #tpu.memory_space<vmem_shared>> -> memref<32768xf32, #tpu.memory_space<vmem_shared>>
      tpu.wait_dma2 semaphore(%run_scoped3A_621 : memref<!tpu.dma_semaphore, #tpu.memory_space<semaphore_mem>>) src(%arg13 : memref<32768xf32, #tpu.memory_space<vmem>>) dst(%dma_wait3A_623 : memref<32768xf32, #tpu.memory_space<vmem_shared>>)
      tpu.yield
    }) : () -> ()
    %barrier3A_575 = arith.constant 0 : index
    tpu.barrier barrier_id(%barrier3A_575)
    "tpu.region"() ({
      %run_scoped3A_621 = tpu.sem_alloc : memref<!tpu.dma_semaphore, #tpu.memory_space<semaphore_mem>>
      %dma_start3A = arith.constant 0 : i32
      %dma_start3A_622 = tpu.memref_slice %arg14[%dma_start3A] : memref<1073152xf32, #tpu.memory_space<vmem_shared>> -> memref<1073152xf32, #tpu.memory_space<vmem_shared>>
      tpu.enqueue_indirect_dma source(%arg12 : memref<2048xf32, #tpu.memory_space<vmem>>) target(%dma_start3A_622 : memref<1073152xf32, #tpu.memory_space<vmem_shared>>) offsets(%arg9 : memref<2048xi32, #tpu.memory_space<vmem>>) semaphore(%run_scoped3A_621 : memref<!tpu.dma_semaphore, #tpu.memory_space<semaphore_mem>>) {add = true}
      %dma_wait3A = arith.constant 0 : i32
      %dma_wait3A_623 = tpu.memref_slice %arg14[%dma_wait3A] : memref<1073152xf32, #tpu.memory_space<vmem_shared>> -> memref<1073152xf32, #tpu.memory_space<vmem_shared>>
      tpu.wait_indirect_dma semaphore(%run_scoped3A_621 : memref<!tpu.dma_semaphore, #tpu.memory_space<semaphore_mem>>) src(%arg12 : memref<2048xf32, #tpu.memory_space<vmem>>) dst(%dma_wait3A_623 : memref<1073152xf32, #tpu.memory_space<vmem_shared>>)
      tpu.yield
    }) : () -> ()
    %mul3A_576 = arith.constant 32768 : i32
    %mul3A_577 = arith.muli %arg1, %mul3A_576 : i32
    %add3A_578 = arith.constant 524288 : i32
    %add3A_579 = arith.addi %add3A_578, %mul3A_577 : i32
    %mul3A_580 = arith.constant 4 : i32
    %mul3A_581 = arith.muli %arg0, %mul3A_580 : i32
    %add3A_582 = arith.constant 1 : i32
    %add3A_583 = arith.addi %mul3A_581, %add3A_582 : i32
    %run_scoped3A_584 = arith.constant 7 : i32
    "tpu.region"() ({
      %run_scoped3A_621 = tpu.sem_alloc : memref<!tpu.dma_semaphore, #tpu.memory_space<semaphore_mem>>
      %dma_start3A = arith.constant 0 : i32
      %dma_start3A_622 = tpu.memref_slice %arg3[%run_scoped3A_584, %add3A_583, %arg1, %dma_start3A] : memref<8x8x16x32768xf32, #tpu.memory_space<hbm>> -> memref<1x1x1x32768xf32, #tpu.memory_space<hbm>>
      %dma_start3A_623 = tpu.memref_squeeze %dma_start3A_622 : memref<1x1x1x32768xf32, #tpu.memory_space<hbm>> -> memref<32768xf32, #tpu.memory_space<hbm>>
      %dma_start3A_624 = tpu.memref_slice %arg14[%add3A_579] : memref<1073152xf32, #tpu.memory_space<vmem_shared>> -> memref<32768xf32, #tpu.memory_space<vmem_shared>>
      tpu.enqueue_dma source(%dma_start3A_624 : memref<32768xf32, #tpu.memory_space<vmem_shared>>) target(%dma_start3A_623 : memref<32768xf32, #tpu.memory_space<hbm>>) target_semaphore(%run_scoped3A_621 : memref<!tpu.dma_semaphore, #tpu.memory_space<semaphore_mem>>)
      %dma_wait3A = arith.constant 0 : i32
      %dma_wait3A_625 = tpu.memref_slice %arg3[%run_scoped3A_584, %add3A_583, %arg1, %dma_wait3A] : memref<8x8x16x32768xf32, #tpu.memory_space<hbm>> -> memref<1x1x1x32768xf32, #tpu.memory_space<hbm>>
      %dma_wait3A_626 = tpu.memref_squeeze %dma_wait3A_625 : memref<1x1x1x32768xf32, #tpu.memory_space<hbm>> -> memref<32768xf32, #tpu.memory_space<hbm>>
      %dma_wait3A_627 = tpu.memref_slice %arg14[%add3A_579] : memref<1073152xf32, #tpu.memory_space<vmem_shared>> -> memref<32768xf32, #tpu.memory_space<vmem_shared>>
      tpu.wait_dma2 semaphore(%run_scoped3A_621 : memref<!tpu.dma_semaphore, #tpu.memory_space<semaphore_mem>>) src(%dma_wait3A_627 : memref<32768xf32, #tpu.memory_space<vmem_shared>>) dst(%dma_wait3A_626 : memref<32768xf32, #tpu.memory_space<hbm>>)
      tpu.yield
    }) : () -> ()
    %mul3A_585 = arith.constant 32768 : i32
    %mul3A_586 = arith.muli %arg1, %mul3A_585 : i32
    %add3A_587 = arith.constant 524288 : i32
    %add3A_588 = arith.addi %add3A_587, %mul3A_586 : i32
    "tpu.region"() ({
      %run_scoped3A_621 = tpu.sem_alloc : memref<!tpu.dma_semaphore, #tpu.memory_space<semaphore_mem>>
      %dma_start3A = tpu.memref_slice %arg14[%add3A_588] : memref<1073152xf32, #tpu.memory_space<vmem_shared>> -> memref<32768xf32, #tpu.memory_space<vmem_shared>>
      %dma_start3A_622 = tpu.memref_slice %arg14[%add3A_588] : memref<1073152xf32, #tpu.memory_space<vmem_shared>> -> memref<32768xf32, #tpu.memory_space<vmem_shared>>
      tpu.enqueue_dma source(%arg13 : memref<32768xf32, #tpu.memory_space<vmem>>) target(%dma_start3A_622 : memref<32768xf32, #tpu.memory_space<vmem_shared>>) target_semaphore(%run_scoped3A_621 : memref<!tpu.dma_semaphore, #tpu.memory_space<semaphore_mem>>)
      %dma_wait3A = tpu.memref_slice %arg14[%add3A_588] : memref<1073152xf32, #tpu.memory_space<vmem_shared>> -> memref<32768xf32, #tpu.memory_space<vmem_shared>>
      %dma_wait3A_623 = tpu.memref_slice %arg14[%add3A_588] : memref<1073152xf32, #tpu.memory_space<vmem_shared>> -> memref<32768xf32, #tpu.memory_space<vmem_shared>>
      tpu.wait_dma2 semaphore(%run_scoped3A_621 : memref<!tpu.dma_semaphore, #tpu.memory_space<semaphore_mem>>) src(%arg13 : memref<32768xf32, #tpu.memory_space<vmem>>) dst(%dma_wait3A_623 : memref<32768xf32, #tpu.memory_space<vmem_shared>>)
      tpu.yield
    }) : () -> ()
    %barrier3A_589 = arith.constant 0 : index
    tpu.barrier barrier_id(%barrier3A_589)
    "tpu.region"() ({
      %run_scoped3A_621 = tpu.sem_alloc : memref<!tpu.dma_semaphore, #tpu.memory_space<semaphore_mem>>
      %dma_start3A = arith.constant 0 : i32
      %dma_start3A_622 = tpu.memref_slice %arg14[%dma_start3A] : memref<1073152xf32, #tpu.memory_space<vmem_shared>> -> memref<1073152xf32, #tpu.memory_space<vmem_shared>>
      tpu.enqueue_indirect_dma source(%arg12 : memref<2048xf32, #tpu.memory_space<vmem>>) target(%dma_start3A_622 : memref<1073152xf32, #tpu.memory_space<vmem_shared>>) offsets(%arg10 : memref<2048xi32, #tpu.memory_space<vmem>>) semaphore(%run_scoped3A_621 : memref<!tpu.dma_semaphore, #tpu.memory_space<semaphore_mem>>) {add = true}
      %dma_wait3A = arith.constant 0 : i32
      %dma_wait3A_623 = tpu.memref_slice %arg14[%dma_wait3A] : memref<1073152xf32, #tpu.memory_space<vmem_shared>> -> memref<1073152xf32, #tpu.memory_space<vmem_shared>>
      tpu.wait_indirect_dma semaphore(%run_scoped3A_621 : memref<!tpu.dma_semaphore, #tpu.memory_space<semaphore_mem>>) src(%arg12 : memref<2048xf32, #tpu.memory_space<vmem>>) dst(%dma_wait3A_623 : memref<1073152xf32, #tpu.memory_space<vmem_shared>>)
      tpu.yield
    }) : () -> ()
    %mul3A_590 = arith.constant 32768 : i32
    %mul3A_591 = arith.muli %arg1, %mul3A_590 : i32
    %add3A_592 = arith.constant 0 : i32
    %add3A_593 = arith.addi %add3A_592, %mul3A_591 : i32
    %mul3A_594 = arith.constant 4 : i32
    %mul3A_595 = arith.muli %arg0, %mul3A_594 : i32
    %add3A_596 = arith.constant 2 : i32
    %add3A_597 = arith.addi %mul3A_595, %add3A_596 : i32
    %run_scoped3A_598 = arith.constant 7 : i32
    "tpu.region"() ({
      %run_scoped3A_621 = tpu.sem_alloc : memref<!tpu.dma_semaphore, #tpu.memory_space<semaphore_mem>>
      %dma_start3A = arith.constant 0 : i32
      %dma_start3A_622 = tpu.memref_slice %arg3[%run_scoped3A_598, %add3A_597, %arg1, %dma_start3A] : memref<8x8x16x32768xf32, #tpu.memory_space<hbm>> -> memref<1x1x1x32768xf32, #tpu.memory_space<hbm>>
      %dma_start3A_623 = tpu.memref_squeeze %dma_start3A_622 : memref<1x1x1x32768xf32, #tpu.memory_space<hbm>> -> memref<32768xf32, #tpu.memory_space<hbm>>
      %dma_start3A_624 = tpu.memref_slice %arg14[%add3A_593] : memref<1073152xf32, #tpu.memory_space<vmem_shared>> -> memref<32768xf32, #tpu.memory_space<vmem_shared>>
      tpu.enqueue_dma source(%dma_start3A_624 : memref<32768xf32, #tpu.memory_space<vmem_shared>>) target(%dma_start3A_623 : memref<32768xf32, #tpu.memory_space<hbm>>) target_semaphore(%run_scoped3A_621 : memref<!tpu.dma_semaphore, #tpu.memory_space<semaphore_mem>>)
      %dma_wait3A = arith.constant 0 : i32
      %dma_wait3A_625 = tpu.memref_slice %arg3[%run_scoped3A_598, %add3A_597, %arg1, %dma_wait3A] : memref<8x8x16x32768xf32, #tpu.memory_space<hbm>> -> memref<1x1x1x32768xf32, #tpu.memory_space<hbm>>
      %dma_wait3A_626 = tpu.memref_squeeze %dma_wait3A_625 : memref<1x1x1x32768xf32, #tpu.memory_space<hbm>> -> memref<32768xf32, #tpu.memory_space<hbm>>
      %dma_wait3A_627 = tpu.memref_slice %arg14[%add3A_593] : memref<1073152xf32, #tpu.memory_space<vmem_shared>> -> memref<32768xf32, #tpu.memory_space<vmem_shared>>
      tpu.wait_dma2 semaphore(%run_scoped3A_621 : memref<!tpu.dma_semaphore, #tpu.memory_space<semaphore_mem>>) src(%dma_wait3A_627 : memref<32768xf32, #tpu.memory_space<vmem_shared>>) dst(%dma_wait3A_626 : memref<32768xf32, #tpu.memory_space<hbm>>)
      tpu.yield
    }) : () -> ()
    %mul3A_599 = arith.constant 32768 : i32
    %mul3A_600 = arith.muli %arg1, %mul3A_599 : i32
    %add3A_601 = arith.constant 0 : i32
    %add3A_602 = arith.addi %add3A_601, %mul3A_600 : i32
    "tpu.region"() ({
      %run_scoped3A_621 = tpu.sem_alloc : memref<!tpu.dma_semaphore, #tpu.memory_space<semaphore_mem>>
      %dma_start3A = tpu.memref_slice %arg14[%add3A_602] : memref<1073152xf32, #tpu.memory_space<vmem_shared>> -> memref<32768xf32, #tpu.memory_space<vmem_shared>>
      %dma_start3A_622 = tpu.memref_slice %arg14[%add3A_602] : memref<1073152xf32, #tpu.memory_space<vmem_shared>> -> memref<32768xf32, #tpu.memory_space<vmem_shared>>
      tpu.enqueue_dma source(%arg13 : memref<32768xf32, #tpu.memory_space<vmem>>) target(%dma_start3A_622 : memref<32768xf32, #tpu.memory_space<vmem_shared>>) target_semaphore(%run_scoped3A_621 : memref<!tpu.dma_semaphore, #tpu.memory_space<semaphore_mem>>)
      %dma_wait3A = tpu.memref_slice %arg14[%add3A_602] : memref<1073152xf32, #tpu.memory_space<vmem_shared>> -> memref<32768xf32, #tpu.memory_space<vmem_shared>>
      %dma_wait3A_623 = tpu.memref_slice %arg14[%add3A_602] : memref<1073152xf32, #tpu.memory_space<vmem_shared>> -> memref<32768xf32, #tpu.memory_space<vmem_shared>>
      tpu.wait_dma2 semaphore(%run_scoped3A_621 : memref<!tpu.dma_semaphore, #tpu.memory_space<semaphore_mem>>) src(%arg13 : memref<32768xf32, #tpu.memory_space<vmem>>) dst(%dma_wait3A_623 : memref<32768xf32, #tpu.memory_space<vmem_shared>>)
      tpu.yield
    }) : () -> ()
    %barrier3A_603 = arith.constant 0 : index
    tpu.barrier barrier_id(%barrier3A_603)
    %mul3A_604 = arith.constant 32768 : i32
    %mul3A_605 = arith.muli %arg1, %mul3A_604 : i32
    %add3A_606 = arith.constant 524288 : i32
    %add3A_607 = arith.addi %add3A_606, %mul3A_605 : i32
    %mul3A_608 = arith.constant 4 : i32
    %mul3A_609 = arith.muli %arg0, %mul3A_608 : i32
    %add3A_610 = arith.constant 3 : i32
    %add3A_611 = arith.addi %mul3A_609, %add3A_610 : i32
    %run_scoped3A_612 = arith.constant 7 : i32
    "tpu.region"() ({
      %run_scoped3A_621 = tpu.sem_alloc : memref<!tpu.dma_semaphore, #tpu.memory_space<semaphore_mem>>
      %dma_start3A = arith.constant 0 : i32
      %dma_start3A_622 = tpu.memref_slice %arg3[%run_scoped3A_612, %add3A_611, %arg1, %dma_start3A] : memref<8x8x16x32768xf32, #tpu.memory_space<hbm>> -> memref<1x1x1x32768xf32, #tpu.memory_space<hbm>>
      %dma_start3A_623 = tpu.memref_squeeze %dma_start3A_622 : memref<1x1x1x32768xf32, #tpu.memory_space<hbm>> -> memref<32768xf32, #tpu.memory_space<hbm>>
      %dma_start3A_624 = tpu.memref_slice %arg14[%add3A_607] : memref<1073152xf32, #tpu.memory_space<vmem_shared>> -> memref<32768xf32, #tpu.memory_space<vmem_shared>>
      tpu.enqueue_dma source(%dma_start3A_624 : memref<32768xf32, #tpu.memory_space<vmem_shared>>) target(%dma_start3A_623 : memref<32768xf32, #tpu.memory_space<hbm>>) target_semaphore(%run_scoped3A_621 : memref<!tpu.dma_semaphore, #tpu.memory_space<semaphore_mem>>)
      %dma_wait3A = arith.constant 0 : i32
      %dma_wait3A_625 = tpu.memref_slice %arg3[%run_scoped3A_612, %add3A_611, %arg1, %dma_wait3A] : memref<8x8x16x32768xf32, #tpu.memory_space<hbm>> -> memref<1x1x1x32768xf32, #tpu.memory_space<hbm>>
      %dma_wait3A_626 = tpu.memref_squeeze %dma_wait3A_625 : memref<1x1x1x32768xf32, #tpu.memory_space<hbm>> -> memref<32768xf32, #tpu.memory_space<hbm>>
      %dma_wait3A_627 = tpu.memref_slice %arg14[%add3A_607] : memref<1073152xf32, #tpu.memory_space<vmem_shared>> -> memref<32768xf32, #tpu.memory_space<vmem_shared>>
      tpu.wait_dma2 semaphore(%run_scoped3A_621 : memref<!tpu.dma_semaphore, #tpu.memory_space<semaphore_mem>>) src(%dma_wait3A_627 : memref<32768xf32, #tpu.memory_space<vmem_shared>>) dst(%dma_wait3A_626 : memref<32768xf32, #tpu.memory_space<hbm>>)
      tpu.yield
    }) : () -> ()
    %mul3A_613 = arith.constant 32768 : i32
    %mul3A_614 = arith.muli %arg1, %mul3A_613 : i32
    %add3A_615 = arith.constant 524288 : i32
    %add3A_616 = arith.addi %add3A_615, %mul3A_614 : i32
    "tpu.region"() ({
      %run_scoped3A_621 = tpu.sem_alloc : memref<!tpu.dma_semaphore, #tpu.memory_space<semaphore_mem>>
      %dma_start3A = tpu.memref_slice %arg14[%add3A_616] : memref<1073152xf32, #tpu.memory_space<vmem_shared>> -> memref<32768xf32, #tpu.memory_space<vmem_shared>>
      %dma_start3A_622 = tpu.memref_slice %arg14[%add3A_616] : memref<1073152xf32, #tpu.memory_space<vmem_shared>> -> memref<32768xf32, #tpu.memory_space<vmem_shared>>
      tpu.enqueue_dma source(%arg13 : memref<32768xf32, #tpu.memory_space<vmem>>) target(%dma_start3A_622 : memref<32768xf32, #tpu.memory_space<vmem_shared>>) target_semaphore(%run_scoped3A_621 : memref<!tpu.dma_semaphore, #tpu.memory_space<semaphore_mem>>)
      %dma_wait3A = tpu.memref_slice %arg14[%add3A_616] : memref<1073152xf32, #tpu.memory_space<vmem_shared>> -> memref<32768xf32, #tpu.memory_space<vmem_shared>>
      %dma_wait3A_623 = tpu.memref_slice %arg14[%add3A_616] : memref<1073152xf32, #tpu.memory_space<vmem_shared>> -> memref<32768xf32, #tpu.memory_space<vmem_shared>>
      tpu.wait_dma2 semaphore(%run_scoped3A_621 : memref<!tpu.dma_semaphore, #tpu.memory_space<semaphore_mem>>) src(%arg13 : memref<32768xf32, #tpu.memory_space<vmem>>) dst(%dma_wait3A_623 : memref<32768xf32, #tpu.memory_space<vmem_shared>>)
      tpu.yield
    }) : () -> ()
    %lt3A = arith.constant 4 : i32
    %lt3A_617 = arith.cmpi slt, %arg1, %lt3A : i32
    %convert_element_type3A_618 = arith.extui %lt3A_617 : i1 to i32
    %cond3A_619 = arith.constant 0 : i32
    %cond3A_620 = arith.cmpi ne, %convert_element_type3A_618, %cond3A_619 : i32
    scf.if %cond3A_620 {
      %mul3A_621 = arith.constant 2048 : i32
      %mul3A_622 = arith.muli %arg1, %mul3A_621 : i32
      %add3A_623 = arith.constant 1048576 : i32
      %add3A_624 = arith.addi %add3A_623, %mul3A_622 : i32
      %mul3A_625 = arith.constant 4 : i32
      %mul3A_626 = arith.muli %arg0, %mul3A_625 : i32
      %add3A_627 = arith.addi %mul3A_626, %arg1 : i32
      "tpu.region"() ({
        %run_scoped3A_628 = tpu.sem_alloc : memref<!tpu.dma_semaphore, #tpu.memory_space<semaphore_mem>>
        %dma_start3A = arith.constant 0 : i32
        %dma_start3A_629 = tpu.memref_slice %arg4[%add3A_627, %dma_start3A] : memref<8x2048xf32, #tpu.memory_space<hbm>> -> memref<1x2048xf32, #tpu.memory_space<hbm>>
        %dma_start3A_630 = tpu.memref_squeeze %dma_start3A_629 : memref<1x2048xf32, #tpu.memory_space<hbm>> -> memref<2048xf32, #tpu.memory_space<hbm>>
        %dma_start3A_631 = tpu.memref_slice %arg14[%add3A_624] : memref<1073152xf32, #tpu.memory_space<vmem_shared>> -> memref<2048xf32, #tpu.memory_space<vmem_shared>>
        tpu.enqueue_dma source(%dma_start3A_631 : memref<2048xf32, #tpu.memory_space<vmem_shared>>) target(%dma_start3A_630 : memref<2048xf32, #tpu.memory_space<hbm>>) target_semaphore(%run_scoped3A_628 : memref<!tpu.dma_semaphore, #tpu.memory_space<semaphore_mem>>)
        %dma_wait3A = arith.constant 0 : i32
        %dma_wait3A_632 = tpu.memref_slice %arg4[%add3A_627, %dma_wait3A] : memref<8x2048xf32, #tpu.memory_space<hbm>> -> memref<1x2048xf32, #tpu.memory_space<hbm>>
        %dma_wait3A_633 = tpu.memref_squeeze %dma_wait3A_632 : memref<1x2048xf32, #tpu.memory_space<hbm>> -> memref<2048xf32, #tpu.memory_space<hbm>>
        %dma_wait3A_634 = tpu.memref_slice %arg14[%add3A_624] : memref<1073152xf32, #tpu.memory_space<vmem_shared>> -> memref<2048xf32, #tpu.memory_space<vmem_shared>>
        tpu.wait_dma2 semaphore(%run_scoped3A_628 : memref<!tpu.dma_semaphore, #tpu.memory_space<semaphore_mem>>) src(%dma_wait3A_634 : memref<2048xf32, #tpu.memory_space<vmem_shared>>) dst(%dma_wait3A_633 : memref<2048xf32, #tpu.memory_space<hbm>>)
        tpu.yield
      }) : () -> ()
    } else {
    }
    return
  }
}

module attributes {stable_mosaic.version = 14 : i64} {
  func.func @_conv_proj_body(%arg0: i32, %arg1: i32, %arg2: memref<1x256x2048xf32, #tpu.memory_space<vmem>>, %arg3: memref<1x2048x256xf32, #tpu.memory_space<vmem>>, %arg4: memref<1x1x2048xf32, #tpu.memory_space<vmem>>, %arg5: memref<1x256xf32, #tpu.memory_space<vmem>>, %arg6: memref<256x256xf32, #tpu.memory_space<vmem>>, %arg7: memref<1x256x256xf32, #tpu.memory_space<vmem>>) attributes {dimension_semantics = [#tpu.dimension_semantics<arbitrary>, #tpu.dimension_semantics<arbitrary>], iteration_bounds = array<i64: 8, 8>, scalar_prefetch = 0 : i64, scratch_operands = 0 : i64, tpu.core_type = #tpu.core_type<tc>, window_params = [{transform_indices = @transform_0, window_bounds = array<i64: 1, 256, 2048>}, {transform_indices = @transform_1, window_bounds = array<i64: 1, 2048, 256>}, {transform_indices = @transform_2, window_bounds = array<i64: 1, 1, 2048>}, {pipeline_mode = #tpu.pipeline_mode<synchronous>, transform_indices = @transform_3, window_bounds = array<i64: 1, 256>}, {pipeline_mode = #tpu.pipeline_mode<synchronous>, transform_indices = @transform_4, window_bounds = array<i64: 256, 256>}, {transform_indices = @transform_5, window_bounds = array<i64: 1, 256, 256>}]} {
    %get3A = arith.constant 0 : index
    %get3A_0 = arith.constant 0 : index
    %get3A_1 = arith.constant 0 : index
    %get3A_2 = vector.load %arg4[%get3A, %get3A_0, %get3A_1] : memref<1x1x2048xf32, #tpu.memory_space<vmem>>, vector<1x1x2048xf32>
    %get3A_3 = vector.shape_cast %get3A_2 : vector<1x1x2048xf32> to vector<2048xf32>
    %add3A = arith.constant 1.000000e+00 : f32
    %add3A_4 = vector.broadcast %add3A : f32 to vector<2048xf32>
    %add3A_5 = arith.addf %get3A_3, %add3A_4 : vector<2048xf32>
    %rsqrt3A = math.rsqrt %add3A_5 : vector<2048xf32>
    %get3A_6 = arith.constant 0 : index
    %get3A_7 = arith.constant 0 : index
    %get3A_8 = arith.constant 0 : index
    %get3A_9 = vector.load %arg3[%get3A_6, %get3A_7, %get3A_8] : memref<1x2048x256xf32, #tpu.memory_space<vmem>>, vector<1x2048x256xf32>
    %get3A_10 = vector.shape_cast %get3A_9 : vector<1x2048x256xf32> to vector<2048x256xf32>
    %broadcast_in_dim3A = vector.shape_cast %rsqrt3A : vector<2048xf32> to vector<2048x1xf32>
    %mul3A = vector.broadcast %broadcast_in_dim3A : vector<2048x1xf32> to vector<2048x256xf32>
    %mul3A_11 = arith.mulf %get3A_10, %mul3A : vector<2048x256xf32>
    %get3A_12 = arith.constant 0 : index
    %get3A_13 = arith.constant 0 : index
    %get3A_14 = arith.constant 0 : index
    %get3A_15 = vector.load %arg2[%get3A_12, %get3A_13, %get3A_14] : memref<1x256x2048xf32, #tpu.memory_space<vmem>>, vector<1x256x2048xf32>
    %get3A_16 = vector.shape_cast %get3A_15 : vector<1x256x2048xf32> to vector<256x2048xf32>
    %dot_general3A = arith.constant dense<0.000000e+00> : vector<256x256xf32>
    %dot_general3A_17 = tpu.matmul %get3A_16, %mul3A_11, %dot_general3A {dimension_numbers = #tpu.dot_dimension_numbers<[1], [0], [0], [1], [0, 0, 1, 1], [], []>, transpose_lhs_hint = false} : vector<256x2048xf32>, vector<2048x256xf32>, vector<256x256xf32> -> vector<256x256xf32>
    %mul3A_18 = arith.constant 256 : i32
    %mul3A_19 = arith.muli %arg1, %mul3A_18 : i32
    %get3A_20 = arith.constant 0 : index
    %get3A_21 = arith.constant 0 : index
    %get3A_22 = arith.index_cast %mul3A_19 : i32 to index
    %get3A_23 = vector.load %arg4[%get3A_20, %get3A_21, %get3A_22] : memref<1x1x2048xf32, #tpu.memory_space<vmem>>, vector<1x1x256xf32>
    %get3A_24 = vector.shape_cast %get3A_23 : vector<1x1x256xf32> to vector<256xf32>
    %add3A_25 = arith.constant 1.000000e+00 : f32
    %add3A_26 = vector.broadcast %add3A_25 : f32 to vector<256xf32>
    %add3A_27 = arith.addf %get3A_24, %add3A_26 : vector<256xf32>
    %rsqrt3A_28 = math.rsqrt %add3A_27 : vector<256xf32>
    %mul3A_29 = arith.constant 256 : i32
    %mul3A_30 = arith.muli %arg1, %mul3A_29 : i32
    %get3A_31 = arith.constant 0 : index
    %get3A_32 = arith.index_cast %mul3A_30 : i32 to index
    %get3A_33 = arith.constant 0 : index
    %get3A_34 = vector.load %arg3[%get3A_31, %get3A_32, %get3A_33] : memref<1x2048x256xf32, #tpu.memory_space<vmem>>, vector<1x256x256xf32>
    %get3A_35 = vector.shape_cast %get3A_34 : vector<1x256x256xf32> to vector<256x256xf32>
    %broadcast_in_dim3A_36 = vector.shape_cast %rsqrt3A_28 : vector<256xf32> to vector<256x1xf32>
    %mul3A_37 = vector.broadcast %broadcast_in_dim3A_36 : vector<256x1xf32> to vector<256x256xf32>
    %mul3A_38 = arith.mulf %get3A_35, %mul3A_37 : vector<256x256xf32>
    %add3A_39 = arith.addf %dot_general3A_17, %mul3A_38 : vector<256x256xf32>
    %broadcast_in_dim3A_40 = vector.shape_cast %rsqrt3A_28 : vector<256xf32> to vector<256x1xf32>
    %mul3A_41 = vector.broadcast %broadcast_in_dim3A_40 : vector<256x1xf32> to vector<256x256xf32>
    %mul3A_42 = arith.mulf %add3A_39, %mul3A_41 : vector<256x256xf32>
    %get3A_43 = arith.constant 0 : index
    %get3A_44 = arith.constant 0 : index
    %get3A_45 = vector.load %arg5[%get3A_43, %get3A_44] : memref<1x256xf32, #tpu.memory_space<vmem>>, vector<1x256xf32>
    %get3A_46 = vector.shape_cast %get3A_45 : vector<1x256xf32> to vector<256xf32>
    %broadcast_in_dim3A_47 = vector.shape_cast %get3A_46 : vector<256xf32> to vector<1x256xf32>
    %add3A_48 = vector.broadcast %broadcast_in_dim3A_47 : vector<1x256xf32> to vector<256x256xf32>
    %add3A_49 = arith.addf %mul3A_42, %add3A_48 : vector<256x256xf32>
    %max3A = arith.constant 0.000000e+00 : f32
    %max3A_50 = vector.broadcast %max3A : f32 to vector<256x256xf32>
    %max3A_51 = arith.maximumf %add3A_49, %max3A_50 : vector<256x256xf32>
    %broadcast_in_dim3A_52 = vector.shape_cast %rsqrt3A_28 : vector<256xf32> to vector<256x1xf32>
    %mul3A_53 = vector.broadcast %broadcast_in_dim3A_52 : vector<256x1xf32> to vector<256x256xf32>
    %mul3A_54 = arith.mulf %max3A_51, %mul3A_53 : vector<256x256xf32>
    %get3A_55 = arith.constant 0 : index
    %get3A_56 = arith.constant 0 : index
    %get3A_57 = vector.load %arg6[%get3A_55, %get3A_56] : memref<256x256xf32, #tpu.memory_space<vmem>>, vector<256x256xf32>
    %dot_general3A_58 = arith.constant dense<0.000000e+00> : vector<256x256xf32>
    %dot_general3A_59 = tpu.matmul %mul3A_54, %get3A_57, %dot_general3A_58 {dimension_numbers = #tpu.dot_dimension_numbers<[1], [0], [0], [1], [0, 0, 1, 1], [], []>, transpose_lhs_hint = false} : vector<256x256xf32>, vector<256x256xf32>, vector<256x256xf32> -> vector<256x256xf32>
    %swap3A = arith.constant 0 : index
    %swap3A_60 = arith.constant 0 : index
    %swap3A_61 = arith.constant 0 : index
    %swap3A_62 = vector.load %arg7[%swap3A, %swap3A_60, %swap3A_61] : memref<1x256x256xf32, #tpu.memory_space<vmem>>, vector<1x256x256xf32>
    %swap3A_63 = vector.shape_cast %swap3A_62 : vector<1x256x256xf32> to vector<256x256xf32>
    %swap3A_64 = vector.shape_cast %dot_general3A_59 : vector<256x256xf32> to vector<1x256x256xf32>
    tpu.vector_store %arg7[%swap3A, %swap3A_60, %swap3A_61], %swap3A_64 {strides = array<i32>} : memref<1x256x256xf32, #tpu.memory_space<vmem>>, vector<1x256x256xf32>,
    return
  }
  func.func @transform_0(%arg0: i32, %arg1: i32) -> (i32, i32, i32) {
    %c0_i32 = arith.constant 0 : i32
    %c0_i32_0 = arith.constant 0 : i32
    return %arg0, %arg1, %c0_i32 : i32, i32, i32
  }
  func.func @transform_1(%arg0: i32, %arg1: i32) -> (i32, i32, i32) {
    %c0_i32 = arith.constant 0 : i32
    %c0_i32_0 = arith.constant 0 : i32
    %c0_i32_1 = arith.constant 0 : i32
    return %arg0, %c0_i32, %c0_i32_0 : i32, i32, i32
  }
  func.func @transform_2(%arg0: i32, %arg1: i32) -> (i32, i32, i32) {
    %c0_i32 = arith.constant 0 : i32
    %c0_i32_0 = arith.constant 0 : i32
    %c0_i32_1 = arith.constant 0 : i32
    return %arg0, %c0_i32, %c0_i32_0 : i32, i32, i32
  }
  func.func @transform_3(%arg0: i32, %arg1: i32) -> (i32, i32) {
    %c0_i32 = arith.constant 0 : i32
    %c0_i32_0 = arith.constant 0 : i32
    %c0_i32_1 = arith.constant 0 : i32
    return %c0_i32, %c0_i32_0 : i32, i32
  }
  func.func @transform_4(%arg0: i32, %arg1: i32) -> (i32, i32) {
    %c0_i32 = arith.constant 0 : i32
    %c0_i32_0 = arith.constant 0 : i32
    %c0_i32_1 = arith.constant 0 : i32
    return %c0_i32, %c0_i32_0 : i32, i32
  }
  func.func @transform_5(%arg0: i32, %arg1: i32) -> (i32, i32, i32) {
    %c0_i32 = arith.constant 0 : i32
    %c0_i32_0 = arith.constant 0 : i32
    return %arg0, %arg1, %c0_i32 : i32, i32, i32
  }
}

module attributes {stable_mosaic.version = 14 : i64} {
  func.func @_encode_body(%arg0: i32, %arg1: i32, %arg2: memref<1x256x256xf32, #tpu.memory_space<vmem>>, %arg3: memref<256x256xf32, #tpu.memory_space<vmem>>, %arg4: memref<1x256xf32, #tpu.memory_space<vmem>>, %arg5: memref<256x256xf32, #tpu.memory_space<vmem>>, %arg6: memref<1x256x256xf32, #tpu.memory_space<vmem>>) attributes {dimension_semantics = [#tpu.dimension_semantics<arbitrary>, #tpu.dimension_semantics<arbitrary>], iteration_bounds = array<i64: 8, 8>, scalar_prefetch = 0 : i64, scratch_operands = 0 : i64, tpu.core_type = #tpu.core_type<tc>, window_params = [{transform_indices = @transform_0, window_bounds = array<i64: 1, 256, 256>}, {pipeline_mode = #tpu.pipeline_mode<synchronous>, transform_indices = @transform_1, window_bounds = array<i64: 256, 256>}, {pipeline_mode = #tpu.pipeline_mode<synchronous>, transform_indices = @transform_2, window_bounds = array<i64: 1, 256>}, {pipeline_mode = #tpu.pipeline_mode<synchronous>, transform_indices = @transform_3, window_bounds = array<i64: 256, 256>}, {transform_indices = @transform_4, window_bounds = array<i64: 1, 256, 256>}]} {
    %get3A = arith.constant 0 : index
    %get3A_0 = arith.constant 0 : index
    %get3A_1 = arith.constant 0 : index
    %get3A_2 = vector.load %arg2[%get3A, %get3A_0, %get3A_1] : memref<1x256x256xf32, #tpu.memory_space<vmem>>, vector<1x256x256xf32>
    %get3A_3 = vector.shape_cast %get3A_2 : vector<1x256x256xf32> to vector<256x256xf32>
    %get3A_4 = arith.constant 0 : index
    %get3A_5 = arith.constant 0 : index
    %get3A_6 = vector.load %arg3[%get3A_4, %get3A_5] : memref<256x256xf32, #tpu.memory_space<vmem>>, vector<256x256xf32>
    %dot_general3A = arith.constant dense<0.000000e+00> : vector<256x256xf32>
    %dot_general3A_7 = tpu.matmul %get3A_3, %get3A_6, %dot_general3A {dimension_numbers = #tpu.dot_dimension_numbers<[1], [0], [0], [1], [0, 0, 1, 1], [], []>, transpose_lhs_hint = false} : vector<256x256xf32>, vector<256x256xf32>, vector<256x256xf32> -> vector<256x256xf32>
    %get3A_8 = arith.constant 0 : index
    %get3A_9 = arith.constant 0 : index
    %get3A_10 = vector.load %arg4[%get3A_8, %get3A_9] : memref<1x256xf32, #tpu.memory_space<vmem>>, vector<1x256xf32>
    %get3A_11 = vector.shape_cast %get3A_10 : vector<1x256xf32> to vector<256xf32>
    %broadcast_in_dim3A = vector.shape_cast %get3A_11 : vector<256xf32> to vector<1x256xf32>
    %add3A = vector.broadcast %broadcast_in_dim3A : vector<1x256xf32> to vector<256x256xf32>
    %add3A_12 = arith.addf %dot_general3A_7, %add3A : vector<256x256xf32>
    %max3A = arith.constant 0.000000e+00 : f32
    %max3A_13 = vector.broadcast %max3A : f32 to vector<256x256xf32>
    %max3A_14 = arith.maximumf %add3A_12, %max3A_13 : vector<256x256xf32>
    %get3A_15 = arith.constant 0 : index
    %get3A_16 = arith.constant 0 : index
    %get3A_17 = vector.load %arg5[%get3A_15, %get3A_16] : memref<256x256xf32, #tpu.memory_space<vmem>>, vector<256x256xf32>
    %dot_general3A_18 = arith.constant dense<0.000000e+00> : vector<256x256xf32>
    %dot_general3A_19 = tpu.matmul %max3A_14, %get3A_17, %dot_general3A_18 {dimension_numbers = #tpu.dot_dimension_numbers<[1], [0], [0], [1], [0, 0, 1, 1], [], []>, transpose_lhs_hint = false} : vector<256x256xf32>, vector<256x256xf32>, vector<256x256xf32> -> vector<256x256xf32>
    %swap3A = arith.constant 0 : index
    %swap3A_20 = arith.constant 0 : index
    %swap3A_21 = arith.constant 0 : index
    %swap3A_22 = vector.load %arg6[%swap3A, %swap3A_20, %swap3A_21] : memref<1x256x256xf32, #tpu.memory_space<vmem>>, vector<1x256x256xf32>
    %swap3A_23 = vector.shape_cast %swap3A_22 : vector<1x256x256xf32> to vector<256x256xf32>
    %swap3A_24 = vector.shape_cast %dot_general3A_19 : vector<256x256xf32> to vector<1x256x256xf32>
    tpu.vector_store %arg6[%swap3A, %swap3A_20, %swap3A_21], %swap3A_24 {strides = array<i32>} : memref<1x256x256xf32, #tpu.memory_space<vmem>>, vector<1x256x256xf32>,
    return
  }
  func.func @transform_0(%arg0: i32, %arg1: i32) -> (i32, i32, i32) {
    %c0_i32 = arith.constant 0 : i32
    %c0_i32_0 = arith.constant 0 : i32
    return %arg0, %arg1, %c0_i32 : i32, i32, i32
  }
  func.func @transform_1(%arg0: i32, %arg1: i32) -> (i32, i32) {
    %c0_i32 = arith.constant 0 : i32
    %c0_i32_0 = arith.constant 0 : i32
    %c0_i32_1 = arith.constant 0 : i32
    return %c0_i32, %c0_i32_0 : i32, i32
  }
  func.func @transform_2(%arg0: i32, %arg1: i32) -> (i32, i32) {
    %c0_i32 = arith.constant 0 : i32
    %c0_i32_0 = arith.constant 0 : i32
    %c0_i32_1 = arith.constant 0 : i32
    return %c0_i32, %c0_i32_0 : i32, i32
  }
  func.func @transform_3(%arg0: i32, %arg1: i32) -> (i32, i32) {
    %c0_i32 = arith.constant 0 : i32
    %c0_i32_0 = arith.constant 0 : i32
    %c0_i32_1 = arith.constant 0 : i32
    return %c0_i32, %c0_i32_0 : i32, i32
  }
  func.func @transform_4(%arg0: i32, %arg1: i32) -> (i32, i32, i32) {
    %c0_i32 = arith.constant 0 : i32
    %c0_i32_0 = arith.constant 0 : i32
    return %arg0, %arg1, %c0_i32 : i32, i32, i32
  }
}

module attributes {stable_mosaic.version = 14 : i64} {
  func.func @_conv_pool_body(%arg0: i32, %arg1: i32, %arg2: memref<1x256x2048xf32, #tpu.memory_space<vmem>>, %arg3: memref<1x2048x256xf32, #tpu.memory_space<vmem>>, %arg4: memref<1x1x2048xf32, #tpu.memory_space<vmem>>, %arg5: memref<1x256xf32, #tpu.memory_space<vmem>>, %arg6: memref<1x1x256xf32, #tpu.memory_space<vmem>>) attributes {dimension_semantics = [#tpu.dimension_semantics<arbitrary>, #tpu.dimension_semantics<arbitrary>], iteration_bounds = array<i64: 8, 8>, scalar_prefetch = 0 : i64, scratch_operands = 0 : i64, tpu.core_type = #tpu.core_type<tc>, window_params = [{transform_indices = @transform_0, window_bounds = array<i64: 1, 256, 2048>}, {transform_indices = @transform_1, window_bounds = array<i64: 1, 2048, 256>}, {transform_indices = @transform_2, window_bounds = array<i64: 1, 1, 2048>}, {pipeline_mode = #tpu.pipeline_mode<synchronous>, transform_indices = @transform_3, window_bounds = array<i64: 1, 256>}, {transform_indices = @transform_4, window_bounds = array<i64: 1, 1, 256>}]} {
    %get3A = arith.constant 0 : index
    %get3A_0 = arith.constant 0 : index
    %get3A_1 = arith.constant 0 : index
    %get3A_2 = vector.load %arg3[%get3A, %get3A_0, %get3A_1] : memref<1x2048x256xf32, #tpu.memory_space<vmem>>, vector<1x2048x256xf32>
    %get3A_3 = vector.shape_cast %get3A_2 : vector<1x2048x256xf32> to vector<2048x256xf32>
    %get3A_4 = arith.constant 0 : index
    %get3A_5 = arith.constant 0 : index
    %get3A_6 = arith.constant 0 : index
    %get3A_7 = vector.load %arg2[%get3A_4, %get3A_5, %get3A_6] : memref<1x256x2048xf32, #tpu.memory_space<vmem>>, vector<1x256x2048xf32>
    %get3A_8 = vector.shape_cast %get3A_7 : vector<1x256x2048xf32> to vector<256x2048xf32>
    %dot_general3A = arith.constant dense<0.000000e+00> : vector<256x256xf32>
    %dot_general3A_9 = tpu.matmul %get3A_8, %get3A_3, %dot_general3A {dimension_numbers = #tpu.dot_dimension_numbers<[1], [0], [0], [1], [0, 0, 1, 1], [], []>, transpose_lhs_hint = false} : vector<256x2048xf32>, vector<2048x256xf32>, vector<256x256xf32> -> vector<256x256xf32>
    %mul3A = arith.constant 256 : i32
    %mul3A_10 = arith.muli %arg1, %mul3A : i32
    %get3A_11 = arith.constant 0 : index
    %get3A_12 = arith.index_cast %mul3A_10 : i32 to index
    %get3A_13 = arith.constant 0 : index
    %get3A_14 = vector.load %arg3[%get3A_11, %get3A_12, %get3A_13] : memref<1x2048x256xf32, #tpu.memory_space<vmem>>, vector<1x256x256xf32>
    %get3A_15 = vector.shape_cast %get3A_14 : vector<1x256x256xf32> to vector<256x256xf32>
    %add3A = arith.addf %dot_general3A_9, %get3A_15 : vector<256x256xf32>
    %mul3A_16 = arith.constant 256 : i32
    %mul3A_17 = arith.muli %arg1, %mul3A_16 : i32
    %get3A_18 = arith.constant 0 : index
    %get3A_19 = arith.constant 0 : index
    %get3A_20 = arith.index_cast %mul3A_17 : i32 to index
    %get3A_21 = vector.load %arg4[%get3A_18, %get3A_19, %get3A_20] : memref<1x1x2048xf32, #tpu.memory_space<vmem>>, vector<1x1x256xf32>
    %get3A_22 = vector.shape_cast %get3A_21 : vector<1x1x256xf32> to vector<256xf32>
    %add3A_23 = arith.constant 1.000000e+00 : f32
    %add3A_24 = vector.broadcast %add3A_23 : f32 to vector<256xf32>
    %add3A_25 = arith.addf %get3A_22, %add3A_24 : vector<256xf32>
    %rsqrt3A = math.rsqrt %add3A_25 : vector<256xf32>
    %broadcast_in_dim3A = vector.shape_cast %rsqrt3A : vector<256xf32> to vector<256x1xf32>
    %mul3A_26 = vector.broadcast %broadcast_in_dim3A : vector<256x1xf32> to vector<256x256xf32>
    %mul3A_27 = arith.mulf %add3A, %mul3A_26 : vector<256x256xf32>
    %get3A_28 = arith.constant 0 : index
    %get3A_29 = arith.constant 0 : index
    %get3A_30 = vector.load %arg5[%get3A_28, %get3A_29] : memref<1x256xf32, #tpu.memory_space<vmem>>, vector<1x256xf32>
    %get3A_31 = vector.shape_cast %get3A_30 : vector<1x256xf32> to vector<256xf32>
    %broadcast_in_dim3A_32 = vector.shape_cast %get3A_31 : vector<256xf32> to vector<1x256xf32>
    %add3A_33 = vector.broadcast %broadcast_in_dim3A_32 : vector<1x256xf32> to vector<256x256xf32>
    %add3A_34 = arith.addf %mul3A_27, %add3A_33 : vector<256x256xf32>
    %max3A = arith.constant 0.000000e+00 : f32
    %max3A_35 = vector.broadcast %max3A : f32 to vector<256x256xf32>
    %max3A_36 = arith.maximumf %add3A_34, %max3A_35 : vector<256x256xf32>
    %reduce_sum3A = arith.constant dense<0.000000e+00> : vector<256xf32>
    %reduce_sum3A_37 = vector.multi_reduction <add>, %max3A_36, %reduce_sum3A [0] : vector<256x256xf32> to vector<256xf32>
    %mul3A_38 = arith.constant 4.8828125E-4 : f32
    %mul3A_39 = vector.broadcast %mul3A_38 : f32 to vector<256xf32>
    %mul3A_40 = arith.mulf %reduce_sum3A_37, %mul3A_39 : vector<256xf32>
    %eq3A = arith.constant 0 : i32
    %eq3A_41 = arith.cmpi eq, %arg1, %eq3A : i32
    %convert_element_type3A = arith.extui %eq3A_41 : i1 to i32
    %cond3A = arith.constant 0 : i32
    %cond3A_42 = arith.cmpi ne, %convert_element_type3A, %cond3A : i32
    scf.if %cond3A_42 {
      %swap3A = arith.constant 0 : index
      %swap3A_47 = arith.constant 0 : index
      %swap3A_48 = arith.constant 0 : index
      %swap3A_49 = vector.load %arg6[%swap3A, %swap3A_47, %swap3A_48] : memref<1x1x256xf32, #tpu.memory_space<vmem>>, vector<1x1x256xf32>
      %swap3A_50 = vector.shape_cast %swap3A_49 : vector<1x1x256xf32> to vector<256xf32>
      %swap3A_51 = vector.shape_cast %mul3A_40 : vector<256xf32> to vector<1x1x256xf32>
      tpu.vector_store %arg6[%swap3A, %swap3A_47, %swap3A_48], %swap3A_51 {strides = array<i32>} : memref<1x1x256xf32, #tpu.memory_space<vmem>>, vector<1x1x256xf32>,
    } else {
    }
    %ne3A = arith.constant 0 : i32
    %ne3A_43 = arith.cmpi ne, %arg1, %ne3A : i32
    %convert_element_type3A_44 = arith.extui %ne3A_43 : i1 to i32
    %cond3A_45 = arith.constant 0 : i32
    %cond3A_46 = arith.cmpi ne, %convert_element_type3A_44, %cond3A_45 : i32
    scf.if %cond3A_46 {
      %get3A_47 = arith.constant 0 : index
      %get3A_48 = arith.constant 0 : index
      %get3A_49 = arith.constant 0 : index
      %get3A_50 = vector.load %arg6[%get3A_47, %get3A_48, %get3A_49] : memref<1x1x256xf32, #tpu.memory_space<vmem>>, vector<1x1x256xf32>
      %get3A_51 = vector.shape_cast %get3A_50 : vector<1x1x256xf32> to vector<256xf32>
      %add3A_52 = arith.addf %get3A_51, %mul3A_40 : vector<256xf32>
      %swap3A = arith.constant 0 : index
      %swap3A_53 = arith.constant 0 : index
      %swap3A_54 = arith.constant 0 : index
      %swap3A_55 = vector.load %arg6[%swap3A, %swap3A_53, %swap3A_54] : memref<1x1x256xf32, #tpu.memory_space<vmem>>, vector<1x1x256xf32>
      %swap3A_56 = vector.shape_cast %swap3A_55 : vector<1x1x256xf32> to vector<256xf32>
      %swap3A_57 = vector.shape_cast %add3A_52 : vector<256xf32> to vector<1x1x256xf32>
      tpu.vector_store %arg6[%swap3A, %swap3A_53, %swap3A_54], %swap3A_57 {strides = array<i32>} : memref<1x1x256xf32, #tpu.memory_space<vmem>>, vector<1x1x256xf32>,
    } else {
    }
    return
  }
  func.func @transform_0(%arg0: i32, %arg1: i32) -> (i32, i32, i32) {
    %c0_i32 = arith.constant 0 : i32
    %c0_i32_0 = arith.constant 0 : i32
    return %arg0, %arg1, %c0_i32 : i32, i32, i32
  }
  func.func @transform_1(%arg0: i32, %arg1: i32) -> (i32, i32, i32) {
    %c0_i32 = arith.constant 0 : i32
    %c0_i32_0 = arith.constant 0 : i32
    %c0_i32_1 = arith.constant 0 : i32
    return %arg0, %c0_i32, %c0_i32_0 : i32, i32, i32
  }
  func.func @transform_2(%arg0: i32, %arg1: i32) -> (i32, i32, i32) {
    %c0_i32 = arith.constant 0 : i32
    %c0_i32_0 = arith.constant 0 : i32
    %c0_i32_1 = arith.constant 0 : i32
    return %arg0, %c0_i32, %c0_i32_0 : i32, i32, i32
  }
  func.func @transform_3(%arg0: i32, %arg1: i32) -> (i32, i32) {
    %c0_i32 = arith.constant 0 : i32
    %c0_i32_0 = arith.constant 0 : i32
    %c0_i32_1 = arith.constant 0 : i32
    return %c0_i32, %c0_i32_0 : i32, i32
  }
  func.func @transform_4(%arg0: i32, %arg1: i32) -> (i32, i32, i32) {
    %c0_i32 = arith.constant 0 : i32
    %c0_i32_0 = arith.constant 0 : i32
    %c0_i32_1 = arith.constant 0 : i32
    return %arg0, %c0_i32, %c0_i32_0 : i32, i32, i32
  }
}

module attributes {stable_mosaic.version = 14 : i64} {
  func.func @_heads_body(%arg0: memref<8x256xf32, #tpu.memory_space<vmem>>, %arg1: memref<256x1xf32, #tpu.memory_space<vmem>>, %arg2: memref<1x1xf32, #tpu.memory_space<vmem>>, %arg3: memref<256x4xf32, #tpu.memory_space<vmem>>, %arg4: memref<1x4xf32, #tpu.memory_space<vmem>>, %arg5: memref<256x3xf32, #tpu.memory_space<vmem>>, %arg6: memref<1x3xf32, #tpu.memory_space<vmem>>, %arg7: memref<256x2048xf32, #tpu.memory_space<vmem>>, %arg8: memref<1x2048xf32, #tpu.memory_space<vmem>>, %arg9: memref<256x2048xf32, #tpu.memory_space<vmem>>, %arg10: memref<1x2048xf32, #tpu.memory_space<vmem>>, %arg11: memref<256x2048xf32, #tpu.memory_space<vmem>>, %arg12: memref<1x2048xf32, #tpu.memory_space<vmem>>, %arg13: memref<256x8xf32, #tpu.memory_space<vmem>>, %arg14: memref<1x8xf32, #tpu.memory_space<vmem>>, %arg15: memref<8x1xf32, #tpu.memory_space<vmem>>, %arg16: memref<8x4xf32, #tpu.memory_space<vmem>>, %arg17: memref<8x3xf32, #tpu.memory_space<vmem>>, %arg18: memref<8x2048xf32, #tpu.memory_space<vmem>>, %arg19: memref<8x2048xf32, #tpu.memory_space<vmem>>, %arg20: memref<8x2048xf32, #tpu.memory_space<vmem>>, %arg21: memref<8x8xf32, #tpu.memory_space<vmem>>) attributes {dimension_semantics = [], scalar_prefetch = 0 : i64, scratch_operands = 0 : i64, tpu.core_type = #tpu.core_type<tc>} {
    %get3A = arith.constant 0 : index
    %get3A_0 = arith.constant 0 : index
    %get3A_1 = vector.load %arg0[%get3A, %get3A_0] : memref<8x256xf32, #tpu.memory_space<vmem>>, vector<8x256xf32>
    %get3A_2 = arith.constant 0 : index
    %get3A_3 = arith.constant 0 : index
    %get3A_4 = vector.load %arg1[%get3A_2, %get3A_3] : memref<256x1xf32, #tpu.memory_space<vmem>>, vector<256x1xf32>
    %dot_general3A = arith.constant dense<0.000000e+00> : vector<8x1xf32>
    %dot_general3A_5 = tpu.matmul %get3A_1, %get3A_4, %dot_general3A {dimension_numbers = #tpu.dot_dimension_numbers<[1], [0], [0], [1], [0, 0, 1, 1], [], []>, transpose_lhs_hint = false} : vector<8x256xf32>, vector<256x1xf32>, vector<8x1xf32> -> vector<8x1xf32>
    %get3A_6 = arith.constant 0 : index
    %get3A_7 = arith.constant 0 : index
    %get3A_8 = vector.load %arg2[%get3A_6, %get3A_7] : memref<1x1xf32, #tpu.memory_space<vmem>>, vector<1x1xf32>
    %get3A_9 = vector.shape_cast %get3A_8 : vector<1x1xf32> to vector<1xf32>
    %broadcast_in_dim3A = vector.shape_cast %get3A_9 : vector<1xf32> to vector<1x1xf32>
    %add3A = vector.broadcast %broadcast_in_dim3A : vector<1x1xf32> to vector<8x1xf32>
    %add3A_10 = arith.addf %dot_general3A_5, %add3A : vector<8x1xf32>
    %swap3A = arith.constant 0 : index
    %swap3A_11 = arith.constant 0 : index
    %swap3A_12 = vector.load %arg15[%swap3A, %swap3A_11] : memref<8x1xf32, #tpu.memory_space<vmem>>, vector<8x1xf32>
    tpu.vector_store %arg15[%swap3A, %swap3A_11], %add3A_10 {strides = array<i32>} : memref<8x1xf32, #tpu.memory_space<vmem>>, vector<8x1xf32>,
    %get3A_13 = arith.constant 0 : index
    %get3A_14 = arith.constant 0 : index
    %get3A_15 = vector.load %arg3[%get3A_13, %get3A_14] : memref<256x4xf32, #tpu.memory_space<vmem>>, vector<256x4xf32>
    %dot_general3A_16 = arith.constant dense<0.000000e+00> : vector<8x4xf32>
    %dot_general3A_17 = tpu.matmul %get3A_1, %get3A_15, %dot_general3A_16 {dimension_numbers = #tpu.dot_dimension_numbers<[1], [0], [0], [1], [0, 0, 1, 1], [], []>, transpose_lhs_hint = false} : vector<8x256xf32>, vector<256x4xf32>, vector<8x4xf32> -> vector<8x4xf32>
    %get3A_18 = arith.constant 0 : index
    %get3A_19 = arith.constant 0 : index
    %get3A_20 = vector.load %arg4[%get3A_18, %get3A_19] : memref<1x4xf32, #tpu.memory_space<vmem>>, vector<1x4xf32>
    %get3A_21 = vector.shape_cast %get3A_20 : vector<1x4xf32> to vector<4xf32>
    %broadcast_in_dim3A_22 = vector.shape_cast %get3A_21 : vector<4xf32> to vector<1x4xf32>
    %add3A_23 = vector.broadcast %broadcast_in_dim3A_22 : vector<1x4xf32> to vector<8x4xf32>
    %add3A_24 = arith.addf %dot_general3A_17, %add3A_23 : vector<8x4xf32>
    %swap3A_25 = arith.constant 0 : index
    %swap3A_26 = arith.constant 0 : index
    %swap3A_27 = vector.load %arg16[%swap3A_25, %swap3A_26] : memref<8x4xf32, #tpu.memory_space<vmem>>, vector<8x4xf32>
    tpu.vector_store %arg16[%swap3A_25, %swap3A_26], %add3A_24 {strides = array<i32>} : memref<8x4xf32, #tpu.memory_space<vmem>>, vector<8x4xf32>,
    %get3A_28 = arith.constant 0 : index
    %get3A_29 = arith.constant 0 : index
    %get3A_30 = vector.load %arg5[%get3A_28, %get3A_29] : memref<256x3xf32, #tpu.memory_space<vmem>>, vector<256x3xf32>
    %dot_general3A_31 = arith.constant dense<0.000000e+00> : vector<8x3xf32>
    %dot_general3A_32 = tpu.matmul %get3A_1, %get3A_30, %dot_general3A_31 {dimension_numbers = #tpu.dot_dimension_numbers<[1], [0], [0], [1], [0, 0, 1, 1], [], []>, transpose_lhs_hint = false} : vector<8x256xf32>, vector<256x3xf32>, vector<8x3xf32> -> vector<8x3xf32>
    %get3A_33 = arith.constant 0 : index
    %get3A_34 = arith.constant 0 : index
    %get3A_35 = vector.load %arg6[%get3A_33, %get3A_34] : memref<1x3xf32, #tpu.memory_space<vmem>>, vector<1x3xf32>
    %get3A_36 = vector.shape_cast %get3A_35 : vector<1x3xf32> to vector<3xf32>
    %broadcast_in_dim3A_37 = vector.shape_cast %get3A_36 : vector<3xf32> to vector<1x3xf32>
    %add3A_38 = vector.broadcast %broadcast_in_dim3A_37 : vector<1x3xf32> to vector<8x3xf32>
    %add3A_39 = arith.addf %dot_general3A_32, %add3A_38 : vector<8x3xf32>
    %swap3A_40 = arith.constant 0 : index
    %swap3A_41 = arith.constant 0 : index
    %swap3A_42 = vector.load %arg17[%swap3A_40, %swap3A_41] : memref<8x3xf32, #tpu.memory_space<vmem>>, vector<8x3xf32>
    tpu.vector_store %arg17[%swap3A_40, %swap3A_41], %add3A_39 {strides = array<i32>} : memref<8x3xf32, #tpu.memory_space<vmem>>, vector<8x3xf32>,
    %get3A_43 = arith.constant 0 : index
    %get3A_44 = arith.constant 0 : index
    %get3A_45 = vector.load %arg7[%get3A_43, %get3A_44] : memref<256x2048xf32, #tpu.memory_space<vmem>>, vector<256x2048xf32>
    %dot_general3A_46 = arith.constant dense<0.000000e+00> : vector<8x2048xf32>
    %dot_general3A_47 = tpu.matmul %get3A_1, %get3A_45, %dot_general3A_46 {dimension_numbers = #tpu.dot_dimension_numbers<[1], [0], [0], [1], [0, 0, 1, 1], [], []>, transpose_lhs_hint = false} : vector<8x256xf32>, vector<256x2048xf32>, vector<8x2048xf32> -> vector<8x2048xf32>
    %get3A_48 = arith.constant 0 : index
    %get3A_49 = arith.constant 0 : index
    %get3A_50 = vector.load %arg8[%get3A_48, %get3A_49] : memref<1x2048xf32, #tpu.memory_space<vmem>>, vector<1x2048xf32>
    %get3A_51 = vector.shape_cast %get3A_50 : vector<1x2048xf32> to vector<2048xf32>
    %broadcast_in_dim3A_52 = vector.shape_cast %get3A_51 : vector<2048xf32> to vector<1x2048xf32>
    %add3A_53 = vector.broadcast %broadcast_in_dim3A_52 : vector<1x2048xf32> to vector<8x2048xf32>
    %add3A_54 = arith.addf %dot_general3A_47, %add3A_53 : vector<8x2048xf32>
    %swap3A_55 = arith.constant 0 : index
    %swap3A_56 = arith.constant 0 : index
    %swap3A_57 = vector.load %arg18[%swap3A_55, %swap3A_56] : memref<8x2048xf32, #tpu.memory_space<vmem>>, vector<8x2048xf32>
    tpu.vector_store %arg18[%swap3A_55, %swap3A_56], %add3A_54 {strides = array<i32>} : memref<8x2048xf32, #tpu.memory_space<vmem>>, vector<8x2048xf32>,
    %get3A_58 = arith.constant 0 : index
    %get3A_59 = arith.constant 0 : index
    %get3A_60 = vector.load %arg9[%get3A_58, %get3A_59] : memref<256x2048xf32, #tpu.memory_space<vmem>>, vector<256x2048xf32>
    %dot_general3A_61 = arith.constant dense<0.000000e+00> : vector<8x2048xf32>
    %dot_general3A_62 = tpu.matmul %get3A_1, %get3A_60, %dot_general3A_61 {dimension_numbers = #tpu.dot_dimension_numbers<[1], [0], [0], [1], [0, 0, 1, 1], [], []>, transpose_lhs_hint = false} : vector<8x256xf32>, vector<256x2048xf32>, vector<8x2048xf32> -> vector<8x2048xf32>
    %get3A_63 = arith.constant 0 : index
    %get3A_64 = arith.constant 0 : index
    %get3A_65 = vector.load %arg10[%get3A_63, %get3A_64] : memref<1x2048xf32, #tpu.memory_space<vmem>>, vector<1x2048xf32>
    %get3A_66 = vector.shape_cast %get3A_65 : vector<1x2048xf32> to vector<2048xf32>
    %broadcast_in_dim3A_67 = vector.shape_cast %get3A_66 : vector<2048xf32> to vector<1x2048xf32>
    %add3A_68 = vector.broadcast %broadcast_in_dim3A_67 : vector<1x2048xf32> to vector<8x2048xf32>
    %add3A_69 = arith.addf %dot_general3A_62, %add3A_68 : vector<8x2048xf32>
    %swap3A_70 = arith.constant 0 : index
    %swap3A_71 = arith.constant 0 : index
    %swap3A_72 = vector.load %arg19[%swap3A_70, %swap3A_71] : memref<8x2048xf32, #tpu.memory_space<vmem>>, vector<8x2048xf32>
    tpu.vector_store %arg19[%swap3A_70, %swap3A_71], %add3A_69 {strides = array<i32>} : memref<8x2048xf32, #tpu.memory_space<vmem>>, vector<8x2048xf32>,
    %get3A_73 = arith.constant 0 : index
    %get3A_74 = arith.constant 0 : index
    %get3A_75 = vector.load %arg11[%get3A_73, %get3A_74] : memref<256x2048xf32, #tpu.memory_space<vmem>>, vector<256x2048xf32>
    %dot_general3A_76 = arith.constant dense<0.000000e+00> : vector<8x2048xf32>
    %dot_general3A_77 = tpu.matmul %get3A_1, %get3A_75, %dot_general3A_76 {dimension_numbers = #tpu.dot_dimension_numbers<[1], [0], [0], [1], [0, 0, 1, 1], [], []>, transpose_lhs_hint = false} : vector<8x256xf32>, vector<256x2048xf32>, vector<8x2048xf32> -> vector<8x2048xf32>
    %get3A_78 = arith.constant 0 : index
    %get3A_79 = arith.constant 0 : index
    %get3A_80 = vector.load %arg12[%get3A_78, %get3A_79] : memref<1x2048xf32, #tpu.memory_space<vmem>>, vector<1x2048xf32>
    %get3A_81 = vector.shape_cast %get3A_80 : vector<1x2048xf32> to vector<2048xf32>
    %broadcast_in_dim3A_82 = vector.shape_cast %get3A_81 : vector<2048xf32> to vector<1x2048xf32>
    %add3A_83 = vector.broadcast %broadcast_in_dim3A_82 : vector<1x2048xf32> to vector<8x2048xf32>
    %add3A_84 = arith.addf %dot_general3A_77, %add3A_83 : vector<8x2048xf32>
    %swap3A_85 = arith.constant 0 : index
    %swap3A_86 = arith.constant 0 : index
    %swap3A_87 = vector.load %arg20[%swap3A_85, %swap3A_86] : memref<8x2048xf32, #tpu.memory_space<vmem>>, vector<8x2048xf32>
    tpu.vector_store %arg20[%swap3A_85, %swap3A_86], %add3A_84 {strides = array<i32>} : memref<8x2048xf32, #tpu.memory_space<vmem>>, vector<8x2048xf32>,
    %get3A_88 = arith.constant 0 : index
    %get3A_89 = arith.constant 0 : index
    %get3A_90 = vector.load %arg13[%get3A_88, %get3A_89] : memref<256x8xf32, #tpu.memory_space<vmem>>, vector<256x8xf32>
    %dot_general3A_91 = arith.constant dense<0.000000e+00> : vector<8x8xf32>
    %dot_general3A_92 = tpu.matmul %get3A_1, %get3A_90, %dot_general3A_91 {dimension_numbers = #tpu.dot_dimension_numbers<[1], [0], [0], [1], [0, 0, 1, 1], [], []>, transpose_lhs_hint = false} : vector<8x256xf32>, vector<256x8xf32>, vector<8x8xf32> -> vector<8x8xf32>
    %get3A_93 = arith.constant 0 : index
    %get3A_94 = arith.constant 0 : index
    %get3A_95 = vector.load %arg14[%get3A_93, %get3A_94] : memref<1x8xf32, #tpu.memory_space<vmem>>, vector<1x8xf32>
    %get3A_96 = vector.shape_cast %get3A_95 : vector<1x8xf32> to vector<8xf32>
    %broadcast_in_dim3A_97 = vector.shape_cast %get3A_96 : vector<8xf32> to vector<1x8xf32>
    %add3A_98 = vector.broadcast %broadcast_in_dim3A_97 : vector<1x8xf32> to vector<8x8xf32>
    %add3A_99 = arith.addf %dot_general3A_92, %add3A_98 : vector<8x8xf32>
    %swap3A_100 = arith.constant 0 : index
    %swap3A_101 = arith.constant 0 : index
    %swap3A_102 = vector.load %arg21[%swap3A_100, %swap3A_101] : memref<8x8xf32, #tpu.memory_space<vmem>>, vector<8x8xf32>
    tpu.vector_store %arg21[%swap3A_100, %swap3A_101], %add3A_99 {strides = array<i32>} : memref<8x8xf32, #tpu.memory_space<vmem>>, vector<8x8xf32>,
    return
  }
}

</mosaic_0001>

<sc_bundles>
// kernel: kernel.7.cloned.1.call-start
scs
__scs_entry_jumppad:
0x0: {  	(pc) =	sbr.rel $0x88, $3  }
0x1: {  	(tag) =	ssettag $0x0;
	lr =	simm.s32 $0x1  }
0x2: {  	[smem:$0x3F8B] =	sst lr;
	_ =	strace $0xD0000000  }
0x3: {  	_ = 	snop  }
0x4: {  	_ = 	snop  }
0x5: {  	_ = 	snop  }
0x6: {  	_ = 	snop  }
0x7: {  	_ = 	snop  }
__scs_overlays_trampoline_lowered:
0x8: {  	[smem:$0x3F9A] =	sst s0  }
0x9: {  	[smem:$0x3F9B] =	sst s1  }
0xa: {  	[smem:$0x3F9C] =	sst s2  }
0xb: {  	[smem:$0x3F9D] =	sst s3  }
0xc: {  	[smem:$0x3F9E] =	sst s4  }
0xd: {  	[smem:$0x3F9F] =	sst s5  }
0xe: {  	[smem:$0x3FA0] =	sst s6  }
0xf: {  	[smem:$0x3FA1] =	sst s7  }
0x10: {  	[smem:$0x3FA2] =	sst s8  }
0x11: {  	[smem:$0x3FA3] =	sst s9;
	s0 =	simm.s32 @!p0 $0x0  }
0x12: {  	s1 =	sld [smem:$0x3F89];
	s0 =	simm.s32 @p0 $0x1  }
0x13: {  	[smem:$0x3FA4] =	sst s0;
	s0 =	simm.s32 @!p1 $0x0  }
0x14: {  	s2 =	sld [smem:$0x3F88];
	s0 =	simm.s32 @p1 $0x1  }
0x15: {  	[smem:$0x3FA5] =	sst s0;
	s0 =	simm.s32 @!p2 $0x0  }
0x16: {  	s3 =	sld [smem:$0x3FDB];
	s0 =	simm.s32 @p2 $0x1  }
0x17: {  	s4 =	simm.s32 $0x1BF5;
	[smem:$0x3FA7] =	sst s0  }
0x18: {  	s0 =	sld [smem:$0x3F8A];
	_ =	swait.ge [sflag:s4], $0x0  }
0x19: {  	s7 =	sld [smem:$0x3F8B]  }
0x1a: {  	s8 =	sadd.s32 $0xFFFFE003, lr  }
0x1b: {  	s9 =	sadd.s32 $0xFFFFFEF7, lr;
	s5 =	simm.s32 $0xFFFFFFFF;
	p2 =	slt.u32 s8, $0xFFFFF086  }
0x1c: {  	p1 =	slt.u32 s9, $0xF7A;
	s5 =	simm.s32 @!p2 $0x0  }
0x1d: {  	s5 =	simm.s32 @p1 $0x1;
	p0 =	seq.s32 s7, s2  }
0x1e: {  	s7 =	smul.u32 @!p0 $0xF7A, s2;
	p2 =	seq.s32 @!p0 s5, $0x0  }
0x1f: {  	s9 =	smul.u32 $0xF7A, s1;
	s8 =	simm.s32 @!p0 $0x1BF5;
	p2 =	por !p2, p0  }
0x20: {  	[sflag:s8] =	ssyncset.s32 @!p0 $0xFFFFF086;
	s6 =	sadd.s32 @!p0 s3, s7;
	s7 =	simm.s32 @!p0 $0x108  }
0x21: {  	s3 =	sadd.s32 s3, s9;
	s6 =	sadd.s32 @!p0 $0x88, s6;
	s7 =	simm.s32 @p2 $0x1082  }
0x22: {  	[simem:s7], [sflag:s8] =	dma.local @!p0 [hbm:s6], $0xF7A  }
0x23: {  	s9 =	sor.u32 $0xD0000000, s2;
	s6 =	simm.s32 $0x108;
	_ =	swait.ge @!p0 [sflag:s8], $0x0  }
0x24: {  	s3 =	sadd.s32 $0x88, s3;
	s6 =	simm.s32 @!p1 $0x1082;
	[sflag:s4] =	ssyncset.s32 $0xFFFFF086  }
0x25: {  	[simem:s6], [sflag:s4] =	dma.local [hbm:s3], $0xF7A  }
0x26: {  	[smem:$0x3F8B] =	sst s1;
	(tag) =	ssettag s2;
	_ =	strace s9  }
0x27: {  	s1 =	sld [smem:$0x3F9B]  }
0x28: {  	s2 =	sld [smem:$0x3F9C]  }
0x29: {  	s4 =	sld [smem:$0x3F9E]  }
0x2a: {  	p0 =	seq.s32 s5, $0x0;
	s5 =	sld [smem:$0x3F9F]  }
0x2b: {  	s6 =	sld [smem:$0x3FA0]  }
0x2c: {  	s7 =	sld [smem:$0x3FA1]  }
0x2d: {  	s3 =	simm.s32 $0x108;
	s8 =	sld [smem:$0x3FA2]  }
0x2e: {  	s3 =	simm.s32 @!p0 $0x1082;
	s9 =	sld [smem:$0x3FA3]  }
0x2f: {  	lr =	sadd.s32 s0, s3;
	s0 =	sld [smem:$0x3F9A]  }
0x30: {  	s3 =	sld [smem:$0x3F9D]  }
0x31: {  	[smem:$0x3FA6] =	sst s10  }
0x32: {  	s10 =	sld [smem:$0x3FA4];
	_ =	sdelay $0x3  }
0x33: {  	p0 =	seq.s32 s10, $0x1;
	s10 =	sld [smem:$0x3FA6];
	_ =	sdelay $0x3  }
0x34: {  	[smem:$0x3FA6] =	sst s10  }
0x35: {  	s10 =	sld [smem:$0x3FA5];
	_ =	sdelay $0x3  }
0x36: {  	p1 =	seq.s32 s10, $0x1;
	s10 =	sld [smem:$0x3FA6];
	_ =	sdelay $0x3  }
0x37: {  	[smem:$0x3FA6] =	sst s10  }
0x38: {  	s10 =	sld [smem:$0x3FA7]  }
0x39: {  	_ = 	snop;
	(pc) =	sbr.ind lr, $3  }
0x3a: {  	_ = 	snop  }
0x3b: {  	_ = 	snop  }
0x3c: {  	p2 =	seq.s32 s10, $0x1;
	s10 =	sld [smem:$0x3FA6]  }
0x3d: {  	_ =	shalt  }
0x3e: {  	_ =	shalt  }
0x3f: {  	_ =	shalt  }
0x40: {  	_ =	shalt  }
0x41: {  	_ =	shalt  }
0x42: {  	_ =	shalt  }
0x43: {  	_ =	shalt  }
0x44: {  	_ =	shalt  }
0x45: {  	_ =	shalt  }
0x46: {  	_ =	shalt  }
0x47: {  	_ =	shalt  }
0x48: {  	_ =	shalt  }
0x49: {  	_ =	shalt  }
0x4a: {  	_ =	shalt  }
0x4b: {  	_ =	shalt  }
0x4c: {  	_ =	shalt  }
0x4d: {  	_ =	shalt  }
0x4e: {  	_ =	shalt  }
0x4f: {  	_ =	shalt  }
0x50: {  	_ =	shalt  }
0x51: {  	_ =	shalt  }
0x52: {  	_ =	shalt  }
0x53: {  	_ =	shalt  }
0x54: {  	_ =	shalt  }
0x55: {  	_ =	shalt  }
0x56: {  	_ =	shalt  }
0x57: {  	_ =	shalt  }
0x58: {  	_ =	shalt  }
0x59: {  	_ =	shalt  }
0x5a: {  	_ =	shalt  }
0x5b: {  	_ =	shalt  }
0x5c: {  	_ =	shalt  }
0x5d: {  	_ =	shalt  }
0x5e: {  	_ =	shalt  }
0x5f: {  	_ =	shalt  }
0x60: {  	_ =	shalt  }
0x61: {  	_ =	shalt  }
0x62: {  	_ =	shalt  }
0x63: {  	_ =	shalt  }
0x64: {  	_ =	shalt  }
0x65: {  	_ =	shalt  }
0x66: {  	_ =	shalt  }
0x67: {  	_ =	shalt  }
0x68: {  	_ =	shalt  }
0x69: {  	_ =	shalt  }
0x6a: {  	_ =	shalt  }
0x6b: {  	_ =	shalt  }
0x6c: {  	_ =	shalt  }
0x6d: {  	_ =	shalt  }
0x6e: {  	_ =	shalt  }
0x6f: {  	_ =	shalt  }
0x70: {  	_ =	shalt  }
0x71: {  	_ =	shalt  }
0x72: {  	_ =	shalt  }
0x73: {  	_ =	shalt  }
0x74: {  	_ =	shalt  }
0x75: {  	_ =	shalt  }
0x76: {  	_ =	shalt  }
0x77: {  	_ =	shalt  }
0x78: {  	_ =	shalt  }
0x79: {  	_ =	shalt  }
0x7a: {  	_ =	shalt  }
0x7b: {  	_ =	shalt  }
0x7c: {  	_ =	shalt  }
0x7d: {  	_ =	shalt  }
0x7e: {  	_ =	shalt  }
0x7f: {  	_ =	shalt  }
0x80: {  	_ =	shalt  }
0x81: {  	_ =	shalt  }
0x82: {  	_ =	shalt  }
0x83: {  	_ =	shalt  }
0x84: {  	_ =	shalt  }
0x85: {  	_ =	shalt  }
0x86: {  	_ =	shalt  }
0x87: {  	_ =	shalt  }
.Lfunc_end0:
.L_simem_size_0:
called_computation_lowered:
.L_overlay_start_0:
0x88: {  	s2 =	sld [smem:$0x3FD9]  }
0x89: {  	s3 =	sld [smem:$0x3FFE];
	_ =	sdelay $0x1  }
0x8a: {  	s1 =	srdreg.scid  }
0x8b: {  	s0 =	sand.u32 $0x1, s1  }
0x8c: {  	s14 =	sshll.u32 s0, $0xA;
	s2 =	sadd.s32 s3, s2  }
0x8d: {  	s2 =	sadd.s32 s2, s14  }
0x8e: {  	[smem:$0x3FB2] =	sst s2  }
0x8f: {  	_ = 	snop  }
0x90: {  	s2 =	sld [smem:$0x3FD0];
	_ =	sdelay $0x2  }
0x91: {  	s4 =	simm.s32 $0xA;
	s5 =	simm.s32 $0x10;
	s15 =	sld [smem:$0x3FC8]  }
0x92: {  	[smem:s5], [sflag:s4] =	dma.local [hbm:s2], $0x1  }
0x93: {  	_ =	swait.eq [sflag:s4], $0x1  }
0x94: {  	[sflag:s4] =	ssyncset.done $0x0  }
0x95: {  	[sflag:s4] =	ssyncadd.s32 $0xFFFFFFFF  }
0x96: {  	s16 =	sld [smem:$0x15];
	(tm) =	ssettm $0x1  }
0x97: {  	s17 =	sld [smem:$0x3FFB];
	_ =	sdelay $0x3  }
0x98: {  	_ =	strace s17  }
0x99: {  	s4 =	sld [smem:$0x3FFC];
	_ =	sdelay $0x3  }
0x9a: {  	_ =	strace s4  }
0x9b: {  	s4 =	sld [smem:$0x3FFD];
	_ =	sdelay $0x3  }
0x9c: {  	_ =	strace s4  }
0x9d: {  	_ =	strace $0x8FFFFFFF  }
0x9e: {  	s18 =	sld [smem:$0x3FDB];
	_ =	sdelay $0x1  }
0x9f: {  	s19 =	simm.s32 $_scs_section_size  }
0xa0: {  	s6 =	simm.s32 $_size__tile_overlayer_lowered;
	s7 =	simm.s32 $_tile_overlayer_lowered  }
0xa1: {  	s22 =	simm.s32 $0x1BFF;
	s21 =	sshll.u32 s7, $0x1;
	s4 =	sadd.s32 s19, s18  }
0xa2: {  	s8 =	simm.s32 $0x0;
	s20 =	sshll.u32 s6, $0x1;
	s6 =	sadd.s32 s21, s4  }
0xa3: {  	[timem:s8], [sflag:s22] =	dma.local [hbm:s6], s20  }
0xa4: {  	_ =	swait.ge [sflag:s22], s20  }
0xa5: {  	s5 =	ssub.s32 $0x0, s20;
	[sflag:s22] =	ssyncset.done $0x0  }
0xa6: {  	[sflag:s22] =	ssyncadd.s32 s5;
	_ =	sdelay $0x1  }
0xa7: {  	s23 =	simm.s32 $0x1B8B  }
0xa8: {  	_ =	swait.ge [sflag:s23], $0x1  }
0xa9: {  	[sflag:s23] =	ssyncset.done $0x0  }
0xaa: {  	s25 =	simm.s32 $0x1B8E;
	s24 =	sld [smem:$0x3FFE];
	[sflag:s23] =	ssyncadd.s32 $0xFFFFFFFF  }
0xab: {  	s26 =	simm.s32 $execute0_lowered;
	[smem:$0x3FD2] =	sst s25  }
0xac: {  	s6 =	sshll.u32 s26, $0x1;
	_ =	strace $0x80000046;
	[dreg:$0x1] =	wrdreg $0xFFFFFFFF  }
0xad: {  	s28 =	simm.s32 $_size_execute0_lowered;
	s4 =	sadd.s32 s4, s6;
	[dreg:$0x0] =	wrdreg $0x0  }
0xae: {  	s6 =	sshll.u32 s28, $0x1;
	[dreg:$0x2] =	wrdreg s4  }
0xaf: {  	[dreg:$0x3] =	wrdreg s6  }
0xb0: {  	[dreg:$0x4] =	wrdreg $0xC0  }
0xb1: {  	_ =	task [dreg:s8], $0x5FFFF  }
0xb2: {  	[dreg:$0x1] =	wrdreg $0xFFFFFFFF  }
0xb3: {  	[dreg:$0x0] =	wrdreg $0x60  }
0xb4: {  	[dreg:$0x2] =	wrdreg s15  }
0xb5: {  	[dreg:$0x3] =	wrdreg s24  }
0xb6: {  	[dreg:$0x4] =	wrdreg s16  }
0xb7: {  	[dreg:$0x5] =	wrdreg $0xC0000  }
0xb8: {  	[dreg:$0x6] =	wrdreg $0x9  }
0xb9: {  	_ =	task.clear_ibuf [dreg:s8], $0x7FFFF;
	_ =	strace $0x90000046  }
0xba: {  	s29 =	simm.s32 $0x9;
	_ =	strace $0x80000048  }
0xbb: {  	_ =	swait.ge [sflag:s29], $0x1  }
0xbc: {  	[sflag:s29] =	ssyncadd.s32 $0xFFFFFFFF  }
0xbd: {  	_ =	strace $0x90000048  }
0xbe: {  	_ =	sfence  }
0xbf: {  	s30 =	sld [smem:$0x0];
	_ =	sdelay $0x2  }
0xc0: {  	s31 =	sshll.u32 s1, $0xD;
	s1 =	sshrl.u32 s1, $0x2  }
0xc1: {  	s3 =	sand.u32 $0x4000, s31;
	s1 =	sadd.s32 s1, s30  }
0xc2: {  	s0 =	sor.u32 s3, s0;
	s1 =	sshll.u32 s1, $0x11  }
0xc3: {  	s0 =	sor.u32 s1, s0  }
0xc4: {  	s0 =	sadd.s32 $0x8F2B, s0  }
0xc5: {  	[sflag:s0] =	ssyncadd.remote.s32 $0x1  }
0xc6: {  	_ =	sfence.sel $0xFFFF  }
0xc7: {  	[dreg:$0x0] =	wrdreg $0xFFFFFFFF;
	(pc) =	sbr.abs _section_cstart, $3  }
0xc8: {  	[dreg:$0x1] =	wrdreg $0xFFFFFFFF  }
0xc9: {  	_ =	task.clear_ibuf [dreg:s8], $0x2FFFF;
	_ =	strace $0x9FFFFFFF  }
0xca: {  	(tm) =	ssettm $0x7FFFFFFF  }
0xcb: {  	_ =	shalt  }
tec
execute0_lowered:
.L_overlay_start_1:
0x0: {  	(tag) =	ssettag $0x1  }
0x1: {  	s2 =	rddreg [dreg:$0x0];
	s1 =	srdreg.scid  }
0x2: {  	s6 =	rddreg [dreg:$0x1];
	s0 =	simm.s32 $0x0;
	s16 =	stileid.u32  }
0x3: {  	s3 =	sand.u32 $0x1, s1;
	[smem:$0x7FF] =	sst s0;
	s10 =	sadd.s32 $0x3800, s6  }
0x4: {  	s8 =	sshll.u32 s16, $0xF;
	s5 =	sshll.u32 s16, $0x9;
	s7 =	sshll.u32 s16, $0x7  }
0x5: {  	s21 =	sadd.s32 $0x83800, s6;
	s1 =	ssub.s32 $0x2, s3;
	s2 =	sadd.s32 s2, s5  }
0x6: {  	s18 =	sor.u32 s8, s7;
	s9 =	sshll.u32 s3, $0x15;
	s4 =	sshrl.u32 s1, $0x1  }
0x7: {  	s11 =	sand.u32 $0x40380, s18;
	s1 =	ssub.s32 s1, s4;
	s4 =	sshll.u32 s3, $0x2  }
0x8: {  	s12 =	sor.u32 s9, s11;
	s9 =	sshllo.u32 s3, $0x2;
	s5 =	sor.u32 $0x1, s4  }
0x9: {  	s7 =	sor.u32 $0x2, s4;
	s12 =	sshrl.u32 s12, $0x3;
	s15 =	sshll.u32 s9, $0x13  }
0xa: {  	s13 =	sshll.u32 s5, $0x13;
	s14 =	sadd.s32 s10, s12;
	s19 =	sshll.u32 s7, $0x13  }
0xb: {  	s22 =	sadd.s32 s12, s21;
	[dreg:$0x5] =	wrdreg s14;
	s13 =	sor.u32 s13, s11  }
0xc: {  	s14 =	sor.u32 s19, s11;
	s11 =	sor.u32 s15, s11;
	s13 =	sshrl.u32 s13, $0x3  }
0xd: {  	[dreg:$0x9] =	wrdreg s22;
	s14 =	sshrl.u32 s14, $0x3;
	s17 =	sadd.s32 s10, s13  }
0xe: {  	s11 =	sshrl.u32 s11, $0x3;
	s20 =	sadd.s32 s10, s14;
	[dreg:$0x6] =	wrdreg s17  }
0xf: {  	s10 =	sadd.s32 s10, s11;
	[dreg:$0x7] =	wrdreg s20  }
0x10: {  	s23 =	sadd.s32 s13, s21;
	[dreg:$0x8] =	wrdreg s10  }
0x11: {  	s24 =	sadd.s32 s14, s21;
	[dreg:$0xa] =	wrdreg s23  }
0x12: {  	s26 =	sadd.s32 $0x103800, s6;
	s25 =	sadd.s32 s11, s21;
	[dreg:$0xb] =	wrdreg s24  }
0x13: {  	s19 =	sadd.s32 $0x183800, s6;
	s18 =	sadd.s32 s13, s26;
	[dreg:$0xc] =	wrdreg s25  }
0x14: {  	s21 =	sadd.s32 s12, s19;
	[dreg:$0xe] =	wrdreg s18  }
0x15: {  	s22 =	sadd.s32 s13, s19;
	[dreg:$0x11] =	wrdreg s21  }
0x16: {  	s15 =	sadd.s32 s11, s19;
	[dreg:$0x12] =	wrdreg s22  }
0x17: {  	s17 =	sadd.s32 s12, s26;
	[dreg:$0x14] =	wrdreg s15  }
0x18: {  	s20 =	sadd.s32 s14, s26;
	[dreg:$0xd] =	wrdreg s17  }
0x19: {  	s10 =	sadd.s32 s11, s26;
	[dreg:$0xf] =	wrdreg s20  }
0x1a: {  	s23 =	sadd.s32 s14, s19;
	s24 =	sadd.s32 $0x203800, s6;
	[dreg:$0x10] =	wrdreg s10  }
0x1b: {  	[dreg:$0x13] =	wrdreg s23;
	s25 =	sadd.s32 s12, s24  }
0x1c: {  	s26 =	sadd.s32 s13, s24;
	[dreg:$0x15] =	wrdreg s25  }
0x1d: {  	s17 =	sadd.s32 s14, s24;
	[dreg:$0x16] =	wrdreg s26  }
0x1e: {  	s18 =	sadd.s32 $0x283800, s6;
	s10 =	sadd.s32 s11, s24;
	[dreg:$0x17] =	wrdreg s17  }
0x1f: {  	s19 =	sadd.s32 s12, s18;
	[dreg:$0x18] =	wrdreg s10  }
0x20: {  	s29 =	simm.s32 $0x4000;
	s20 =	sadd.s32 s13, s18;
	[dreg:$0x19] =	wrdreg s19  }
0x21: {  	s22 =	sadd.s32 $0x303800, s6;
	s21 =	sadd.s32 s14, s18;
	[dreg:$0x1a] =	wrdreg s20  }
0x22: {  	s6 =	sadd.s32 $0x383800, s6;
	s23 =	sadd.s32 s12, s22;
	[dreg:$0x1b] =	wrdreg s21  }
0x23: {  	s24 =	sadd.s32 s13, s22;
	s10 =	sadd.s32 s11, s18;
	[dreg:$0x1d] =	wrdreg s23  }
0x24: {  	[dreg:$0x1e] =	wrdreg s24;
	s25 =	sadd.s32 s14, s22;
	s26 =	sadd.s32 s12, s6  }
0x25: {  	s12 =	sadd.s32 s13, s6;
	s13 =	sadd.s32 s14, s6;
	s14 =	rddreg [dreg:$0x2]  }
0x26: {  	s30 =	simm.s32 $0x1;
	s31 =	simm.s32 $0x80;
	[dreg:$0x1c] =	wrdreg s10  }
0x27: {  	p2 =	sgt.u32 s16, $0x3;
	p0 =	sne.s32 s3, $0x0;
	[dreg:$0x1f] =	wrdreg s25  }
0x28: {  	p1 =	seq.s32 s3, $0x0;
	s28 =	sadd.s32 $0xE010, s2;
	[smem:$0x7EF] =	sst s26  }
0x29: {  	s1 =	smax.u32 s1, $0x1;
	v3 =	vmov s9;
	s9 =	simm.s32 $0x10;
	[smem:$0x7F0] =	sst s12  }
0x2a: {  	v1 =	vmov s5;
	s5 =	simm.s32 $0x3800;
	s6 =	sadd.s32 s11, s6;
	[smem:$0x7F1] =	sst s13  }
0x2b: {  	v2 =	vmov s7;
	s7 =	simm.s32 $0x1800;
	s15 =	sadd.s32 s16, s4;
	[smem:$0x7F2] =	sst s6  }
0x2c: {  	s17 =	sshll.u32 s15, $0x4;
	s10 =	sadd.s32 s11, s22;
	s6 =	rddreg [dreg:$0x3]  }
0x2d: {  	v0 =	vmov s4;
	s4 =	simm.s32 $0x1000;
	[smem:$0x7EE] =	sst s10;
	s10 =	sadd.s32 s14, s17  }
0x2e: {  	s18 =	sshll.u32 s16, $0xB;
	s19 =	sshll.u32 s16, $0xA;
	[smem:$0x7F3] =	sst s10  }
0x2f: {  	s20 =	sadd.s32 $0x10, s2;
	_ =	strace $0x80000047;
	[smem:$0x7F5] =	sst s1  }
0x30: {  	s21 =	sadd.s32 $0x2000, s2;
	s23 =	sadd.s32 $0x4000, s2;
	[smem:$0x7F7] =	sst s20  }
0x31: {  	s24 =	sadd.s32 $0x4010, s2;
	s22 =	sadd.s32 $0x2010, s2;
	[smem:$0x7F8] =	sst s21  }
0x32: {  	s25 =	sadd.s32 $0x6000, s2;
	s26 =	sadd.s32 $0x6010, s2;
	[smem:$0x7F9] =	sst s22  }
0x33: {  	s11 =	simm.s32 $0x2800;
	s8 =	sadd.s32 s8, s6;
	[smem:$0x7FA] =	sst s23  }
0x34: {  	s3 =	sadd.s32 s18, s6;
	s10 =	sadd.s32 s19, s6;
	[smem:$0x7FB] =	sst s24  }
0x35: {  	s3 =	sadd.s32 $0x100000, s3;
	s12 =	sadd.s32 $0x80000, s8;
	[smem:$0x7FC] =	sst s25  }
0x36: {  	s10 =	sadd.s32 $0x100000, s10;
	s1 =	sshrl.u32 @!p2 s3, $0x3;
	[smem:$0x7FD] =	sst s26  }
0x37: {  	s20 =	sadd.s32 $0x8000, s2;
	s21 =	sadd.s32 $0x8010, s2;
	s22 =	sadd.s32 $0xA000, s2  }
0x38: {  	s23 =	sadd.s32 $0xA010, s2;
	s24 =	sadd.s32 $0xC000, s2;
	s25 =	sadd.s32 $0xC010, s2  }
0x39: {  	s26 =	sadd.s32 $0xE000, s2;
	s3 =	simm.s32 $0x800;
	[smem:$0x7F4] =	sst s10  }
0x3a: {  	v4 =	vimm.f32 $0.0e+00;
	v5 =	vimm.f32 $1.000000000e+00;
	[smem:$0x7F6] =	sst s1;
	s1 =	simm.s32 $0x100;
	s10 =	simm.s32 $0x2000  }
.LBB2_1:
0x3b: {  	s13 =	simm.s32 $0x0  }
.LBB2_2:
0x3c: {  	p3 =	sne.s32 s13, $0x1FFC0  }
.Ltmp0:
0x3d: {  	_ = 	snop;
	(pc) =	sbr.rel @p3 .LBB2_2-.Ltmp0, $3  }
0x3e: {  	_ =	sdelay $0x1  }
0x3f: {  	s14 =	sshra.s32 s13, $0x2  }
0x40: {  	s13 =	sadd.s32 $0x40, s13;
	[tilespmem:s14+$0x4000] =	vst v4  }
0x41: {  	s13 =	simm.s32 $0x40;
	s14 =	simm.s32 $0x0  }
.LBB2_4:
0x42: {  	p3 =	sne.s32 s13, $0x1FC0;
	[tilespmem:s14+$0x3800] =	vst v5;
	s14 =	smov.u32 s13;
	s13 =	sadd.s32 $0x40, s13  }
.Ltmp1:
0x43: {  	(pc) =	sbr.rel @p3 .LBB2_4-.Ltmp1, $2  }
0x44: {  	_ =	sdelay $0x2  }
0x45: {  	s14 =	sshra.s32 s14, $0x2  }
0x46: {  	[tilespmem:s14+$0x3800] =	vst v5  }
0x47: {  	[spmem:s8] =	stream.linear.scatter [tilespmem:s29], [sflag:$0x1], $0x8000, $0x38;
	[tilespmem:$0x1C600] =	vst v63  }
0x48: {  	_ =	swait.ge [sflag:s30], $0x8000  }
0x49: {  	[sflag:s30] =	ssyncset.done $0x0  }
0x4a: {  	[sflag:s30] =	ssyncadd.s32 $0xFFFF8000  }
0x4b: {  	[spmem:s12] =	stream.linear.scatter [tilespmem:s29], [sflag:$0x1], $0x8000, $0x38;
	[tilespmem:$0x1C600] =	vst v63  }
0x4c: {  	_ =	swait.ge [sflag:s30], $0x8000  }
0x4d: {  	s13 =	sld [smem:$0x7F4]  }
0x4e: {  	[sflag:s30] =	ssyncset.done $0x0  }
0x4f: {  	[sflag:s30] =	ssyncadd.s32 $0xFFFF8000  }
0x50: {  	[spmem:s13] =	stream.linear.scatter [tilespmem:s29], [sflag:$0x1], $0x400, $0x38;
	[tilespmem:$0x1C600] =	vst v63  }
0x51: {  	_ =	swait.ge [sflag:s30], $0x400  }
0x52: {  	[sflag:s30] =	ssyncset.done $0x0  }
0x53: {  	[sflag:s30] =	ssyncadd.s32 $0xFFFFFC00  }
0x54: {  	s18 =	simm.s32 $0x0;
	[bflag:$0x0] =	sbarrier.arrive $0xFFFF  }
0x55: {  	[tilespmem:s18], [sflag:$0x1] =	stream.strided.gather [hbm4b:s2+s31], $0x800, s1, s31, $0x38;
	[tilespmem:$0x1C600] =	vst v63  }
0x56: {  	_ =	swait.ge [sflag:s30], $0x800  }
0x57: {  	s19 =	sld [smem:$0x7F7]  }
0x58: {  	[sflag:s30] =	ssyncset.done $0x0  }
0x59: {  	[sflag:s30] =	ssyncadd.s32 $0xFFFFF800  }
0x5a: {  	[tilespmem:s3], [sflag:$0x1] =	stream.strided.gather [hbm4b:s19+s31], $0x800, s1, s31, $0x38;
	[tilespmem:$0x1C600] =	vst v63  }
0x5b: {  	_ =	swait.ge [sflag:s30], $0x800  }
0x5c: {  	[sflag:s30] =	ssyncset.done $0x0  }
0x5d: {  	s14 =	simm.s32 $0x0;
	[sflag:s30] =	ssyncadd.s32 $0xFFFFF800  }
0x5e: {  	v7 =	vld [tilespmem:s14+$0x800];
	_ =	sdelay $0x1  }
0x5f: {  	v8 =	vld [tilespmem:s14+$0x0];
	_ =	sdelay $0x2  }
0x60: {  	s13 =	simm.s32 $0x10;
	v6 =	vshll.u32 v7, $0xB  }
0x61: {  	v9 =	vand.u32 $0x7F800, v6;
	v6 =	vld [tilespmem:s13+$0x800]  }
0x62: {  	v10 =	vadd.s32 $0x100000, v7;
	v11 =	vshrl.u32 v7, $0x8;
	v8 =	vadd.s32 v8, v9  }
0x63: {  	v7 =	vld [tilespmem:s13+$0x0];
	vm0 =	veq.s32 v11, v0;
	vm1 =	veq.s32 v11, v3;
	v12 =	vadd.s32 $0x80000, v8  }
0x64: {  	[tilespmem:s14+$0x3000] =	vst v10;
	vm2 =	veq.s32 v11, v1;
	vm3 =	veq.s32 v11, v2;
	v11 =	vnsel vm1, $0x102000, v12  }
0x65: {  	s15 =	simm.s32 $0x80;
	v9 =	vnsel vm0, $0x102000, v8;
	v8 =	vnsel vm3, $0x102000, v8;
	v10 =	vnsel vm2, $0x102000, v12;
	[tilespmem:s14+$0x2800] =	vst v11  }
.LBB2_6:
0x66: {  	s16 =	sshra.s32 s15, $0x2;
	p3 =	sne.s32 s15, $0x1FC0;
	s15 =	sadd.s32 $0x40, s15;
	v11 =	vshll.u32 v6, $0xB;
	v12 =	vadd.s32 $0x100000, v6;
	[tilespmem:s14+$0x1800] =	vst v10;
	v10 =	vmov v6  }
.Ltmp2:
0x67: {  	v6 =	vld [tilespmem:s16+$0x800];
	v11 =	vand.u32 $0x7F800, v11;
	[tilespmem:s14+$0x1000] =	vst v9;
	(pc) =	sbr.rel @p3 .LBB2_6-.Ltmp2, $4  }
0x68: {  	v9 =	vshrl.u32 v10, $0x8;
	v11 =	vadd.s32 v7, v11;
	[tilespmem:s14+$0x2000] =	vst v8;
	s14 =	smov.u32 s13;
	s13 =	smov.u32 s16  }
0x69: {  	vm0 =	veq.s32 v9, v0;
	vm1 =	veq.s32 v9, v3;
	v7 =	vld [tilespmem:s13+$0x0];
	v8 =	vadd.s32 $0x80000, v11;
	[tilespmem:s14+$0x3000] =	vst v12  }
0x6a: {  	vm2 =	veq.s32 v9, v1;
	vm3 =	veq.s32 v9, v2;
	v12 =	vnsel vm1, $0x102000, v8  }
0x6b: {  	v9 =	vnsel vm0, $0x102000, v11;
	v10 =	vnsel vm2, $0x102000, v8;
	v8 =	vnsel vm3, $0x102000, v11;
	[tilespmem:s14+$0x2800] =	vst v12  }
0x6c: {  	v11 =	vshll.u32 v6, $0xB  }
0x6d: {  	[tilespmem:s14+$0x1800] =	vst v10;
	v10 =	vand.u32 $0x7F800, v11  }
0x6e: {  	[tilespmem:s14+$0x1000] =	vst v9;
	v9 =	vshrl.u32 v6, $0x8;
	v7 =	vadd.s32 v7, v10  }
0x6f: {  	v6 =	vadd.s32 $0x100000, v6;
	[tilespmem:s14+$0x2000] =	vst v8;
	vm0 =	veq.s32 v9, v3;
	v8 =	vadd.s32 $0x80000, v7  }
0x70: {  	[tilespmem:s13+$0x3000] =	vst v6;
	vm1 =	veq.s32 v9, v1;
	v6 =	vnsel vm0, $0x102000, v8  }
0x71: {  	vm12 =	veq.s32 v9, v0;
	v8 =	vnsel vm1, $0x102000, v8;
	[tilespmem:s13+$0x2800] =	vst v6  }
0x72: {  	vm13 =	veq.s32 v9, v2;
	v6 =	vnsel vm12, $0x102000, v7;
	[tilespmem:s13+$0x1800] =	vst v8  }
0x73: {  	v7 =	vnsel vm13, $0x102000, v7;
	[tilespmem:s13+$0x1000] =	vst v6  }
0x74: {  	s14 =	simm.s32 @!p0 $0x3000;
	s15 =	simm.s32 @!p0 $0x3800;
	[tilespmem:s13+$0x2000] =	vst v7;
	s13 =	simm.s32 @!p0 $0x800  }
0x75: {  	[spmem:s6] =	stream.indirect.scatter.add.f32 @!p0 [tilespmem:s15], [sflag:$0x1], $0x1, s14, s13, $0xb8;
	[tilespmem:$0x1C600] =	vst v63  }
0x76: {  	s13 =	simm.s32 @!p0 $0x1  }
0x77: {  	_ =	swait.ge @!p0 [sflag:s13], $0x800  }
0x78: {  	[sflag:s13] =	ssyncset.done @!p0 $0x0  }
0x79: {  	[sflag:s13] =	ssyncadd.s32 @!p0 $0xFFFFF800  }
0x7a: {  	[spmem:s6] =	stream.indirect.scatter.add.f32 [tilespmem:s5], [sflag:$0x1], $0x1, s4, s3, $0xb8;
	[tilespmem:$0x1C600] =	vst v63  }
0x7b: {  	_ =	swait.ge [sflag:s30], $0x800  }
0x7c: {  	[sflag:s30] =	ssyncset.done $0x0  }
0x7d: {  	[sflag:s30] =	ssyncadd.s32 $0xFFFFF800  }
0x7e: {  	[bflag:$0x0] =	sbarrier.arrive $0xFFFF  }
0x7f: {  	[spmem:s6] =	stream.indirect.scatter.add.f32 [tilespmem:s5], [sflag:$0x1], $0x1, s7, s3, $0xb8;
	[tilespmem:$0x1C600] =	vst v63  }
0x80: {  	s15 =	stileid.u32;
	_ =	swait.ge [sflag:s30], $0x800  }
0x81: {  	s14 =	sshrl.u32 s8, $0x3;
	s13 =	sshll.u32 s15, $0x6;
	[sflag:s30] =	ssyncset.done $0x0  }
0x82: {  	s13 =	sor.u32 $0x1C01, s13;
	s16 =	rddreg [dreg:$0x5];
	[sflag:s30] =	ssyncadd.s32 $0xFFFFF800  }
0x83: {  	[hbm:s16@s31], [sflag:s13] =	dma.strided [spmem:s14@s9], $0x1000, s30, $0x10   }
0x84: {  	_ =	swait.ge [sflag:s30], $0x1000  }
0x85: {  	[sflag:s30] =	ssyncset.done $0x0  }
0x86: {  	[sflag:s30] =	ssyncadd.s32 $0xFFFFF000  }
0x87: {  	[spmem:s8] =	stream.linear.scatter [tilespmem:s29], [sflag:$0x1], $0x8000, $0x38;
	[tilespmem:$0x1C600] =	vst v63  }
0x88: {  	_ =	swait.ge [sflag:s30], $0x8000  }
0x89: {  	[sflag:s30] =	ssyncset.done $0x0  }
0x8a: {  	[sflag:s30] =	ssyncadd.s32 $0xFFFF8000  }
0x8b: {  	[bflag:$0x0] =	sbarrier.arrive $0xFFFF  }
0x8c: {  	[spmem:s6] =	stream.indirect.scatter.add.f32 [tilespmem:s5], [sflag:$0x1], $0x1, s10, s3, $0xb8;
	[tilespmem:$0x1C600] =	vst v63  }
0x8d: {  	_ =	swait.ge [sflag:s30], $0x800  }
0x8e: {  	[sflag:s30] =	ssyncset.done $0x0  }
0x8f: {  	s15 =	sshrl.u32 s12, $0x3;
	s16 =	rddreg [dreg:$0x6];
	[sflag:s30] =	ssyncadd.s32 $0xFFFFF800  }
0x90: {  	[hbm:s16@s31], [sflag:s13] =	dma.strided [spmem:s15@s9], $0x1000, s30, $0x10   }
0x91: {  	_ =	swait.ge [sflag:s30], $0x1000  }
0x92: {  	[sflag:s30] =	ssyncset.done $0x0  }
0x93: {  	[sflag:s30] =	ssyncadd.s32 $0xFFFFF000  }
0x94: {  	[spmem:s12] =	stream.linear.scatter [tilespmem:s29], [sflag:$0x1], $0x8000, $0x38;
	[tilespmem:$0x1C600] =	vst v63  }
0x95: {  	_ =	swait.ge [sflag:s30], $0x8000  }
0x96: {  	[sflag:s30] =	ssyncset.done $0x0  }
0x97: {  	[sflag:s30] =	ssyncadd.s32 $0xFFFF8000  }
0x98: {  	[bflag:$0x0] =	sbarrier.arrive $0xFFFF  }
0x99: {  	[spmem:s6] =	stream.indirect.scatter.add.f32 [tilespmem:s5], [sflag:$0x1], $0x1, s11, s3, $0xb8;
	[tilespmem:$0x1C600] =	vst v63  }
0x9a: {  	_ =	swait.ge [sflag:s30], $0x800  }
0x9b: {  	[sflag:s30] =	ssyncset.done $0x0  }
0x9c: {  	s17 =	rddreg [dreg:$0x7];
	[sflag:s30] =	ssyncadd.s32 $0xFFFFF800  }
0x9d: {  	[hbm:s17@s31], [sflag:s13] =	dma.strided [spmem:s14@s9], $0x1000, s30, $0x10   }
0x9e: {  	_ =	swait.ge [sflag:s30], $0x1000  }
0x9f: {  	[sflag:s30] =	ssyncset.done $0x0  }
0xa0: {  	[sflag:s30] =	ssyncadd.s32 $0xFFFFF000  }
0xa1: {  	[spmem:s8] =	stream.linear.scatter [tilespmem:s29], [sflag:$0x1], $0x8000, $0x38;
	[tilespmem:$0x1C600] =	vst v63  }
0xa2: {  	_ =	swait.ge [sflag:s30], $0x8000  }
0xa3: {  	[sflag:s30] =	ssyncset.done $0x0  }
0xa4: {  	[sflag:s30] =	ssyncadd.s32 $0xFFFF8000  }
0xa5: {  	[bflag:$0x0] =	sbarrier.arrive $0xFFFF  }
0xa6: {  	s17 =	sld [smem:$0x7F8];
	_ =	sdelay $0x1  }
0xa7: {  	s18 =	simm.s32 $0x0  }
0xa8: {  	[tilespmem:s18], [sflag:$0x1] =	stream.strided.gather [hbm4b:s17+s31], $0x800, s1, s31, $0x38;
	[tilespmem:$0x1C600] =	vst v63  }
0xa9: {  	_ =	swait.ge [sflag:s30], $0x800  }
0xaa: {  	s19 =	sld [smem:$0x7F9]  }
0xab: {  	[sflag:s30] =	ssyncset.done $0x0  }
0xac: {  	[sflag:s30] =	ssyncadd.s32 $0xFFFFF800  }
0xad: {  	[tilespmem:s3], [sflag:$0x1] =	stream.strided.gather [hbm4b:s19+s31], $0x800, s1, s31, $0x38;
	[tilespmem:$0x1C600] =	vst v63  }
0xae: {  	_ =	swait.ge [sflag:s30], $0x800  }
0xaf: {  	[sflag:s30] =	ssyncset.done $0x0  }
0xb0: {  	s17 =	simm.s32 $0x0;
	[sflag:s30] =	ssyncadd.s32 $0xFFFFF800  }
0xb1: {  	v7 =	vld [tilespmem:s17+$0x800];
	_ =	sdelay $0x1  }
0xb2: {  	v8 =	vld [tilespmem:s17+$0x0];
	_ =	sdelay $0x2  }
0xb3: {  	s16 =	simm.s32 $0x10;
	v6 =	vshll.u32 v7, $0xB  }
0xb4: {  	v9 =	vand.u32 $0x7F800, v6;
	v6 =	vld [tilespmem:s16+$0x800]  }
0xb5: {  	v10 =	vadd.s32 $0x100800, v7;
	v11 =	vshrl.u32 v7, $0x8;
	v8 =	vadd.s32 v8, v9  }
0xb6: {  	v7 =	vld [tilespmem:s16+$0x0];
	vm14 =	veq.s32 v11, v0;
	vm15 =	veq.s32 v11, v3;
	v12 =	vadd.s32 $0x80000, v8  }
0xb7: {  	[tilespmem:s17+$0x3000] =	vst v10;
	vm2 =	veq.s32 v11, v1;
	vm3 =	veq.s32 v11, v2;
	v11 =	vnsel vm15, $0x102000, v12  }
0xb8: {  	s18 =	simm.s32 $0x80;
	v9 =	vnsel vm14, $0x102000, v8;
	v8 =	vnsel vm3, $0x102000, v8;
	v10 =	vnsel vm2, $0x102000, v12;
	[tilespmem:s17+$0x2800] =	vst v11  }
.LBB2_8:
0xb9: {  	s19 =	sshra.s32 s18, $0x2;
	p3 =	sne.s32 s18, $0x1FC0;
	s18 =	sadd.s32 $0x40, s18;
	v11 =	vshll.u32 v6, $0xB;
	v12 =	vadd.s32 $0x100800, v6;
	[tilespmem:s17+$0x1800] =	vst v10;
	v10 =	vmov v6  }
.Ltmp3:
0xba: {  	v6 =	vld [tilespmem:s19+$0x800];
	v11 =	vand.u32 $0x7F800, v11;
	[tilespmem:s17+$0x1000] =	vst v9;
	(pc) =	sbr.rel @p3 .LBB2_8-.Ltmp3, $4  }
0xbb: {  	v9 =	vshrl.u32 v10, $0x8;
	v11 =	vadd.s32 v7, v11;
	[tilespmem:s17+$0x2000] =	vst v8;
	s17 =	smov.u32 s16;
	s16 =	smov.u32 s19  }
0xbc: {  	vm0 =	veq.s32 v9, v0;
	vm1 =	veq.s32 v9, v3;
	v7 =	vld [tilespmem:s16+$0x0];
	v8 =	vadd.s32 $0x80000, v11;
	[tilespmem:s17+$0x3000] =	vst v12  }
0xbd: {  	vm2 =	veq.s32 v9, v1;
	vm3 =	veq.s32 v9, v2;
	v12 =	vnsel vm1, $0x102000, v8  }
0xbe: {  	v9 =	vnsel vm0, $0x102000, v11;
	v10 =	vnsel vm2, $0x102000, v8;
	v8 =	vnsel vm3, $0x102000, v11;
	[tilespmem:s17+$0x2800] =	vst v12  }
0xbf: {  	v11 =	vshll.u32 v6, $0xB  }
0xc0: {  	[tilespmem:s17+$0x1800] =	vst v10;
	v10 =	vand.u32 $0x7F800, v11  }
0xc1: {  	[tilespmem:s17+$0x1000] =	vst v9;
	v9 =	vshrl.u32 v6, $0x8;
	v7 =	vadd.s32 v7, v10  }
0xc2: {  	v6 =	vadd.s32 $0x100800, v6;
	[tilespmem:s17+$0x2000] =	vst v8;
	vm0 =	veq.s32 v9, v3;
	v8 =	vadd.s32 $0x80000, v7  }
0xc3: {  	[tilespmem:s16+$0x3000] =	vst v6;
	vm1 =	veq.s32 v9, v1;
	v6 =	vnsel vm0, $0x102000, v8  }
0xc4: {  	vm12 =	veq.s32 v9, v0;
	v8 =	vnsel vm1, $0x102000, v8;
	[tilespmem:s16+$0x2800] =	vst v6  }
0xc5: {  	vm13 =	veq.s32 v9, v2;
	v6 =	vnsel vm12, $0x102000, v7;
	[tilespmem:s16+$0x1800] =	vst v8  }
0xc6: {  	v7 =	vnsel vm13, $0x102000, v7;
	[tilespmem:s16+$0x1000] =	vst v6  }
0xc7: {  	s17 =	simm.s32 @!p0 $0x3000;
	s18 =	simm.s32 @!p0 $0x3800;
	[tilespmem:s16+$0x2000] =	vst v7;
	s16 =	simm.s32 @!p0 $0x800  }
0xc8: {  	[spmem:s6] =	stream.indirect.scatter.add.f32 @!p0 [tilespmem:s18], [sflag:$0x1], $0x1, s17, s16, $0xb8;
	[tilespmem:$0x1C600] =	vst v63  }
0xc9: {  	s16 =	simm.s32 @!p0 $0x1  }
0xca: {  	_ =	swait.ge @!p0 [sflag:s16], $0x800  }
0xcb: {  	[sflag:s16] =	ssyncset.done @!p0 $0x0  }
0xcc: {  	[sflag:s16] =	ssyncadd.s32 @!p0 $0xFFFFF800  }
0xcd: {  	[spmem:s6] =	stream.indirect.scatter.add.f32 [tilespmem:s5], [sflag:$0x1], $0x1, s4, s3, $0xb8;
	[tilespmem:$0x1C600] =	vst v63  }
0xce: {  	_ =	swait.ge [sflag:s30], $0x800  }
0xcf: {  	[sflag:s30] =	ssyncset.done $0x0  }
0xd0: {  	s19 =	rddreg [dreg:$0x8];
	[sflag:s30] =	ssyncadd.s32 $0xFFFFF800  }
0xd1: {  	[hbm:s19@s31], [sflag:s13] =	dma.strided [spmem:s15@s9], $0x1000, s30, $0x10   }
0xd2: {  	_ =	swait.ge [sflag:s30], $0x1000  }
0xd3: {  	[sflag:s30] =	ssyncset.done $0x0  }
0xd4: {  	[sflag:s30] =	ssyncadd.s32 $0xFFFFF000  }
0xd5: {  	[spmem:s12] =	stream.linear.scatter [tilespmem:s29], [sflag:$0x1], $0x8000, $0x38;
	[tilespmem:$0x1C600] =	vst v63  }
0xd6: {  	_ =	swait.ge [sflag:s30], $0x8000  }
0xd7: {  	[sflag:s30] =	ssyncset.done $0x0  }
0xd8: {  	[sflag:s30] =	ssyncadd.s32 $0xFFFF8000  }
0xd9: {  	[bflag:$0x0] =	sbarrier.arrive $0xFFFF  }
0xda: {  	[spmem:s6] =	stream.indirect.scatter.add.f32 [tilespmem:s5], [sflag:$0x1], $0x1, s7, s3, $0xb8;
	[tilespmem:$0x1C600] =	vst v63  }
0xdb: {  	_ =	swait.ge [sflag:s30], $0x800  }
0xdc: {  	[sflag:s30] =	ssyncset.done $0x0  }
0xdd: {  	s17 =	rddreg [dreg:$0x9];
	[sflag:s30] =	ssyncadd.s32 $0xFFFFF800  }
0xde: {  	[hbm:s17@s31], [sflag:s13] =	dma.strided [spmem:s14@s9], $0x1000, s30, $0x10   }
0xdf: {  	_ =	swait.ge [sflag:s30], $0x1000  }
0xe0: {  	[sflag:s30] =	ssyncset.done $0x0  }
0xe1: {  	[sflag:s30] =	ssyncadd.s32 $0xFFFFF000  }
0xe2: {  	[spmem:s8] =	stream.linear.scatter [tilespmem:s29], [sflag:$0x1], $0x8000, $0x38;
	[tilespmem:$0x1C600] =	vst v63  }
0xe3: {  	_ =	swait.ge [sflag:s30], $0x8000  }
0xe4: {  	[sflag:s30] =	ssyncset.done $0x0  }
0xe5: {  	[sflag:s30] =	ssyncadd.s32 $0xFFFF8000  }
0xe6: {  	[bflag:$0x0] =	sbarrier.arrive $0xFFFF  }
0xe7: {  	[spmem:s6] =	stream.indirect.scatter.add.f32 [tilespmem:s5], [sflag:$0x1], $0x1, s10, s3, $0xb8;
	[tilespmem:$0x1C600] =	vst v63  }
0xe8: {  	_ =	swait.ge [sflag:s30], $0x800  }
0xe9: {  	[sflag:s30] =	ssyncset.done $0x0  }
0xea: {  	s18 =	rddreg [dreg:$0xa];
	[sflag:s30] =	ssyncadd.s32 $0xFFFFF800  }
0xeb: {  	[hbm:s18@s31], [sflag:s13] =	dma.strided [spmem:s15@s9], $0x1000, s30, $0x10   }
0xec: {  	_ =	swait.ge [sflag:s30], $0x1000  }
0xed: {  	[sflag:s30] =	ssyncset.done $0x0  }
0xee: {  	[sflag:s30] =	ssyncadd.s32 $0xFFFFF000  }
0xef: {  	[spmem:s12] =	stream.linear.scatter [tilespmem:s29], [sflag:$0x1], $0x8000, $0x38;
	[tilespmem:$0x1C600] =	vst v63  }
0xf0: {  	_ =	swait.ge [sflag:s30], $0x8000  }
0xf1: {  	[sflag:s30] =	ssyncset.done $0x0  }
0xf2: {  	[sflag:s30] =	ssyncadd.s32 $0xFFFF8000  }
0xf3: {  	[bflag:$0x0] =	sbarrier.arrive $0xFFFF  }
0xf4: {  	[spmem:s6] =	stream.indirect.scatter.add.f32 [tilespmem:s5], [sflag:$0x1], $0x1, s11, s3, $0xb8;
	[tilespmem:$0x1C600] =	vst v63  }
0xf5: {  	_ =	swait.ge [sflag:s30], $0x800  }
0xf6: {  	[sflag:s30] =	ssyncset.done $0x0  }
0xf7: {  	s19 =	rddreg [dreg:$0xb];
	[sflag:s30] =	ssyncadd.s32 $0xFFFFF800  }
0xf8: {  	[hbm:s19@s31], [sflag:s13] =	dma.strided [spmem:s14@s9], $0x1000, s30, $0x10   }
0xf9: {  	_ =	swait.ge [sflag:s30], $0x1000  }
0xfa: {  	[sflag:s30] =	ssyncset.done $0x0  }
0xfb: {  	[sflag:s30] =	ssyncadd.s32 $0xFFFFF000  }
0xfc: {  	[spmem:s8] =	stream.linear.scatter [tilespmem:s29], [sflag:$0x1], $0x8000, $0x38;
	[tilespmem:$0x1C600] =	vst v63  }
0xfd: {  	_ =	swait.ge [sflag:s30], $0x8000  }
0xfe: {  	[sflag:s30] =	ssyncset.done $0x0  }
0xff: {  	[sflag:s30] =	ssyncadd.s32 $0xFFFF8000  }
0x100: {  	[bflag:$0x0] =	sbarrier.arrive $0xFFFF  }
0x101: {  	s18 =	sld [smem:$0x7FA];
	_ =	sdelay $0x1  }
0x102: {  	s17 =	simm.s32 $0x0  }
0x103: {  	[tilespmem:s17], [sflag:$0x1] =	stream.strided.gather [hbm4b:s18+s31], $0x800, s1, s31, $0x38;
	[tilespmem:$0x1C600] =	vst v63  }
0x104: {  	_ =	swait.ge [sflag:s30], $0x800  }
0x105: {  	s19 =	sld [smem:$0x7FB]  }
0x106: {  	[sflag:s30] =	ssyncset.done $0x0  }
0x107: {  	[sflag:s30] =	ssyncadd.s32 $0xFFFFF800  }
0x108: {  	[tilespmem:s3], [sflag:$0x1] =	stream.strided.gather [hbm4b:s19+s31], $0x800, s1, s31, $0x38;
	[tilespmem:$0x1C600] =	vst v63  }
0x109: {  	_ =	swait.ge [sflag:s30], $0x800  }
0x10a: {  	[sflag:s30] =	ssyncset.done $0x0  }
0x10b: {  	s17 =	simm.s32 $0x0;
	[sflag:s30] =	ssyncadd.s32 $0xFFFFF800  }
0x10c: {  	v7 =	vld [tilespmem:s17+$0x800];
	_ =	sdelay $0x1  }
0x10d: {  	v8 =	vld [tilespmem:s17+$0x0];
	_ =	sdelay $0x2  }
0x10e: {  	s16 =	simm.s32 $0x10;
	v6 =	vshll.u32 v7, $0xB  }
0x10f: {  	v9 =	vand.u32 $0x7F800, v6;
	v6 =	vld [tilespmem:s16+$0x800]  }
0x110: {  	v10 =	vadd.s32 $0x101000, v7;
	v11 =	vshrl.u32 v7, $0x8;
	v8 =	vadd.s32 v8, v9  }
0x111: {  	v7 =	vld [tilespmem:s16+$0x0];
	vm14 =	veq.s32 v11, v0;
	vm15 =	veq.s32 v11, v3;
	v12 =	vadd.s32 $0x80000, v8  }
0x112: {  	[tilespmem:s17+$0x3000] =	vst v10;
	vm2 =	veq.s32 v11, v1;
	vm3 =	veq.s32 v11, v2;
	v11 =	vnsel vm15, $0x102000, v12  }
0x113: {  	s18 =	simm.s32 $0x80;
	v9 =	vnsel vm14, $0x102000, v8;
	v8 =	vnsel vm3, $0x102000, v8;
	v10 =	vnsel vm2, $0x102000, v12;
	[tilespmem:s17+$0x2800] =	vst v11  }
.LBB2_10:
0x114: {  	s19 =	sshra.s32 s18, $0x2;
	p3 =	sne.s32 s18, $0x1FC0;
	s18 =	sadd.s32 $0x40, s18;
	v11 =	vshll.u32 v6, $0xB;
	v12 =	vadd.s32 $0x101000, v6;
	[tilespmem:s17+$0x1800] =	vst v10;
	v10 =	vmov v6  }
.Ltmp4:
0x115: {  	v6 =	vld [tilespmem:s19+$0x800];
	v11 =	vand.u32 $0x7F800, v11;
	[tilespmem:s17+$0x1000] =	vst v9;
	(pc) =	sbr.rel @p3 .LBB2_10-.Ltmp4, $4  }
0x116: {  	v9 =	vshrl.u32 v10, $0x8;
	v11 =	vadd.s32 v7, v11;
	[tilespmem:s17+$0x2000] =	vst v8;
	s17 =	smov.u32 s16;
	s16 =	smov.u32 s19  }
0x117: {  	vm0 =	veq.s32 v9, v0;
	vm1 =	veq.s32 v9, v3;
	v7 =	vld [tilespmem:s16+$0x0];
	v8 =	vadd.s32 $0x80000, v11;
	[tilespmem:s17+$0x3000] =	vst v12  }
0x118: {  	vm2 =	veq.s32 v9, v1;
	vm3 =	veq.s32 v9, v2;
	v12 =	vnsel vm1, $0x102000, v8  }
0x119: {  	v9 =	vnsel vm0, $0x102000, v11;
	v10 =	vnsel vm2, $0x102000, v8;
	v8 =	vnsel vm3, $0x102000, v11;
	[tilespmem:s17+$0x2800] =	vst v12  }
0x11a: {  	v11 =	vshll.u32 v6, $0xB  }
0x11b: {  	[tilespmem:s17+$0x1800] =	vst v10;
	v10 =	vand.u32 $0x7F800, v11  }
0x11c: {  	[tilespmem:s17+$0x1000] =	vst v9;
	v9 =	vshrl.u32 v6, $0x8;
	v7 =	vadd.s32 v7, v10  }
0x11d: {  	v6 =	vadd.s32 $0x101000, v6;
	[tilespmem:s17+$0x2000] =	vst v8;
	vm0 =	veq.s32 v9, v3;
	v8 =	vadd.s32 $0x80000, v7  }
0x11e: {  	[tilespmem:s16+$0x3000] =	vst v6;
	vm1 =	veq.s32 v9, v1;
	v6 =	vnsel vm0, $0x102000, v8  }
0x11f: {  	vm12 =	veq.s32 v9, v0;
	v8 =	vnsel vm1, $0x102000, v8;
	[tilespmem:s16+$0x2800] =	vst v6  }
0x120: {  	vm13 =	veq.s32 v9, v2;
	v6 =	vnsel vm12, $0x102000, v7;
	[tilespmem:s16+$0x1800] =	vst v8  }
0x121: {  	v7 =	vnsel vm13, $0x102000, v7;
	[tilespmem:s16+$0x1000] =	vst v6  }
0x122: {  	s17 =	simm.s32 @!p0 $0x3000;
	s18 =	simm.s32 @!p0 $0x3800;
	[tilespmem:s16+$0x2000] =	vst v7;
	s16 =	simm.s32 @!p0 $0x800  }
0x123: {  	[spmem:s6] =	stream.indirect.scatter.add.f32 @!p0 [tilespmem:s18], [sflag:$0x1], $0x1, s17, s16, $0xb8;
	[tilespmem:$0x1C600] =	vst v63  }
0x124: {  	s16 =	simm.s32 @!p0 $0x1  }
0x125: {  	_ =	swait.ge @!p0 [sflag:s16], $0x800  }
0x126: {  	[sflag:s16] =	ssyncset.done @!p0 $0x0  }
0x127: {  	[sflag:s16] =	ssyncadd.s32 @!p0 $0xFFFFF800  }
0x128: {  	[spmem:s6] =	stream.indirect.scatter.add.f32 [tilespmem:s5], [sflag:$0x1], $0x1, s4, s3, $0xb8;
	[tilespmem:$0x1C600] =	vst v63  }
0x129: {  	_ =	swait.ge [sflag:s30], $0x800  }
0x12a: {  	[sflag:s30] =	ssyncset.done $0x0  }
0x12b: {  	s19 =	rddreg [dreg:$0xc];
	[sflag:s30] =	ssyncadd.s32 $0xFFFFF800  }
0x12c: {  	[hbm:s19@s31], [sflag:s13] =	dma.strided [spmem:s15@s9], $0x1000, s30, $0x10   }
0x12d: {  	_ =	swait.ge [sflag:s30], $0x1000  }
0x12e: {  	[sflag:s30] =	ssyncset.done $0x0  }
0x12f: {  	[sflag:s30] =	ssyncadd.s32 $0xFFFFF000  }
0x130: {  	[spmem:s12] =	stream.linear.scatter [tilespmem:s29], [sflag:$0x1], $0x8000, $0x38;
	[tilespmem:$0x1C600] =	vst v63  }
0x131: {  	_ =	swait.ge [sflag:s30], $0x8000  }
0x132: {  	[sflag:s30] =	ssyncset.done $0x0  }
0x133: {  	[sflag:s30] =	ssyncadd.s32 $0xFFFF8000  }
0x134: {  	[bflag:$0x0] =	sbarrier.arrive $0xFFFF  }
0x135: {  	[spmem:s6] =	stream.indirect.scatter.add.f32 [tilespmem:s5], [sflag:$0x1], $0x1, s7, s3, $0xb8;
	[tilespmem:$0x1C600] =	vst v63  }
0x136: {  	_ =	swait.ge [sflag:s30], $0x800  }
0x137: {  	[sflag:s30] =	ssyncset.done $0x0  }
0x138: {  	s17 =	rddreg [dreg:$0xd];
	[sflag:s30] =	ssyncadd.s32 $0xFFFFF800  }
0x139: {  	[hbm:s17@s31], [sflag:s13] =	dma.strided [spmem:s14@s9], $0x1000, s30, $0x10   }
0x13a: {  	_ =	swait.ge [sflag:s30], $0x1000  }
0x13b: {  	[sflag:s30] =	ssyncset.done $0x0  }
0x13c: {  	[sflag:s30] =	ssyncadd.s32 $0xFFFFF000  }
0x13d: {  	[spmem:s8] =	stream.linear.scatter [tilespmem:s29], [sflag:$0x1], $0x8000, $0x38;
	[tilespmem:$0x1C600] =	vst v63  }
0x13e: {  	_ =	swait.ge [sflag:s30], $0x8000  }
0x13f: {  	[sflag:s30] =	ssyncset.done $0x0  }
0x140: {  	[sflag:s30] =	ssyncadd.s32 $0xFFFF8000  }
0x141: {  	[bflag:$0x0] =	sbarrier.arrive $0xFFFF  }
0x142: {  	[spmem:s6] =	stream.indirect.scatter.add.f32 [tilespmem:s5], [sflag:$0x1], $0x1, s10, s3, $0xb8;
	[tilespmem:$0x1C600] =	vst v63  }
0x143: {  	_ =	swait.ge [sflag:s30], $0x800  }
0x144: {  	[sflag:s30] =	ssyncset.done $0x0  }
0x145: {  	s18 =	rddreg [dreg:$0xe];
	[sflag:s30] =	ssyncadd.s32 $0xFFFFF800  }
0x146: {  	[hbm:s18@s31], [sflag:s13] =	dma.strided [spmem:s15@s9], $0x1000, s30, $0x10   }
0x147: {  	_ =	swait.ge [sflag:s30], $0x1000  }
0x148: {  	[sflag:s30] =	ssyncset.done $0x0  }
0x149: {  	[sflag:s30] =	ssyncadd.s32 $0xFFFFF000  }
0x14a: {  	[spmem:s12] =	stream.linear.scatter [tilespmem:s29], [sflag:$0x1], $0x8000, $0x38;
	[tilespmem:$0x1C600] =	vst v63  }
0x14b: {  	_ =	swait.ge [sflag:s30], $0x8000  }
0x14c: {  	[sflag:s30] =	ssyncset.done $0x0  }
0x14d: {  	[sflag:s30] =	ssyncadd.s32 $0xFFFF8000  }
0x14e: {  	[bflag:$0x0] =	sbarrier.arrive $0xFFFF  }
0x14f: {  	[spmem:s6] =	stream.indirect.scatter.add.f32 [tilespmem:s5], [sflag:$0x1], $0x1, s11, s3, $0xb8;
	[tilespmem:$0x1C600] =	vst v63  }
0x150: {  	_ =	swait.ge [sflag:s30], $0x800  }
0x151: {  	[sflag:s30] =	ssyncset.done $0x0  }
0x152: {  	s19 =	rddreg [dreg:$0xf];
	[sflag:s30] =	ssyncadd.s32 $0xFFFFF800  }
0x153: {  	[hbm:s19@s31], [sflag:s13] =	dma.strided [spmem:s14@s9], $0x1000, s30, $0x10   }
0x154: {  	_ =	swait.ge [sflag:s30], $0x1000  }
0x155: {  	[sflag:s30] =	ssyncset.done $0x0  }
0x156: {  	[sflag:s30] =	ssyncadd.s32 $0xFFFFF000  }
0x157: {  	[spmem:s8] =	stream.linear.scatter [tilespmem:s29], [sflag:$0x1], $0x8000, $0x38;
	[tilespmem:$0x1C600] =	vst v63  }
0x158: {  	_ =	swait.ge [sflag:s30], $0x8000  }
0x159: {  	[sflag:s30] =	ssyncset.done $0x0  }
0x15a: {  	[sflag:s30] =	ssyncadd.s32 $0xFFFF8000  }
0x15b: {  	[bflag:$0x0] =	sbarrier.arrive $0xFFFF  }
0x15c: {  	s18 =	sld [smem:$0x7FC];
	_ =	sdelay $0x1  }
0x15d: {  	s17 =	simm.s32 $0x0  }
0x15e: {  	[tilespmem:s17], [sflag:$0x1] =	stream.strided.gather [hbm4b:s18+s31], $0x800, s1, s31, $0x38;
	[tilespmem:$0x1C600] =	vst v63  }
0x15f: {  	_ =	swait.ge [sflag:s30], $0x800  }
0x160: {  	s19 =	sld [smem:$0x7FD]  }
0x161: {  	[sflag:s30] =	ssyncset.done $0x0  }
0x162: {  	[sflag:s30] =	ssyncadd.s32 $0xFFFFF800  }
0x163: {  	[tilespmem:s3], [sflag:$0x1] =	stream.strided.gather [hbm4b:s19+s31], $0x800, s1, s31, $0x38;
	[tilespmem:$0x1C600] =	vst v63  }
0x164: {  	_ =	swait.ge [sflag:s30], $0x800  }
0x165: {  	[sflag:s30] =	ssyncset.done $0x0  }
0x166: {  	s17 =	simm.s32 $0x0;
	[sflag:s30] =	ssyncadd.s32 $0xFFFFF800  }
0x167: {  	v7 =	vld [tilespmem:s17+$0x800];
	_ =	sdelay $0x1  }
0x168: {  	v8 =	vld [tilespmem:s17+$0x0];
	_ =	sdelay $0x2  }
0x169: {  	s16 =	simm.s32 $0x10;
	v6 =	vshll.u32 v7, $0xB  }
0x16a: {  	v9 =	vand.u32 $0x7F800, v6;
	v6 =	vld [tilespmem:s16+$0x800]  }
0x16b: {  	v10 =	vadd.s32 $0x101800, v7;
	v11 =	vshrl.u32 v7, $0x8;
	v8 =	vadd.s32 v8, v9  }
0x16c: {  	v7 =	vld [tilespmem:s16+$0x0];
	vm14 =	veq.s32 v11, v0;
	vm15 =	veq.s32 v11, v3;
	v12 =	vadd.s32 $0x80000, v8  }
0x16d: {  	[tilespmem:s17+$0x3000] =	vst v10;
	vm2 =	veq.s32 v11, v1;
	vm3 =	veq.s32 v11, v2;
	v11 =	vnsel vm15, $0x102000, v12  }
0x16e: {  	s18 =	simm.s32 $0x80;
	v9 =	vnsel vm14, $0x102000, v8;
	v8 =	vnsel vm3, $0x102000, v8;
	v10 =	vnsel vm2, $0x102000, v12;
	[tilespmem:s17+$0x2800] =	vst v11  }
.LBB2_12:
0x16f: {  	s19 =	sshra.s32 s18, $0x2;
	p3 =	sne.s32 s18, $0x1FC0;
	s18 =	sadd.s32 $0x40, s18;
	v11 =	vshll.u32 v6, $0xB;
	v12 =	vadd.s32 $0x101800, v6;
	[tilespmem:s17+$0x1800] =	vst v10;
	v10 =	vmov v6  }
.Ltmp5:
0x170: {  	v6 =	vld [tilespmem:s19+$0x800];
	v11 =	vand.u32 $0x7F800, v11;
	[tilespmem:s17+$0x1000] =	vst v9;
	(pc) =	sbr.rel @p3 .LBB2_12-.Ltmp5, $4  }
0x171: {  	v9 =	vshrl.u32 v10, $0x8;
	v11 =	vadd.s32 v7, v11;
	[tilespmem:s17+$0x2000] =	vst v8;
	s17 =	smov.u32 s16;
	s16 =	smov.u32 s19  }
0x172: {  	vm0 =	veq.s32 v9, v0;
	vm1 =	veq.s32 v9, v3;
	v7 =	vld [tilespmem:s16+$0x0];
	v8 =	vadd.s32 $0x80000, v11;
	[tilespmem:s17+$0x3000] =	vst v12  }
0x173: {  	vm2 =	veq.s32 v9, v1;
	vm3 =	veq.s32 v9, v2;
	v12 =	vnsel vm1, $0x102000, v8  }
0x174: {  	v9 =	vnsel vm0, $0x102000, v11;
	v10 =	vnsel vm2, $0x102000, v8;
	v8 =	vnsel vm3, $0x102000, v11;
	[tilespmem:s17+$0x2800] =	vst v12  }
0x175: {  	v11 =	vshll.u32 v6, $0xB  }
0x176: {  	[tilespmem:s17+$0x1800] =	vst v10;
	v10 =	vand.u32 $0x7F800, v11  }
0x177: {  	[tilespmem:s17+$0x1000] =	vst v9;
	v9 =	vshrl.u32 v6, $0x8;
	v7 =	vadd.s32 v7, v10  }
0x178: {  	v6 =	vadd.s32 $0x101800, v6;
	[tilespmem:s17+$0x2000] =	vst v8;
	vm0 =	veq.s32 v9, v3;
	v8 =	vadd.s32 $0x80000, v7  }
0x179: {  	[tilespmem:s16+$0x3000] =	vst v6;
	vm1 =	veq.s32 v9, v1;
	v6 =	vnsel vm0, $0x102000, v8  }
0x17a: {  	vm12 =	veq.s32 v9, v0;
	v8 =	vnsel vm1, $0x102000, v8;
	[tilespmem:s16+$0x2800] =	vst v6  }
0x17b: {  	vm13 =	veq.s32 v9, v2;
	v6 =	vnsel vm12, $0x102000, v7;
	[tilespmem:s16+$0x1800] =	vst v8  }
0x17c: {  	v7 =	vnsel vm13, $0x102000, v7;
	[tilespmem:s16+$0x1000] =	vst v6  }
0x17d: {  	s17 =	simm.s32 @!p0 $0x3000;
	s18 =	simm.s32 @!p0 $0x3800;
	[tilespmem:s16+$0x2000] =	vst v7;
	s16 =	simm.s32 @!p0 $0x800  }
0x17e: {  	[spmem:s6] =	stream.indirect.scatter.add.f32 @!p0 [tilespmem:s18], [sflag:$0x1], $0x1, s17, s16, $0xb8;
	[tilespmem:$0x1C600] =	vst v63  }
0x17f: {  	s16 =	simm.s32 @!p0 $0x1  }
0x180: {  	_ =	swait.ge @!p0 [sflag:s16], $0x800  }
0x181: {  	[sflag:s16] =	ssyncset.done @!p0 $0x0  }
0x182: {  	[sflag:s16] =	ssyncadd.s32 @!p0 $0xFFFFF800  }
0x183: {  	[spmem:s6] =	stream.indirect.scatter.add.f32 [tilespmem:s5], [sflag:$0x1], $0x1, s4, s3, $0xb8;
	[tilespmem:$0x1C600] =	vst v63  }
0x184: {  	_ =	swait.ge [sflag:s30], $0x800  }
0x185: {  	[sflag:s30] =	ssyncset.done $0x0  }
0x186: {  	s18 =	rddreg [dreg:$0x10];
	[sflag:s30] =	ssyncadd.s32 $0xFFFFF800  }
0x187: {  	[hbm:s18@s31], [sflag:s13] =	dma.strided [spmem:s15@s9], $0x1000, s30, $0x10   }
0x188: {  	_ =	swait.ge [sflag:s30], $0x1000  }
0x189: {  	[sflag:s30] =	ssyncset.done $0x0  }
0x18a: {  	[sflag:s30] =	ssyncadd.s32 $0xFFFFF000  }
0x18b: {  	[spmem:s12] =	stream.linear.scatter [tilespmem:s29], [sflag:$0x1], $0x8000, $0x38;
	[tilespmem:$0x1C600] =	vst v63  }
0x18c: {  	_ =	swait.ge [sflag:s30], $0x8000  }
0x18d: {  	[sflag:s30] =	ssyncset.done $0x0  }
0x18e: {  	[sflag:s30] =	ssyncadd.s32 $0xFFFF8000  }
0x18f: {  	[bflag:$0x0] =	sbarrier.arrive $0xFFFF  }
0x190: {  	[spmem:s6] =	stream.indirect.scatter.add.f32 [tilespmem:s5], [sflag:$0x1], $0x1, s7, s3, $0xb8;
	[tilespmem:$0x1C600] =	vst v63  }
0x191: {  	_ =	swait.ge [sflag:s30], $0x800  }
0x192: {  	[sflag:s30] =	ssyncset.done $0x0  }
0x193: {  	s19 =	rddreg [dreg:$0x11];
	[sflag:s30] =	ssyncadd.s32 $0xFFFFF800  }
0x194: {  	[hbm:s19@s31], [sflag:s13] =	dma.strided [spmem:s14@s9], $0x1000, s30, $0x10   }
0x195: {  	_ =	swait.ge [sflag:s30], $0x1000  }
0x196: {  	[sflag:s30] =	ssyncset.done $0x0  }
0x197: {  	[sflag:s30] =	ssyncadd.s32 $0xFFFFF000  }
0x198: {  	[spmem:s8] =	stream.linear.scatter [tilespmem:s29], [sflag:$0x1], $0x8000, $0x38;
	[tilespmem:$0x1C600] =	vst v63  }
0x199: {  	_ =	swait.ge [sflag:s30], $0x8000  }
0x19a: {  	[sflag:s30] =	ssyncset.done $0x0  }
0x19b: {  	[sflag:s30] =	ssyncadd.s32 $0xFFFF8000  }
0x19c: {  	[bflag:$0x0] =	sbarrier.arrive $0xFFFF  }
0x19d: {  	[spmem:s6] =	stream.indirect.scatter.add.f32 [tilespmem:s5], [sflag:$0x1], $0x1, s10, s3, $0xb8;
	[tilespmem:$0x1C600] =	vst v63  }
0x19e: {  	_ =	swait.ge [sflag:s30], $0x800  }
0x19f: {  	[sflag:s30] =	ssyncset.done $0x0  }
0x1a0: {  	s17 =	rddreg [dreg:$0x12];
	[sflag:s30] =	ssyncadd.s32 $0xFFFFF800  }
0x1a1: {  	[hbm:s17@s31], [sflag:s13] =	dma.strided [spmem:s15@s9], $0x1000, s30, $0x10   }
0x1a2: {  	_ =	swait.ge [sflag:s30], $0x1000  }
0x1a3: {  	[sflag:s30] =	ssyncset.done $0x0  }
0x1a4: {  	[sflag:s30] =	ssyncadd.s32 $0xFFFFF000  }
0x1a5: {  	[spmem:s12] =	stream.linear.scatter [tilespmem:s29], [sflag:$0x1], $0x8000, $0x38;
	[tilespmem:$0x1C600] =	vst v63  }
0x1a6: {  	_ =	swait.ge [sflag:s30], $0x8000  }
0x1a7: {  	[sflag:s30] =	ssyncset.done $0x0  }
0x1a8: {  	[sflag:s30] =	ssyncadd.s32 $0xFFFF8000  }
0x1a9: {  	[bflag:$0x0] =	sbarrier.arrive $0xFFFF  }
0x1aa: {  	[spmem:s6] =	stream.indirect.scatter.add.f32 [tilespmem:s5], [sflag:$0x1], $0x1, s11, s3, $0xb8;
	[tilespmem:$0x1C600] =	vst v63  }
0x1ab: {  	_ =	swait.ge [sflag:s30], $0x800  }
0x1ac: {  	[sflag:s30] =	ssyncset.done $0x0  }
0x1ad: {  	s18 =	rddreg [dreg:$0x13];
	[sflag:s30] =	ssyncadd.s32 $0xFFFFF800  }
0x1ae: {  	[hbm:s18@s31], [sflag:s13] =	dma.strided [spmem:s14@s9], $0x1000, s30, $0x10   }
0x1af: {  	_ =	swait.ge [sflag:s30], $0x1000  }
0x1b0: {  	[sflag:s30] =	ssyncset.done $0x0  }
0x1b1: {  	[sflag:s30] =	ssyncadd.s32 $0xFFFFF000  }
0x1b2: {  	[spmem:s8] =	stream.linear.scatter [tilespmem:s29], [sflag:$0x1], $0x8000, $0x38;
	[tilespmem:$0x1C600] =	vst v63  }
0x1b3: {  	_ =	swait.ge [sflag:s30], $0x8000  }
0x1b4: {  	[sflag:s30] =	ssyncset.done $0x0  }
0x1b5: {  	[sflag:s30] =	ssyncadd.s32 $0xFFFF8000  }
0x1b6: {  	s19 =	simm.s32 $0x0;
	[bflag:$0x0] =	sbarrier.arrive $0xFFFF  }
0x1b7: {  	[tilespmem:s19], [sflag:$0x1] =	stream.strided.gather [hbm4b:s20+s31], $0x800, s1, s31, $0x38;
	[tilespmem:$0x1C600] =	vst v63  }
0x1b8: {  	_ =	swait.ge [sflag:s30], $0x800  }
0x1b9: {  	[sflag:s30] =	ssyncset.done $0x0  }
0x1ba: {  	[sflag:s30] =	ssyncadd.s32 $0xFFFFF800  }
0x1bb: {  	[tilespmem:s3], [sflag:$0x1] =	stream.strided.gather [hbm4b:s21+s31], $0x800, s1, s31, $0x38;
	[tilespmem:$0x1C600] =	vst v63  }
0x1bc: {  	_ =	swait.ge [sflag:s30], $0x800  }
0x1bd: {  	[sflag:s30] =	ssyncset.done $0x0  }
0x1be: {  	s17 =	simm.s32 $0x0;
	[sflag:s30] =	ssyncadd.s32 $0xFFFFF800  }
0x1bf: {  	v7 =	vld [tilespmem:s17+$0x800];
	_ =	sdelay $0x1  }
0x1c0: {  	v8 =	vld [tilespmem:s17+$0x0];
	_ =	sdelay $0x2  }
0x1c1: {  	s16 =	simm.s32 $0x10;
	v6 =	vshll.u32 v7, $0xB  }
0x1c2: {  	v9 =	vand.u32 $0x7F800, v6;
	v6 =	vld [tilespmem:s16+$0x800]  }
0x1c3: {  	v10 =	vadd.s32 $0x100000, v7;
	v11 =	vshrl.u32 v7, $0x8;
	v8 =	vadd.s32 v8, v9  }
0x1c4: {  	v7 =	vld [tilespmem:s16+$0x0];
	vm14 =	veq.s32 v11, v0;
	vm15 =	veq.s32 v11, v3;
	v12 =	vadd.s32 $0x80000, v8  }
0x1c5: {  	[tilespmem:s17+$0x3000] =	vst v10;
	vm2 =	veq.s32 v11, v1;
	vm3 =	veq.s32 v11, v2;
	v11 =	vnsel vm15, $0x102000, v12  }
0x1c6: {  	s18 =	simm.s32 $0x80;
	v9 =	vnsel vm14, $0x102000, v8;
	v8 =	vnsel vm3, $0x102000, v8;
	v10 =	vnsel vm2, $0x102000, v12;
	[tilespmem:s17+$0x2800] =	vst v11  }
.LBB2_14:
0x1c7: {  	s19 =	sshra.s32 s18, $0x2;
	p3 =	sne.s32 s18, $0x1FC0;
	s18 =	sadd.s32 $0x40, s18;
	v11 =	vshll.u32 v6, $0xB;
	v12 =	vadd.s32 $0x100000, v6;
	[tilespmem:s17+$0x1800] =	vst v10;
	v10 =	vmov v6  }
.Ltmp6:
0x1c8: {  	v6 =	vld [tilespmem:s19+$0x800];
	v11 =	vand.u32 $0x7F800, v11;
	[tilespmem:s17+$0x1000] =	vst v9;
	(pc) =	sbr.rel @p3 .LBB2_14-.Ltmp6, $4  }
0x1c9: {  	v9 =	vshrl.u32 v10, $0x8;
	v11 =	vadd.s32 v7, v11;
	[tilespmem:s17+$0x2000] =	vst v8;
	s17 =	smov.u32 s16;
	s16 =	smov.u32 s19  }
0x1ca: {  	vm0 =	veq.s32 v9, v0;
	vm1 =	veq.s32 v9, v3;
	v7 =	vld [tilespmem:s16+$0x0];
	v8 =	vadd.s32 $0x80000, v11;
	[tilespmem:s17+$0x3000] =	vst v12  }
0x1cb: {  	vm2 =	veq.s32 v9, v1;
	vm3 =	veq.s32 v9, v2;
	v12 =	vnsel vm1, $0x102000, v8  }
0x1cc: {  	v9 =	vnsel vm0, $0x102000, v11;
	v10 =	vnsel vm2, $0x102000, v8;
	v8 =	vnsel vm3, $0x102000, v11;
	[tilespmem:s17+$0x2800] =	vst v12  }
0x1cd: {  	v11 =	vshll.u32 v6, $0xB  }
0x1ce: {  	[tilespmem:s17+$0x1800] =	vst v10;
	v10 =	vand.u32 $0x7F800, v11  }
0x1cf: {  	[tilespmem:s17+$0x1000] =	vst v9;
	v9 =	vshrl.u32 v6, $0x8;
	v7 =	vadd.s32 v7, v10  }
0x1d0: {  	v6 =	vadd.s32 $0x100000, v6;
	[tilespmem:s17+$0x2000] =	vst v8;
	vm0 =	veq.s32 v9, v3;
	v8 =	vadd.s32 $0x80000, v7  }
0x1d1: {  	[tilespmem:s16+$0x3000] =	vst v6;
	vm1 =	veq.s32 v9, v1;
	v6 =	vnsel vm0, $0x102000, v8  }
0x1d2: {  	vm12 =	veq.s32 v9, v0;
	v8 =	vnsel vm1, $0x102000, v8;
	[tilespmem:s16+$0x2800] =	vst v6  }
0x1d3: {  	vm13 =	veq.s32 v9, v2;
	v6 =	vnsel vm12, $0x102000, v7;
	[tilespmem:s16+$0x1800] =	vst v8  }
0x1d4: {  	v7 =	vnsel vm13, $0x102000, v7;
	[tilespmem:s16+$0x1000] =	vst v6  }
0x1d5: {  	s17 =	simm.s32 @!p1 $0x3000;
	s18 =	simm.s32 @!p1 $0x3800;
	[tilespmem:s16+$0x2000] =	vst v7;
	s16 =	simm.s32 @!p1 $0x800  }
0x1d6: {  	[spmem:s6] =	stream.indirect.scatter.add.f32 @!p1 [tilespmem:s18], [sflag:$0x1], $0x1, s17, s16, $0xb8;
	[tilespmem:$0x1C600] =	vst v63  }
0x1d7: {  	s16 =	simm.s32 @!p1 $0x1  }
0x1d8: {  	_ =	swait.ge @!p1 [sflag:s16], $0x800  }
0x1d9: {  	[sflag:s16] =	ssyncset.done @!p1 $0x0  }
0x1da: {  	[sflag:s16] =	ssyncadd.s32 @!p1 $0xFFFFF800  }
0x1db: {  	[spmem:s6] =	stream.indirect.scatter.add.f32 [tilespmem:s5], [sflag:$0x1], $0x1, s4, s3, $0xb8;
	[tilespmem:$0x1C600] =	vst v63  }
0x1dc: {  	_ =	swait.ge [sflag:s30], $0x800  }
0x1dd: {  	[sflag:s30] =	ssyncset.done $0x0  }
0x1de: {  	s18 =	rddreg [dreg:$0x14];
	[sflag:s30] =	ssyncadd.s32 $0xFFFFF800  }
0x1df: {  	[hbm:s18@s31], [sflag:s13] =	dma.strided [spmem:s15@s9], $0x1000, s30, $0x10   }
0x1e0: {  	_ =	swait.ge [sflag:s30], $0x1000  }
0x1e1: {  	[sflag:s30] =	ssyncset.done $0x0  }
0x1e2: {  	[sflag:s30] =	ssyncadd.s32 $0xFFFFF000  }
0x1e3: {  	[spmem:s12] =	stream.linear.scatter [tilespmem:s29], [sflag:$0x1], $0x8000, $0x38;
	[tilespmem:$0x1C600] =	vst v63  }
0x1e4: {  	_ =	swait.ge [sflag:s30], $0x8000  }
0x1e5: {  	[sflag:s30] =	ssyncset.done $0x0  }
0x1e6: {  	[sflag:s30] =	ssyncadd.s32 $0xFFFF8000  }
0x1e7: {  	[bflag:$0x0] =	sbarrier.arrive $0xFFFF  }
0x1e8: {  	[spmem:s6] =	stream.indirect.scatter.add.f32 [tilespmem:s5], [sflag:$0x1], $0x1, s7, s3, $0xb8;
	[tilespmem:$0x1C600] =	vst v63  }
0x1e9: {  	_ =	swait.ge [sflag:s30], $0x800  }
0x1ea: {  	[sflag:s30] =	ssyncset.done $0x0  }
0x1eb: {  	s19 =	rddreg [dreg:$0x15];
	[sflag:s30] =	ssyncadd.s32 $0xFFFFF800  }
0x1ec: {  	[hbm:s19@s31], [sflag:s13] =	dma.strided [spmem:s14@s9], $0x1000, s30, $0x10   }
0x1ed: {  	_ =	swait.ge [sflag:s30], $0x1000  }
0x1ee: {  	[sflag:s30] =	ssyncset.done $0x0  }
0x1ef: {  	[sflag:s30] =	ssyncadd.s32 $0xFFFFF000  }
0x1f0: {  	[spmem:s8] =	stream.linear.scatter [tilespmem:s29], [sflag:$0x1], $0x8000, $0x38;
	[tilespmem:$0x1C600] =	vst v63  }
0x1f1: {  	_ =	swait.ge [sflag:s30], $0x8000  }
0x1f2: {  	[sflag:s30] =	ssyncset.done $0x0  }
0x1f3: {  	[sflag:s30] =	ssyncadd.s32 $0xFFFF8000  }
0x1f4: {  	[bflag:$0x0] =	sbarrier.arrive $0xFFFF  }
0x1f5: {  	[spmem:s6] =	stream.indirect.scatter.add.f32 [tilespmem:s5], [sflag:$0x1], $0x1, s10, s3, $0xb8;
	[tilespmem:$0x1C600] =	vst v63  }
0x1f6: {  	_ =	swait.ge [sflag:s30], $0x800  }
0x1f7: {  	[sflag:s30] =	ssyncset.done $0x0  }
0x1f8: {  	s17 =	rddreg [dreg:$0x16];
	[sflag:s30] =	ssyncadd.s32 $0xFFFFF800  }
0x1f9: {  	[hbm:s17@s31], [sflag:s13] =	dma.strided [spmem:s15@s9], $0x1000, s30, $0x10   }
0x1fa: {  	_ =	swait.ge [sflag:s30], $0x1000  }
0x1fb: {  	[sflag:s30] =	ssyncset.done $0x0  }
0x1fc: {  	[sflag:s30] =	ssyncadd.s32 $0xFFFFF000  }
0x1fd: {  	[spmem:s12] =	stream.linear.scatter [tilespmem:s29], [sflag:$0x1], $0x8000, $0x38;
	[tilespmem:$0x1C600] =	vst v63  }
0x1fe: {  	_ =	swait.ge [sflag:s30], $0x8000  }
0x1ff: {  	[sflag:s30] =	ssyncset.done $0x0  }
0x200: {  	[sflag:s30] =	ssyncadd.s32 $0xFFFF8000  }
0x201: {  	[bflag:$0x0] =	sbarrier.arrive $0xFFFF  }
0x202: {  	[spmem:s6] =	stream.indirect.scatter.add.f32 [tilespmem:s5], [sflag:$0x1], $0x1, s11, s3, $0xb8;
	[tilespmem:$0x1C600] =	vst v63  }
0x203: {  	_ =	swait.ge [sflag:s30], $0x800  }
0x204: {  	[sflag:s30] =	ssyncset.done $0x0  }
0x205: {  	s18 =	rddreg [dreg:$0x17];
	[sflag:s30] =	ssyncadd.s32 $0xFFFFF800  }
0x206: {  	[hbm:s18@s31], [sflag:s13] =	dma.strided [spmem:s14@s9], $0x1000, s30, $0x10   }
0x207: {  	_ =	swait.ge [sflag:s30], $0x1000  }
0x208: {  	[sflag:s30] =	ssyncset.done $0x0  }
0x209: {  	[sflag:s30] =	ssyncadd.s32 $0xFFFFF000  }
0x20a: {  	[spmem:s8] =	stream.linear.scatter [tilespmem:s29], [sflag:$0x1], $0x8000, $0x38;
	[tilespmem:$0x1C600] =	vst v63  }
0x20b: {  	_ =	swait.ge [sflag:s30], $0x8000  }
0x20c: {  	[sflag:s30] =	ssyncset.done $0x0  }
0x20d: {  	[sflag:s30] =	ssyncadd.s32 $0xFFFF8000  }
0x20e: {  	s19 =	simm.s32 $0x0;
	[bflag:$0x0] =	sbarrier.arrive $0xFFFF  }
0x20f: {  	[tilespmem:s19], [sflag:$0x1] =	stream.strided.gather [hbm4b:s22+s31], $0x800, s1, s31, $0x38;
	[tilespmem:$0x1C600] =	vst v63  }
0x210: {  	_ =	swait.ge [sflag:s30], $0x800  }
0x211: {  	[sflag:s30] =	ssyncset.done $0x0  }
0x212: {  	[sflag:s30] =	ssyncadd.s32 $0xFFFFF800  }
0x213: {  	[tilespmem:s3], [sflag:$0x1] =	stream.strided.gather [hbm4b:s23+s31], $0x800, s1, s31, $0x38;
	[tilespmem:$0x1C600] =	vst v63  }
0x214: {  	_ =	swait.ge [sflag:s30], $0x800  }
0x215: {  	[sflag:s30] =	ssyncset.done $0x0  }
0x216: {  	s17 =	simm.s32 $0x0;
	[sflag:s30] =	ssyncadd.s32 $0xFFFFF800  }
0x217: {  	v7 =	vld [tilespmem:s17+$0x800];
	_ =	sdelay $0x1  }
0x218: {  	v8 =	vld [tilespmem:s17+$0x0];
	_ =	sdelay $0x2  }
0x219: {  	s16 =	simm.s32 $0x10;
	v6 =	vshll.u32 v7, $0xB  }
0x21a: {  	v9 =	vand.u32 $0x7F800, v6;
	v6 =	vld [tilespmem:s16+$0x800]  }
0x21b: {  	v10 =	vadd.s32 $0x100800, v7;
	v11 =	vshrl.u32 v7, $0x8;
	v8 =	vadd.s32 v8, v9  }
0x21c: {  	v7 =	vld [tilespmem:s16+$0x0];
	vm14 =	veq.s32 v11, v0;
	vm15 =	veq.s32 v11, v3;
	v12 =	vadd.s32 $0x80000, v8  }
0x21d: {  	[tilespmem:s17+$0x3000] =	vst v10;
	vm2 =	veq.s32 v11, v1;
	vm3 =	veq.s32 v11, v2;
	v11 =	vnsel vm15, $0x102000, v12  }
0x21e: {  	s18 =	simm.s32 $0x80;
	v9 =	vnsel vm14, $0x102000, v8;
	v8 =	vnsel vm3, $0x102000, v8;
	v10 =	vnsel vm2, $0x102000, v12;
	[tilespmem:s17+$0x2800] =	vst v11  }
.LBB2_16:
0x21f: {  	s19 =	sshra.s32 s18, $0x2;
	p3 =	sne.s32 s18, $0x1FC0;
	s18 =	sadd.s32 $0x40, s18;
	v11 =	vshll.u32 v6, $0xB;
	v12 =	vadd.s32 $0x100800, v6;
	[tilespmem:s17+$0x1800] =	vst v10;
	v10 =	vmov v6  }
.Ltmp7:
0x220: {  	v6 =	vld [tilespmem:s19+$0x800];
	v11 =	vand.u32 $0x7F800, v11;
	[tilespmem:s17+$0x1000] =	vst v9;
	(pc) =	sbr.rel @p3 .LBB2_16-.Ltmp7, $4  }
0x221: {  	v9 =	vshrl.u32 v10, $0x8;
	v11 =	vadd.s32 v7, v11;
	[tilespmem:s17+$0x2000] =	vst v8;
	s17 =	smov.u32 s16;
	s16 =	smov.u32 s19  }
0x222: {  	vm0 =	veq.s32 v9, v0;
	vm1 =	veq.s32 v9, v3;
	v7 =	vld [tilespmem:s16+$0x0];
	v8 =	vadd.s32 $0x80000, v11;
	[tilespmem:s17+$0x3000] =	vst v12  }
0x223: {  	vm2 =	veq.s32 v9, v1;
	vm3 =	veq.s32 v9, v2;
	v12 =	vnsel vm1, $0x102000, v8  }
0x224: {  	v9 =	vnsel vm0, $0x102000, v11;
	v10 =	vnsel vm2, $0x102000, v8;
	v8 =	vnsel vm3, $0x102000, v11;
	[tilespmem:s17+$0x2800] =	vst v12  }
0x225: {  	v11 =	vshll.u32 v6, $0xB  }
0x226: {  	[tilespmem:s17+$0x1800] =	vst v10;
	v10 =	vand.u32 $0x7F800, v11  }
0x227: {  	[tilespmem:s17+$0x1000] =	vst v9;
	v9 =	vshrl.u32 v6, $0x8;
	v7 =	vadd.s32 v7, v10  }
0x228: {  	v6 =	vadd.s32 $0x100800, v6;
	[tilespmem:s17+$0x2000] =	vst v8;
	vm0 =	veq.s32 v9, v3;
	v8 =	vadd.s32 $0x80000, v7  }
0x229: {  	[tilespmem:s16+$0x3000] =	vst v6;
	vm1 =	veq.s32 v9, v1;
	v6 =	vnsel vm0, $0x102000, v8  }
0x22a: {  	vm12 =	veq.s32 v9, v0;
	v8 =	vnsel vm1, $0x102000, v8;
	[tilespmem:s16+$0x2800] =	vst v6  }
0x22b: {  	vm13 =	veq.s32 v9, v2;
	v6 =	vnsel vm12, $0x102000, v7;
	[tilespmem:s16+$0x1800] =	vst v8  }
0x22c: {  	v7 =	vnsel vm13, $0x102000, v7;
	[tilespmem:s16+$0x1000] =	vst v6  }
0x22d: {  	s17 =	simm.s32 @!p1 $0x3000;
	s18 =	simm.s32 @!p1 $0x3800;
	[tilespmem:s16+$0x2000] =	vst v7;
	s16 =	simm.s32 @!p1 $0x800  }
0x22e: {  	[spmem:s6] =	stream.indirect.scatter.add.f32 @!p1 [tilespmem:s18], [sflag:$0x1], $0x1, s17, s16, $0xb8;
	[tilespmem:$0x1C600] =	vst v63  }
0x22f: {  	s16 =	simm.s32 @!p1 $0x1  }
0x230: {  	_ =	swait.ge @!p1 [sflag:s16], $0x800  }
0x231: {  	[sflag:s16] =	ssyncset.done @!p1 $0x0  }
0x232: {  	[sflag:s16] =	ssyncadd.s32 @!p1 $0xFFFFF800  }
0x233: {  	[spmem:s6] =	stream.indirect.scatter.add.f32 [tilespmem:s5], [sflag:$0x1], $0x1, s4, s3, $0xb8;
	[tilespmem:$0x1C600] =	vst v63  }
0x234: {  	_ =	swait.ge [sflag:s30], $0x800  }
0x235: {  	[sflag:s30] =	ssyncset.done $0x0  }
0x236: {  	s18 =	rddreg [dreg:$0x18];
	[sflag:s30] =	ssyncadd.s32 $0xFFFFF800  }
0x237: {  	[hbm:s18@s31], [sflag:s13] =	dma.strided [spmem:s15@s9], $0x1000, s30, $0x10   }
0x238: {  	_ =	swait.ge [sflag:s30], $0x1000  }
0x239: {  	[sflag:s30] =	ssyncset.done $0x0  }
0x23a: {  	[sflag:s30] =	ssyncadd.s32 $0xFFFFF000  }
0x23b: {  	[spmem:s12] =	stream.linear.scatter [tilespmem:s29], [sflag:$0x1], $0x8000, $0x38;
	[tilespmem:$0x1C600] =	vst v63  }
0x23c: {  	_ =	swait.ge [sflag:s30], $0x8000  }
0x23d: {  	[sflag:s30] =	ssyncset.done $0x0  }
0x23e: {  	[sflag:s30] =	ssyncadd.s32 $0xFFFF8000  }
0x23f: {  	[bflag:$0x0] =	sbarrier.arrive $0xFFFF  }
0x240: {  	[spmem:s6] =	stream.indirect.scatter.add.f32 [tilespmem:s5], [sflag:$0x1], $0x1, s7, s3, $0xb8;
	[tilespmem:$0x1C600] =	vst v63  }
0x241: {  	_ =	swait.ge [sflag:s30], $0x800  }
0x242: {  	[sflag:s30] =	ssyncset.done $0x0  }
0x243: {  	s19 =	rddreg [dreg:$0x19];
	[sflag:s30] =	ssyncadd.s32 $0xFFFFF800  }
0x244: {  	[hbm:s19@s31], [sflag:s13] =	dma.strided [spmem:s14@s9], $0x1000, s30, $0x10   }
0x245: {  	_ =	swait.ge [sflag:s30], $0x1000  }
0x246: {  	[sflag:s30] =	ssyncset.done $0x0  }
0x247: {  	[sflag:s30] =	ssyncadd.s32 $0xFFFFF000  }
0x248: {  	[spmem:s8] =	stream.linear.scatter [tilespmem:s29], [sflag:$0x1], $0x8000, $0x38;
	[tilespmem:$0x1C600] =	vst v63  }
0x249: {  	_ =	swait.ge [sflag:s30], $0x8000  }
0x24a: {  	[sflag:s30] =	ssyncset.done $0x0  }
0x24b: {  	[sflag:s30] =	ssyncadd.s32 $0xFFFF8000  }
0x24c: {  	[bflag:$0x0] =	sbarrier.arrive $0xFFFF  }
0x24d: {  	[spmem:s6] =	stream.indirect.scatter.add.f32 [tilespmem:s5], [sflag:$0x1], $0x1, s10, s3, $0xb8;
	[tilespmem:$0x1C600] =	vst v63  }
0x24e: {  	_ =	swait.ge [sflag:s30], $0x800  }
0x24f: {  	[sflag:s30] =	ssyncset.done $0x0  }
0x250: {  	s17 =	rddreg [dreg:$0x1a];
	[sflag:s30] =	ssyncadd.s32 $0xFFFFF800  }
0x251: {  	[hbm:s17@s31], [sflag:s13] =	dma.strided [spmem:s15@s9], $0x1000, s30, $0x10   }
0x252: {  	_ =	swait.ge [sflag:s30], $0x1000  }
0x253: {  	[sflag:s30] =	ssyncset.done $0x0  }
0x254: {  	[sflag:s30] =	ssyncadd.s32 $0xFFFFF000  }
0x255: {  	[spmem:s12] =	stream.linear.scatter [tilespmem:s29], [sflag:$0x1], $0x8000, $0x38;
	[tilespmem:$0x1C600] =	vst v63  }
0x256: {  	_ =	swait.ge [sflag:s30], $0x8000  }
0x257: {  	[sflag:s30] =	ssyncset.done $0x0  }
0x258: {  	[sflag:s30] =	ssyncadd.s32 $0xFFFF8000  }
0x259: {  	[bflag:$0x0] =	sbarrier.arrive $0xFFFF  }
0x25a: {  	[spmem:s6] =	stream.indirect.scatter.add.f32 [tilespmem:s5], [sflag:$0x1], $0x1, s11, s3, $0xb8;
	[tilespmem:$0x1C600] =	vst v63  }
0x25b: {  	_ =	swait.ge [sflag:s30], $0x800  }
0x25c: {  	[sflag:s30] =	ssyncset.done $0x0  }
0x25d: {  	s18 =	rddreg [dreg:$0x1b];
	[sflag:s30] =	ssyncadd.s32 $0xFFFFF800  }
0x25e: {  	[hbm:s18@s31], [sflag:s13] =	dma.strided [spmem:s14@s9], $0x1000, s30, $0x10   }
0x25f: {  	_ =	swait.ge [sflag:s30], $0x1000  }
0x260: {  	[sflag:s30] =	ssyncset.done $0x0  }
0x261: {  	[sflag:s30] =	ssyncadd.s32 $0xFFFFF000  }
0x262: {  	[spmem:s8] =	stream.linear.scatter [tilespmem:s29], [sflag:$0x1], $0x8000, $0x38;
	[tilespmem:$0x1C600] =	vst v63  }
0x263: {  	_ =	swait.ge [sflag:s30], $0x8000  }
0x264: {  	[sflag:s30] =	ssyncset.done $0x0  }
0x265: {  	[sflag:s30] =	ssyncadd.s32 $0xFFFF8000  }
0x266: {  	s19 =	simm.s32 $0x0;
	[bflag:$0x0] =	sbarrier.arrive $0xFFFF  }
0x267: {  	[tilespmem:s19], [sflag:$0x1] =	stream.strided.gather [hbm4b:s24+s31], $0x800, s1, s31, $0x38;
	[tilespmem:$0x1C600] =	vst v63  }
0x268: {  	_ =	swait.ge [sflag:s30], $0x800  }
0x269: {  	[sflag:s30] =	ssyncset.done $0x0  }
0x26a: {  	[sflag:s30] =	ssyncadd.s32 $0xFFFFF800  }
0x26b: {  	[tilespmem:s3], [sflag:$0x1] =	stream.strided.gather [hbm4b:s25+s31], $0x800, s1, s31, $0x38;
	[tilespmem:$0x1C600] =	vst v63  }
0x26c: {  	_ =	swait.ge [sflag:s30], $0x800  }
0x26d: {  	[sflag:s30] =	ssyncset.done $0x0  }
0x26e: {  	s17 =	simm.s32 $0x0;
	[sflag:s30] =	ssyncadd.s32 $0xFFFFF800  }
0x26f: {  	v7 =	vld [tilespmem:s17+$0x800];
	_ =	sdelay $0x1  }
0x270: {  	v8 =	vld [tilespmem:s17+$0x0];
	_ =	sdelay $0x2  }
0x271: {  	s16 =	simm.s32 $0x10;
	v6 =	vshll.u32 v7, $0xB  }
0x272: {  	v9 =	vand.u32 $0x7F800, v6;
	v6 =	vld [tilespmem:s16+$0x800]  }
0x273: {  	v10 =	vadd.s32 $0x101000, v7;
	v11 =	vshrl.u32 v7, $0x8;
	v8 =	vadd.s32 v8, v9  }
0x274: {  	v7 =	vld [tilespmem:s16+$0x0];
	vm14 =	veq.s32 v11, v0;
	vm15 =	veq.s32 v11, v3;
	v12 =	vadd.s32 $0x80000, v8  }
0x275: {  	[tilespmem:s17+$0x3000] =	vst v10;
	vm2 =	veq.s32 v11, v1;
	vm3 =	veq.s32 v11, v2;
	v11 =	vnsel vm15, $0x102000, v12  }
0x276: {  	s18 =	simm.s32 $0x80;
	v9 =	vnsel vm14, $0x102000, v8;
	v8 =	vnsel vm3, $0x102000, v8;
	v10 =	vnsel vm2, $0x102000, v12;
	[tilespmem:s17+$0x2800] =	vst v11  }
.LBB2_18:
0x277: {  	s19 =	sshra.s32 s18, $0x2;
	p3 =	sne.s32 s18, $0x1FC0;
	s18 =	sadd.s32 $0x40, s18;
	v11 =	vshll.u32 v6, $0xB;
	v12 =	vadd.s32 $0x101000, v6;
	[tilespmem:s17+$0x1800] =	vst v10;
	v10 =	vmov v6  }
.Ltmp8:
0x278: {  	v6 =	vld [tilespmem:s19+$0x800];
	v11 =	vand.u32 $0x7F800, v11;
	[tilespmem:s17+$0x1000] =	vst v9;
	(pc) =	sbr.rel @p3 .LBB2_18-.Ltmp8, $4  }
0x279: {  	v9 =	vshrl.u32 v10, $0x8;
	v11 =	vadd.s32 v7, v11;
	[tilespmem:s17+$0x2000] =	vst v8;
	s17 =	smov.u32 s16;
	s16 =	smov.u32 s19  }
0x27a: {  	vm0 =	veq.s32 v9, v0;
	vm1 =	veq.s32 v9, v3;
	v7 =	vld [tilespmem:s16+$0x0];
	v8 =	vadd.s32 $0x80000, v11;
	[tilespmem:s17+$0x3000] =	vst v12  }
0x27b: {  	vm2 =	veq.s32 v9, v1;
	vm3 =	veq.s32 v9, v2;
	v12 =	vnsel vm1, $0x102000, v8  }
0x27c: {  	v9 =	vnsel vm0, $0x102000, v11;
	v10 =	vnsel vm2, $0x102000, v8;
	v8 =	vnsel vm3, $0x102000, v11;
	[tilespmem:s17+$0x2800] =	vst v12  }
0x27d: {  	v11 =	vshll.u32 v6, $0xB  }
0x27e: {  	[tilespmem:s17+$0x1800] =	vst v10;
	v10 =	vand.u32 $0x7F800, v11  }
0x27f: {  	[tilespmem:s17+$0x1000] =	vst v9;
	v9 =	vshrl.u32 v6, $0x8;
	v7 =	vadd.s32 v7, v10  }
0x280: {  	v6 =	vadd.s32 $0x101000, v6;
	[tilespmem:s17+$0x2000] =	vst v8;
	vm0 =	veq.s32 v9, v3;
	v8 =	vadd.s32 $0x80000, v7  }
0x281: {  	[tilespmem:s16+$0x3000] =	vst v6;
	vm1 =	veq.s32 v9, v1;
	v6 =	vnsel vm0, $0x102000, v8  }
0x282: {  	vm12 =	veq.s32 v9, v0;
	v8 =	vnsel vm1, $0x102000, v8;
	[tilespmem:s16+$0x2800] =	vst v6  }
0x283: {  	vm13 =	veq.s32 v9, v2;
	v6 =	vnsel vm12, $0x102000, v7;
	[tilespmem:s16+$0x1800] =	vst v8  }
0x284: {  	v7 =	vnsel vm13, $0x102000, v7;
	[tilespmem:s16+$0x1000] =	vst v6  }
0x285: {  	s17 =	simm.s32 @!p1 $0x3000;
	s18 =	simm.s32 @!p1 $0x3800;
	[tilespmem:s16+$0x2000] =	vst v7;
	s16 =	simm.s32 @!p1 $0x800  }
0x286: {  	[spmem:s6] =	stream.indirect.scatter.add.f32 @!p1 [tilespmem:s18], [sflag:$0x1], $0x1, s17, s16, $0xb8;
	[tilespmem:$0x1C600] =	vst v63  }
0x287: {  	s16 =	simm.s32 @!p1 $0x1  }
0x288: {  	_ =	swait.ge @!p1 [sflag:s16], $0x800  }
0x289: {  	[sflag:s16] =	ssyncset.done @!p1 $0x0  }
0x28a: {  	[sflag:s16] =	ssyncadd.s32 @!p1 $0xFFFFF800  }
0x28b: {  	[spmem:s6] =	stream.indirect.scatter.add.f32 [tilespmem:s5], [sflag:$0x1], $0x1, s4, s3, $0xb8;
	[tilespmem:$0x1C600] =	vst v63  }
0x28c: {  	_ =	swait.ge [sflag:s30], $0x800  }
0x28d: {  	[sflag:s30] =	ssyncset.done $0x0  }
0x28e: {  	s18 =	rddreg [dreg:$0x1c];
	[sflag:s30] =	ssyncadd.s32 $0xFFFFF800  }
0x28f: {  	[hbm:s18@s31], [sflag:s13] =	dma.strided [spmem:s15@s9], $0x1000, s30, $0x10   }
0x290: {  	_ =	swait.ge [sflag:s30], $0x1000  }
0x291: {  	[sflag:s30] =	ssyncset.done $0x0  }
0x292: {  	[sflag:s30] =	ssyncadd.s32 $0xFFFFF000  }
0x293: {  	[spmem:s12] =	stream.linear.scatter [tilespmem:s29], [sflag:$0x1], $0x8000, $0x38;
	[tilespmem:$0x1C600] =	vst v63  }
0x294: {  	_ =	swait.ge [sflag:s30], $0x8000  }
0x295: {  	[sflag:s30] =	ssyncset.done $0x0  }
0x296: {  	[sflag:s30] =	ssyncadd.s32 $0xFFFF8000  }
0x297: {  	[bflag:$0x0] =	sbarrier.arrive $0xFFFF  }
0x298: {  	[spmem:s6] =	stream.indirect.scatter.add.f32 [tilespmem:s5], [sflag:$0x1], $0x1, s7, s3, $0xb8;
	[tilespmem:$0x1C600] =	vst v63  }
0x299: {  	_ =	swait.ge [sflag:s30], $0x800  }
0x29a: {  	[sflag:s30] =	ssyncset.done $0x0  }
0x29b: {  	s19 =	rddreg [dreg:$0x1d];
	[sflag:s30] =	ssyncadd.s32 $0xFFFFF800  }
0x29c: {  	[hbm:s19@s31], [sflag:s13] =	dma.strided [spmem:s14@s9], $0x1000, s30, $0x10   }
0x29d: {  	_ =	swait.ge [sflag:s30], $0x1000  }
0x29e: {  	[sflag:s30] =	ssyncset.done $0x0  }
0x29f: {  	[sflag:s30] =	ssyncadd.s32 $0xFFFFF000  }
0x2a0: {  	[spmem:s8] =	stream.linear.scatter [tilespmem:s29], [sflag:$0x1], $0x8000, $0x38;
	[tilespmem:$0x1C600] =	vst v63  }
0x2a1: {  	_ =	swait.ge [sflag:s30], $0x8000  }
0x2a2: {  	[sflag:s30] =	ssyncset.done $0x0  }
0x2a3: {  	[sflag:s30] =	ssyncadd.s32 $0xFFFF8000  }
0x2a4: {  	[bflag:$0x0] =	sbarrier.arrive $0xFFFF  }
0x2a5: {  	[spmem:s6] =	stream.indirect.scatter.add.f32 [tilespmem:s5], [sflag:$0x1], $0x1, s10, s3, $0xb8;
	[tilespmem:$0x1C600] =	vst v63  }
0x2a6: {  	_ =	swait.ge [sflag:s30], $0x800  }
0x2a7: {  	[sflag:s30] =	ssyncset.done $0x0  }
0x2a8: {  	s17 =	rddreg [dreg:$0x1e];
	[sflag:s30] =	ssyncadd.s32 $0xFFFFF800  }
0x2a9: {  	[hbm:s17@s31], [sflag:s13] =	dma.strided [spmem:s15@s9], $0x1000, s30, $0x10   }
0x2aa: {  	_ =	swait.ge [sflag:s30], $0x1000  }
0x2ab: {  	[sflag:s30] =	ssyncset.done $0x0  }
0x2ac: {  	[sflag:s30] =	ssyncadd.s32 $0xFFFFF000  }
0x2ad: {  	[spmem:s12] =	stream.linear.scatter [tilespmem:s29], [sflag:$0x1], $0x8000, $0x38;
	[tilespmem:$0x1C600] =	vst v63  }
0x2ae: {  	_ =	swait.ge [sflag:s30], $0x8000  }
0x2af: {  	[sflag:s30] =	ssyncset.done $0x0  }
0x2b0: {  	[sflag:s30] =	ssyncadd.s32 $0xFFFF8000  }
0x2b1: {  	[bflag:$0x0] =	sbarrier.arrive $0xFFFF  }
0x2b2: {  	[spmem:s6] =	stream.indirect.scatter.add.f32 [tilespmem:s5], [sflag:$0x1], $0x1, s11, s3, $0xb8;
	[tilespmem:$0x1C600] =	vst v63  }
0x2b3: {  	_ =	swait.ge [sflag:s30], $0x800  }
0x2b4: {  	[sflag:s30] =	ssyncset.done $0x0  }
0x2b5: {  	s18 =	rddreg [dreg:$0x1f];
	[sflag:s30] =	ssyncadd.s32 $0xFFFFF800  }
0x2b6: {  	[hbm:s18@s31], [sflag:s13] =	dma.strided [spmem:s14@s9], $0x1000, s30, $0x10   }
0x2b7: {  	_ =	swait.ge [sflag:s30], $0x1000  }
0x2b8: {  	[sflag:s30] =	ssyncset.done $0x0  }
0x2b9: {  	[sflag:s30] =	ssyncadd.s32 $0xFFFFF000  }
0x2ba: {  	[spmem:s8] =	stream.linear.scatter [tilespmem:s29], [sflag:$0x1], $0x8000, $0x38;
	[tilespmem:$0x1C600] =	vst v63  }
0x2bb: {  	_ =	swait.ge [sflag:s30], $0x8000  }
0x2bc: {  	[sflag:s30] =	ssyncset.done $0x0  }
0x2bd: {  	[sflag:s30] =	ssyncadd.s32 $0xFFFF8000  }
0x2be: {  	s19 =	simm.s32 $0x0;
	[bflag:$0x0] =	sbarrier.arrive $0xFFFF  }
0x2bf: {  	[tilespmem:s19], [sflag:$0x1] =	stream.strided.gather [hbm4b:s26+s31], $0x800, s1, s31, $0x38;
	[tilespmem:$0x1C600] =	vst v63  }
0x2c0: {  	_ =	swait.ge [sflag:s30], $0x800  }
0x2c1: {  	[sflag:s30] =	ssyncset.done $0x0  }
0x2c2: {  	[sflag:s30] =	ssyncadd.s32 $0xFFFFF800  }
0x2c3: {  	[tilespmem:s3], [sflag:$0x1] =	stream.strided.gather [hbm4b:s28+s31], $0x800, s1, s31, $0x38;
	[tilespmem:$0x1C600] =	vst v63  }
0x2c4: {  	_ =	swait.ge [sflag:s30], $0x800  }
0x2c5: {  	[sflag:s30] =	ssyncset.done $0x0  }
0x2c6: {  	s17 =	simm.s32 $0x0;
	[sflag:s30] =	ssyncadd.s32 $0xFFFFF800  }
0x2c7: {  	v7 =	vld [tilespmem:s17+$0x800];
	_ =	sdelay $0x1  }
0x2c8: {  	v8 =	vld [tilespmem:s17+$0x0];
	_ =	sdelay $0x2  }
0x2c9: {  	s16 =	simm.s32 $0x10;
	v6 =	vshll.u32 v7, $0xB  }
0x2ca: {  	v9 =	vand.u32 $0x7F800, v6;
	v6 =	vld [tilespmem:s16+$0x800]  }
0x2cb: {  	v10 =	vadd.s32 $0x101800, v7;
	v11 =	vshrl.u32 v7, $0x8;
	v8 =	vadd.s32 v8, v9  }
0x2cc: {  	v7 =	vld [tilespmem:s16+$0x0];
	vm14 =	veq.s32 v11, v0;
	vm15 =	veq.s32 v11, v3;
	v12 =	vadd.s32 $0x80000, v8  }
0x2cd: {  	[tilespmem:s17+$0x3000] =	vst v10;
	vm2 =	veq.s32 v11, v1;
	vm3 =	veq.s32 v11, v2;
	v11 =	vnsel vm15, $0x102000, v12  }
0x2ce: {  	s18 =	simm.s32 $0x80;
	v9 =	vnsel vm14, $0x102000, v8;
	v8 =	vnsel vm3, $0x102000, v8;
	v10 =	vnsel vm2, $0x102000, v12;
	[tilespmem:s17+$0x2800] =	vst v11  }
.LBB2_20:
0x2cf: {  	s19 =	sshra.s32 s18, $0x2;
	p3 =	sne.s32 s18, $0x1FC0;
	s18 =	sadd.s32 $0x40, s18;
	v11 =	vshll.u32 v6, $0xB;
	v12 =	vadd.s32 $0x101800, v6;
	[tilespmem:s17+$0x1800] =	vst v10;
	v10 =	vmov v6  }
.Ltmp9:
0x2d0: {  	v6 =	vld [tilespmem:s19+$0x800];
	v11 =	vand.u32 $0x7F800, v11;
	[tilespmem:s17+$0x1000] =	vst v9;
	(pc) =	sbr.rel @p3 .LBB2_20-.Ltmp9, $4  }
0x2d1: {  	v9 =	vshrl.u32 v10, $0x8;
	v11 =	vadd.s32 v7, v11;
	[tilespmem:s17+$0x2000] =	vst v8;
	s17 =	smov.u32 s16;
	s16 =	smov.u32 s19  }
0x2d2: {  	vm0 =	veq.s32 v9, v0;
	vm1 =	veq.s32 v9, v3;
	v7 =	vld [tilespmem:s16+$0x0];
	v8 =	vadd.s32 $0x80000, v11;
	[tilespmem:s17+$0x3000] =	vst v12  }
0x2d3: {  	vm2 =	veq.s32 v9, v1;
	vm3 =	veq.s32 v9, v2;
	v12 =	vnsel vm1, $0x102000, v8  }
0x2d4: {  	v9 =	vnsel vm0, $0x102000, v11;
	v10 =	vnsel vm2, $0x102000, v8;
	v8 =	vnsel vm3, $0x102000, v11;
	[tilespmem:s17+$0x2800] =	vst v12  }
0x2d5: {  	v11 =	vshll.u32 v6, $0xB  }
0x2d6: {  	[tilespmem:s17+$0x1800] =	vst v10;
	v61 =	vand.u32 $0x7F800, v11  }
0x2d7: {  	[tilespmem:s17+$0x1000] =	vst v9;
	v62 =	vshrl.u32 v6, $0x8;
	v7 =	vadd.s32 v7, v61  }
0x2d8: {  	v6 =	vadd.s32 $0x101800, v6;
	[tilespmem:s17+$0x2000] =	vst v8;
	vm0 =	veq.s32 v62, v3;
	v63 =	vadd.s32 $0x80000, v7  }
0x2d9: {  	[tilespmem:s16+$0x3000] =	vst v6;
	vm1 =	veq.s32 v62, v1;
	v6 =	vnsel vm0, $0x102000, v63  }
0x2da: {  	vm14 =	veq.s32 v62, v0;
	v8 =	vnsel vm1, $0x102000, v63;
	[tilespmem:s16+$0x2800] =	vst v6  }
0x2db: {  	vm15 =	veq.s32 v62, v2;
	v6 =	vnsel vm14, $0x102000, v7;
	[tilespmem:s16+$0x1800] =	vst v8  }
0x2dc: {  	v7 =	vnsel vm15, $0x102000, v7;
	[tilespmem:s16+$0x1000] =	vst v6  }
0x2dd: {  	s17 =	simm.s32 @!p1 $0x3000;
	s18 =	simm.s32 @!p1 $0x3800;
	[tilespmem:s16+$0x2000] =	vst v7;
	s16 =	simm.s32 @!p1 $0x800  }
0x2de: {  	[spmem:s6] =	stream.indirect.scatter.add.f32 @!p1 [tilespmem:s18], [sflag:$0x1], $0x1, s17, s16, $0xb8;
	[tilespmem:$0x1C600] =	vst v63  }
0x2df: {  	s16 =	simm.s32 @!p1 $0x1  }
0x2e0: {  	_ =	swait.ge @!p1 [sflag:s16], $0x800  }
0x2e1: {  	[sflag:s16] =	ssyncset.done @!p1 $0x0  }
0x2e2: {  	[sflag:s16] =	ssyncadd.s32 @!p1 $0xFFFFF800  }
0x2e3: {  	[spmem:s6] =	stream.indirect.scatter.add.f32 [tilespmem:s5], [sflag:$0x1], $0x1, s4, s3, $0xb8;
	[tilespmem:$0x1C600] =	vst v63  }
0x2e4: {  	_ =	swait.ge [sflag:s30], $0x800  }
0x2e5: {  	s17 =	sld [smem:$0x7EE]  }
0x2e6: {  	[sflag:s30] =	ssyncset.done $0x0  }
0x2e7: {  	[sflag:s30] =	ssyncadd.s32 $0xFFFFF800  }
0x2e8: {  	[hbm:s17@s31], [sflag:s13] =	dma.strided [spmem:s15@s9], $0x1000, s30, $0x10   }
0x2e9: {  	_ =	swait.ge [sflag:s30], $0x1000  }
0x2ea: {  	[sflag:s30] =	ssyncset.done $0x0  }
0x2eb: {  	[sflag:s30] =	ssyncadd.s32 $0xFFFFF000  }
0x2ec: {  	[spmem:s12] =	stream.linear.scatter [tilespmem:s29], [sflag:$0x1], $0x8000, $0x38;
	[tilespmem:$0x1C600] =	vst v63  }
0x2ed: {  	_ =	swait.ge [sflag:s30], $0x8000  }
0x2ee: {  	[sflag:s30] =	ssyncset.done $0x0  }
0x2ef: {  	[sflag:s30] =	ssyncadd.s32 $0xFFFF8000  }
0x2f0: {  	[bflag:$0x0] =	sbarrier.arrive $0xFFFF  }
0x2f1: {  	[spmem:s6] =	stream.indirect.scatter.add.f32 [tilespmem:s5], [sflag:$0x1], $0x1, s7, s3, $0xb8;
	[tilespmem:$0x1C600] =	vst v63  }
0x2f2: {  	_ =	swait.ge [sflag:s30], $0x800  }
0x2f3: {  	s18 =	sld [smem:$0x7EF]  }
0x2f4: {  	[sflag:s30] =	ssyncset.done $0x0  }
0x2f5: {  	[sflag:s30] =	ssyncadd.s32 $0xFFFFF800  }
0x2f6: {  	[hbm:s18@s31], [sflag:s13] =	dma.strided [spmem:s14@s9], $0x1000, s30, $0x10   }
0x2f7: {  	_ =	swait.ge [sflag:s30], $0x1000  }
0x2f8: {  	[sflag:s30] =	ssyncset.done $0x0  }
0x2f9: {  	[sflag:s30] =	ssyncadd.s32 $0xFFFFF000  }
0x2fa: {  	[spmem:s8] =	stream.linear.scatter [tilespmem:s29], [sflag:$0x1], $0x8000, $0x38;
	[tilespmem:$0x1C600] =	vst v63  }
0x2fb: {  	_ =	swait.ge [sflag:s30], $0x8000  }
0x2fc: {  	[sflag:s30] =	ssyncset.done $0x0  }
0x2fd: {  	[sflag:s30] =	ssyncadd.s32 $0xFFFF8000  }
0x2fe: {  	[bflag:$0x0] =	sbarrier.arrive $0xFFFF  }
0x2ff: {  	[spmem:s6] =	stream.indirect.scatter.add.f32 [tilespmem:s5], [sflag:$0x1], $0x1, s10, s3, $0xb8;
	[tilespmem:$0x1C600] =	vst v63  }
0x300: {  	_ =	swait.ge [sflag:s30], $0x800  }
0x301: {  	s19 =	sld [smem:$0x7F0]  }
0x302: {  	[sflag:s30] =	ssyncset.done $0x0  }
0x303: {  	[sflag:s30] =	ssyncadd.s32 $0xFFFFF800  }
0x304: {  	[hbm:s19@s31], [sflag:s13] =	dma.strided [spmem:s15@s9], $0x1000, s30, $0x10   }
0x305: {  	_ =	swait.ge [sflag:s30], $0x1000  }
0x306: {  	[sflag:s30] =	ssyncset.done $0x0  }
0x307: {  	[sflag:s30] =	ssyncadd.s32 $0xFFFFF000  }
0x308: {  	[spmem:s12] =	stream.linear.scatter [tilespmem:s29], [sflag:$0x1], $0x8000, $0x38;
	[tilespmem:$0x1C600] =	vst v63  }
0x309: {  	_ =	swait.ge [sflag:s30], $0x8000  }
0x30a: {  	[sflag:s30] =	ssyncset.done $0x0  }
0x30b: {  	[sflag:s30] =	ssyncadd.s32 $0xFFFF8000  }
0x30c: {  	[bflag:$0x0] =	sbarrier.arrive $0xFFFF  }
0x30d: {  	[spmem:s6] =	stream.indirect.scatter.add.f32 [tilespmem:s5], [sflag:$0x1], $0x1, s11, s3, $0xb8;
	[tilespmem:$0x1C600] =	vst v63  }
0x30e: {  	_ =	swait.ge [sflag:s30], $0x800  }
0x30f: {  	s17 =	sld [smem:$0x7F1]  }
0x310: {  	[sflag:s30] =	ssyncset.done $0x0  }
0x311: {  	[sflag:s30] =	ssyncadd.s32 $0xFFFFF800  }
0x312: {  	[hbm:s17@s31], [sflag:s13] =	dma.strided [spmem:s14@s9], $0x1000, s30, $0x10   }
0x313: {  	_ =	swait.ge [sflag:s30], $0x1000  }
0x314: {  	[sflag:s30] =	ssyncset.done $0x0  }
0x315: {  	[sflag:s30] =	ssyncadd.s32 $0xFFFFF000  }
0x316: {  	[spmem:s8] =	stream.linear.scatter [tilespmem:s29], [sflag:$0x1], $0x8000, $0x38;
	[tilespmem:$0x1C600] =	vst v63  }
0x317: {  	_ =	swait.ge [sflag:s30], $0x8000  }
0x318: {  	[sflag:s30] =	ssyncset.done $0x0  }
0x319: {  	[sflag:s30] =	ssyncadd.s32 $0xFFFF8000  }
0x31a: {  	[bflag:$0x0] =	sbarrier.arrive $0xFFFF  }
0x31b: {  	s18 =	sld [smem:$0x7F2];
	_ =	sdelay $0x2  }
0x31c: {  	[hbm:s18@s31], [sflag:s13] =	dma.strided [spmem:s15@s9], $0x1000, s30, $0x10   }
0x31d: {  	_ =	swait.ge [sflag:s30], $0x1000  }
0x31e: {  	[sflag:s30] =	ssyncset.done $0x0  }
0x31f: {  	[sflag:s30] =	ssyncadd.s32 $0xFFFFF000  }
0x320: {  	[spmem:s12] =	stream.linear.scatter [tilespmem:s29], [sflag:$0x1], $0x8000, $0x38;
	[tilespmem:$0x1C600] =	vst v63  }
0x321: {  	_ =	swait.ge [sflag:s30], $0x8000  }
0x322: {  	s17 =	sld [smem:$0x7F3]  }
0x323: {  	s18 =	sld [smem:$0x7F6]  }
0x324: {  	s16 =	simm.s32 @!p2 $0x10;
	[sflag:s30] =	ssyncset.done $0x0  }
0x325: {  	s14 =	simm.s32 @!p2 $0x1;
	s15 =	simm.s32 @!p2 $0x80;
	[sflag:s30] =	ssyncadd.s32 $0xFFFF8000  }
0x326: {  	[hbm:s17@s15], [sflag:s13] =	dma.strided @!p2 [spmem:s18@s16], $0x100, s14, $0x10   }
0x327: {  	_ =	swait.ge @!p2 [sflag:s14], $0x100  }
0x328: {  	s19 =	sld [smem:$0x7F5];
	_ =	sdelay $0x1  }
0x329: {  	s0 =	sadd.s32 $0x1, s0  }
0x32a: {  	p3 =	sne.s32 s0, s19  }
.Ltmp10:
0x32b: {  	_ = 	snop;
	(pc) =	sbr.rel @p3 .LBB2_1-.Ltmp10, $3  }
0x32c: {  	_ =	sdelay $0x1  }
0x32d: {  	[sflag:s14] =	ssyncset.done @!p2 $0x0  }
0x32e: {  	[sflag:s14] =	ssyncadd.s32 @!p2 $0xFFFFFF00  }
0x32f: {  	_ =	sfence.sel $0x180000  }
0x330: {  	[bflag:$0x0] =	sbarrier.arrive $0xFFFF  }
0x331: {  	_ =	strace $0x90000047  }
0x332: {  	s0 =	stileid.u32;
	[bflag:$0x2] =	sbarrier.arrive $0xFFFF  }
0x333: {  	p0 =	sne.s32 s0, $0x0;
	s0 =	rddreg [dreg:$0x4]  }
0x334: {  	s0 =	sadd.s32 @!p0 $0x100000, s0  }
0x335: {  	[sflag:s0] =	ssyncadd.tile.s32 @!p0 $0x1;
	_ =	shalt  }
.Lfunc_end2:
_tile_overlayer_lowered:
.L_overlay_start_2:
0x336: {  	(tag) =	ssettag $0x2  }
0x337: {  	s0 =	rddreg [dreg:$0x0];
	s2 =	stileid.u32  }
0x338: {  	s1 =	rddreg [dreg:$0x1];
	p0 =	sne.s32 s2, $0x0  }
0x339: {  	s3 =	rddreg [dreg:$0x2];
	[bflag:$0x3] =	sbarrier.arrive $0xFFFF;
	s2 =	simm.s32 @!p0 $0x1C01  }
0x33a: {  	[timem:s3], [sflag:s2] =	dma.local @!p0 [hbm:s0], s1  }
0x33b: {  	s0 =	simm.s32 @!p0 $0x1  }
0x33c: {  	_ =	swait.ge @!p0 [sflag:s0], s1  }
0x33d: {  	s1 =	ssub.s32 @!p0 $0x0, s1;
	[sflag:s0] =	ssyncset.done @!p0 $0x0  }
0x33e: {  	[sflag:s0] =	ssyncadd.s32 @!p0 s1  }
0x33f: {  	[bflag:$0x3] =	sbarrier.arrive $0xFFFF  }
0x340: {  	_ =	shalt  }

</sc_bundles>
